<compile_context>
chip_gen: v7x
topology: tpu7x:2x2x1
jax: 0.10.2.dev20260603
libtpu: 0.0.44.dev20260713+nightly
codegen_flags: <defaults>
</compile_context>

<pallas_src>
import jax
import jax.numpy as jnp
from jax import lax
from jax.experimental import pallas as pl
from jax.experimental.pallas import tpu as pltpu
from jax.experimental.pallas import tpu_sc as plsc

NC = 2
NS = 16
NW = NC * NS

D = 32
NB = 16384
NT = 50
B = NB * NT

BT = 128
NJ = NB // BT
JB = NJ // NW
TC = 5
NTC = NT // TC
CH = TC * BT


def _gather_body(idx_hbm, table_hbm, out_hbm, idx_v,
                 idxp0, idxp1, rows0, rows1, stage0, stage1,
                 sg0, sg1, so0, so1):
    wid = lax.axis_index("s") * NC + lax.axis_index("c")
    iota = lax.iota(jnp.int32, 16)
    iota50 = iota * NT

    idxps = (idxp0, idxp1)
    rows = (rows0, rows1)
    stages = (stage0, stage1)
    sgs = (sg0, sg1)
    sos = (so0, so1)

    def jblock(k, carry):
        j = wid * JB + k
        pltpu.sync_copy(idx_hbm.at[pl.ds(j * BT * NT, BT * NT)], idx_v)

        def permute(m, idxp):
            t0 = m * TC
            for tt in range(TC):
                for g in range(8):
                    v = plsc.load_gather(
                        idx_v, [iota50 + (g * 16 * NT + t0 + tt)])
                    idxp[pl.ds(tt * BT + g * 16, 16)] = v

        def gather_start(p):
            pltpu.async_copy(table_hbm.at[idxps[p]], rows[p], sgs[p])

        def gather_wait(p):
            pltpu.make_async_copy(
                table_hbm.at[idxps[p]], rows[p], sgs[p]).wait()

        def transpose(p):
            r = rows[p]
            st = stages[p]

            def trans(q, carry3):
                tt = q // 16
                blk = q % 16
                c0 = (blk // 8) * 16
                b0 = (blk % 8) * 16
                rowbase = iota + (tt * BT + b0)
                lvec = iota + b0
                for d in range(16):
                    m16 = (iota + d) & 15
                    cvec = m16 + c0
                    v = plsc.load_gather(r, [rowbase, cvec])
                    r2 = cvec + (tt * D)
                    plsc.store_scatter(st, [r2, lvec], v)
                return carry3

            lax.fori_loop(0, TC * 16, trans, 0)

        def out_start(p, m):
            t0 = m * TC
            for tt in range(TC):
                for i in range(D // 8):
                    pltpu.async_copy(
                        stages[p].at[pl.ds(tt * D + 8 * i, 8)],
                        out_hbm.at[t0 + tt, i, j], sos[p])

        def out_wait(p, m):
            t0 = m * TC
            for tt in range(TC):
                for i in range(D // 8):
                    pltpu.make_async_copy(
                        stages[p].at[pl.ds(tt * D + 8 * i, 8)],
                        out_hbm.at[t0 + tt, i, j], sos[p]).wait()

        def chunk_body(m, p):
            @pl.when(m >= 2)
            def _():
                out_wait(p, m - 2)

            @pl.when(m + 1 < NTC)
            def _():
                permute(m + 1, idxps[1 - p])
                gather_start(1 - p)
            gather_wait(p)
            transpose(p)
            out_start(p, m)

        permute(0, idxp0)
        gather_start(0)

        def pair(m2, carry2):
            chunk_body(m2 * 2, 0)
            chunk_body(m2 * 2 + 1, 1)
            return carry2

        lax.fori_loop(0, NTC // 2, pair, 0)
        out_wait(0, NTC - 2)
        out_wait(1, NTC - 1)
        return carry

    lax.fori_loop(0, JB, jblock, 0)


def kernel(inputs, weight):
    flat_idx = inputs.reshape(-1).astype(jnp.int32)
    mesh = plsc.VectorSubcoreMesh(core_axis_name="c", subcore_axis_name="s")
    call = pl.kernel(
        _gather_body,
        out_type=jax.ShapeDtypeStruct((NT, D // 8, NJ, 8, BT), jnp.float32),
        mesh=mesh,
        scratch_types=[
            pltpu.VMEM((BT * NT,), jnp.int32),
            pltpu.VMEM((CH,), jnp.int32),
            pltpu.VMEM((CH,), jnp.int32),
            pltpu.VMEM((CH, D), jnp.float32),
            pltpu.VMEM((CH, D), jnp.float32),
            pltpu.VMEM((TC * D, BT), jnp.float32),
            pltpu.VMEM((TC * D, BT), jnp.float32),
            pltpu.SemaphoreType.DMA,
            pltpu.SemaphoreType.DMA,
            pltpu.SemaphoreType.DMA,
            pltpu.SemaphoreType.DMA,
        ],
        compiler_params=pltpu.CompilerParams(
            use_tc_tiling_on_sc=False, needs_layout_passes=False),
    )
    out5 = call(flat_idx, weight)
    return out5.transpose(2, 4, 0, 1, 3).reshape(NB, NT, D)

# --- scband reference (transcript-rebuilt; emitter-appended) ---
"""Pipeline reference for scband-embedding-60232621359611 (READ-ONLY COPY).

The authoritative reference and input builder live on the scoring server;
editing this copy changes nothing except your own understanding.
"""

import jax, jax.numpy as jnp
import numpy as np

NUM_EMBEDDINGS = 1000000
EMBEDDING_DIM = 32

def setup_inputs(seed: int = 0) -> dict:
    key = jax.random.key(seed)
    k_idx, k_w = jax.random.split(key)
    inputs = jax.random.randint(k_idx, (16384, 50), 0, NUM_EMBEDDINGS, dtype=jnp.int64)
    weight = jax.random.normal(k_w, (NUM_EMBEDDINGS, EMBEDDING_DIM), dtype=jnp.float32)
    return {"inputs": inputs, "weight": weight}

def reference(inputs, weight):
    # AllenNLP Embedding.forward: flatten higher-order input, embedding lookup, reshape back.
    # No padding_index, max_norm, or projection configured.
    original_size = inputs.shape
    flat_inputs = inputs.reshape(-1)
    embedded = jnp.take(weight, flat_inputs, axis=0)
    embedded = embedded.reshape(original_size + (weight.shape[1],))
    return embedded

if __name__ == "__main__":
    import jax
    _d = setup_inputs()
    print(jax.jit(kernel)(*tuple(_d.values())))

</pallas_src>

<mosaic_0001>
#map = affine_map<(d0, d1) -> (0)>
#map1 = affine_map<(d0, d1) -> (0, 0)>
#map2 = affine_map<(d0, d1) -> (0, 0, 0, 0, 0)>
module attributes {stable_mosaic.version = 14 : i64} {
  func.func @_gather_body(%arg0: i32, %arg1: i32, %arg2: memref<819200xi32, #tpu.memory_space<hbm>>, %arg3: memref<1000000x32xf32, #tpu.memory_space<hbm>>, %arg4: memref<50x4x128x8x128xf32, #tpu.memory_space<hbm>>, %arg5: memref<6400xi32, #tpu.memory_space<vmem>>, %arg6: memref<640xi32, #tpu.memory_space<vmem>>, %arg7: memref<640xi32, #tpu.memory_space<vmem>>, %arg8: memref<640x32xf32, #tpu.memory_space<vmem>>, %arg9: memref<640x32xf32, #tpu.memory_space<vmem>>, %arg10: memref<160x128xf32, #tpu.memory_space<vmem>>, %arg11: memref<160x128xf32, #tpu.memory_space<vmem>>, %arg12: memref<!tpu.dma_semaphore, #tpu.memory_space<semaphore_mem>>, %arg13: memref<!tpu.dma_semaphore, #tpu.memory_space<semaphore_mem>>, %arg14: memref<!tpu.dma_semaphore, #tpu.memory_space<semaphore_mem>>, %arg15: memref<!tpu.dma_semaphore, #tpu.memory_space<semaphore_mem>>) attributes {dimension_semantics = [#tpu.dimension_semantics<core_parallel>, #tpu.dimension_semantics<subcore_parallel>], iteration_bounds = array<i64: 2, 16>, scalar_prefetch = 0 : i64, scratch_operands = 11 : i64, tpu.core_type = #tpu.core_type<sc_vector_subcore>, window_params = [{transform_indices = #map}, {transform_indices = #map1}, {transform_indices = #map2}]} {
    %mul3A = arith.constant 2 : i32
    %mul3A_0 = arith.muli %arg1, %mul3A : i32
    %add3A = arith.addi %mul3A_0, %arg0 : i32
    %iota3A = tpu.iota {dimensions = array<i32: 0>} : vector<16xi32>
    %mul3A_1 = arith.constant 50 : i32
    %mul3A_2 = vector.broadcast %mul3A_1 : i32 to vector<16xi32>
    %mul3A_3 = arith.muli %iota3A, %mul3A_2 : vector<16xi32>
    %scan3A = arith.constant 0 : i32
    %scan3A_4 = arith.constant 0 : i32
    %scan3A_5 = arith.constant 4 : i32
    %scan3A_6 = arith.addi %scan3A_4, %scan3A_5 : i32
    %scan3A_7 = arith.constant 1 : i32
    scf.for %scan3A_9 = %scan3A_4 to %scan3A_6 step %scan3A_7  : i32 {
      %mul3A_10 = arith.constant 4 : i32
      %mul3A_11 = arith.muli %add3A, %mul3A_10 : i32
      %add3A_12 = arith.addi %mul3A_11, %scan3A_9 : i32
      %mul3A_13 = arith.constant 128 : i32
      %mul3A_14 = arith.muli %add3A_12, %mul3A_13 : i32
      %mul3A_15 = arith.constant 50 : i32
      %mul3A_16 = arith.muli %mul3A_14, %mul3A_15 : i32
      "tpu.region"() ({
        %run_scoped3A = tpu.sem_alloc : memref<!tpu.dma_semaphore, #tpu.memory_space<semaphore_mem>>
        %dma_start3A_902 = tpu.memref_slice %arg2[%mul3A_16] : memref<819200xi32, #tpu.memory_space<hbm>> -> memref<6400xi32, #tpu.memory_space<hbm>>
        %dma_start3A_903 = tpu.memref_slice %arg2[%mul3A_16] : memref<819200xi32, #tpu.memory_space<hbm>> -> memref<6400xi32, #tpu.memory_space<hbm>>
        tpu.enqueue_dma source(%dma_start3A_903 : memref<6400xi32, #tpu.memory_space<hbm>>) target(%arg5 : memref<6400xi32, #tpu.memory_space<vmem>>) target_semaphore(%run_scoped3A : memref<!tpu.dma_semaphore, #tpu.memory_space<semaphore_mem>>)
        %dma_wait3A_904 = tpu.memref_slice %arg2[%mul3A_16] : memref<819200xi32, #tpu.memory_space<hbm>> -> memref<6400xi32, #tpu.memory_space<hbm>>
        %dma_wait3A_905 = tpu.memref_slice %arg2[%mul3A_16] : memref<819200xi32, #tpu.memory_space<hbm>> -> memref<6400xi32, #tpu.memory_space<hbm>>
        tpu.wait_dma2 semaphore(%run_scoped3A : memref<!tpu.dma_semaphore, #tpu.memory_space<semaphore_mem>>) src(%dma_wait3A_905 : memref<6400xi32, #tpu.memory_space<hbm>>) dst(%arg5 : memref<6400xi32, #tpu.memory_space<vmem>>)
        tpu.yield
      }) : () -> ()
      %add3A_17 = arith.constant 0 : i32
      %add3A_18 = vector.broadcast %add3A_17 : i32 to vector<16xi32>
      %add3A_19 = arith.addi %mul3A_3, %add3A_18 : vector<16xi32>
      %gather3A = tpu.vector_load_idx %arg5[%add3A_19] : memref<6400xi32, #tpu.memory_space<vmem>>[vector<16xi32>], vector<16xi32>,
      %swap3A = arith.constant 0 : index
      %swap3A_20 = tpu.vector_load %arg6[%swap3A] {strides = array<i32>} : memref<640xi32, #tpu.memory_space<vmem>>, vector<16xi32>,
      tpu.vector_store %arg6[%swap3A], %gather3A {strides = array<i32>} : memref<640xi32, #tpu.memory_space<vmem>>, vector<16xi32>,
      %add3A_21 = arith.constant 800 : i32
      %add3A_22 = vector.broadcast %add3A_21 : i32 to vector<16xi32>
      %add3A_23 = arith.addi %mul3A_3, %add3A_22 : vector<16xi32>
      %gather3A_24 = tpu.vector_load_idx %arg5[%add3A_23] : memref<6400xi32, #tpu.memory_space<vmem>>[vector<16xi32>], vector<16xi32>,
      %swap3A_25 = arith.constant 16 : index
      %swap3A_26 = tpu.vector_load %arg6[%swap3A_25] {strides = array<i32>} : memref<640xi32, #tpu.memory_space<vmem>>, vector<16xi32>,
      tpu.vector_store %arg6[%swap3A_25], %gather3A_24 {strides = array<i32>} : memref<640xi32, #tpu.memory_space<vmem>>, vector<16xi32>,
      %add3A_27 = arith.constant 1600 : i32
      %add3A_28 = vector.broadcast %add3A_27 : i32 to vector<16xi32>
      %add3A_29 = arith.addi %mul3A_3, %add3A_28 : vector<16xi32>
      %gather3A_30 = tpu.vector_load_idx %arg5[%add3A_29] : memref<6400xi32, #tpu.memory_space<vmem>>[vector<16xi32>], vector<16xi32>,
      %swap3A_31 = arith.constant 32 : index
      %swap3A_32 = tpu.vector_load %arg6[%swap3A_31] {strides = array<i32>} : memref<640xi32, #tpu.memory_space<vmem>>, vector<16xi32>,
      tpu.vector_store %arg6[%swap3A_31], %gather3A_30 {strides = array<i32>} : memref<640xi32, #tpu.memory_space<vmem>>, vector<16xi32>,
      %add3A_33 = arith.constant 2400 : i32
      %add3A_34 = vector.broadcast %add3A_33 : i32 to vector<16xi32>
      %add3A_35 = arith.addi %mul3A_3, %add3A_34 : vector<16xi32>
      %gather3A_36 = tpu.vector_load_idx %arg5[%add3A_35] : memref<6400xi32, #tpu.memory_space<vmem>>[vector<16xi32>], vector<16xi32>,
      %swap3A_37 = arith.constant 48 : index
      %swap3A_38 = tpu.vector_load %arg6[%swap3A_37] {strides = array<i32>} : memref<640xi32, #tpu.memory_space<vmem>>, vector<16xi32>,
      tpu.vector_store %arg6[%swap3A_37], %gather3A_36 {strides = array<i32>} : memref<640xi32, #tpu.memory_space<vmem>>, vector<16xi32>,
      %add3A_39 = arith.constant 3200 : i32
      %add3A_40 = vector.broadcast %add3A_39 : i32 to vector<16xi32>
      %add3A_41 = arith.addi %mul3A_3, %add3A_40 : vector<16xi32>
      %gather3A_42 = tpu.vector_load_idx %arg5[%add3A_41] : memref<6400xi32, #tpu.memory_space<vmem>>[vector<16xi32>], vector<16xi32>,
      %swap3A_43 = arith.constant 64 : index
      %swap3A_44 = tpu.vector_load %arg6[%swap3A_43] {strides = array<i32>} : memref<640xi32, #tpu.memory_space<vmem>>, vector<16xi32>,
      tpu.vector_store %arg6[%swap3A_43], %gather3A_42 {strides = array<i32>} : memref<640xi32, #tpu.memory_space<vmem>>, vector<16xi32>,
      %add3A_45 = arith.constant 4000 : i32
      %add3A_46 = vector.broadcast %add3A_45 : i32 to vector<16xi32>
      %add3A_47 = arith.addi %mul3A_3, %add3A_46 : vector<16xi32>
      %gather3A_48 = tpu.vector_load_idx %arg5[%add3A_47] : memref<6400xi32, #tpu.memory_space<vmem>>[vector<16xi32>], vector<16xi32>,
      %swap3A_49 = arith.constant 80 : index
      %swap3A_50 = tpu.vector_load %arg6[%swap3A_49] {strides = array<i32>} : memref<640xi32, #tpu.memory_space<vmem>>, vector<16xi32>,
      tpu.vector_store %arg6[%swap3A_49], %gather3A_48 {strides = array<i32>} : memref<640xi32, #tpu.memory_space<vmem>>, vector<16xi32>,
      %add3A_51 = arith.constant 4800 : i32
      %add3A_52 = vector.broadcast %add3A_51 : i32 to vector<16xi32>
      %add3A_53 = arith.addi %mul3A_3, %add3A_52 : vector<16xi32>
      %gather3A_54 = tpu.vector_load_idx %arg5[%add3A_53] : memref<6400xi32, #tpu.memory_space<vmem>>[vector<16xi32>], vector<16xi32>,
      %swap3A_55 = arith.constant 96 : index
      %swap3A_56 = tpu.vector_load %arg6[%swap3A_55] {strides = array<i32>} : memref<640xi32, #tpu.memory_space<vmem>>, vector<16xi32>,
      tpu.vector_store %arg6[%swap3A_55], %gather3A_54 {strides = array<i32>} : memref<640xi32, #tpu.memory_space<vmem>>, vector<16xi32>,
      %add3A_57 = arith.constant 5600 : i32
      %add3A_58 = vector.broadcast %add3A_57 : i32 to vector<16xi32>
      %add3A_59 = arith.addi %mul3A_3, %add3A_58 : vector<16xi32>
      %gather3A_60 = tpu.vector_load_idx %arg5[%add3A_59] : memref<6400xi32, #tpu.memory_space<vmem>>[vector<16xi32>], vector<16xi32>,
      %swap3A_61 = arith.constant 112 : index
      %swap3A_62 = tpu.vector_load %arg6[%swap3A_61] {strides = array<i32>} : memref<640xi32, #tpu.memory_space<vmem>>, vector<16xi32>,
      tpu.vector_store %arg6[%swap3A_61], %gather3A_60 {strides = array<i32>} : memref<640xi32, #tpu.memory_space<vmem>>, vector<16xi32>,
      %add3A_63 = arith.constant 1 : i32
      %add3A_64 = vector.broadcast %add3A_63 : i32 to vector<16xi32>
      %add3A_65 = arith.addi %mul3A_3, %add3A_64 : vector<16xi32>
      %gather3A_66 = tpu.vector_load_idx %arg5[%add3A_65] : memref<6400xi32, #tpu.memory_space<vmem>>[vector<16xi32>], vector<16xi32>,
      %swap3A_67 = arith.constant 128 : index
      %swap3A_68 = tpu.vector_load %arg6[%swap3A_67] {strides = array<i32>} : memref<640xi32, #tpu.memory_space<vmem>>, vector<16xi32>,
      tpu.vector_store %arg6[%swap3A_67], %gather3A_66 {strides = array<i32>} : memref<640xi32, #tpu.memory_space<vmem>>, vector<16xi32>,
      %add3A_69 = arith.constant 801 : i32
      %add3A_70 = vector.broadcast %add3A_69 : i32 to vector<16xi32>
      %add3A_71 = arith.addi %mul3A_3, %add3A_70 : vector<16xi32>
      %gather3A_72 = tpu.vector_load_idx %arg5[%add3A_71] : memref<6400xi32, #tpu.memory_space<vmem>>[vector<16xi32>], vector<16xi32>,
      %swap3A_73 = arith.constant 144 : index
      %swap3A_74 = tpu.vector_load %arg6[%swap3A_73] {strides = array<i32>} : memref<640xi32, #tpu.memory_space<vmem>>, vector<16xi32>,
      tpu.vector_store %arg6[%swap3A_73], %gather3A_72 {strides = array<i32>} : memref<640xi32, #tpu.memory_space<vmem>>, vector<16xi32>,
      %add3A_75 = arith.constant 1601 : i32
      %add3A_76 = vector.broadcast %add3A_75 : i32 to vector<16xi32>
      %add3A_77 = arith.addi %mul3A_3, %add3A_76 : vector<16xi32>
      %gather3A_78 = tpu.vector_load_idx %arg5[%add3A_77] : memref<6400xi32, #tpu.memory_space<vmem>>[vector<16xi32>], vector<16xi32>,
      %swap3A_79 = arith.constant 160 : index
      %swap3A_80 = tpu.vector_load %arg6[%swap3A_79] {strides = array<i32>} : memref<640xi32, #tpu.memory_space<vmem>>, vector<16xi32>,
      tpu.vector_store %arg6[%swap3A_79], %gather3A_78 {strides = array<i32>} : memref<640xi32, #tpu.memory_space<vmem>>, vector<16xi32>,
      %add3A_81 = arith.constant 2401 : i32
      %add3A_82 = vector.broadcast %add3A_81 : i32 to vector<16xi32>
      %add3A_83 = arith.addi %mul3A_3, %add3A_82 : vector<16xi32>
      %gather3A_84 = tpu.vector_load_idx %arg5[%add3A_83] : memref<6400xi32, #tpu.memory_space<vmem>>[vector<16xi32>], vector<16xi32>,
      %swap3A_85 = arith.constant 176 : index
      %swap3A_86 = tpu.vector_load %arg6[%swap3A_85] {strides = array<i32>} : memref<640xi32, #tpu.memory_space<vmem>>, vector<16xi32>,
      tpu.vector_store %arg6[%swap3A_85], %gather3A_84 {strides = array<i32>} : memref<640xi32, #tpu.memory_space<vmem>>, vector<16xi32>,
      %add3A_87 = arith.constant 3201 : i32
      %add3A_88 = vector.broadcast %add3A_87 : i32 to vector<16xi32>
      %add3A_89 = arith.addi %mul3A_3, %add3A_88 : vector<16xi32>
      %gather3A_90 = tpu.vector_load_idx %arg5[%add3A_89] : memref<6400xi32, #tpu.memory_space<vmem>>[vector<16xi32>], vector<16xi32>,
      %swap3A_91 = arith.constant 192 : index
      %swap3A_92 = tpu.vector_load %arg6[%swap3A_91] {strides = array<i32>} : memref<640xi32, #tpu.memory_space<vmem>>, vector<16xi32>,
      tpu.vector_store %arg6[%swap3A_91], %gather3A_90 {strides = array<i32>} : memref<640xi32, #tpu.memory_space<vmem>>, vector<16xi32>,
      %add3A_93 = arith.constant 4001 : i32
      %add3A_94 = vector.broadcast %add3A_93 : i32 to vector<16xi32>
      %add3A_95 = arith.addi %mul3A_3, %add3A_94 : vector<16xi32>
      %gather3A_96 = tpu.vector_load_idx %arg5[%add3A_95] : memref<6400xi32, #tpu.memory_space<vmem>>[vector<16xi32>], vector<16xi32>,
      %swap3A_97 = arith.constant 208 : index
      %swap3A_98 = tpu.vector_load %arg6[%swap3A_97] {strides = array<i32>} : memref<640xi32, #tpu.memory_space<vmem>>, vector<16xi32>,
      tpu.vector_store %arg6[%swap3A_97], %gather3A_96 {strides = array<i32>} : memref<640xi32, #tpu.memory_space<vmem>>, vector<16xi32>,
      %add3A_99 = arith.constant 4801 : i32
      %add3A_100 = vector.broadcast %add3A_99 : i32 to vector<16xi32>
      %add3A_101 = arith.addi %mul3A_3, %add3A_100 : vector<16xi32>
      %gather3A_102 = tpu.vector_load_idx %arg5[%add3A_101] : memref<6400xi32, #tpu.memory_space<vmem>>[vector<16xi32>], vector<16xi32>,
      %swap3A_103 = arith.constant 224 : index
      %swap3A_104 = tpu.vector_load %arg6[%swap3A_103] {strides = array<i32>} : memref<640xi32, #tpu.memory_space<vmem>>, vector<16xi32>,
      tpu.vector_store %arg6[%swap3A_103], %gather3A_102 {strides = array<i32>} : memref<640xi32, #tpu.memory_space<vmem>>, vector<16xi32>,
      %add3A_105 = arith.constant 5601 : i32
      %add3A_106 = vector.broadcast %add3A_105 : i32 to vector<16xi32>
      %add3A_107 = arith.addi %mul3A_3, %add3A_106 : vector<16xi32>
      %gather3A_108 = tpu.vector_load_idx %arg5[%add3A_107] : memref<6400xi32, #tpu.memory_space<vmem>>[vector<16xi32>], vector<16xi32>,
      %swap3A_109 = arith.constant 240 : index
      %swap3A_110 = tpu.vector_load %arg6[%swap3A_109] {strides = array<i32>} : memref<640xi32, #tpu.memory_space<vmem>>, vector<16xi32>,
      tpu.vector_store %arg6[%swap3A_109], %gather3A_108 {strides = array<i32>} : memref<640xi32, #tpu.memory_space<vmem>>, vector<16xi32>,
      %add3A_111 = arith.constant 2 : i32
      %add3A_112 = vector.broadcast %add3A_111 : i32 to vector<16xi32>
      %add3A_113 = arith.addi %mul3A_3, %add3A_112 : vector<16xi32>
      %gather3A_114 = tpu.vector_load_idx %arg5[%add3A_113] : memref<6400xi32, #tpu.memory_space<vmem>>[vector<16xi32>], vector<16xi32>,
      %swap3A_115 = arith.constant 256 : index
      %swap3A_116 = tpu.vector_load %arg6[%swap3A_115] {strides = array<i32>} : memref<640xi32, #tpu.memory_space<vmem>>, vector<16xi32>,
      tpu.vector_store %arg6[%swap3A_115], %gather3A_114 {strides = array<i32>} : memref<640xi32, #tpu.memory_space<vmem>>, vector<16xi32>,
      %add3A_117 = arith.constant 802 : i32
      %add3A_118 = vector.broadcast %add3A_117 : i32 to vector<16xi32>
      %add3A_119 = arith.addi %mul3A_3, %add3A_118 : vector<16xi32>
      %gather3A_120 = tpu.vector_load_idx %arg5[%add3A_119] : memref<6400xi32, #tpu.memory_space<vmem>>[vector<16xi32>], vector<16xi32>,
      %swap3A_121 = arith.constant 272 : index
      %swap3A_122 = tpu.vector_load %arg6[%swap3A_121] {strides = array<i32>} : memref<640xi32, #tpu.memory_space<vmem>>, vector<16xi32>,
      tpu.vector_store %arg6[%swap3A_121], %gather3A_120 {strides = array<i32>} : memref<640xi32, #tpu.memory_space<vmem>>, vector<16xi32>,
      %add3A_123 = arith.constant 1602 : i32
      %add3A_124 = vector.broadcast %add3A_123 : i32 to vector<16xi32>
      %add3A_125 = arith.addi %mul3A_3, %add3A_124 : vector<16xi32>
      %gather3A_126 = tpu.vector_load_idx %arg5[%add3A_125] : memref<6400xi32, #tpu.memory_space<vmem>>[vector<16xi32>], vector<16xi32>,
      %swap3A_127 = arith.constant 288 : index
      %swap3A_128 = tpu.vector_load %arg6[%swap3A_127] {strides = array<i32>} : memref<640xi32, #tpu.memory_space<vmem>>, vector<16xi32>,
      tpu.vector_store %arg6[%swap3A_127], %gather3A_126 {strides = array<i32>} : memref<640xi32, #tpu.memory_space<vmem>>, vector<16xi32>,
      %add3A_129 = arith.constant 2402 : i32
      %add3A_130 = vector.broadcast %add3A_129 : i32 to vector<16xi32>
      %add3A_131 = arith.addi %mul3A_3, %add3A_130 : vector<16xi32>
      %gather3A_132 = tpu.vector_load_idx %arg5[%add3A_131] : memref<6400xi32, #tpu.memory_space<vmem>>[vector<16xi32>], vector<16xi32>,
      %swap3A_133 = arith.constant 304 : index
      %swap3A_134 = tpu.vector_load %arg6[%swap3A_133] {strides = array<i32>} : memref<640xi32, #tpu.memory_space<vmem>>, vector<16xi32>,
      tpu.vector_store %arg6[%swap3A_133], %gather3A_132 {strides = array<i32>} : memref<640xi32, #tpu.memory_space<vmem>>, vector<16xi32>,
      %add3A_135 = arith.constant 3202 : i32
      %add3A_136 = vector.broadcast %add3A_135 : i32 to vector<16xi32>
      %add3A_137 = arith.addi %mul3A_3, %add3A_136 : vector<16xi32>
      %gather3A_138 = tpu.vector_load_idx %arg5[%add3A_137] : memref<6400xi32, #tpu.memory_space<vmem>>[vector<16xi32>], vector<16xi32>,
      %swap3A_139 = arith.constant 320 : index
      %swap3A_140 = tpu.vector_load %arg6[%swap3A_139] {strides = array<i32>} : memref<640xi32, #tpu.memory_space<vmem>>, vector<16xi32>,
      tpu.vector_store %arg6[%swap3A_139], %gather3A_138 {strides = array<i32>} : memref<640xi32, #tpu.memory_space<vmem>>, vector<16xi32>,
      %add3A_141 = arith.constant 4002 : i32
      %add3A_142 = vector.broadcast %add3A_141 : i32 to vector<16xi32>
      %add3A_143 = arith.addi %mul3A_3, %add3A_142 : vector<16xi32>
      %gather3A_144 = tpu.vector_load_idx %arg5[%add3A_143] : memref<6400xi32, #tpu.memory_space<vmem>>[vector<16xi32>], vector<16xi32>,
      %swap3A_145 = arith.constant 336 : index
      %swap3A_146 = tpu.vector_load %arg6[%swap3A_145] {strides = array<i32>} : memref<640xi32, #tpu.memory_space<vmem>>, vector<16xi32>,
      tpu.vector_store %arg6[%swap3A_145], %gather3A_144 {strides = array<i32>} : memref<640xi32, #tpu.memory_space<vmem>>, vector<16xi32>,
      %add3A_147 = arith.constant 4802 : i32
      %add3A_148 = vector.broadcast %add3A_147 : i32 to vector<16xi32>
      %add3A_149 = arith.addi %mul3A_3, %add3A_148 : vector<16xi32>
      %gather3A_150 = tpu.vector_load_idx %arg5[%add3A_149] : memref<6400xi32, #tpu.memory_space<vmem>>[vector<16xi32>], vector<16xi32>,
      %swap3A_151 = arith.constant 352 : index
      %swap3A_152 = tpu.vector_load %arg6[%swap3A_151] {strides = array<i32>} : memref<640xi32, #tpu.memory_space<vmem>>, vector<16xi32>,
      tpu.vector_store %arg6[%swap3A_151], %gather3A_150 {strides = array<i32>} : memref<640xi32, #tpu.memory_space<vmem>>, vector<16xi32>,
      %add3A_153 = arith.constant 5602 : i32
      %add3A_154 = vector.broadcast %add3A_153 : i32 to vector<16xi32>
      %add3A_155 = arith.addi %mul3A_3, %add3A_154 : vector<16xi32>
      %gather3A_156 = tpu.vector_load_idx %arg5[%add3A_155] : memref<6400xi32, #tpu.memory_space<vmem>>[vector<16xi32>], vector<16xi32>,
      %swap3A_157 = arith.constant 368 : index
      %swap3A_158 = tpu.vector_load %arg6[%swap3A_157] {strides = array<i32>} : memref<640xi32, #tpu.memory_space<vmem>>, vector<16xi32>,
      tpu.vector_store %arg6[%swap3A_157], %gather3A_156 {strides = array<i32>} : memref<640xi32, #tpu.memory_space<vmem>>, vector<16xi32>,
      %add3A_159 = arith.constant 3 : i32
      %add3A_160 = vector.broadcast %add3A_159 : i32 to vector<16xi32>
      %add3A_161 = arith.addi %mul3A_3, %add3A_160 : vector<16xi32>
      %gather3A_162 = tpu.vector_load_idx %arg5[%add3A_161] : memref<6400xi32, #tpu.memory_space<vmem>>[vector<16xi32>], vector<16xi32>,
      %swap3A_163 = arith.constant 384 : index
      %swap3A_164 = tpu.vector_load %arg6[%swap3A_163] {strides = array<i32>} : memref<640xi32, #tpu.memory_space<vmem>>, vector<16xi32>,
      tpu.vector_store %arg6[%swap3A_163], %gather3A_162 {strides = array<i32>} : memref<640xi32, #tpu.memory_space<vmem>>, vector<16xi32>,
      %add3A_165 = arith.constant 803 : i32
      %add3A_166 = vector.broadcast %add3A_165 : i32 to vector<16xi32>
      %add3A_167 = arith.addi %mul3A_3, %add3A_166 : vector<16xi32>
      %gather3A_168 = tpu.vector_load_idx %arg5[%add3A_167] : memref<6400xi32, #tpu.memory_space<vmem>>[vector<16xi32>], vector<16xi32>,
      %swap3A_169 = arith.constant 400 : index
      %swap3A_170 = tpu.vector_load %arg6[%swap3A_169] {strides = array<i32>} : memref<640xi32, #tpu.memory_space<vmem>>, vector<16xi32>,
      tpu.vector_store %arg6[%swap3A_169], %gather3A_168 {strides = array<i32>} : memref<640xi32, #tpu.memory_space<vmem>>, vector<16xi32>,
      %add3A_171 = arith.constant 1603 : i32
      %add3A_172 = vector.broadcast %add3A_171 : i32 to vector<16xi32>
      %add3A_173 = arith.addi %mul3A_3, %add3A_172 : vector<16xi32>
      %gather3A_174 = tpu.vector_load_idx %arg5[%add3A_173] : memref<6400xi32, #tpu.memory_space<vmem>>[vector<16xi32>], vector<16xi32>,
      %swap3A_175 = arith.constant 416 : index
      %swap3A_176 = tpu.vector_load %arg6[%swap3A_175] {strides = array<i32>} : memref<640xi32, #tpu.memory_space<vmem>>, vector<16xi32>,
      tpu.vector_store %arg6[%swap3A_175], %gather3A_174 {strides = array<i32>} : memref<640xi32, #tpu.memory_space<vmem>>, vector<16xi32>,
      %add3A_177 = arith.constant 2403 : i32
      %add3A_178 = vector.broadcast %add3A_177 : i32 to vector<16xi32>
      %add3A_179 = arith.addi %mul3A_3, %add3A_178 : vector<16xi32>
      %gather3A_180 = tpu.vector_load_idx %arg5[%add3A_179] : memref<6400xi32, #tpu.memory_space<vmem>>[vector<16xi32>], vector<16xi32>,
      %swap3A_181 = arith.constant 432 : index
      %swap3A_182 = tpu.vector_load %arg6[%swap3A_181] {strides = array<i32>} : memref<640xi32, #tpu.memory_space<vmem>>, vector<16xi32>,
      tpu.vector_store %arg6[%swap3A_181], %gather3A_180 {strides = array<i32>} : memref<640xi32, #tpu.memory_space<vmem>>, vector<16xi32>,
      %add3A_183 = arith.constant 3203 : i32
      %add3A_184 = vector.broadcast %add3A_183 : i32 to vector<16xi32>
      %add3A_185 = arith.addi %mul3A_3, %add3A_184 : vector<16xi32>
      %gather3A_186 = tpu.vector_load_idx %arg5[%add3A_185] : memref<6400xi32, #tpu.memory_space<vmem>>[vector<16xi32>], vector<16xi32>,
      %swap3A_187 = arith.constant 448 : index
      %swap3A_188 = tpu.vector_load %arg6[%swap3A_187] {strides = array<i32>} : memref<640xi32, #tpu.memory_space<vmem>>, vector<16xi32>,
      tpu.vector_store %arg6[%swap3A_187], %gather3A_186 {strides = array<i32>} : memref<640xi32, #tpu.memory_space<vmem>>, vector<16xi32>,
      %add3A_189 = arith.constant 4003 : i32
      %add3A_190 = vector.broadcast %add3A_189 : i32 to vector<16xi32>
      %add3A_191 = arith.addi %mul3A_3, %add3A_190 : vector<16xi32>
      %gather3A_192 = tpu.vector_load_idx %arg5[%add3A_191] : memref<6400xi32, #tpu.memory_space<vmem>>[vector<16xi32>], vector<16xi32>,
      %swap3A_193 = arith.constant 464 : index
      %swap3A_194 = tpu.vector_load %arg6[%swap3A_193] {strides = array<i32>} : memref<640xi32, #tpu.memory_space<vmem>>, vector<16xi32>,
      tpu.vector_store %arg6[%swap3A_193], %gather3A_192 {strides = array<i32>} : memref<640xi32, #tpu.memory_space<vmem>>, vector<16xi32>,
      %add3A_195 = arith.constant 4803 : i32
      %add3A_196 = vector.broadcast %add3A_195 : i32 to vector<16xi32>
      %add3A_197 = arith.addi %mul3A_3, %add3A_196 : vector<16xi32>
      %gather3A_198 = tpu.vector_load_idx %arg5[%add3A_197] : memref<6400xi32, #tpu.memory_space<vmem>>[vector<16xi32>], vector<16xi32>,
      %swap3A_199 = arith.constant 480 : index
      %swap3A_200 = tpu.vector_load %arg6[%swap3A_199] {strides = array<i32>} : memref<640xi32, #tpu.memory_space<vmem>>, vector<16xi32>,
      tpu.vector_store %arg6[%swap3A_199], %gather3A_198 {strides = array<i32>} : memref<640xi32, #tpu.memory_space<vmem>>, vector<16xi32>,
      %add3A_201 = arith.constant 5603 : i32
      %add3A_202 = vector.broadcast %add3A_201 : i32 to vector<16xi32>
      %add3A_203 = arith.addi %mul3A_3, %add3A_202 : vector<16xi32>
      %gather3A_204 = tpu.vector_load_idx %arg5[%add3A_203] : memref<6400xi32, #tpu.memory_space<vmem>>[vector<16xi32>], vector<16xi32>,
      %swap3A_205 = arith.constant 496 : index
      %swap3A_206 = tpu.vector_load %arg6[%swap3A_205] {strides = array<i32>} : memref<640xi32, #tpu.memory_space<vmem>>, vector<16xi32>,
      tpu.vector_store %arg6[%swap3A_205], %gather3A_204 {strides = array<i32>} : memref<640xi32, #tpu.memory_space<vmem>>, vector<16xi32>,
      %add3A_207 = arith.constant 4 : i32
      %add3A_208 = vector.broadcast %add3A_207 : i32 to vector<16xi32>
      %add3A_209 = arith.addi %mul3A_3, %add3A_208 : vector<16xi32>
      %gather3A_210 = tpu.vector_load_idx %arg5[%add3A_209] : memref<6400xi32, #tpu.memory_space<vmem>>[vector<16xi32>], vector<16xi32>,
      %swap3A_211 = arith.constant 512 : index
      %swap3A_212 = tpu.vector_load %arg6[%swap3A_211] {strides = array<i32>} : memref<640xi32, #tpu.memory_space<vmem>>, vector<16xi32>,
      tpu.vector_store %arg6[%swap3A_211], %gather3A_210 {strides = array<i32>} : memref<640xi32, #tpu.memory_space<vmem>>, vector<16xi32>,
      %add3A_213 = arith.constant 804 : i32
      %add3A_214 = vector.broadcast %add3A_213 : i32 to vector<16xi32>
      %add3A_215 = arith.addi %mul3A_3, %add3A_214 : vector<16xi32>
      %gather3A_216 = tpu.vector_load_idx %arg5[%add3A_215] : memref<6400xi32, #tpu.memory_space<vmem>>[vector<16xi32>], vector<16xi32>,
      %swap3A_217 = arith.constant 528 : index
      %swap3A_218 = tpu.vector_load %arg6[%swap3A_217] {strides = array<i32>} : memref<640xi32, #tpu.memory_space<vmem>>, vector<16xi32>,
      tpu.vector_store %arg6[%swap3A_217], %gather3A_216 {strides = array<i32>} : memref<640xi32, #tpu.memory_space<vmem>>, vector<16xi32>,
      %add3A_219 = arith.constant 1604 : i32
      %add3A_220 = vector.broadcast %add3A_219 : i32 to vector<16xi32>
      %add3A_221 = arith.addi %mul3A_3, %add3A_220 : vector<16xi32>
      %gather3A_222 = tpu.vector_load_idx %arg5[%add3A_221] : memref<6400xi32, #tpu.memory_space<vmem>>[vector<16xi32>], vector<16xi32>,
      %swap3A_223 = arith.constant 544 : index
      %swap3A_224 = tpu.vector_load %arg6[%swap3A_223] {strides = array<i32>} : memref<640xi32, #tpu.memory_space<vmem>>, vector<16xi32>,
      tpu.vector_store %arg6[%swap3A_223], %gather3A_222 {strides = array<i32>} : memref<640xi32, #tpu.memory_space<vmem>>, vector<16xi32>,
      %add3A_225 = arith.constant 2404 : i32
      %add3A_226 = vector.broadcast %add3A_225 : i32 to vector<16xi32>
      %add3A_227 = arith.addi %mul3A_3, %add3A_226 : vector<16xi32>
      %gather3A_228 = tpu.vector_load_idx %arg5[%add3A_227] : memref<6400xi32, #tpu.memory_space<vmem>>[vector<16xi32>], vector<16xi32>,
      %swap3A_229 = arith.constant 560 : index
      %swap3A_230 = tpu.vector_load %arg6[%swap3A_229] {strides = array<i32>} : memref<640xi32, #tpu.memory_space<vmem>>, vector<16xi32>,
      tpu.vector_store %arg6[%swap3A_229], %gather3A_228 {strides = array<i32>} : memref<640xi32, #tpu.memory_space<vmem>>, vector<16xi32>,
      %add3A_231 = arith.constant 3204 : i32
      %add3A_232 = vector.broadcast %add3A_231 : i32 to vector<16xi32>
      %add3A_233 = arith.addi %mul3A_3, %add3A_232 : vector<16xi32>
      %gather3A_234 = tpu.vector_load_idx %arg5[%add3A_233] : memref<6400xi32, #tpu.memory_space<vmem>>[vector<16xi32>], vector<16xi32>,
      %swap3A_235 = arith.constant 576 : index
      %swap3A_236 = tpu.vector_load %arg6[%swap3A_235] {strides = array<i32>} : memref<640xi32, #tpu.memory_space<vmem>>, vector<16xi32>,
      tpu.vector_store %arg6[%swap3A_235], %gather3A_234 {strides = array<i32>} : memref<640xi32, #tpu.memory_space<vmem>>, vector<16xi32>,
      %add3A_237 = arith.constant 4004 : i32
      %add3A_238 = vector.broadcast %add3A_237 : i32 to vector<16xi32>
      %add3A_239 = arith.addi %mul3A_3, %add3A_238 : vector<16xi32>
      %gather3A_240 = tpu.vector_load_idx %arg5[%add3A_239] : memref<6400xi32, #tpu.memory_space<vmem>>[vector<16xi32>], vector<16xi32>,
      %swap3A_241 = arith.constant 592 : index
      %swap3A_242 = tpu.vector_load %arg6[%swap3A_241] {strides = array<i32>} : memref<640xi32, #tpu.memory_space<vmem>>, vector<16xi32>,
      tpu.vector_store %arg6[%swap3A_241], %gather3A_240 {strides = array<i32>} : memref<640xi32, #tpu.memory_space<vmem>>, vector<16xi32>,
      %add3A_243 = arith.constant 4804 : i32
      %add3A_244 = vector.broadcast %add3A_243 : i32 to vector<16xi32>
      %add3A_245 = arith.addi %mul3A_3, %add3A_244 : vector<16xi32>
      %gather3A_246 = tpu.vector_load_idx %arg5[%add3A_245] : memref<6400xi32, #tpu.memory_space<vmem>>[vector<16xi32>], vector<16xi32>,
      %swap3A_247 = arith.constant 608 : index
      %swap3A_248 = tpu.vector_load %arg6[%swap3A_247] {strides = array<i32>} : memref<640xi32, #tpu.memory_space<vmem>>, vector<16xi32>,
      tpu.vector_store %arg6[%swap3A_247], %gather3A_246 {strides = array<i32>} : memref<640xi32, #tpu.memory_space<vmem>>, vector<16xi32>,
      %add3A_249 = arith.constant 5604 : i32
      %add3A_250 = vector.broadcast %add3A_249 : i32 to vector<16xi32>
      %add3A_251 = arith.addi %mul3A_3, %add3A_250 : vector<16xi32>
      %gather3A_252 = tpu.vector_load_idx %arg5[%add3A_251] : memref<6400xi32, #tpu.memory_space<vmem>>[vector<16xi32>], vector<16xi32>,
      %swap3A_253 = arith.constant 624 : index
      %swap3A_254 = tpu.vector_load %arg6[%swap3A_253] {strides = array<i32>} : memref<640xi32, #tpu.memory_space<vmem>>, vector<16xi32>,
      tpu.vector_store %arg6[%swap3A_253], %gather3A_252 {strides = array<i32>} : memref<640xi32, #tpu.memory_space<vmem>>, vector<16xi32>,
      %dma_start3A = arith.constant 0 : i32
      %dma_start3A_255 = arith.constant 0 : i32
      %dma_start3A_256 = tpu.memref_slice %arg3[%dma_start3A, %dma_start3A_255] : memref<1000000x32xf32, #tpu.memory_space<hbm>> -> memref<1000000x32xf32, #tpu.memory_space<hbm>>
      tpu.enqueue_indirect_dma source(%dma_start3A_256 : memref<1000000x32xf32, #tpu.memory_space<hbm>>) target(%arg8 : memref<640x32xf32, #tpu.memory_space<vmem>>) offsets(%arg6 : memref<640xi32, #tpu.memory_space<vmem>>) semaphore(%arg12 : memref<!tpu.dma_semaphore, #tpu.memory_space<semaphore_mem>>)
      %scan3A_257 = arith.constant 0 : i32
      %scan3A_258 = arith.constant 0 : i32
      %scan3A_259 = arith.constant 5 : i32
      %scan3A_260 = arith.addi %scan3A_258, %scan3A_259 : i32
      %scan3A_261 = arith.constant 1 : i32
      scf.for %scan3A_902 = %scan3A_258 to %scan3A_260 step %scan3A_261  : i32 {
        %mul3A_903 = arith.constant 2 : i32
        %mul3A_904 = arith.muli %scan3A_902, %mul3A_903 : i32
        %ge3A = arith.constant 2 : i32
        %ge3A_905 = arith.cmpi sge, %mul3A_904, %ge3A : i32
        %convert_element_type3A = arith.extui %ge3A_905 : i1 to i32
        %cond3A = arith.constant 0 : i32
        %cond3A_906 = arith.cmpi ne, %convert_element_type3A, %cond3A : i32
        scf.if %cond3A_906 {
          %sub3A = arith.constant 2 : i32
          %sub3A_1631 = arith.subi %mul3A_904, %sub3A : i32
          %mul3A_1632 = arith.constant 5 : i32
          %mul3A_1633 = arith.muli %sub3A_1631, %mul3A_1632 : i32
          %add3A_1634 = arith.constant 0 : i32
          %add3A_1635 = arith.addi %mul3A_1633, %add3A_1634 : i32
          %dma_wait3A_1636 = arith.constant 0 : i32
          %dma_wait3A_1637 = arith.constant 0 : i32
          %dma_wait3A_1638 = arith.constant 0 : i32
          %dma_wait3A_1639 = tpu.memref_slice %arg10[%dma_wait3A_1637, %dma_wait3A_1638] : memref<160x128xf32, #tpu.memory_space<vmem>> -> memref<8x128xf32, #tpu.memory_space<vmem>>
          %dma_wait3A_1640 = arith.constant 0 : i32
          %dma_wait3A_1641 = arith.constant 0 : i32
          %dma_wait3A_1642 = tpu.memref_slice %arg4[%add3A_1635, %dma_wait3A_1636, %add3A_12, %dma_wait3A_1640, %dma_wait3A_1641] : memref<50x4x128x8x128xf32, #tpu.memory_space<hbm>> -> memref<1x1x1x8x128xf32, #tpu.memory_space<hbm>>
          %dma_wait3A_1643 = tpu.memref_squeeze %dma_wait3A_1642 : memref<1x1x1x8x128xf32, #tpu.memory_space<hbm>> -> memref<8x128xf32, #tpu.memory_space<hbm>>
          %dma_wait3A_1644 = arith.constant 0 : i32
          %dma_wait3A_1645 = arith.constant 0 : i32
          %dma_wait3A_1646 = tpu.memref_slice %arg4[%add3A_1635, %dma_wait3A_1636, %add3A_12, %dma_wait3A_1644, %dma_wait3A_1645] : memref<50x4x128x8x128xf32, #tpu.memory_space<hbm>> -> memref<1x1x1x8x128xf32, #tpu.memory_space<hbm>>
          %dma_wait3A_1647 = tpu.memref_squeeze %dma_wait3A_1646 : memref<1x1x1x8x128xf32, #tpu.memory_space<hbm>> -> memref<8x128xf32, #tpu.memory_space<hbm>>
          %dma_wait3A_1648 = arith.constant 0 : i32
          %dma_wait3A_1649 = arith.constant 0 : i32
          %dma_wait3A_1650 = tpu.memref_slice %arg10[%dma_wait3A_1648, %dma_wait3A_1649] : memref<160x128xf32, #tpu.memory_space<vmem>> -> memref<8x128xf32, #tpu.memory_space<vmem>>
          tpu.wait_dma2 semaphore(%arg14 : memref<!tpu.dma_semaphore, #tpu.memory_space<semaphore_mem>>) src(%dma_wait3A_1650 : memref<8x128xf32, #tpu.memory_space<vmem>>) dst(%dma_wait3A_1647 : memref<8x128xf32, #tpu.memory_space<hbm>>)
          %add3A_1651 = arith.constant 0 : i32
          %add3A_1652 = arith.addi %mul3A_1633, %add3A_1651 : i32
          %dma_wait3A_1653 = arith.constant 1 : i32
          %dma_wait3A_1654 = arith.constant 8 : i32
          %dma_wait3A_1655 = arith.constant 0 : i32
          %dma_wait3A_1656 = tpu.memref_slice %arg10[%dma_wait3A_1654, %dma_wait3A_1655] : memref<160x128xf32, #tpu.memory_space<vmem>> -> memref<8x128xf32, #tpu.memory_space<vmem>>
          %dma_wait3A_1657 = arith.constant 0 : i32
          %dma_wait3A_1658 = arith.constant 0 : i32
          %dma_wait3A_1659 = tpu.memref_slice %arg4[%add3A_1652, %dma_wait3A_1653, %add3A_12, %dma_wait3A_1657, %dma_wait3A_1658] : memref<50x4x128x8x128xf32, #tpu.memory_space<hbm>> -> memref<1x1x1x8x128xf32, #tpu.memory_space<hbm>>
          %dma_wait3A_1660 = tpu.memref_squeeze %dma_wait3A_1659 : memref<1x1x1x8x128xf32, #tpu.memory_space<hbm>> -> memref<8x128xf32, #tpu.memory_space<hbm>>
          %dma_wait3A_1661 = arith.constant 0 : i32
          %dma_wait3A_1662 = arith.constant 0 : i32
          %dma_wait3A_1663 = tpu.memref_slice %arg4[%add3A_1652, %dma_wait3A_1653, %add3A_12, %dma_wait3A_1661, %dma_wait3A_1662] : memref<50x4x128x8x128xf32, #tpu.memory_space<hbm>> -> memref<1x1x1x8x128xf32, #tpu.memory_space<hbm>>
          %dma_wait3A_1664 = tpu.memref_squeeze %dma_wait3A_1663 : memref<1x1x1x8x128xf32, #tpu.memory_space<hbm>> -> memref<8x128xf32, #tpu.memory_space<hbm>>
          %dma_wait3A_1665 = arith.constant 8 : i32
          %dma_wait3A_1666 = arith.constant 0 : i32
          %dma_wait3A_1667 = tpu.memref_slice %arg10[%dma_wait3A_1665, %dma_wait3A_1666] : memref<160x128xf32, #tpu.memory_space<vmem>> -> memref<8x128xf32, #tpu.memory_space<vmem>>
          tpu.wait_dma2 semaphore(%arg14 : memref<!tpu.dma_semaphore, #tpu.memory_space<semaphore_mem>>) src(%dma_wait3A_1667 : memref<8x128xf32, #tpu.memory_space<vmem>>) dst(%dma_wait3A_1664 : memref<8x128xf32, #tpu.memory_space<hbm>>)
          %add3A_1668 = arith.constant 0 : i32
          %add3A_1669 = arith.addi %mul3A_1633, %add3A_1668 : i32
          %dma_wait3A_1670 = arith.constant 2 : i32
          %dma_wait3A_1671 = arith.constant 16 : i32
          %dma_wait3A_1672 = arith.constant 0 : i32
          %dma_wait3A_1673 = tpu.memref_slice %arg10[%dma_wait3A_1671, %dma_wait3A_1672] : memref<160x128xf32, #tpu.memory_space<vmem>> -> memref<8x128xf32, #tpu.memory_space<vmem>>
          %dma_wait3A_1674 = arith.constant 0 : i32
          %dma_wait3A_1675 = arith.constant 0 : i32
          %dma_wait3A_1676 = tpu.memref_slice %arg4[%add3A_1669, %dma_wait3A_1670, %add3A_12, %dma_wait3A_1674, %dma_wait3A_1675] : memref<50x4x128x8x128xf32, #tpu.memory_space<hbm>> -> memref<1x1x1x8x128xf32, #tpu.memory_space<hbm>>
          %dma_wait3A_1677 = tpu.memref_squeeze %dma_wait3A_1676 : memref<1x1x1x8x128xf32, #tpu.memory_space<hbm>> -> memref<8x128xf32, #tpu.memory_space<hbm>>
          %dma_wait3A_1678 = arith.constant 0 : i32
          %dma_wait3A_1679 = arith.constant 0 : i32
          %dma_wait3A_1680 = tpu.memref_slice %arg4[%add3A_1669, %dma_wait3A_1670, %add3A_12, %dma_wait3A_1678, %dma_wait3A_1679] : memref<50x4x128x8x128xf32, #tpu.memory_space<hbm>> -> memref<1x1x1x8x128xf32, #tpu.memory_space<hbm>>
          %dma_wait3A_1681 = tpu.memref_squeeze %dma_wait3A_1680 : memref<1x1x1x8x128xf32, #tpu.memory_space<hbm>> -> memref<8x128xf32, #tpu.memory_space<hbm>>
          %dma_wait3A_1682 = arith.constant 16 : i32
          %dma_wait3A_1683 = arith.constant 0 : i32
          %dma_wait3A_1684 = tpu.memref_slice %arg10[%dma_wait3A_1682, %dma_wait3A_1683] : memref<160x128xf32, #tpu.memory_space<vmem>> -> memref<8x128xf32, #tpu.memory_space<vmem>>
          tpu.wait_dma2 semaphore(%arg14 : memref<!tpu.dma_semaphore, #tpu.memory_space<semaphore_mem>>) src(%dma_wait3A_1684 : memref<8x128xf32, #tpu.memory_space<vmem>>) dst(%dma_wait3A_1681 : memref<8x128xf32, #tpu.memory_space<hbm>>)
          %add3A_1685 = arith.constant 0 : i32
          %add3A_1686 = arith.addi %mul3A_1633, %add3A_1685 : i32
          %dma_wait3A_1687 = arith.constant 3 : i32
          %dma_wait3A_1688 = arith.constant 24 : i32
          %dma_wait3A_1689 = arith.constant 0 : i32
          %dma_wait3A_1690 = tpu.memref_slice %arg10[%dma_wait3A_1688, %dma_wait3A_1689] : memref<160x128xf32, #tpu.memory_space<vmem>> -> memref<8x128xf32, #tpu.memory_space<vmem>>
          %dma_wait3A_1691 = arith.constant 0 : i32
          %dma_wait3A_1692 = arith.constant 0 : i32
          %dma_wait3A_1693 = tpu.memref_slice %arg4[%add3A_1686, %dma_wait3A_1687, %add3A_12, %dma_wait3A_1691, %dma_wait3A_1692] : memref<50x4x128x8x128xf32, #tpu.memory_space<hbm>> -> memref<1x1x1x8x128xf32, #tpu.memory_space<hbm>>
          %dma_wait3A_1694 = tpu.memref_squeeze %dma_wait3A_1693 : memref<1x1x1x8x128xf32, #tpu.memory_space<hbm>> -> memref<8x128xf32, #tpu.memory_space<hbm>>
          %dma_wait3A_1695 = arith.constant 0 : i32
          %dma_wait3A_1696 = arith.constant 0 : i32
          %dma_wait3A_1697 = tpu.memref_slice %arg4[%add3A_1686, %dma_wait3A_1687, %add3A_12, %dma_wait3A_1695, %dma_wait3A_1696] : memref<50x4x128x8x128xf32, #tpu.memory_space<hbm>> -> memref<1x1x1x8x128xf32, #tpu.memory_space<hbm>>
          %dma_wait3A_1698 = tpu.memref_squeeze %dma_wait3A_1697 : memref<1x1x1x8x128xf32, #tpu.memory_space<hbm>> -> memref<8x128xf32, #tpu.memory_space<hbm>>
          %dma_wait3A_1699 = arith.constant 24 : i32
          %dma_wait3A_1700 = arith.constant 0 : i32
          %dma_wait3A_1701 = tpu.memref_slice %arg10[%dma_wait3A_1699, %dma_wait3A_1700] : memref<160x128xf32, #tpu.memory_space<vmem>> -> memref<8x128xf32, #tpu.memory_space<vmem>>
          tpu.wait_dma2 semaphore(%arg14 : memref<!tpu.dma_semaphore, #tpu.memory_space<semaphore_mem>>) src(%dma_wait3A_1701 : memref<8x128xf32, #tpu.memory_space<vmem>>) dst(%dma_wait3A_1698 : memref<8x128xf32, #tpu.memory_space<hbm>>)
          %add3A_1702 = arith.constant 1 : i32
          %add3A_1703 = arith.addi %mul3A_1633, %add3A_1702 : i32
          %dma_wait3A_1704 = arith.constant 0 : i32
          %dma_wait3A_1705 = arith.constant 32 : i32
          %dma_wait3A_1706 = arith.constant 0 : i32
          %dma_wait3A_1707 = tpu.memref_slice %arg10[%dma_wait3A_1705, %dma_wait3A_1706] : memref<160x128xf32, #tpu.memory_space<vmem>> -> memref<8x128xf32, #tpu.memory_space<vmem>>
          %dma_wait3A_1708 = arith.constant 0 : i32
          %dma_wait3A_1709 = arith.constant 0 : i32
          %dma_wait3A_1710 = tpu.memref_slice %arg4[%add3A_1703, %dma_wait3A_1704, %add3A_12, %dma_wait3A_1708, %dma_wait3A_1709] : memref<50x4x128x8x128xf32, #tpu.memory_space<hbm>> -> memref<1x1x1x8x128xf32, #tpu.memory_space<hbm>>
          %dma_wait3A_1711 = tpu.memref_squeeze %dma_wait3A_1710 : memref<1x1x1x8x128xf32, #tpu.memory_space<hbm>> -> memref<8x128xf32, #tpu.memory_space<hbm>>
          %dma_wait3A_1712 = arith.constant 0 : i32
          %dma_wait3A_1713 = arith.constant 0 : i32
          %dma_wait3A_1714 = tpu.memref_slice %arg4[%add3A_1703, %dma_wait3A_1704, %add3A_12, %dma_wait3A_1712, %dma_wait3A_1713] : memref<50x4x128x8x128xf32, #tpu.memory_space<hbm>> -> memref<1x1x1x8x128xf32, #tpu.memory_space<hbm>>
          %dma_wait3A_1715 = tpu.memref_squeeze %dma_wait3A_1714 : memref<1x1x1x8x128xf32, #tpu.memory_space<hbm>> -> memref<8x128xf32, #tpu.memory_space<hbm>>
          %dma_wait3A_1716 = arith.constant 32 : i32
          %dma_wait3A_1717 = arith.constant 0 : i32
          %dma_wait3A_1718 = tpu.memref_slice %arg10[%dma_wait3A_1716, %dma_wait3A_1717] : memref<160x128xf32, #tpu.memory_space<vmem>> -> memref<8x128xf32, #tpu.memory_space<vmem>>
          tpu.wait_dma2 semaphore(%arg14 : memref<!tpu.dma_semaphore, #tpu.memory_space<semaphore_mem>>) src(%dma_wait3A_1718 : memref<8x128xf32, #tpu.memory_space<vmem>>) dst(%dma_wait3A_1715 : memref<8x128xf32, #tpu.memory_space<hbm>>)
          %add3A_1719 = arith.constant 1 : i32
          %add3A_1720 = arith.addi %mul3A_1633, %add3A_1719 : i32
          %dma_wait3A_1721 = arith.constant 1 : i32
          %dma_wait3A_1722 = arith.constant 40 : i32
          %dma_wait3A_1723 = arith.constant 0 : i32
          %dma_wait3A_1724 = tpu.memref_slice %arg10[%dma_wait3A_1722, %dma_wait3A_1723] : memref<160x128xf32, #tpu.memory_space<vmem>> -> memref<8x128xf32, #tpu.memory_space<vmem>>
          %dma_wait3A_1725 = arith.constant 0 : i32
          %dma_wait3A_1726 = arith.constant 0 : i32
          %dma_wait3A_1727 = tpu.memref_slice %arg4[%add3A_1720, %dma_wait3A_1721, %add3A_12, %dma_wait3A_1725, %dma_wait3A_1726] : memref<50x4x128x8x128xf32, #tpu.memory_space<hbm>> -> memref<1x1x1x8x128xf32, #tpu.memory_space<hbm>>
          %dma_wait3A_1728 = tpu.memref_squeeze %dma_wait3A_1727 : memref<1x1x1x8x128xf32, #tpu.memory_space<hbm>> -> memref<8x128xf32, #tpu.memory_space<hbm>>
          %dma_wait3A_1729 = arith.constant 0 : i32
          %dma_wait3A_1730 = arith.constant 0 : i32
          %dma_wait3A_1731 = tpu.memref_slice %arg4[%add3A_1720, %dma_wait3A_1721, %add3A_12, %dma_wait3A_1729, %dma_wait3A_1730] : memref<50x4x128x8x128xf32, #tpu.memory_space<hbm>> -> memref<1x1x1x8x128xf32, #tpu.memory_space<hbm>>
          %dma_wait3A_1732 = tpu.memref_squeeze %dma_wait3A_1731 : memref<1x1x1x8x128xf32, #tpu.memory_space<hbm>> -> memref<8x128xf32, #tpu.memory_space<hbm>>
          %dma_wait3A_1733 = arith.constant 40 : i32
          %dma_wait3A_1734 = arith.constant 0 : i32
          %dma_wait3A_1735 = tpu.memref_slice %arg10[%dma_wait3A_1733, %dma_wait3A_1734] : memref<160x128xf32, #tpu.memory_space<vmem>> -> memref<8x128xf32, #tpu.memory_space<vmem>>
          tpu.wait_dma2 semaphore(%arg14 : memref<!tpu.dma_semaphore, #tpu.memory_space<semaphore_mem>>) src(%dma_wait3A_1735 : memref<8x128xf32, #tpu.memory_space<vmem>>) dst(%dma_wait3A_1732 : memref<8x128xf32, #tpu.memory_space<hbm>>)
          %add3A_1736 = arith.constant 1 : i32
          %add3A_1737 = arith.addi %mul3A_1633, %add3A_1736 : i32
          %dma_wait3A_1738 = arith.constant 2 : i32
          %dma_wait3A_1739 = arith.constant 48 : i32
          %dma_wait3A_1740 = arith.constant 0 : i32
          %dma_wait3A_1741 = tpu.memref_slice %arg10[%dma_wait3A_1739, %dma_wait3A_1740] : memref<160x128xf32, #tpu.memory_space<vmem>> -> memref<8x128xf32, #tpu.memory_space<vmem>>
          %dma_wait3A_1742 = arith.constant 0 : i32
          %dma_wait3A_1743 = arith.constant 0 : i32
          %dma_wait3A_1744 = tpu.memref_slice %arg4[%add3A_1737, %dma_wait3A_1738, %add3A_12, %dma_wait3A_1742, %dma_wait3A_1743] : memref<50x4x128x8x128xf32, #tpu.memory_space<hbm>> -> memref<1x1x1x8x128xf32, #tpu.memory_space<hbm>>
          %dma_wait3A_1745 = tpu.memref_squeeze %dma_wait3A_1744 : memref<1x1x1x8x128xf32, #tpu.memory_space<hbm>> -> memref<8x128xf32, #tpu.memory_space<hbm>>
          %dma_wait3A_1746 = arith.constant 0 : i32
          %dma_wait3A_1747 = arith.constant 0 : i32
          %dma_wait3A_1748 = tpu.memref_slice %arg4[%add3A_1737, %dma_wait3A_1738, %add3A_12, %dma_wait3A_1746, %dma_wait3A_1747] : memref<50x4x128x8x128xf32, #tpu.memory_space<hbm>> -> memref<1x1x1x8x128xf32, #tpu.memory_space<hbm>>
          %dma_wait3A_1749 = tpu.memref_squeeze %dma_wait3A_1748 : memref<1x1x1x8x128xf32, #tpu.memory_space<hbm>> -> memref<8x128xf32, #tpu.memory_space<hbm>>
          %dma_wait3A_1750 = arith.constant 48 : i32
          %dma_wait3A_1751 = arith.constant 0 : i32
          %dma_wait3A_1752 = tpu.memref_slice %arg10[%dma_wait3A_1750, %dma_wait3A_1751] : memref<160x128xf32, #tpu.memory_space<vmem>> -> memref<8x128xf32, #tpu.memory_space<vmem>>
          tpu.wait_dma2 semaphore(%arg14 : memref<!tpu.dma_semaphore, #tpu.memory_space<semaphore_mem>>) src(%dma_wait3A_1752 : memref<8x128xf32, #tpu.memory_space<vmem>>) dst(%dma_wait3A_1749 : memref<8x128xf32, #tpu.memory_space<hbm>>)
          %add3A_1753 = arith.constant 1 : i32
          %add3A_1754 = arith.addi %mul3A_1633, %add3A_1753 : i32
          %dma_wait3A_1755 = arith.constant 3 : i32
          %dma_wait3A_1756 = arith.constant 56 : i32
          %dma_wait3A_1757 = arith.constant 0 : i32
          %dma_wait3A_1758 = tpu.memref_slice %arg10[%dma_wait3A_1756, %dma_wait3A_1757] : memref<160x128xf32, #tpu.memory_space<vmem>> -> memref<8x128xf32, #tpu.memory_space<vmem>>
          %dma_wait3A_1759 = arith.constant 0 : i32
          %dma_wait3A_1760 = arith.constant 0 : i32
          %dma_wait3A_1761 = tpu.memref_slice %arg4[%add3A_1754, %dma_wait3A_1755, %add3A_12, %dma_wait3A_1759, %dma_wait3A_1760] : memref<50x4x128x8x128xf32, #tpu.memory_space<hbm>> -> memref<1x1x1x8x128xf32, #tpu.memory_space<hbm>>
          %dma_wait3A_1762 = tpu.memref_squeeze %dma_wait3A_1761 : memref<1x1x1x8x128xf32, #tpu.memory_space<hbm>> -> memref<8x128xf32, #tpu.memory_space<hbm>>
          %dma_wait3A_1763 = arith.constant 0 : i32
          %dma_wait3A_1764 = arith.constant 0 : i32
          %dma_wait3A_1765 = tpu.memref_slice %arg4[%add3A_1754, %dma_wait3A_1755, %add3A_12, %dma_wait3A_1763, %dma_wait3A_1764] : memref<50x4x128x8x128xf32, #tpu.memory_space<hbm>> -> memref<1x1x1x8x128xf32, #tpu.memory_space<hbm>>
          %dma_wait3A_1766 = tpu.memref_squeeze %dma_wait3A_1765 : memref<1x1x1x8x128xf32, #tpu.memory_space<hbm>> -> memref<8x128xf32, #tpu.memory_space<hbm>>
          %dma_wait3A_1767 = arith.constant 56 : i32
          %dma_wait3A_1768 = arith.constant 0 : i32
          %dma_wait3A_1769 = tpu.memref_slice %arg10[%dma_wait3A_1767, %dma_wait3A_1768] : memref<160x128xf32, #tpu.memory_space<vmem>> -> memref<8x128xf32, #tpu.memory_space<vmem>>
          tpu.wait_dma2 semaphore(%arg14 : memref<!tpu.dma_semaphore, #tpu.memory_space<semaphore_mem>>) src(%dma_wait3A_1769 : memref<8x128xf32, #tpu.memory_space<vmem>>) dst(%dma_wait3A_1766 : memref<8x128xf32, #tpu.memory_space<hbm>>)
          %add3A_1770 = arith.constant 2 : i32
          %add3A_1771 = arith.addi %mul3A_1633, %add3A_1770 : i32
          %dma_wait3A_1772 = arith.constant 0 : i32
          %dma_wait3A_1773 = arith.constant 64 : i32
          %dma_wait3A_1774 = arith.constant 0 : i32
          %dma_wait3A_1775 = tpu.memref_slice %arg10[%dma_wait3A_1773, %dma_wait3A_1774] : memref<160x128xf32, #tpu.memory_space<vmem>> -> memref<8x128xf32, #tpu.memory_space<vmem>>
          %dma_wait3A_1776 = arith.constant 0 : i32
          %dma_wait3A_1777 = arith.constant 0 : i32
          %dma_wait3A_1778 = tpu.memref_slice %arg4[%add3A_1771, %dma_wait3A_1772, %add3A_12, %dma_wait3A_1776, %dma_wait3A_1777] : memref<50x4x128x8x128xf32, #tpu.memory_space<hbm>> -> memref<1x1x1x8x128xf32, #tpu.memory_space<hbm>>
          %dma_wait3A_1779 = tpu.memref_squeeze %dma_wait3A_1778 : memref<1x1x1x8x128xf32, #tpu.memory_space<hbm>> -> memref<8x128xf32, #tpu.memory_space<hbm>>
          %dma_wait3A_1780 = arith.constant 0 : i32
          %dma_wait3A_1781 = arith.constant 0 : i32
          %dma_wait3A_1782 = tpu.memref_slice %arg4[%add3A_1771, %dma_wait3A_1772, %add3A_12, %dma_wait3A_1780, %dma_wait3A_1781] : memref<50x4x128x8x128xf32, #tpu.memory_space<hbm>> -> memref<1x1x1x8x128xf32, #tpu.memory_space<hbm>>
          %dma_wait3A_1783 = tpu.memref_squeeze %dma_wait3A_1782 : memref<1x1x1x8x128xf32, #tpu.memory_space<hbm>> -> memref<8x128xf32, #tpu.memory_space<hbm>>
          %dma_wait3A_1784 = arith.constant 64 : i32
          %dma_wait3A_1785 = arith.constant 0 : i32
          %dma_wait3A_1786 = tpu.memref_slice %arg10[%dma_wait3A_1784, %dma_wait3A_1785] : memref<160x128xf32, #tpu.memory_space<vmem>> -> memref<8x128xf32, #tpu.memory_space<vmem>>
          tpu.wait_dma2 semaphore(%arg14 : memref<!tpu.dma_semaphore, #tpu.memory_space<semaphore_mem>>) src(%dma_wait3A_1786 : memref<8x128xf32, #tpu.memory_space<vmem>>) dst(%dma_wait3A_1783 : memref<8x128xf32, #tpu.memory_space<hbm>>)
          %add3A_1787 = arith.constant 2 : i32
          %add3A_1788 = arith.addi %mul3A_1633, %add3A_1787 : i32
          %dma_wait3A_1789 = arith.constant 1 : i32
          %dma_wait3A_1790 = arith.constant 72 : i32
          %dma_wait3A_1791 = arith.constant 0 : i32
          %dma_wait3A_1792 = tpu.memref_slice %arg10[%dma_wait3A_1790, %dma_wait3A_1791] : memref<160x128xf32, #tpu.memory_space<vmem>> -> memref<8x128xf32, #tpu.memory_space<vmem>>
          %dma_wait3A_1793 = arith.constant 0 : i32
          %dma_wait3A_1794 = arith.constant 0 : i32
          %dma_wait3A_1795 = tpu.memref_slice %arg4[%add3A_1788, %dma_wait3A_1789, %add3A_12, %dma_wait3A_1793, %dma_wait3A_1794] : memref<50x4x128x8x128xf32, #tpu.memory_space<hbm>> -> memref<1x1x1x8x128xf32, #tpu.memory_space<hbm>>
          %dma_wait3A_1796 = tpu.memref_squeeze %dma_wait3A_1795 : memref<1x1x1x8x128xf32, #tpu.memory_space<hbm>> -> memref<8x128xf32, #tpu.memory_space<hbm>>
          %dma_wait3A_1797 = arith.constant 0 : i32
          %dma_wait3A_1798 = arith.constant 0 : i32
          %dma_wait3A_1799 = tpu.memref_slice %arg4[%add3A_1788, %dma_wait3A_1789, %add3A_12, %dma_wait3A_1797, %dma_wait3A_1798] : memref<50x4x128x8x128xf32, #tpu.memory_space<hbm>> -> memref<1x1x1x8x128xf32, #tpu.memory_space<hbm>>
          %dma_wait3A_1800 = tpu.memref_squeeze %dma_wait3A_1799 : memref<1x1x1x8x128xf32, #tpu.memory_space<hbm>> -> memref<8x128xf32, #tpu.memory_space<hbm>>
          %dma_wait3A_1801 = arith.constant 72 : i32
          %dma_wait3A_1802 = arith.constant 0 : i32
          %dma_wait3A_1803 = tpu.memref_slice %arg10[%dma_wait3A_1801, %dma_wait3A_1802] : memref<160x128xf32, #tpu.memory_space<vmem>> -> memref<8x128xf32, #tpu.memory_space<vmem>>
          tpu.wait_dma2 semaphore(%arg14 : memref<!tpu.dma_semaphore, #tpu.memory_space<semaphore_mem>>) src(%dma_wait3A_1803 : memref<8x128xf32, #tpu.memory_space<vmem>>) dst(%dma_wait3A_1800 : memref<8x128xf32, #tpu.memory_space<hbm>>)
          %add3A_1804 = arith.constant 2 : i32
          %add3A_1805 = arith.addi %mul3A_1633, %add3A_1804 : i32
          %dma_wait3A_1806 = arith.constant 2 : i32
          %dma_wait3A_1807 = arith.constant 80 : i32
          %dma_wait3A_1808 = arith.constant 0 : i32
          %dma_wait3A_1809 = tpu.memref_slice %arg10[%dma_wait3A_1807, %dma_wait3A_1808] : memref<160x128xf32, #tpu.memory_space<vmem>> -> memref<8x128xf32, #tpu.memory_space<vmem>>
          %dma_wait3A_1810 = arith.constant 0 : i32
          %dma_wait3A_1811 = arith.constant 0 : i32
          %dma_wait3A_1812 = tpu.memref_slice %arg4[%add3A_1805, %dma_wait3A_1806, %add3A_12, %dma_wait3A_1810, %dma_wait3A_1811] : memref<50x4x128x8x128xf32, #tpu.memory_space<hbm>> -> memref<1x1x1x8x128xf32, #tpu.memory_space<hbm>>
          %dma_wait3A_1813 = tpu.memref_squeeze %dma_wait3A_1812 : memref<1x1x1x8x128xf32, #tpu.memory_space<hbm>> -> memref<8x128xf32, #tpu.memory_space<hbm>>
          %dma_wait3A_1814 = arith.constant 0 : i32
          %dma_wait3A_1815 = arith.constant 0 : i32
          %dma_wait3A_1816 = tpu.memref_slice %arg4[%add3A_1805, %dma_wait3A_1806, %add3A_12, %dma_wait3A_1814, %dma_wait3A_1815] : memref<50x4x128x8x128xf32, #tpu.memory_space<hbm>> -> memref<1x1x1x8x128xf32, #tpu.memory_space<hbm>>
          %dma_wait3A_1817 = tpu.memref_squeeze %dma_wait3A_1816 : memref<1x1x1x8x128xf32, #tpu.memory_space<hbm>> -> memref<8x128xf32, #tpu.memory_space<hbm>>
          %dma_wait3A_1818 = arith.constant 80 : i32
          %dma_wait3A_1819 = arith.constant 0 : i32
          %dma_wait3A_1820 = tpu.memref_slice %arg10[%dma_wait3A_1818, %dma_wait3A_1819] : memref<160x128xf32, #tpu.memory_space<vmem>> -> memref<8x128xf32, #tpu.memory_space<vmem>>
          tpu.wait_dma2 semaphore(%arg14 : memref<!tpu.dma_semaphore, #tpu.memory_space<semaphore_mem>>) src(%dma_wait3A_1820 : memref<8x128xf32, #tpu.memory_space<vmem>>) dst(%dma_wait3A_1817 : memref<8x128xf32, #tpu.memory_space<hbm>>)
          %add3A_1821 = arith.constant 2 : i32
          %add3A_1822 = arith.addi %mul3A_1633, %add3A_1821 : i32
          %dma_wait3A_1823 = arith.constant 3 : i32
          %dma_wait3A_1824 = arith.constant 88 : i32
          %dma_wait3A_1825 = arith.constant 0 : i32
          %dma_wait3A_1826 = tpu.memref_slice %arg10[%dma_wait3A_1824, %dma_wait3A_1825] : memref<160x128xf32, #tpu.memory_space<vmem>> -> memref<8x128xf32, #tpu.memory_space<vmem>>
          %dma_wait3A_1827 = arith.constant 0 : i32
          %dma_wait3A_1828 = arith.constant 0 : i32
          %dma_wait3A_1829 = tpu.memref_slice %arg4[%add3A_1822, %dma_wait3A_1823, %add3A_12, %dma_wait3A_1827, %dma_wait3A_1828] : memref<50x4x128x8x128xf32, #tpu.memory_space<hbm>> -> memref<1x1x1x8x128xf32, #tpu.memory_space<hbm>>
          %dma_wait3A_1830 = tpu.memref_squeeze %dma_wait3A_1829 : memref<1x1x1x8x128xf32, #tpu.memory_space<hbm>> -> memref<8x128xf32, #tpu.memory_space<hbm>>
          %dma_wait3A_1831 = arith.constant 0 : i32
          %dma_wait3A_1832 = arith.constant 0 : i32
          %dma_wait3A_1833 = tpu.memref_slice %arg4[%add3A_1822, %dma_wait3A_1823, %add3A_12, %dma_wait3A_1831, %dma_wait3A_1832] : memref<50x4x128x8x128xf32, #tpu.memory_space<hbm>> -> memref<1x1x1x8x128xf32, #tpu.memory_space<hbm>>
          %dma_wait3A_1834 = tpu.memref_squeeze %dma_wait3A_1833 : memref<1x1x1x8x128xf32, #tpu.memory_space<hbm>> -> memref<8x128xf32, #tpu.memory_space<hbm>>
          %dma_wait3A_1835 = arith.constant 88 : i32
          %dma_wait3A_1836 = arith.constant 0 : i32
          %dma_wait3A_1837 = tpu.memref_slice %arg10[%dma_wait3A_1835, %dma_wait3A_1836] : memref<160x128xf32, #tpu.memory_space<vmem>> -> memref<8x128xf32, #tpu.memory_space<vmem>>
          tpu.wait_dma2 semaphore(%arg14 : memref<!tpu.dma_semaphore, #tpu.memory_space<semaphore_mem>>) src(%dma_wait3A_1837 : memref<8x128xf32, #tpu.memory_space<vmem>>) dst(%dma_wait3A_1834 : memref<8x128xf32, #tpu.memory_space<hbm>>)
          %add3A_1838 = arith.constant 3 : i32
          %add3A_1839 = arith.addi %mul3A_1633, %add3A_1838 : i32
          %dma_wait3A_1840 = arith.constant 0 : i32
          %dma_wait3A_1841 = arith.constant 96 : i32
          %dma_wait3A_1842 = arith.constant 0 : i32
          %dma_wait3A_1843 = tpu.memref_slice %arg10[%dma_wait3A_1841, %dma_wait3A_1842] : memref<160x128xf32, #tpu.memory_space<vmem>> -> memref<8x128xf32, #tpu.memory_space<vmem>>
          %dma_wait3A_1844 = arith.constant 0 : i32
          %dma_wait3A_1845 = arith.constant 0 : i32
          %dma_wait3A_1846 = tpu.memref_slice %arg4[%add3A_1839, %dma_wait3A_1840, %add3A_12, %dma_wait3A_1844, %dma_wait3A_1845] : memref<50x4x128x8x128xf32, #tpu.memory_space<hbm>> -> memref<1x1x1x8x128xf32, #tpu.memory_space<hbm>>
          %dma_wait3A_1847 = tpu.memref_squeeze %dma_wait3A_1846 : memref<1x1x1x8x128xf32, #tpu.memory_space<hbm>> -> memref<8x128xf32, #tpu.memory_space<hbm>>
          %dma_wait3A_1848 = arith.constant 0 : i32
          %dma_wait3A_1849 = arith.constant 0 : i32
          %dma_wait3A_1850 = tpu.memref_slice %arg4[%add3A_1839, %dma_wait3A_1840, %add3A_12, %dma_wait3A_1848, %dma_wait3A_1849] : memref<50x4x128x8x128xf32, #tpu.memory_space<hbm>> -> memref<1x1x1x8x128xf32, #tpu.memory_space<hbm>>
          %dma_wait3A_1851 = tpu.memref_squeeze %dma_wait3A_1850 : memref<1x1x1x8x128xf32, #tpu.memory_space<hbm>> -> memref<8x128xf32, #tpu.memory_space<hbm>>
          %dma_wait3A_1852 = arith.constant 96 : i32
          %dma_wait3A_1853 = arith.constant 0 : i32
          %dma_wait3A_1854 = tpu.memref_slice %arg10[%dma_wait3A_1852, %dma_wait3A_1853] : memref<160x128xf32, #tpu.memory_space<vmem>> -> memref<8x128xf32, #tpu.memory_space<vmem>>
          tpu.wait_dma2 semaphore(%arg14 : memref<!tpu.dma_semaphore, #tpu.memory_space<semaphore_mem>>) src(%dma_wait3A_1854 : memref<8x128xf32, #tpu.memory_space<vmem>>) dst(%dma_wait3A_1851 : memref<8x128xf32, #tpu.memory_space<hbm>>)
          %add3A_1855 = arith.constant 3 : i32
          %add3A_1856 = arith.addi %mul3A_1633, %add3A_1855 : i32
          %dma_wait3A_1857 = arith.constant 1 : i32
          %dma_wait3A_1858 = arith.constant 104 : i32
          %dma_wait3A_1859 = arith.constant 0 : i32
          %dma_wait3A_1860 = tpu.memref_slice %arg10[%dma_wait3A_1858, %dma_wait3A_1859] : memref<160x128xf32, #tpu.memory_space<vmem>> -> memref<8x128xf32, #tpu.memory_space<vmem>>
          %dma_wait3A_1861 = arith.constant 0 : i32
          %dma_wait3A_1862 = arith.constant 0 : i32
          %dma_wait3A_1863 = tpu.memref_slice %arg4[%add3A_1856, %dma_wait3A_1857, %add3A_12, %dma_wait3A_1861, %dma_wait3A_1862] : memref<50x4x128x8x128xf32, #tpu.memory_space<hbm>> -> memref<1x1x1x8x128xf32, #tpu.memory_space<hbm>>
          %dma_wait3A_1864 = tpu.memref_squeeze %dma_wait3A_1863 : memref<1x1x1x8x128xf32, #tpu.memory_space<hbm>> -> memref<8x128xf32, #tpu.memory_space<hbm>>
          %dma_wait3A_1865 = arith.constant 0 : i32
          %dma_wait3A_1866 = arith.constant 0 : i32
          %dma_wait3A_1867 = tpu.memref_slice %arg4[%add3A_1856, %dma_wait3A_1857, %add3A_12, %dma_wait3A_1865, %dma_wait3A_1866] : memref<50x4x128x8x128xf32, #tpu.memory_space<hbm>> -> memref<1x1x1x8x128xf32, #tpu.memory_space<hbm>>
          %dma_wait3A_1868 = tpu.memref_squeeze %dma_wait3A_1867 : memref<1x1x1x8x128xf32, #tpu.memory_space<hbm>> -> memref<8x128xf32, #tpu.memory_space<hbm>>
          %dma_wait3A_1869 = arith.constant 104 : i32
          %dma_wait3A_1870 = arith.constant 0 : i32
          %dma_wait3A_1871 = tpu.memref_slice %arg10[%dma_wait3A_1869, %dma_wait3A_1870] : memref<160x128xf32, #tpu.memory_space<vmem>> -> memref<8x128xf32, #tpu.memory_space<vmem>>
          tpu.wait_dma2 semaphore(%arg14 : memref<!tpu.dma_semaphore, #tpu.memory_space<semaphore_mem>>) src(%dma_wait3A_1871 : memref<8x128xf32, #tpu.memory_space<vmem>>) dst(%dma_wait3A_1868 : memref<8x128xf32, #tpu.memory_space<hbm>>)
          %add3A_1872 = arith.constant 3 : i32
          %add3A_1873 = arith.addi %mul3A_1633, %add3A_1872 : i32
          %dma_wait3A_1874 = arith.constant 2 : i32
          %dma_wait3A_1875 = arith.constant 112 : i32
          %dma_wait3A_1876 = arith.constant 0 : i32
          %dma_wait3A_1877 = tpu.memref_slice %arg10[%dma_wait3A_1875, %dma_wait3A_1876] : memref<160x128xf32, #tpu.memory_space<vmem>> -> memref<8x128xf32, #tpu.memory_space<vmem>>
          %dma_wait3A_1878 = arith.constant 0 : i32
          %dma_wait3A_1879 = arith.constant 0 : i32
          %dma_wait3A_1880 = tpu.memref_slice %arg4[%add3A_1873, %dma_wait3A_1874, %add3A_12, %dma_wait3A_1878, %dma_wait3A_1879] : memref<50x4x128x8x128xf32, #tpu.memory_space<hbm>> -> memref<1x1x1x8x128xf32, #tpu.memory_space<hbm>>
          %dma_wait3A_1881 = tpu.memref_squeeze %dma_wait3A_1880 : memref<1x1x1x8x128xf32, #tpu.memory_space<hbm>> -> memref<8x128xf32, #tpu.memory_space<hbm>>
          %dma_wait3A_1882 = arith.constant 0 : i32
          %dma_wait3A_1883 = arith.constant 0 : i32
          %dma_wait3A_1884 = tpu.memref_slice %arg4[%add3A_1873, %dma_wait3A_1874, %add3A_12, %dma_wait3A_1882, %dma_wait3A_1883] : memref<50x4x128x8x128xf32, #tpu.memory_space<hbm>> -> memref<1x1x1x8x128xf32, #tpu.memory_space<hbm>>
          %dma_wait3A_1885 = tpu.memref_squeeze %dma_wait3A_1884 : memref<1x1x1x8x128xf32, #tpu.memory_space<hbm>> -> memref<8x128xf32, #tpu.memory_space<hbm>>
          %dma_wait3A_1886 = arith.constant 112 : i32
          %dma_wait3A_1887 = arith.constant 0 : i32
          %dma_wait3A_1888 = tpu.memref_slice %arg10[%dma_wait3A_1886, %dma_wait3A_1887] : memref<160x128xf32, #tpu.memory_space<vmem>> -> memref<8x128xf32, #tpu.memory_space<vmem>>
          tpu.wait_dma2 semaphore(%arg14 : memref<!tpu.dma_semaphore, #tpu.memory_space<semaphore_mem>>) src(%dma_wait3A_1888 : memref<8x128xf32, #tpu.memory_space<vmem>>) dst(%dma_wait3A_1885 : memref<8x128xf32, #tpu.memory_space<hbm>>)
          %add3A_1889 = arith.constant 3 : i32
          %add3A_1890 = arith.addi %mul3A_1633, %add3A_1889 : i32
          %dma_wait3A_1891 = arith.constant 3 : i32
          %dma_wait3A_1892 = arith.constant 120 : i32
          %dma_wait3A_1893 = arith.constant 0 : i32
          %dma_wait3A_1894 = tpu.memref_slice %arg10[%dma_wait3A_1892, %dma_wait3A_1893] : memref<160x128xf32, #tpu.memory_space<vmem>> -> memref<8x128xf32, #tpu.memory_space<vmem>>
          %dma_wait3A_1895 = arith.constant 0 : i32
          %dma_wait3A_1896 = arith.constant 0 : i32
          %dma_wait3A_1897 = tpu.memref_slice %arg4[%add3A_1890, %dma_wait3A_1891, %add3A_12, %dma_wait3A_1895, %dma_wait3A_1896] : memref<50x4x128x8x128xf32, #tpu.memory_space<hbm>> -> memref<1x1x1x8x128xf32, #tpu.memory_space<hbm>>
          %dma_wait3A_1898 = tpu.memref_squeeze %dma_wait3A_1897 : memref<1x1x1x8x128xf32, #tpu.memory_space<hbm>> -> memref<8x128xf32, #tpu.memory_space<hbm>>
          %dma_wait3A_1899 = arith.constant 0 : i32
          %dma_wait3A_1900 = arith.constant 0 : i32
          %dma_wait3A_1901 = tpu.memref_slice %arg4[%add3A_1890, %dma_wait3A_1891, %add3A_12, %dma_wait3A_1899, %dma_wait3A_1900] : memref<50x4x128x8x128xf32, #tpu.memory_space<hbm>> -> memref<1x1x1x8x128xf32, #tpu.memory_space<hbm>>
          %dma_wait3A_1902 = tpu.memref_squeeze %dma_wait3A_1901 : memref<1x1x1x8x128xf32, #tpu.memory_space<hbm>> -> memref<8x128xf32, #tpu.memory_space<hbm>>
          %dma_wait3A_1903 = arith.constant 120 : i32
          %dma_wait3A_1904 = arith.constant 0 : i32
          %dma_wait3A_1905 = tpu.memref_slice %arg10[%dma_wait3A_1903, %dma_wait3A_1904] : memref<160x128xf32, #tpu.memory_space<vmem>> -> memref<8x128xf32, #tpu.memory_space<vmem>>
          tpu.wait_dma2 semaphore(%arg14 : memref<!tpu.dma_semaphore, #tpu.memory_space<semaphore_mem>>) src(%dma_wait3A_1905 : memref<8x128xf32, #tpu.memory_space<vmem>>) dst(%dma_wait3A_1902 : memref<8x128xf32, #tpu.memory_space<hbm>>)
          %add3A_1906 = arith.constant 4 : i32
          %add3A_1907 = arith.addi %mul3A_1633, %add3A_1906 : i32
          %dma_wait3A_1908 = arith.constant 0 : i32
          %dma_wait3A_1909 = arith.constant 128 : i32
          %dma_wait3A_1910 = arith.constant 0 : i32
          %dma_wait3A_1911 = tpu.memref_slice %arg10[%dma_wait3A_1909, %dma_wait3A_1910] : memref<160x128xf32, #tpu.memory_space<vmem>> -> memref<8x128xf32, #tpu.memory_space<vmem>>
          %dma_wait3A_1912 = arith.constant 0 : i32
          %dma_wait3A_1913 = arith.constant 0 : i32
          %dma_wait3A_1914 = tpu.memref_slice %arg4[%add3A_1907, %dma_wait3A_1908, %add3A_12, %dma_wait3A_1912, %dma_wait3A_1913] : memref<50x4x128x8x128xf32, #tpu.memory_space<hbm>> -> memref<1x1x1x8x128xf32, #tpu.memory_space<hbm>>
          %dma_wait3A_1915 = tpu.memref_squeeze %dma_wait3A_1914 : memref<1x1x1x8x128xf32, #tpu.memory_space<hbm>> -> memref<8x128xf32, #tpu.memory_space<hbm>>
          %dma_wait3A_1916 = arith.constant 0 : i32
          %dma_wait3A_1917 = arith.constant 0 : i32
          %dma_wait3A_1918 = tpu.memref_slice %arg4[%add3A_1907, %dma_wait3A_1908, %add3A_12, %dma_wait3A_1916, %dma_wait3A_1917] : memref<50x4x128x8x128xf32, #tpu.memory_space<hbm>> -> memref<1x1x1x8x128xf32, #tpu.memory_space<hbm>>
          %dma_wait3A_1919 = tpu.memref_squeeze %dma_wait3A_1918 : memref<1x1x1x8x128xf32, #tpu.memory_space<hbm>> -> memref<8x128xf32, #tpu.memory_space<hbm>>
          %dma_wait3A_1920 = arith.constant 128 : i32
          %dma_wait3A_1921 = arith.constant 0 : i32
          %dma_wait3A_1922 = tpu.memref_slice %arg10[%dma_wait3A_1920, %dma_wait3A_1921] : memref<160x128xf32, #tpu.memory_space<vmem>> -> memref<8x128xf32, #tpu.memory_space<vmem>>
          tpu.wait_dma2 semaphore(%arg14 : memref<!tpu.dma_semaphore, #tpu.memory_space<semaphore_mem>>) src(%dma_wait3A_1922 : memref<8x128xf32, #tpu.memory_space<vmem>>) dst(%dma_wait3A_1919 : memref<8x128xf32, #tpu.memory_space<hbm>>)
          %add3A_1923 = arith.constant 4 : i32
          %add3A_1924 = arith.addi %mul3A_1633, %add3A_1923 : i32
          %dma_wait3A_1925 = arith.constant 1 : i32
          %dma_wait3A_1926 = arith.constant 136 : i32
          %dma_wait3A_1927 = arith.constant 0 : i32
          %dma_wait3A_1928 = tpu.memref_slice %arg10[%dma_wait3A_1926, %dma_wait3A_1927] : memref<160x128xf32, #tpu.memory_space<vmem>> -> memref<8x128xf32, #tpu.memory_space<vmem>>
          %dma_wait3A_1929 = arith.constant 0 : i32
          %dma_wait3A_1930 = arith.constant 0 : i32
          %dma_wait3A_1931 = tpu.memref_slice %arg4[%add3A_1924, %dma_wait3A_1925, %add3A_12, %dma_wait3A_1929, %dma_wait3A_1930] : memref<50x4x128x8x128xf32, #tpu.memory_space<hbm>> -> memref<1x1x1x8x128xf32, #tpu.memory_space<hbm>>
          %dma_wait3A_1932 = tpu.memref_squeeze %dma_wait3A_1931 : memref<1x1x1x8x128xf32, #tpu.memory_space<hbm>> -> memref<8x128xf32, #tpu.memory_space<hbm>>
          %dma_wait3A_1933 = arith.constant 0 : i32
          %dma_wait3A_1934 = arith.constant 0 : i32
          %dma_wait3A_1935 = tpu.memref_slice %arg4[%add3A_1924, %dma_wait3A_1925, %add3A_12, %dma_wait3A_1933, %dma_wait3A_1934] : memref<50x4x128x8x128xf32, #tpu.memory_space<hbm>> -> memref<1x1x1x8x128xf32, #tpu.memory_space<hbm>>
          %dma_wait3A_1936 = tpu.memref_squeeze %dma_wait3A_1935 : memref<1x1x1x8x128xf32, #tpu.memory_space<hbm>> -> memref<8x128xf32, #tpu.memory_space<hbm>>
          %dma_wait3A_1937 = arith.constant 136 : i32
          %dma_wait3A_1938 = arith.constant 0 : i32
          %dma_wait3A_1939 = tpu.memref_slice %arg10[%dma_wait3A_1937, %dma_wait3A_1938] : memref<160x128xf32, #tpu.memory_space<vmem>> -> memref<8x128xf32, #tpu.memory_space<vmem>>
          tpu.wait_dma2 semaphore(%arg14 : memref<!tpu.dma_semaphore, #tpu.memory_space<semaphore_mem>>) src(%dma_wait3A_1939 : memref<8x128xf32, #tpu.memory_space<vmem>>) dst(%dma_wait3A_1936 : memref<8x128xf32, #tpu.memory_space<hbm>>)
          %add3A_1940 = arith.constant 4 : i32
          %add3A_1941 = arith.addi %mul3A_1633, %add3A_1940 : i32
          %dma_wait3A_1942 = arith.constant 2 : i32
          %dma_wait3A_1943 = arith.constant 144 : i32
          %dma_wait3A_1944 = arith.constant 0 : i32
          %dma_wait3A_1945 = tpu.memref_slice %arg10[%dma_wait3A_1943, %dma_wait3A_1944] : memref<160x128xf32, #tpu.memory_space<vmem>> -> memref<8x128xf32, #tpu.memory_space<vmem>>
          %dma_wait3A_1946 = arith.constant 0 : i32
          %dma_wait3A_1947 = arith.constant 0 : i32
          %dma_wait3A_1948 = tpu.memref_slice %arg4[%add3A_1941, %dma_wait3A_1942, %add3A_12, %dma_wait3A_1946, %dma_wait3A_1947] : memref<50x4x128x8x128xf32, #tpu.memory_space<hbm>> -> memref<1x1x1x8x128xf32, #tpu.memory_space<hbm>>
          %dma_wait3A_1949 = tpu.memref_squeeze %dma_wait3A_1948 : memref<1x1x1x8x128xf32, #tpu.memory_space<hbm>> -> memref<8x128xf32, #tpu.memory_space<hbm>>
          %dma_wait3A_1950 = arith.constant 0 : i32
          %dma_wait3A_1951 = arith.constant 0 : i32
          %dma_wait3A_1952 = tpu.memref_slice %arg4[%add3A_1941, %dma_wait3A_1942, %add3A_12, %dma_wait3A_1950, %dma_wait3A_1951] : memref<50x4x128x8x128xf32, #tpu.memory_space<hbm>> -> memref<1x1x1x8x128xf32, #tpu.memory_space<hbm>>
          %dma_wait3A_1953 = tpu.memref_squeeze %dma_wait3A_1952 : memref<1x1x1x8x128xf32, #tpu.memory_space<hbm>> -> memref<8x128xf32, #tpu.memory_space<hbm>>
          %dma_wait3A_1954 = arith.constant 144 : i32
          %dma_wait3A_1955 = arith.constant 0 : i32
          %dma_wait3A_1956 = tpu.memref_slice %arg10[%dma_wait3A_1954, %dma_wait3A_1955] : memref<160x128xf32, #tpu.memory_space<vmem>> -> memref<8x128xf32, #tpu.memory_space<vmem>>
          tpu.wait_dma2 semaphore(%arg14 : memref<!tpu.dma_semaphore, #tpu.memory_space<semaphore_mem>>) src(%dma_wait3A_1956 : memref<8x128xf32, #tpu.memory_space<vmem>>) dst(%dma_wait3A_1953 : memref<8x128xf32, #tpu.memory_space<hbm>>)
          %add3A_1957 = arith.constant 4 : i32
          %add3A_1958 = arith.addi %mul3A_1633, %add3A_1957 : i32
          %dma_wait3A_1959 = arith.constant 3 : i32
          %dma_wait3A_1960 = arith.constant 152 : i32
          %dma_wait3A_1961 = arith.constant 0 : i32
          %dma_wait3A_1962 = tpu.memref_slice %arg10[%dma_wait3A_1960, %dma_wait3A_1961] : memref<160x128xf32, #tpu.memory_space<vmem>> -> memref<8x128xf32, #tpu.memory_space<vmem>>
          %dma_wait3A_1963 = arith.constant 0 : i32
          %dma_wait3A_1964 = arith.constant 0 : i32
          %dma_wait3A_1965 = tpu.memref_slice %arg4[%add3A_1958, %dma_wait3A_1959, %add3A_12, %dma_wait3A_1963, %dma_wait3A_1964] : memref<50x4x128x8x128xf32, #tpu.memory_space<hbm>> -> memref<1x1x1x8x128xf32, #tpu.memory_space<hbm>>
          %dma_wait3A_1966 = tpu.memref_squeeze %dma_wait3A_1965 : memref<1x1x1x8x128xf32, #tpu.memory_space<hbm>> -> memref<8x128xf32, #tpu.memory_space<hbm>>
          %dma_wait3A_1967 = arith.constant 0 : i32
          %dma_wait3A_1968 = arith.constant 0 : i32
          %dma_wait3A_1969 = tpu.memref_slice %arg4[%add3A_1958, %dma_wait3A_1959, %add3A_12, %dma_wait3A_1967, %dma_wait3A_1968] : memref<50x4x128x8x128xf32, #tpu.memory_space<hbm>> -> memref<1x1x1x8x128xf32, #tpu.memory_space<hbm>>
          %dma_wait3A_1970 = tpu.memref_squeeze %dma_wait3A_1969 : memref<1x1x1x8x128xf32, #tpu.memory_space<hbm>> -> memref<8x128xf32, #tpu.memory_space<hbm>>
          %dma_wait3A_1971 = arith.constant 152 : i32
          %dma_wait3A_1972 = arith.constant 0 : i32
          %dma_wait3A_1973 = tpu.memref_slice %arg10[%dma_wait3A_1971, %dma_wait3A_1972] : memref<160x128xf32, #tpu.memory_space<vmem>> -> memref<8x128xf32, #tpu.memory_space<vmem>>
          tpu.wait_dma2 semaphore(%arg14 : memref<!tpu.dma_semaphore, #tpu.memory_space<semaphore_mem>>) src(%dma_wait3A_1973 : memref<8x128xf32, #tpu.memory_space<vmem>>) dst(%dma_wait3A_1970 : memref<8x128xf32, #tpu.memory_space<hbm>>)
        } else {
        }
        %add3A_907 = arith.constant 1 : i32
        %add3A_908 = arith.addi %mul3A_904, %add3A_907 : i32
        %lt3A = arith.constant 10 : i32
        %lt3A_909 = arith.cmpi slt, %add3A_908, %lt3A : i32
        %convert_element_type3A_910 = arith.extui %lt3A_909 : i1 to i32
        %cond3A_911 = arith.constant 0 : i32
        %cond3A_912 = arith.cmpi ne, %convert_element_type3A_910, %cond3A_911 : i32
        scf.if %cond3A_912 {
          %add3A_1631 = arith.constant 1 : i32
          %add3A_1632 = arith.addi %mul3A_904, %add3A_1631 : i32
          %mul3A_1633 = arith.constant 5 : i32
          %mul3A_1634 = arith.muli %add3A_1632, %mul3A_1633 : i32
          %add3A_1635 = arith.constant 0 : i32
          %add3A_1636 = arith.addi %add3A_1635, %mul3A_1634 : i32
          %add3A_1637 = arith.constant 0 : i32
          %add3A_1638 = arith.addi %add3A_1636, %add3A_1637 : i32
          %add3A_1639 = vector.broadcast %add3A_1638 : i32 to vector<16xi32>
          %add3A_1640 = arith.addi %mul3A_3, %add3A_1639 : vector<16xi32>
          %gather3A_1641 = tpu.vector_load_idx %arg5[%add3A_1640] : memref<6400xi32, #tpu.memory_space<vmem>>[vector<16xi32>], vector<16xi32>,
          %swap3A_1642 = arith.constant 0 : index
          %swap3A_1643 = tpu.vector_load %arg7[%swap3A_1642] {strides = array<i32>} : memref<640xi32, #tpu.memory_space<vmem>>, vector<16xi32>,
          tpu.vector_store %arg7[%swap3A_1642], %gather3A_1641 {strides = array<i32>} : memref<640xi32, #tpu.memory_space<vmem>>, vector<16xi32>,
          %add3A_1644 = arith.constant 800 : i32
          %add3A_1645 = arith.addi %add3A_1644, %mul3A_1634 : i32
          %add3A_1646 = arith.constant 0 : i32
          %add3A_1647 = arith.addi %add3A_1645, %add3A_1646 : i32
          %add3A_1648 = vector.broadcast %add3A_1647 : i32 to vector<16xi32>
          %add3A_1649 = arith.addi %mul3A_3, %add3A_1648 : vector<16xi32>
          %gather3A_1650 = tpu.vector_load_idx %arg5[%add3A_1649] : memref<6400xi32, #tpu.memory_space<vmem>>[vector<16xi32>], vector<16xi32>,
          %swap3A_1651 = arith.constant 16 : index
          %swap3A_1652 = tpu.vector_load %arg7[%swap3A_1651] {strides = array<i32>} : memref<640xi32, #tpu.memory_space<vmem>>, vector<16xi32>,
          tpu.vector_store %arg7[%swap3A_1651], %gather3A_1650 {strides = array<i32>} : memref<640xi32, #tpu.memory_space<vmem>>, vector<16xi32>,
          %add3A_1653 = arith.constant 1600 : i32
          %add3A_1654 = arith.addi %add3A_1653, %mul3A_1634 : i32
          %add3A_1655 = arith.constant 0 : i32
          %add3A_1656 = arith.addi %add3A_1654, %add3A_1655 : i32
          %add3A_1657 = vector.broadcast %add3A_1656 : i32 to vector<16xi32>
          %add3A_1658 = arith.addi %mul3A_3, %add3A_1657 : vector<16xi32>
          %gather3A_1659 = tpu.vector_load_idx %arg5[%add3A_1658] : memref<6400xi32, #tpu.memory_space<vmem>>[vector<16xi32>], vector<16xi32>,
          %swap3A_1660 = arith.constant 32 : index
          %swap3A_1661 = tpu.vector_load %arg7[%swap3A_1660] {strides = array<i32>} : memref<640xi32, #tpu.memory_space<vmem>>, vector<16xi32>,
          tpu.vector_store %arg7[%swap3A_1660], %gather3A_1659 {strides = array<i32>} : memref<640xi32, #tpu.memory_space<vmem>>, vector<16xi32>,
          %add3A_1662 = arith.constant 2400 : i32
          %add3A_1663 = arith.addi %add3A_1662, %mul3A_1634 : i32
          %add3A_1664 = arith.constant 0 : i32
          %add3A_1665 = arith.addi %add3A_1663, %add3A_1664 : i32
          %add3A_1666 = vector.broadcast %add3A_1665 : i32 to vector<16xi32>
          %add3A_1667 = arith.addi %mul3A_3, %add3A_1666 : vector<16xi32>
          %gather3A_1668 = tpu.vector_load_idx %arg5[%add3A_1667] : memref<6400xi32, #tpu.memory_space<vmem>>[vector<16xi32>], vector<16xi32>,
          %swap3A_1669 = arith.constant 48 : index
          %swap3A_1670 = tpu.vector_load %arg7[%swap3A_1669] {strides = array<i32>} : memref<640xi32, #tpu.memory_space<vmem>>, vector<16xi32>,
          tpu.vector_store %arg7[%swap3A_1669], %gather3A_1668 {strides = array<i32>} : memref<640xi32, #tpu.memory_space<vmem>>, vector<16xi32>,
          %add3A_1671 = arith.constant 3200 : i32
          %add3A_1672 = arith.addi %add3A_1671, %mul3A_1634 : i32
          %add3A_1673 = arith.constant 0 : i32
          %add3A_1674 = arith.addi %add3A_1672, %add3A_1673 : i32
          %add3A_1675 = vector.broadcast %add3A_1674 : i32 to vector<16xi32>
          %add3A_1676 = arith.addi %mul3A_3, %add3A_1675 : vector<16xi32>
          %gather3A_1677 = tpu.vector_load_idx %arg5[%add3A_1676] : memref<6400xi32, #tpu.memory_space<vmem>>[vector<16xi32>], vector<16xi32>,
          %swap3A_1678 = arith.constant 64 : index
          %swap3A_1679 = tpu.vector_load %arg7[%swap3A_1678] {strides = array<i32>} : memref<640xi32, #tpu.memory_space<vmem>>, vector<16xi32>,
          tpu.vector_store %arg7[%swap3A_1678], %gather3A_1677 {strides = array<i32>} : memref<640xi32, #tpu.memory_space<vmem>>, vector<16xi32>,
          %add3A_1680 = arith.constant 4000 : i32
          %add3A_1681 = arith.addi %add3A_1680, %mul3A_1634 : i32
          %add3A_1682 = arith.constant 0 : i32
          %add3A_1683 = arith.addi %add3A_1681, %add3A_1682 : i32
          %add3A_1684 = vector.broadcast %add3A_1683 : i32 to vector<16xi32>
          %add3A_1685 = arith.addi %mul3A_3, %add3A_1684 : vector<16xi32>
          %gather3A_1686 = tpu.vector_load_idx %arg5[%add3A_1685] : memref<6400xi32, #tpu.memory_space<vmem>>[vector<16xi32>], vector<16xi32>,
          %swap3A_1687 = arith.constant 80 : index
          %swap3A_1688 = tpu.vector_load %arg7[%swap3A_1687] {strides = array<i32>} : memref<640xi32, #tpu.memory_space<vmem>>, vector<16xi32>,
          tpu.vector_store %arg7[%swap3A_1687], %gather3A_1686 {strides = array<i32>} : memref<640xi32, #tpu.memory_space<vmem>>, vector<16xi32>,
          %add3A_1689 = arith.constant 4800 : i32
          %add3A_1690 = arith.addi %add3A_1689, %mul3A_1634 : i32
          %add3A_1691 = arith.constant 0 : i32
          %add3A_1692 = arith.addi %add3A_1690, %add3A_1691 : i32
          %add3A_1693 = vector.broadcast %add3A_1692 : i32 to vector<16xi32>
          %add3A_1694 = arith.addi %mul3A_3, %add3A_1693 : vector<16xi32>
          %gather3A_1695 = tpu.vector_load_idx %arg5[%add3A_1694] : memref<6400xi32, #tpu.memory_space<vmem>>[vector<16xi32>], vector<16xi32>,
          %swap3A_1696 = arith.constant 96 : index
          %swap3A_1697 = tpu.vector_load %arg7[%swap3A_1696] {strides = array<i32>} : memref<640xi32, #tpu.memory_space<vmem>>, vector<16xi32>,
          tpu.vector_store %arg7[%swap3A_1696], %gather3A_1695 {strides = array<i32>} : memref<640xi32, #tpu.memory_space<vmem>>, vector<16xi32>,
          %add3A_1698 = arith.constant 5600 : i32
          %add3A_1699 = arith.addi %add3A_1698, %mul3A_1634 : i32
          %add3A_1700 = arith.constant 0 : i32
          %add3A_1701 = arith.addi %add3A_1699, %add3A_1700 : i32
          %add3A_1702 = vector.broadcast %add3A_1701 : i32 to vector<16xi32>
          %add3A_1703 = arith.addi %mul3A_3, %add3A_1702 : vector<16xi32>
          %gather3A_1704 = tpu.vector_load_idx %arg5[%add3A_1703] : memref<6400xi32, #tpu.memory_space<vmem>>[vector<16xi32>], vector<16xi32>,
          %swap3A_1705 = arith.constant 112 : index
          %swap3A_1706 = tpu.vector_load %arg7[%swap3A_1705] {strides = array<i32>} : memref<640xi32, #tpu.memory_space<vmem>>, vector<16xi32>,
          tpu.vector_store %arg7[%swap3A_1705], %gather3A_1704 {strides = array<i32>} : memref<640xi32, #tpu.memory_space<vmem>>, vector<16xi32>,
          %add3A_1707 = arith.constant 0 : i32
          %add3A_1708 = arith.addi %add3A_1707, %mul3A_1634 : i32
          %add3A_1709 = arith.constant 1 : i32
          %add3A_1710 = arith.addi %add3A_1708, %add3A_1709 : i32
          %add3A_1711 = vector.broadcast %add3A_1710 : i32 to vector<16xi32>
          %add3A_1712 = arith.addi %mul3A_3, %add3A_1711 : vector<16xi32>
          %gather3A_1713 = tpu.vector_load_idx %arg5[%add3A_1712] : memref<6400xi32, #tpu.memory_space<vmem>>[vector<16xi32>], vector<16xi32>,
          %swap3A_1714 = arith.constant 128 : index
          %swap3A_1715 = tpu.vector_load %arg7[%swap3A_1714] {strides = array<i32>} : memref<640xi32, #tpu.memory_space<vmem>>, vector<16xi32>,
          tpu.vector_store %arg7[%swap3A_1714], %gather3A_1713 {strides = array<i32>} : memref<640xi32, #tpu.memory_space<vmem>>, vector<16xi32>,
          %add3A_1716 = arith.constant 800 : i32
          %add3A_1717 = arith.addi %add3A_1716, %mul3A_1634 : i32
          %add3A_1718 = arith.constant 1 : i32
          %add3A_1719 = arith.addi %add3A_1717, %add3A_1718 : i32
          %add3A_1720 = vector.broadcast %add3A_1719 : i32 to vector<16xi32>
          %add3A_1721 = arith.addi %mul3A_3, %add3A_1720 : vector<16xi32>
          %gather3A_1722 = tpu.vector_load_idx %arg5[%add3A_1721] : memref<6400xi32, #tpu.memory_space<vmem>>[vector<16xi32>], vector<16xi32>,
          %swap3A_1723 = arith.constant 144 : index
          %swap3A_1724 = tpu.vector_load %arg7[%swap3A_1723] {strides = array<i32>} : memref<640xi32, #tpu.memory_space<vmem>>, vector<16xi32>,
          tpu.vector_store %arg7[%swap3A_1723], %gather3A_1722 {strides = array<i32>} : memref<640xi32, #tpu.memory_space<vmem>>, vector<16xi32>,
          %add3A_1725 = arith.constant 1600 : i32
          %add3A_1726 = arith.addi %add3A_1725, %mul3A_1634 : i32
          %add3A_1727 = arith.constant 1 : i32
          %add3A_1728 = arith.addi %add3A_1726, %add3A_1727 : i32
          %add3A_1729 = vector.broadcast %add3A_1728 : i32 to vector<16xi32>
          %add3A_1730 = arith.addi %mul3A_3, %add3A_1729 : vector<16xi32>
          %gather3A_1731 = tpu.vector_load_idx %arg5[%add3A_1730] : memref<6400xi32, #tpu.memory_space<vmem>>[vector<16xi32>], vector<16xi32>,
          %swap3A_1732 = arith.constant 160 : index
          %swap3A_1733 = tpu.vector_load %arg7[%swap3A_1732] {strides = array<i32>} : memref<640xi32, #tpu.memory_space<vmem>>, vector<16xi32>,
          tpu.vector_store %arg7[%swap3A_1732], %gather3A_1731 {strides = array<i32>} : memref<640xi32, #tpu.memory_space<vmem>>, vector<16xi32>,
          %add3A_1734 = arith.constant 2400 : i32
          %add3A_1735 = arith.addi %add3A_1734, %mul3A_1634 : i32
          %add3A_1736 = arith.constant 1 : i32
          %add3A_1737 = arith.addi %add3A_1735, %add3A_1736 : i32
          %add3A_1738 = vector.broadcast %add3A_1737 : i32 to vector<16xi32>
          %add3A_1739 = arith.addi %mul3A_3, %add3A_1738 : vector<16xi32>
          %gather3A_1740 = tpu.vector_load_idx %arg5[%add3A_1739] : memref<6400xi32, #tpu.memory_space<vmem>>[vector<16xi32>], vector<16xi32>,
          %swap3A_1741 = arith.constant 176 : index
          %swap3A_1742 = tpu.vector_load %arg7[%swap3A_1741] {strides = array<i32>} : memref<640xi32, #tpu.memory_space<vmem>>, vector<16xi32>,
          tpu.vector_store %arg7[%swap3A_1741], %gather3A_1740 {strides = array<i32>} : memref<640xi32, #tpu.memory_space<vmem>>, vector<16xi32>,
          %add3A_1743 = arith.constant 3200 : i32
          %add3A_1744 = arith.addi %add3A_1743, %mul3A_1634 : i32
          %add3A_1745 = arith.constant 1 : i32
          %add3A_1746 = arith.addi %add3A_1744, %add3A_1745 : i32
          %add3A_1747 = vector.broadcast %add3A_1746 : i32 to vector<16xi32>
          %add3A_1748 = arith.addi %mul3A_3, %add3A_1747 : vector<16xi32>
          %gather3A_1749 = tpu.vector_load_idx %arg5[%add3A_1748] : memref<6400xi32, #tpu.memory_space<vmem>>[vector<16xi32>], vector<16xi32>,
          %swap3A_1750 = arith.constant 192 : index
          %swap3A_1751 = tpu.vector_load %arg7[%swap3A_1750] {strides = array<i32>} : memref<640xi32, #tpu.memory_space<vmem>>, vector<16xi32>,
          tpu.vector_store %arg7[%swap3A_1750], %gather3A_1749 {strides = array<i32>} : memref<640xi32, #tpu.memory_space<vmem>>, vector<16xi32>,
          %add3A_1752 = arith.constant 4000 : i32
          %add3A_1753 = arith.addi %add3A_1752, %mul3A_1634 : i32
          %add3A_1754 = arith.constant 1 : i32
          %add3A_1755 = arith.addi %add3A_1753, %add3A_1754 : i32
          %add3A_1756 = vector.broadcast %add3A_1755 : i32 to vector<16xi32>
          %add3A_1757 = arith.addi %mul3A_3, %add3A_1756 : vector<16xi32>
          %gather3A_1758 = tpu.vector_load_idx %arg5[%add3A_1757] : memref<6400xi32, #tpu.memory_space<vmem>>[vector<16xi32>], vector<16xi32>,
          %swap3A_1759 = arith.constant 208 : index
          %swap3A_1760 = tpu.vector_load %arg7[%swap3A_1759] {strides = array<i32>} : memref<640xi32, #tpu.memory_space<vmem>>, vector<16xi32>,
          tpu.vector_store %arg7[%swap3A_1759], %gather3A_1758 {strides = array<i32>} : memref<640xi32, #tpu.memory_space<vmem>>, vector<16xi32>,
          %add3A_1761 = arith.constant 4800 : i32
          %add3A_1762 = arith.addi %add3A_1761, %mul3A_1634 : i32
          %add3A_1763 = arith.constant 1 : i32
          %add3A_1764 = arith.addi %add3A_1762, %add3A_1763 : i32
          %add3A_1765 = vector.broadcast %add3A_1764 : i32 to vector<16xi32>
          %add3A_1766 = arith.addi %mul3A_3, %add3A_1765 : vector<16xi32>
          %gather3A_1767 = tpu.vector_load_idx %arg5[%add3A_1766] : memref<6400xi32, #tpu.memory_space<vmem>>[vector<16xi32>], vector<16xi32>,
          %swap3A_1768 = arith.constant 224 : index
          %swap3A_1769 = tpu.vector_load %arg7[%swap3A_1768] {strides = array<i32>} : memref<640xi32, #tpu.memory_space<vmem>>, vector<16xi32>,
          tpu.vector_store %arg7[%swap3A_1768], %gather3A_1767 {strides = array<i32>} : memref<640xi32, #tpu.memory_space<vmem>>, vector<16xi32>,
          %add3A_1770 = arith.constant 5600 : i32
          %add3A_1771 = arith.addi %add3A_1770, %mul3A_1634 : i32
          %add3A_1772 = arith.constant 1 : i32
          %add3A_1773 = arith.addi %add3A_1771, %add3A_1772 : i32
          %add3A_1774 = vector.broadcast %add3A_1773 : i32 to vector<16xi32>
          %add3A_1775 = arith.addi %mul3A_3, %add3A_1774 : vector<16xi32>
          %gather3A_1776 = tpu.vector_load_idx %arg5[%add3A_1775] : memref<6400xi32, #tpu.memory_space<vmem>>[vector<16xi32>], vector<16xi32>,
          %swap3A_1777 = arith.constant 240 : index
          %swap3A_1778 = tpu.vector_load %arg7[%swap3A_1777] {strides = array<i32>} : memref<640xi32, #tpu.memory_space<vmem>>, vector<16xi32>,
          tpu.vector_store %arg7[%swap3A_1777], %gather3A_1776 {strides = array<i32>} : memref<640xi32, #tpu.memory_space<vmem>>, vector<16xi32>,
          %add3A_1779 = arith.constant 0 : i32
          %add3A_1780 = arith.addi %add3A_1779, %mul3A_1634 : i32
          %add3A_1781 = arith.constant 2 : i32
          %add3A_1782 = arith.addi %add3A_1780, %add3A_1781 : i32
          %add3A_1783 = vector.broadcast %add3A_1782 : i32 to vector<16xi32>
          %add3A_1784 = arith.addi %mul3A_3, %add3A_1783 : vector<16xi32>
          %gather3A_1785 = tpu.vector_load_idx %arg5[%add3A_1784] : memref<6400xi32, #tpu.memory_space<vmem>>[vector<16xi32>], vector<16xi32>,
          %swap3A_1786 = arith.constant 256 : index
          %swap3A_1787 = tpu.vector_load %arg7[%swap3A_1786] {strides = array<i32>} : memref<640xi32, #tpu.memory_space<vmem>>, vector<16xi32>,
          tpu.vector_store %arg7[%swap3A_1786], %gather3A_1785 {strides = array<i32>} : memref<640xi32, #tpu.memory_space<vmem>>, vector<16xi32>,
          %add3A_1788 = arith.constant 800 : i32
          %add3A_1789 = arith.addi %add3A_1788, %mul3A_1634 : i32
          %add3A_1790 = arith.constant 2 : i32
          %add3A_1791 = arith.addi %add3A_1789, %add3A_1790 : i32
          %add3A_1792 = vector.broadcast %add3A_1791 : i32 to vector<16xi32>
          %add3A_1793 = arith.addi %mul3A_3, %add3A_1792 : vector<16xi32>
          %gather3A_1794 = tpu.vector_load_idx %arg5[%add3A_1793] : memref<6400xi32, #tpu.memory_space<vmem>>[vector<16xi32>], vector<16xi32>,
          %swap3A_1795 = arith.constant 272 : index
          %swap3A_1796 = tpu.vector_load %arg7[%swap3A_1795] {strides = array<i32>} : memref<640xi32, #tpu.memory_space<vmem>>, vector<16xi32>,
          tpu.vector_store %arg7[%swap3A_1795], %gather3A_1794 {strides = array<i32>} : memref<640xi32, #tpu.memory_space<vmem>>, vector<16xi32>,
          %add3A_1797 = arith.constant 1600 : i32
          %add3A_1798 = arith.addi %add3A_1797, %mul3A_1634 : i32
          %add3A_1799 = arith.constant 2 : i32
          %add3A_1800 = arith.addi %add3A_1798, %add3A_1799 : i32
          %add3A_1801 = vector.broadcast %add3A_1800 : i32 to vector<16xi32>
          %add3A_1802 = arith.addi %mul3A_3, %add3A_1801 : vector<16xi32>
          %gather3A_1803 = tpu.vector_load_idx %arg5[%add3A_1802] : memref<6400xi32, #tpu.memory_space<vmem>>[vector<16xi32>], vector<16xi32>,
          %swap3A_1804 = arith.constant 288 : index
          %swap3A_1805 = tpu.vector_load %arg7[%swap3A_1804] {strides = array<i32>} : memref<640xi32, #tpu.memory_space<vmem>>, vector<16xi32>,
          tpu.vector_store %arg7[%swap3A_1804], %gather3A_1803 {strides = array<i32>} : memref<640xi32, #tpu.memory_space<vmem>>, vector<16xi32>,
          %add3A_1806 = arith.constant 2400 : i32
          %add3A_1807 = arith.addi %add3A_1806, %mul3A_1634 : i32
          %add3A_1808 = arith.constant 2 : i32
          %add3A_1809 = arith.addi %add3A_1807, %add3A_1808 : i32
          %add3A_1810 = vector.broadcast %add3A_1809 : i32 to vector<16xi32>
          %add3A_1811 = arith.addi %mul3A_3, %add3A_1810 : vector<16xi32>
          %gather3A_1812 = tpu.vector_load_idx %arg5[%add3A_1811] : memref<6400xi32, #tpu.memory_space<vmem>>[vector<16xi32>], vector<16xi32>,
          %swap3A_1813 = arith.constant 304 : index
          %swap3A_1814 = tpu.vector_load %arg7[%swap3A_1813] {strides = array<i32>} : memref<640xi32, #tpu.memory_space<vmem>>, vector<16xi32>,
          tpu.vector_store %arg7[%swap3A_1813], %gather3A_1812 {strides = array<i32>} : memref<640xi32, #tpu.memory_space<vmem>>, vector<16xi32>,
          %add3A_1815 = arith.constant 3200 : i32
          %add3A_1816 = arith.addi %add3A_1815, %mul3A_1634 : i32
          %add3A_1817 = arith.constant 2 : i32
          %add3A_1818 = arith.addi %add3A_1816, %add3A_1817 : i32
          %add3A_1819 = vector.broadcast %add3A_1818 : i32 to vector<16xi32>
          %add3A_1820 = arith.addi %mul3A_3, %add3A_1819 : vector<16xi32>
          %gather3A_1821 = tpu.vector_load_idx %arg5[%add3A_1820] : memref<6400xi32, #tpu.memory_space<vmem>>[vector<16xi32>], vector<16xi32>,
          %swap3A_1822 = arith.constant 320 : index
          %swap3A_1823 = tpu.vector_load %arg7[%swap3A_1822] {strides = array<i32>} : memref<640xi32, #tpu.memory_space<vmem>>, vector<16xi32>,
          tpu.vector_store %arg7[%swap3A_1822], %gather3A_1821 {strides = array<i32>} : memref<640xi32, #tpu.memory_space<vmem>>, vector<16xi32>,
          %add3A_1824 = arith.constant 4000 : i32
          %add3A_1825 = arith.addi %add3A_1824, %mul3A_1634 : i32
          %add3A_1826 = arith.constant 2 : i32
          %add3A_1827 = arith.addi %add3A_1825, %add3A_1826 : i32
          %add3A_1828 = vector.broadcast %add3A_1827 : i32 to vector<16xi32>
          %add3A_1829 = arith.addi %mul3A_3, %add3A_1828 : vector<16xi32>
          %gather3A_1830 = tpu.vector_load_idx %arg5[%add3A_1829] : memref<6400xi32, #tpu.memory_space<vmem>>[vector<16xi32>], vector<16xi32>,
          %swap3A_1831 = arith.constant 336 : index
          %swap3A_1832 = tpu.vector_load %arg7[%swap3A_1831] {strides = array<i32>} : memref<640xi32, #tpu.memory_space<vmem>>, vector<16xi32>,
          tpu.vector_store %arg7[%swap3A_1831], %gather3A_1830 {strides = array<i32>} : memref<640xi32, #tpu.memory_space<vmem>>, vector<16xi32>,
          %add3A_1833 = arith.constant 4800 : i32
          %add3A_1834 = arith.addi %add3A_1833, %mul3A_1634 : i32
          %add3A_1835 = arith.constant 2 : i32
          %add3A_1836 = arith.addi %add3A_1834, %add3A_1835 : i32
          %add3A_1837 = vector.broadcast %add3A_1836 : i32 to vector<16xi32>
          %add3A_1838 = arith.addi %mul3A_3, %add3A_1837 : vector<16xi32>
          %gather3A_1839 = tpu.vector_load_idx %arg5[%add3A_1838] : memref<6400xi32, #tpu.memory_space<vmem>>[vector<16xi32>], vector<16xi32>,
          %swap3A_1840 = arith.constant 352 : index
          %swap3A_1841 = tpu.vector_load %arg7[%swap3A_1840] {strides = array<i32>} : memref<640xi32, #tpu.memory_space<vmem>>, vector<16xi32>,
          tpu.vector_store %arg7[%swap3A_1840], %gather3A_1839 {strides = array<i32>} : memref<640xi32, #tpu.memory_space<vmem>>, vector<16xi32>,
          %add3A_1842 = arith.constant 5600 : i32
          %add3A_1843 = arith.addi %add3A_1842, %mul3A_1634 : i32
          %add3A_1844 = arith.constant 2 : i32
          %add3A_1845 = arith.addi %add3A_1843, %add3A_1844 : i32
          %add3A_1846 = vector.broadcast %add3A_1845 : i32 to vector<16xi32>
          %add3A_1847 = arith.addi %mul3A_3, %add3A_1846 : vector<16xi32>
          %gather3A_1848 = tpu.vector_load_idx %arg5[%add3A_1847] : memref<6400xi32, #tpu.memory_space<vmem>>[vector<16xi32>], vector<16xi32>,
          %swap3A_1849 = arith.constant 368 : index
          %swap3A_1850 = tpu.vector_load %arg7[%swap3A_1849] {strides = array<i32>} : memref<640xi32, #tpu.memory_space<vmem>>, vector<16xi32>,
          tpu.vector_store %arg7[%swap3A_1849], %gather3A_1848 {strides = array<i32>} : memref<640xi32, #tpu.memory_space<vmem>>, vector<16xi32>,
          %add3A_1851 = arith.constant 0 : i32
          %add3A_1852 = arith.addi %add3A_1851, %mul3A_1634 : i32
          %add3A_1853 = arith.constant 3 : i32
          %add3A_1854 = arith.addi %add3A_1852, %add3A_1853 : i32
          %add3A_1855 = vector.broadcast %add3A_1854 : i32 to vector<16xi32>
          %add3A_1856 = arith.addi %mul3A_3, %add3A_1855 : vector<16xi32>
          %gather3A_1857 = tpu.vector_load_idx %arg5[%add3A_1856] : memref<6400xi32, #tpu.memory_space<vmem>>[vector<16xi32>], vector<16xi32>,
          %swap3A_1858 = arith.constant 384 : index
          %swap3A_1859 = tpu.vector_load %arg7[%swap3A_1858] {strides = array<i32>} : memref<640xi32, #tpu.memory_space<vmem>>, vector<16xi32>,
          tpu.vector_store %arg7[%swap3A_1858], %gather3A_1857 {strides = array<i32>} : memref<640xi32, #tpu.memory_space<vmem>>, vector<16xi32>,
          %add3A_1860 = arith.constant 800 : i32
          %add3A_1861 = arith.addi %add3A_1860, %mul3A_1634 : i32
          %add3A_1862 = arith.constant 3 : i32
          %add3A_1863 = arith.addi %add3A_1861, %add3A_1862 : i32
          %add3A_1864 = vector.broadcast %add3A_1863 : i32 to vector<16xi32>
          %add3A_1865 = arith.addi %mul3A_3, %add3A_1864 : vector<16xi32>
          %gather3A_1866 = tpu.vector_load_idx %arg5[%add3A_1865] : memref<6400xi32, #tpu.memory_space<vmem>>[vector<16xi32>], vector<16xi32>,
          %swap3A_1867 = arith.constant 400 : index
          %swap3A_1868 = tpu.vector_load %arg7[%swap3A_1867] {strides = array<i32>} : memref<640xi32, #tpu.memory_space<vmem>>, vector<16xi32>,
          tpu.vector_store %arg7[%swap3A_1867], %gather3A_1866 {strides = array<i32>} : memref<640xi32, #tpu.memory_space<vmem>>, vector<16xi32>,
          %add3A_1869 = arith.constant 1600 : i32
          %add3A_1870 = arith.addi %add3A_1869, %mul3A_1634 : i32
          %add3A_1871 = arith.constant 3 : i32
          %add3A_1872 = arith.addi %add3A_1870, %add3A_1871 : i32
          %add3A_1873 = vector.broadcast %add3A_1872 : i32 to vector<16xi32>
          %add3A_1874 = arith.addi %mul3A_3, %add3A_1873 : vector<16xi32>
          %gather3A_1875 = tpu.vector_load_idx %arg5[%add3A_1874] : memref<6400xi32, #tpu.memory_space<vmem>>[vector<16xi32>], vector<16xi32>,
          %swap3A_1876 = arith.constant 416 : index
          %swap3A_1877 = tpu.vector_load %arg7[%swap3A_1876] {strides = array<i32>} : memref<640xi32, #tpu.memory_space<vmem>>, vector<16xi32>,
          tpu.vector_store %arg7[%swap3A_1876], %gather3A_1875 {strides = array<i32>} : memref<640xi32, #tpu.memory_space<vmem>>, vector<16xi32>,
          %add3A_1878 = arith.constant 2400 : i32
          %add3A_1879 = arith.addi %add3A_1878, %mul3A_1634 : i32
          %add3A_1880 = arith.constant 3 : i32
          %add3A_1881 = arith.addi %add3A_1879, %add3A_1880 : i32
          %add3A_1882 = vector.broadcast %add3A_1881 : i32 to vector<16xi32>
          %add3A_1883 = arith.addi %mul3A_3, %add3A_1882 : vector<16xi32>
          %gather3A_1884 = tpu.vector_load_idx %arg5[%add3A_1883] : memref<6400xi32, #tpu.memory_space<vmem>>[vector<16xi32>], vector<16xi32>,
          %swap3A_1885 = arith.constant 432 : index
          %swap3A_1886 = tpu.vector_load %arg7[%swap3A_1885] {strides = array<i32>} : memref<640xi32, #tpu.memory_space<vmem>>, vector<16xi32>,
          tpu.vector_store %arg7[%swap3A_1885], %gather3A_1884 {strides = array<i32>} : memref<640xi32, #tpu.memory_space<vmem>>, vector<16xi32>,
          %add3A_1887 = arith.constant 3200 : i32
          %add3A_1888 = arith.addi %add3A_1887, %mul3A_1634 : i32
          %add3A_1889 = arith.constant 3 : i32
          %add3A_1890 = arith.addi %add3A_1888, %add3A_1889 : i32
          %add3A_1891 = vector.broadcast %add3A_1890 : i32 to vector<16xi32>
          %add3A_1892 = arith.addi %mul3A_3, %add3A_1891 : vector<16xi32>
          %gather3A_1893 = tpu.vector_load_idx %arg5[%add3A_1892] : memref<6400xi32, #tpu.memory_space<vmem>>[vector<16xi32>], vector<16xi32>,
          %swap3A_1894 = arith.constant 448 : index
          %swap3A_1895 = tpu.vector_load %arg7[%swap3A_1894] {strides = array<i32>} : memref<640xi32, #tpu.memory_space<vmem>>, vector<16xi32>,
          tpu.vector_store %arg7[%swap3A_1894], %gather3A_1893 {strides = array<i32>} : memref<640xi32, #tpu.memory_space<vmem>>, vector<16xi32>,
          %add3A_1896 = arith.constant 4000 : i32
          %add3A_1897 = arith.addi %add3A_1896, %mul3A_1634 : i32
          %add3A_1898 = arith.constant 3 : i32
          %add3A_1899 = arith.addi %add3A_1897, %add3A_1898 : i32
          %add3A_1900 = vector.broadcast %add3A_1899 : i32 to vector<16xi32>
          %add3A_1901 = arith.addi %mul3A_3, %add3A_1900 : vector<16xi32>
          %gather3A_1902 = tpu.vector_load_idx %arg5[%add3A_1901] : memref<6400xi32, #tpu.memory_space<vmem>>[vector<16xi32>], vector<16xi32>,
          %swap3A_1903 = arith.constant 464 : index
          %swap3A_1904 = tpu.vector_load %arg7[%swap3A_1903] {strides = array<i32>} : memref<640xi32, #tpu.memory_space<vmem>>, vector<16xi32>,
          tpu.vector_store %arg7[%swap3A_1903], %gather3A_1902 {strides = array<i32>} : memref<640xi32, #tpu.memory_space<vmem>>, vector<16xi32>,
          %add3A_1905 = arith.constant 4800 : i32
          %add3A_1906 = arith.addi %add3A_1905, %mul3A_1634 : i32
          %add3A_1907 = arith.constant 3 : i32
          %add3A_1908 = arith.addi %add3A_1906, %add3A_1907 : i32
          %add3A_1909 = vector.broadcast %add3A_1908 : i32 to vector<16xi32>
          %add3A_1910 = arith.addi %mul3A_3, %add3A_1909 : vector<16xi32>
          %gather3A_1911 = tpu.vector_load_idx %arg5[%add3A_1910] : memref<6400xi32, #tpu.memory_space<vmem>>[vector<16xi32>], vector<16xi32>,
          %swap3A_1912 = arith.constant 480 : index
          %swap3A_1913 = tpu.vector_load %arg7[%swap3A_1912] {strides = array<i32>} : memref<640xi32, #tpu.memory_space<vmem>>, vector<16xi32>,
          tpu.vector_store %arg7[%swap3A_1912], %gather3A_1911 {strides = array<i32>} : memref<640xi32, #tpu.memory_space<vmem>>, vector<16xi32>,
          %add3A_1914 = arith.constant 5600 : i32
          %add3A_1915 = arith.addi %add3A_1914, %mul3A_1634 : i32
          %add3A_1916 = arith.constant 3 : i32
          %add3A_1917 = arith.addi %add3A_1915, %add3A_1916 : i32
          %add3A_1918 = vector.broadcast %add3A_1917 : i32 to vector<16xi32>
          %add3A_1919 = arith.addi %mul3A_3, %add3A_1918 : vector<16xi32>
          %gather3A_1920 = tpu.vector_load_idx %arg5[%add3A_1919] : memref<6400xi32, #tpu.memory_space<vmem>>[vector<16xi32>], vector<16xi32>,
          %swap3A_1921 = arith.constant 496 : index
          %swap3A_1922 = tpu.vector_load %arg7[%swap3A_1921] {strides = array<i32>} : memref<640xi32, #tpu.memory_space<vmem>>, vector<16xi32>,
          tpu.vector_store %arg7[%swap3A_1921], %gather3A_1920 {strides = array<i32>} : memref<640xi32, #tpu.memory_space<vmem>>, vector<16xi32>,
          %add3A_1923 = arith.constant 0 : i32
          %add3A_1924 = arith.addi %add3A_1923, %mul3A_1634 : i32
          %add3A_1925 = arith.constant 4 : i32
          %add3A_1926 = arith.addi %add3A_1924, %add3A_1925 : i32
          %add3A_1927 = vector.broadcast %add3A_1926 : i32 to vector<16xi32>
          %add3A_1928 = arith.addi %mul3A_3, %add3A_1927 : vector<16xi32>
          %gather3A_1929 = tpu.vector_load_idx %arg5[%add3A_1928] : memref<6400xi32, #tpu.memory_space<vmem>>[vector<16xi32>], vector<16xi32>,
          %swap3A_1930 = arith.constant 512 : index
          %swap3A_1931 = tpu.vector_load %arg7[%swap3A_1930] {strides = array<i32>} : memref<640xi32, #tpu.memory_space<vmem>>, vector<16xi32>,
          tpu.vector_store %arg7[%swap3A_1930], %gather3A_1929 {strides = array<i32>} : memref<640xi32, #tpu.memory_space<vmem>>, vector<16xi32>,
          %add3A_1932 = arith.constant 800 : i32
          %add3A_1933 = arith.addi %add3A_1932, %mul3A_1634 : i32
          %add3A_1934 = arith.constant 4 : i32
          %add3A_1935 = arith.addi %add3A_1933, %add3A_1934 : i32
          %add3A_1936 = vector.broadcast %add3A_1935 : i32 to vector<16xi32>
          %add3A_1937 = arith.addi %mul3A_3, %add3A_1936 : vector<16xi32>
          %gather3A_1938 = tpu.vector_load_idx %arg5[%add3A_1937] : memref<6400xi32, #tpu.memory_space<vmem>>[vector<16xi32>], vector<16xi32>,
          %swap3A_1939 = arith.constant 528 : index
          %swap3A_1940 = tpu.vector_load %arg7[%swap3A_1939] {strides = array<i32>} : memref<640xi32, #tpu.memory_space<vmem>>, vector<16xi32>,
          tpu.vector_store %arg7[%swap3A_1939], %gather3A_1938 {strides = array<i32>} : memref<640xi32, #tpu.memory_space<vmem>>, vector<16xi32>,
          %add3A_1941 = arith.constant 1600 : i32
          %add3A_1942 = arith.addi %add3A_1941, %mul3A_1634 : i32
          %add3A_1943 = arith.constant 4 : i32
          %add3A_1944 = arith.addi %add3A_1942, %add3A_1943 : i32
          %add3A_1945 = vector.broadcast %add3A_1944 : i32 to vector<16xi32>
          %add3A_1946 = arith.addi %mul3A_3, %add3A_1945 : vector<16xi32>
          %gather3A_1947 = tpu.vector_load_idx %arg5[%add3A_1946] : memref<6400xi32, #tpu.memory_space<vmem>>[vector<16xi32>], vector<16xi32>,
          %swap3A_1948 = arith.constant 544 : index
          %swap3A_1949 = tpu.vector_load %arg7[%swap3A_1948] {strides = array<i32>} : memref<640xi32, #tpu.memory_space<vmem>>, vector<16xi32>,
          tpu.vector_store %arg7[%swap3A_1948], %gather3A_1947 {strides = array<i32>} : memref<640xi32, #tpu.memory_space<vmem>>, vector<16xi32>,
          %add3A_1950 = arith.constant 2400 : i32
          %add3A_1951 = arith.addi %add3A_1950, %mul3A_1634 : i32
          %add3A_1952 = arith.constant 4 : i32
          %add3A_1953 = arith.addi %add3A_1951, %add3A_1952 : i32
          %add3A_1954 = vector.broadcast %add3A_1953 : i32 to vector<16xi32>
          %add3A_1955 = arith.addi %mul3A_3, %add3A_1954 : vector<16xi32>
          %gather3A_1956 = tpu.vector_load_idx %arg5[%add3A_1955] : memref<6400xi32, #tpu.memory_space<vmem>>[vector<16xi32>], vector<16xi32>,
          %swap3A_1957 = arith.constant 560 : index
          %swap3A_1958 = tpu.vector_load %arg7[%swap3A_1957] {strides = array<i32>} : memref<640xi32, #tpu.memory_space<vmem>>, vector<16xi32>,
          tpu.vector_store %arg7[%swap3A_1957], %gather3A_1956 {strides = array<i32>} : memref<640xi32, #tpu.memory_space<vmem>>, vector<16xi32>,
          %add3A_1959 = arith.constant 3200 : i32
          %add3A_1960 = arith.addi %add3A_1959, %mul3A_1634 : i32
          %add3A_1961 = arith.constant 4 : i32
          %add3A_1962 = arith.addi %add3A_1960, %add3A_1961 : i32
          %add3A_1963 = vector.broadcast %add3A_1962 : i32 to vector<16xi32>
          %add3A_1964 = arith.addi %mul3A_3, %add3A_1963 : vector<16xi32>
          %gather3A_1965 = tpu.vector_load_idx %arg5[%add3A_1964] : memref<6400xi32, #tpu.memory_space<vmem>>[vector<16xi32>], vector<16xi32>,
          %swap3A_1966 = arith.constant 576 : index
          %swap3A_1967 = tpu.vector_load %arg7[%swap3A_1966] {strides = array<i32>} : memref<640xi32, #tpu.memory_space<vmem>>, vector<16xi32>,
          tpu.vector_store %arg7[%swap3A_1966], %gather3A_1965 {strides = array<i32>} : memref<640xi32, #tpu.memory_space<vmem>>, vector<16xi32>,
          %add3A_1968 = arith.constant 4000 : i32
          %add3A_1969 = arith.addi %add3A_1968, %mul3A_1634 : i32
          %add3A_1970 = arith.constant 4 : i32
          %add3A_1971 = arith.addi %add3A_1969, %add3A_1970 : i32
          %add3A_1972 = vector.broadcast %add3A_1971 : i32 to vector<16xi32>
          %add3A_1973 = arith.addi %mul3A_3, %add3A_1972 : vector<16xi32>
          %gather3A_1974 = tpu.vector_load_idx %arg5[%add3A_1973] : memref<6400xi32, #tpu.memory_space<vmem>>[vector<16xi32>], vector<16xi32>,
          %swap3A_1975 = arith.constant 592 : index
          %swap3A_1976 = tpu.vector_load %arg7[%swap3A_1975] {strides = array<i32>} : memref<640xi32, #tpu.memory_space<vmem>>, vector<16xi32>,
          tpu.vector_store %arg7[%swap3A_1975], %gather3A_1974 {strides = array<i32>} : memref<640xi32, #tpu.memory_space<vmem>>, vector<16xi32>,
          %add3A_1977 = arith.constant 4800 : i32
          %add3A_1978 = arith.addi %add3A_1977, %mul3A_1634 : i32
          %add3A_1979 = arith.constant 4 : i32
          %add3A_1980 = arith.addi %add3A_1978, %add3A_1979 : i32
          %add3A_1981 = vector.broadcast %add3A_1980 : i32 to vector<16xi32>
          %add3A_1982 = arith.addi %mul3A_3, %add3A_1981 : vector<16xi32>
          %gather3A_1983 = tpu.vector_load_idx %arg5[%add3A_1982] : memref<6400xi32, #tpu.memory_space<vmem>>[vector<16xi32>], vector<16xi32>,
          %swap3A_1984 = arith.constant 608 : index
          %swap3A_1985 = tpu.vector_load %arg7[%swap3A_1984] {strides = array<i32>} : memref<640xi32, #tpu.memory_space<vmem>>, vector<16xi32>,
          tpu.vector_store %arg7[%swap3A_1984], %gather3A_1983 {strides = array<i32>} : memref<640xi32, #tpu.memory_space<vmem>>, vector<16xi32>,
          %add3A_1986 = arith.constant 5600 : i32
          %add3A_1987 = arith.addi %add3A_1986, %mul3A_1634 : i32
          %add3A_1988 = arith.constant 4 : i32
          %add3A_1989 = arith.addi %add3A_1987, %add3A_1988 : i32
          %add3A_1990 = vector.broadcast %add3A_1989 : i32 to vector<16xi32>
          %add3A_1991 = arith.addi %mul3A_3, %add3A_1990 : vector<16xi32>
          %gather3A_1992 = tpu.vector_load_idx %arg5[%add3A_1991] : memref<6400xi32, #tpu.memory_space<vmem>>[vector<16xi32>], vector<16xi32>,
          %swap3A_1993 = arith.constant 624 : index
          %swap3A_1994 = tpu.vector_load %arg7[%swap3A_1993] {strides = array<i32>} : memref<640xi32, #tpu.memory_space<vmem>>, vector<16xi32>,
          tpu.vector_store %arg7[%swap3A_1993], %gather3A_1992 {strides = array<i32>} : memref<640xi32, #tpu.memory_space<vmem>>, vector<16xi32>,
          %dma_start3A_1995 = arith.constant 0 : i32
          %dma_start3A_1996 = arith.constant 0 : i32
          %dma_start3A_1997 = tpu.memref_slice %arg3[%dma_start3A_1995, %dma_start3A_1996] : memref<1000000x32xf32, #tpu.memory_space<hbm>> -> memref<1000000x32xf32, #tpu.memory_space<hbm>>
          tpu.enqueue_indirect_dma source(%dma_start3A_1997 : memref<1000000x32xf32, #tpu.memory_space<hbm>>) target(%arg9 : memref<640x32xf32, #tpu.memory_space<vmem>>) offsets(%arg7 : memref<640xi32, #tpu.memory_space<vmem>>) semaphore(%arg13 : memref<!tpu.dma_semaphore, #tpu.memory_space<semaphore_mem>>)
        } else {
        }
        %dma_wait3A_913 = arith.constant 0 : i32
        %dma_wait3A_914 = arith.constant 0 : i32
        %dma_wait3A_915 = tpu.memref_slice %arg3[%dma_wait3A_913, %dma_wait3A_914] : memref<1000000x32xf32, #tpu.memory_space<hbm>> -> memref<1000000x32xf32, #tpu.memory_space<hbm>>
        tpu.wait_indirect_dma semaphore(%arg12 : memref<!tpu.dma_semaphore, #tpu.memory_space<semaphore_mem>>) src(%dma_wait3A_915 : memref<1000000x32xf32, #tpu.memory_space<hbm>>) dst(%arg8 : memref<640x32xf32, #tpu.memory_space<vmem>>)
        %scan3A_916 = arith.constant 0 : i32
        %scan3A_917 = arith.constant 0 : i32
        %scan3A_918 = arith.constant 80 : i32
        %scan3A_919 = arith.addi %scan3A_917, %scan3A_918 : i32
        %scan3A_920 = arith.constant 1 : i32
        scf.for %scan3A_1631 = %scan3A_917 to %scan3A_919 step %scan3A_920  : i32 {
          %jit3A = arith.constant 16 : i32
          %div3A = arith.divsi %scan3A_1631, %jit3A : i32
          %sign3A = arith.constant 0 : i32
          %sign3A_1632 = arith.cmpi sgt, %scan3A_1631, %sign3A : i32
          %sign3A_1633 = arith.extui %sign3A_1632 : i1 to i32
          %sign3A_1634 = arith.constant 0 : i32
          %sign3A_1635 = arith.cmpi slt, %scan3A_1631, %sign3A_1634 : i32
          %sign3A_1636 = arith.extui %sign3A_1635 : i1 to i32
          %sign3A_1637 = arith.subi %sign3A_1633, %sign3A_1636 : i32
          %sign3A_1638 = arith.constant 0 : i32
          %sign3A_1639 = arith.cmpi sgt, %jit3A, %sign3A_1638 : i32
          %sign3A_1640 = arith.extui %sign3A_1639 : i1 to i32
          %sign3A_1641 = arith.constant 0 : i32
          %sign3A_1642 = arith.cmpi slt, %jit3A, %sign3A_1641 : i32
          %sign3A_1643 = arith.extui %sign3A_1642 : i1 to i32
          %sign3A_1644 = arith.subi %sign3A_1640, %sign3A_1643 : i32
          %ne3A = arith.cmpi ne, %sign3A_1637, %sign3A_1644 : i32
          %rem3A = arith.remsi %scan3A_1631, %jit3A : i32
          %ne3A_1645 = arith.constant 0 : i32
          %ne3A_1646 = arith.cmpi ne, %rem3A, %ne3A_1645 : i32
          %and3A = arith.andi %ne3A, %ne3A_1646 : i1
          %sub3A = arith.constant 1 : i32
          %sub3A_1647 = arith.subi %div3A, %sub3A : i32
          %select_n3A = arith.select %and3A, %sub3A_1647, %div3A : i32
          %jit3A_1648 = arith.constant 16 : i32
          %eq3A = arith.constant 0 : i32
          %eq3A_1649 = arith.cmpi eq, %jit3A_1648, %eq3A : i32
          %jit3A_1650 = arith.constant 1 : i32
          %select_n3A_1651 = arith.select %eq3A_1649, %jit3A_1650, %jit3A_1648 : i32
          %rem3A_1652 = arith.remsi %scan3A_1631, %select_n3A_1651 : i32
          %ne3A_1653 = arith.constant 0 : i32
          %ne3A_1654 = arith.cmpi ne, %rem3A_1652, %ne3A_1653 : i32
          %lt3A_1655 = arith.constant 0 : i32
          %lt3A_1656 = arith.cmpi slt, %rem3A_1652, %lt3A_1655 : i32
          %lt3A_1657 = arith.constant 0 : i32
          %lt3A_1658 = arith.cmpi slt, %select_n3A_1651, %lt3A_1657 : i32
          %ne3A_1659 = arith.xori %lt3A_1656, %lt3A_1658 : i1
          %and3A_1660 = arith.andi %ne3A_1659, %ne3A_1654 : i1
          %add3A_1661 = arith.addi %rem3A_1652, %select_n3A_1651 : i32
          %select_n3A_1662 = arith.select %and3A_1660, %add3A_1661, %rem3A_1652 : i32
          %jit3A_1663 = arith.constant 8 : i32
          %div3A_1664 = arith.divsi %select_n3A_1662, %jit3A_1663 : i32
          %sign3A_1665 = arith.constant 0 : i32
          %sign3A_1666 = arith.cmpi sgt, %select_n3A_1662, %sign3A_1665 : i32
          %sign3A_1667 = arith.extui %sign3A_1666 : i1 to i32
          %sign3A_1668 = arith.constant 0 : i32
          %sign3A_1669 = arith.cmpi slt, %select_n3A_1662, %sign3A_1668 : i32
          %sign3A_1670 = arith.extui %sign3A_1669 : i1 to i32
          %sign3A_1671 = arith.subi %sign3A_1667, %sign3A_1670 : i32
          %sign3A_1672 = arith.constant 0 : i32
          %sign3A_1673 = arith.cmpi sgt, %jit3A_1663, %sign3A_1672 : i32
          %sign3A_1674 = arith.extui %sign3A_1673 : i1 to i32
          %sign3A_1675 = arith.constant 0 : i32
          %sign3A_1676 = arith.cmpi slt, %jit3A_1663, %sign3A_1675 : i32
          %sign3A_1677 = arith.extui %sign3A_1676 : i1 to i32
          %sign3A_1678 = arith.subi %sign3A_1674, %sign3A_1677 : i32
          %ne3A_1679 = arith.cmpi ne, %sign3A_1671, %sign3A_1678 : i32
          %rem3A_1680 = arith.remsi %select_n3A_1662, %jit3A_1663 : i32
          %ne3A_1681 = arith.constant 0 : i32
          %ne3A_1682 = arith.cmpi ne, %rem3A_1680, %ne3A_1681 : i32
          %and3A_1683 = arith.andi %ne3A_1679, %ne3A_1682 : i1
          %sub3A_1684 = arith.constant 1 : i32
          %sub3A_1685 = arith.subi %div3A_1664, %sub3A_1684 : i32
          %select_n3A_1686 = arith.select %and3A_1683, %sub3A_1685, %div3A_1664 : i32
          %mul3A_1687 = arith.constant 16 : i32
          %mul3A_1688 = arith.muli %select_n3A_1686, %mul3A_1687 : i32
          %jit3A_1689 = arith.constant 8 : i32
          %eq3A_1690 = arith.constant 0 : i32
          %eq3A_1691 = arith.cmpi eq, %jit3A_1689, %eq3A_1690 : i32
          %jit3A_1692 = arith.constant 1 : i32
          %select_n3A_1693 = arith.select %eq3A_1691, %jit3A_1692, %jit3A_1689 : i32
          %rem3A_1694 = arith.remsi %select_n3A_1662, %select_n3A_1693 : i32
          %ne3A_1695 = arith.constant 0 : i32
          %ne3A_1696 = arith.cmpi ne, %rem3A_1694, %ne3A_1695 : i32
          %lt3A_1697 = arith.constant 0 : i32
          %lt3A_1698 = arith.cmpi slt, %rem3A_1694, %lt3A_1697 : i32
          %lt3A_1699 = arith.constant 0 : i32
          %lt3A_1700 = arith.cmpi slt, %select_n3A_1693, %lt3A_1699 : i32
          %ne3A_1701 = arith.xori %lt3A_1698, %lt3A_1700 : i1
          %and3A_1702 = arith.andi %ne3A_1701, %ne3A_1696 : i1
          %add3A_1703 = arith.addi %rem3A_1694, %select_n3A_1693 : i32
          %select_n3A_1704 = arith.select %and3A_1702, %add3A_1703, %rem3A_1694 : i32
          %mul3A_1705 = arith.constant 16 : i32
          %mul3A_1706 = arith.muli %select_n3A_1704, %mul3A_1705 : i32
          %mul3A_1707 = arith.constant 128 : i32
          %mul3A_1708 = arith.muli %select_n3A, %mul3A_1707 : i32
          %add3A_1709 = arith.addi %mul3A_1708, %mul3A_1706 : i32
          %add3A_1710 = vector.broadcast %add3A_1709 : i32 to vector<16xi32>
          %add3A_1711 = arith.addi %iota3A, %add3A_1710 : vector<16xi32>
          %add3A_1712 = vector.broadcast %mul3A_1706 : i32 to vector<16xi32>
          %add3A_1713 = arith.addi %iota3A, %add3A_1712 : vector<16xi32>
          %add3A_1714 = arith.constant 0 : i32
          %add3A_1715 = vector.broadcast %add3A_1714 : i32 to vector<16xi32>
          %add3A_1716 = arith.addi %iota3A, %add3A_1715 : vector<16xi32>
          %and3A_1717 = arith.constant 15 : i32
          %and3A_1718 = vector.broadcast %and3A_1717 : i32 to vector<16xi32>
          %and3A_1719 = arith.andi %add3A_1716, %and3A_1718 : vector<16xi32>
          %add3A_1720 = vector.broadcast %mul3A_1688 : i32 to vector<16xi32>
          %add3A_1721 = arith.addi %and3A_1719, %add3A_1720 : vector<16xi32>
          %gather3A_1722 = tpu.vector_load_idx %arg8[%add3A_1711, %add3A_1721] : memref<640x32xf32, #tpu.memory_space<vmem>>[vector<16xi32>, vector<16xi32>], vector<16xf32>,
          %mul3A_1723 = arith.constant 32 : i32
          %mul3A_1724 = arith.muli %select_n3A, %mul3A_1723 : i32
          %add3A_1725 = vector.broadcast %mul3A_1724 : i32 to vector<16xi32>
          %add3A_1726 = arith.addi %add3A_1721, %add3A_1725 : vector<16xi32>
          tpu.vector_store_idx %arg10[%add3A_1726, %add3A_1713], %gather3A_1722 : memref<160x128xf32, #tpu.memory_space<vmem>>[vector<16xi32>, vector<16xi32>], vector<16xf32>,
          %add3A_1727 = arith.constant 1 : i32
          %add3A_1728 = vector.broadcast %add3A_1727 : i32 to vector<16xi32>
          %add3A_1729 = arith.addi %iota3A, %add3A_1728 : vector<16xi32>
          %and3A_1730 = arith.constant 15 : i32
          %and3A_1731 = vector.broadcast %and3A_1730 : i32 to vector<16xi32>
          %and3A_1732 = arith.andi %add3A_1729, %and3A_1731 : vector<16xi32>
          %add3A_1733 = vector.broadcast %mul3A_1688 : i32 to vector<16xi32>
          %add3A_1734 = arith.addi %and3A_1732, %add3A_1733 : vector<16xi32>
          %gather3A_1735 = tpu.vector_load_idx %arg8[%add3A_1711, %add3A_1734] : memref<640x32xf32, #tpu.memory_space<vmem>>[vector<16xi32>, vector<16xi32>], vector<16xf32>,
          %mul3A_1736 = arith.constant 32 : i32
          %mul3A_1737 = arith.muli %select_n3A, %mul3A_1736 : i32
          %add3A_1738 = vector.broadcast %mul3A_1737 : i32 to vector<16xi32>
          %add3A_1739 = arith.addi %add3A_1734, %add3A_1738 : vector<16xi32>
          tpu.vector_store_idx %arg10[%add3A_1739, %add3A_1713], %gather3A_1735 : memref<160x128xf32, #tpu.memory_space<vmem>>[vector<16xi32>, vector<16xi32>], vector<16xf32>,
          %add3A_1740 = arith.constant 2 : i32
          %add3A_1741 = vector.broadcast %add3A_1740 : i32 to vector<16xi32>
          %add3A_1742 = arith.addi %iota3A, %add3A_1741 : vector<16xi32>
          %and3A_1743 = arith.constant 15 : i32
          %and3A_1744 = vector.broadcast %and3A_1743 : i32 to vector<16xi32>
          %and3A_1745 = arith.andi %add3A_1742, %and3A_1744 : vector<16xi32>
          %add3A_1746 = vector.broadcast %mul3A_1688 : i32 to vector<16xi32>
          %add3A_1747 = arith.addi %and3A_1745, %add3A_1746 : vector<16xi32>
          %gather3A_1748 = tpu.vector_load_idx %arg8[%add3A_1711, %add3A_1747] : memref<640x32xf32, #tpu.memory_space<vmem>>[vector<16xi32>, vector<16xi32>], vector<16xf32>,
          %mul3A_1749 = arith.constant 32 : i32
          %mul3A_1750 = arith.muli %select_n3A, %mul3A_1749 : i32
          %add3A_1751 = vector.broadcast %mul3A_1750 : i32 to vector<16xi32>
          %add3A_1752 = arith.addi %add3A_1747, %add3A_1751 : vector<16xi32>
          tpu.vector_store_idx %arg10[%add3A_1752, %add3A_1713], %gather3A_1748 : memref<160x128xf32, #tpu.memory_space<vmem>>[vector<16xi32>, vector<16xi32>], vector<16xf32>,
          %add3A_1753 = arith.constant 3 : i32
          %add3A_1754 = vector.broadcast %add3A_1753 : i32 to vector<16xi32>
          %add3A_1755 = arith.addi %iota3A, %add3A_1754 : vector<16xi32>
          %and3A_1756 = arith.constant 15 : i32
          %and3A_1757 = vector.broadcast %and3A_1756 : i32 to vector<16xi32>
          %and3A_1758 = arith.andi %add3A_1755, %and3A_1757 : vector<16xi32>
          %add3A_1759 = vector.broadcast %mul3A_1688 : i32 to vector<16xi32>
          %add3A_1760 = arith.addi %and3A_1758, %add3A_1759 : vector<16xi32>
          %gather3A_1761 = tpu.vector_load_idx %arg8[%add3A_1711, %add3A_1760] : memref<640x32xf32, #tpu.memory_space<vmem>>[vector<16xi32>, vector<16xi32>], vector<16xf32>,
          %mul3A_1762 = arith.constant 32 : i32
          %mul3A_1763 = arith.muli %select_n3A, %mul3A_1762 : i32
          %add3A_1764 = vector.broadcast %mul3A_1763 : i32 to vector<16xi32>
          %add3A_1765 = arith.addi %add3A_1760, %add3A_1764 : vector<16xi32>
          tpu.vector_store_idx %arg10[%add3A_1765, %add3A_1713], %gather3A_1761 : memref<160x128xf32, #tpu.memory_space<vmem>>[vector<16xi32>, vector<16xi32>], vector<16xf32>,
          %add3A_1766 = arith.constant 4 : i32
          %add3A_1767 = vector.broadcast %add3A_1766 : i32 to vector<16xi32>
          %add3A_1768 = arith.addi %iota3A, %add3A_1767 : vector<16xi32>
          %and3A_1769 = arith.constant 15 : i32
          %and3A_1770 = vector.broadcast %and3A_1769 : i32 to vector<16xi32>
          %and3A_1771 = arith.andi %add3A_1768, %and3A_1770 : vector<16xi32>
          %add3A_1772 = vector.broadcast %mul3A_1688 : i32 to vector<16xi32>
          %add3A_1773 = arith.addi %and3A_1771, %add3A_1772 : vector<16xi32>
          %gather3A_1774 = tpu.vector_load_idx %arg8[%add3A_1711, %add3A_1773] : memref<640x32xf32, #tpu.memory_space<vmem>>[vector<16xi32>, vector<16xi32>], vector<16xf32>,
          %mul3A_1775 = arith.constant 32 : i32
          %mul3A_1776 = arith.muli %select_n3A, %mul3A_1775 : i32
          %add3A_1777 = vector.broadcast %mul3A_1776 : i32 to vector<16xi32>
          %add3A_1778 = arith.addi %add3A_1773, %add3A_1777 : vector<16xi32>
          tpu.vector_store_idx %arg10[%add3A_1778, %add3A_1713], %gather3A_1774 : memref<160x128xf32, #tpu.memory_space<vmem>>[vector<16xi32>, vector<16xi32>], vector<16xf32>,
          %add3A_1779 = arith.constant 5 : i32
          %add3A_1780 = vector.broadcast %add3A_1779 : i32 to vector<16xi32>
          %add3A_1781 = arith.addi %iota3A, %add3A_1780 : vector<16xi32>
          %and3A_1782 = arith.constant 15 : i32
          %and3A_1783 = vector.broadcast %and3A_1782 : i32 to vector<16xi32>
          %and3A_1784 = arith.andi %add3A_1781, %and3A_1783 : vector<16xi32>
          %add3A_1785 = vector.broadcast %mul3A_1688 : i32 to vector<16xi32>
          %add3A_1786 = arith.addi %and3A_1784, %add3A_1785 : vector<16xi32>
          %gather3A_1787 = tpu.vector_load_idx %arg8[%add3A_1711, %add3A_1786] : memref<640x32xf32, #tpu.memory_space<vmem>>[vector<16xi32>, vector<16xi32>], vector<16xf32>,
          %mul3A_1788 = arith.constant 32 : i32
          %mul3A_1789 = arith.muli %select_n3A, %mul3A_1788 : i32
          %add3A_1790 = vector.broadcast %mul3A_1789 : i32 to vector<16xi32>
          %add3A_1791 = arith.addi %add3A_1786, %add3A_1790 : vector<16xi32>
          tpu.vector_store_idx %arg10[%add3A_1791, %add3A_1713], %gather3A_1787 : memref<160x128xf32, #tpu.memory_space<vmem>>[vector<16xi32>, vector<16xi32>], vector<16xf32>,
          %add3A_1792 = arith.constant 6 : i32
          %add3A_1793 = vector.broadcast %add3A_1792 : i32 to vector<16xi32>
          %add3A_1794 = arith.addi %iota3A, %add3A_1793 : vector<16xi32>
          %and3A_1795 = arith.constant 15 : i32
          %and3A_1796 = vector.broadcast %and3A_1795 : i32 to vector<16xi32>
          %and3A_1797 = arith.andi %add3A_1794, %and3A_1796 : vector<16xi32>
          %add3A_1798 = vector.broadcast %mul3A_1688 : i32 to vector<16xi32>
          %add3A_1799 = arith.addi %and3A_1797, %add3A_1798 : vector<16xi32>
          %gather3A_1800 = tpu.vector_load_idx %arg8[%add3A_1711, %add3A_1799] : memref<640x32xf32, #tpu.memory_space<vmem>>[vector<16xi32>, vector<16xi32>], vector<16xf32>,
          %mul3A_1801 = arith.constant 32 : i32
          %mul3A_1802 = arith.muli %select_n3A, %mul3A_1801 : i32
          %add3A_1803 = vector.broadcast %mul3A_1802 : i32 to vector<16xi32>
          %add3A_1804 = arith.addi %add3A_1799, %add3A_1803 : vector<16xi32>
          tpu.vector_store_idx %arg10[%add3A_1804, %add3A_1713], %gather3A_1800 : memref<160x128xf32, #tpu.memory_space<vmem>>[vector<16xi32>, vector<16xi32>], vector<16xf32>,
          %add3A_1805 = arith.constant 7 : i32
          %add3A_1806 = vector.broadcast %add3A_1805 : i32 to vector<16xi32>
          %add3A_1807 = arith.addi %iota3A, %add3A_1806 : vector<16xi32>
          %and3A_1808 = arith.constant 15 : i32
          %and3A_1809 = vector.broadcast %and3A_1808 : i32 to vector<16xi32>
          %and3A_1810 = arith.andi %add3A_1807, %and3A_1809 : vector<16xi32>
          %add3A_1811 = vector.broadcast %mul3A_1688 : i32 to vector<16xi32>
          %add3A_1812 = arith.addi %and3A_1810, %add3A_1811 : vector<16xi32>
          %gather3A_1813 = tpu.vector_load_idx %arg8[%add3A_1711, %add3A_1812] : memref<640x32xf32, #tpu.memory_space<vmem>>[vector<16xi32>, vector<16xi32>], vector<16xf32>,
          %mul3A_1814 = arith.constant 32 : i32
          %mul3A_1815 = arith.muli %select_n3A, %mul3A_1814 : i32
          %add3A_1816 = vector.broadcast %mul3A_1815 : i32 to vector<16xi32>
          %add3A_1817 = arith.addi %add3A_1812, %add3A_1816 : vector<16xi32>
          tpu.vector_store_idx %arg10[%add3A_1817, %add3A_1713], %gather3A_1813 : memref<160x128xf32, #tpu.memory_space<vmem>>[vector<16xi32>, vector<16xi32>], vector<16xf32>,
          %add3A_1818 = arith.constant 8 : i32
          %add3A_1819 = vector.broadcast %add3A_1818 : i32 to vector<16xi32>
          %add3A_1820 = arith.addi %iota3A, %add3A_1819 : vector<16xi32>
          %and3A_1821 = arith.constant 15 : i32
          %and3A_1822 = vector.broadcast %and3A_1821 : i32 to vector<16xi32>
          %and3A_1823 = arith.andi %add3A_1820, %and3A_1822 : vector<16xi32>
          %add3A_1824 = vector.broadcast %mul3A_1688 : i32 to vector<16xi32>
          %add3A_1825 = arith.addi %and3A_1823, %add3A_1824 : vector<16xi32>
          %gather3A_1826 = tpu.vector_load_idx %arg8[%add3A_1711, %add3A_1825] : memref<640x32xf32, #tpu.memory_space<vmem>>[vector<16xi32>, vector<16xi32>], vector<16xf32>,
          %mul3A_1827 = arith.constant 32 : i32
          %mul3A_1828 = arith.muli %select_n3A, %mul3A_1827 : i32
          %add3A_1829 = vector.broadcast %mul3A_1828 : i32 to vector<16xi32>
          %add3A_1830 = arith.addi %add3A_1825, %add3A_1829 : vector<16xi32>
          tpu.vector_store_idx %arg10[%add3A_1830, %add3A_1713], %gather3A_1826 : memref<160x128xf32, #tpu.memory_space<vmem>>[vector<16xi32>, vector<16xi32>], vector<16xf32>,
          %add3A_1831 = arith.constant 9 : i32
          %add3A_1832 = vector.broadcast %add3A_1831 : i32 to vector<16xi32>
          %add3A_1833 = arith.addi %iota3A, %add3A_1832 : vector<16xi32>
          %and3A_1834 = arith.constant 15 : i32
          %and3A_1835 = vector.broadcast %and3A_1834 : i32 to vector<16xi32>
          %and3A_1836 = arith.andi %add3A_1833, %and3A_1835 : vector<16xi32>
          %add3A_1837 = vector.broadcast %mul3A_1688 : i32 to vector<16xi32>
          %add3A_1838 = arith.addi %and3A_1836, %add3A_1837 : vector<16xi32>
          %gather3A_1839 = tpu.vector_load_idx %arg8[%add3A_1711, %add3A_1838] : memref<640x32xf32, #tpu.memory_space<vmem>>[vector<16xi32>, vector<16xi32>], vector<16xf32>,
          %mul3A_1840 = arith.constant 32 : i32
          %mul3A_1841 = arith.muli %select_n3A, %mul3A_1840 : i32
          %add3A_1842 = vector.broadcast %mul3A_1841 : i32 to vector<16xi32>
          %add3A_1843 = arith.addi %add3A_1838, %add3A_1842 : vector<16xi32>
          tpu.vector_store_idx %arg10[%add3A_1843, %add3A_1713], %gather3A_1839 : memref<160x128xf32, #tpu.memory_space<vmem>>[vector<16xi32>, vector<16xi32>], vector<16xf32>,
          %add3A_1844 = arith.constant 10 : i32
          %add3A_1845 = vector.broadcast %add3A_1844 : i32 to vector<16xi32>
          %add3A_1846 = arith.addi %iota3A, %add3A_1845 : vector<16xi32>
          %and3A_1847 = arith.constant 15 : i32
          %and3A_1848 = vector.broadcast %and3A_1847 : i32 to vector<16xi32>
          %and3A_1849 = arith.andi %add3A_1846, %and3A_1848 : vector<16xi32>
          %add3A_1850 = vector.broadcast %mul3A_1688 : i32 to vector<16xi32>
          %add3A_1851 = arith.addi %and3A_1849, %add3A_1850 : vector<16xi32>
          %gather3A_1852 = tpu.vector_load_idx %arg8[%add3A_1711, %add3A_1851] : memref<640x32xf32, #tpu.memory_space<vmem>>[vector<16xi32>, vector<16xi32>], vector<16xf32>,
          %mul3A_1853 = arith.constant 32 : i32
          %mul3A_1854 = arith.muli %select_n3A, %mul3A_1853 : i32
          %add3A_1855 = vector.broadcast %mul3A_1854 : i32 to vector<16xi32>
          %add3A_1856 = arith.addi %add3A_1851, %add3A_1855 : vector<16xi32>
          tpu.vector_store_idx %arg10[%add3A_1856, %add3A_1713], %gather3A_1852 : memref<160x128xf32, #tpu.memory_space<vmem>>[vector<16xi32>, vector<16xi32>], vector<16xf32>,
          %add3A_1857 = arith.constant 11 : i32
          %add3A_1858 = vector.broadcast %add3A_1857 : i32 to vector<16xi32>
          %add3A_1859 = arith.addi %iota3A, %add3A_1858 : vector<16xi32>
          %and3A_1860 = arith.constant 15 : i32
          %and3A_1861 = vector.broadcast %and3A_1860 : i32 to vector<16xi32>
          %and3A_1862 = arith.andi %add3A_1859, %and3A_1861 : vector<16xi32>
          %add3A_1863 = vector.broadcast %mul3A_1688 : i32 to vector<16xi32>
          %add3A_1864 = arith.addi %and3A_1862, %add3A_1863 : vector<16xi32>
          %gather3A_1865 = tpu.vector_load_idx %arg8[%add3A_1711, %add3A_1864] : memref<640x32xf32, #tpu.memory_space<vmem>>[vector<16xi32>, vector<16xi32>], vector<16xf32>,
          %mul3A_1866 = arith.constant 32 : i32
          %mul3A_1867 = arith.muli %select_n3A, %mul3A_1866 : i32
          %add3A_1868 = vector.broadcast %mul3A_1867 : i32 to vector<16xi32>
          %add3A_1869 = arith.addi %add3A_1864, %add3A_1868 : vector<16xi32>
          tpu.vector_store_idx %arg10[%add3A_1869, %add3A_1713], %gather3A_1865 : memref<160x128xf32, #tpu.memory_space<vmem>>[vector<16xi32>, vector<16xi32>], vector<16xf32>,
          %add3A_1870 = arith.constant 12 : i32
          %add3A_1871 = vector.broadcast %add3A_1870 : i32 to vector<16xi32>
          %add3A_1872 = arith.addi %iota3A, %add3A_1871 : vector<16xi32>
          %and3A_1873 = arith.constant 15 : i32
          %and3A_1874 = vector.broadcast %and3A_1873 : i32 to vector<16xi32>
          %and3A_1875 = arith.andi %add3A_1872, %and3A_1874 : vector<16xi32>
          %add3A_1876 = vector.broadcast %mul3A_1688 : i32 to vector<16xi32>
          %add3A_1877 = arith.addi %and3A_1875, %add3A_1876 : vector<16xi32>
          %gather3A_1878 = tpu.vector_load_idx %arg8[%add3A_1711, %add3A_1877] : memref<640x32xf32, #tpu.memory_space<vmem>>[vector<16xi32>, vector<16xi32>], vector<16xf32>,
          %mul3A_1879 = arith.constant 32 : i32
          %mul3A_1880 = arith.muli %select_n3A, %mul3A_1879 : i32
          %add3A_1881 = vector.broadcast %mul3A_1880 : i32 to vector<16xi32>
          %add3A_1882 = arith.addi %add3A_1877, %add3A_1881 : vector<16xi32>
          tpu.vector_store_idx %arg10[%add3A_1882, %add3A_1713], %gather3A_1878 : memref<160x128xf32, #tpu.memory_space<vmem>>[vector<16xi32>, vector<16xi32>], vector<16xf32>,
          %add3A_1883 = arith.constant 13 : i32
          %add3A_1884 = vector.broadcast %add3A_1883 : i32 to vector<16xi32>
          %add3A_1885 = arith.addi %iota3A, %add3A_1884 : vector<16xi32>
          %and3A_1886 = arith.constant 15 : i32
          %and3A_1887 = vector.broadcast %and3A_1886 : i32 to vector<16xi32>
          %and3A_1888 = arith.andi %add3A_1885, %and3A_1887 : vector<16xi32>
          %add3A_1889 = vector.broadcast %mul3A_1688 : i32 to vector<16xi32>
          %add3A_1890 = arith.addi %and3A_1888, %add3A_1889 : vector<16xi32>
          %gather3A_1891 = tpu.vector_load_idx %arg8[%add3A_1711, %add3A_1890] : memref<640x32xf32, #tpu.memory_space<vmem>>[vector<16xi32>, vector<16xi32>], vector<16xf32>,
          %mul3A_1892 = arith.constant 32 : i32
          %mul3A_1893 = arith.muli %select_n3A, %mul3A_1892 : i32
          %add3A_1894 = vector.broadcast %mul3A_1893 : i32 to vector<16xi32>
          %add3A_1895 = arith.addi %add3A_1890, %add3A_1894 : vector<16xi32>
          tpu.vector_store_idx %arg10[%add3A_1895, %add3A_1713], %gather3A_1891 : memref<160x128xf32, #tpu.memory_space<vmem>>[vector<16xi32>, vector<16xi32>], vector<16xf32>,
          %add3A_1896 = arith.constant 14 : i32
          %add3A_1897 = vector.broadcast %add3A_1896 : i32 to vector<16xi32>
          %add3A_1898 = arith.addi %iota3A, %add3A_1897 : vector<16xi32>
          %and3A_1899 = arith.constant 15 : i32
          %and3A_1900 = vector.broadcast %and3A_1899 : i32 to vector<16xi32>
          %and3A_1901 = arith.andi %add3A_1898, %and3A_1900 : vector<16xi32>
          %add3A_1902 = vector.broadcast %mul3A_1688 : i32 to vector<16xi32>
          %add3A_1903 = arith.addi %and3A_1901, %add3A_1902 : vector<16xi32>
          %gather3A_1904 = tpu.vector_load_idx %arg8[%add3A_1711, %add3A_1903] : memref<640x32xf32, #tpu.memory_space<vmem>>[vector<16xi32>, vector<16xi32>], vector<16xf32>,
          %mul3A_1905 = arith.constant 32 : i32
          %mul3A_1906 = arith.muli %select_n3A, %mul3A_1905 : i32
          %add3A_1907 = vector.broadcast %mul3A_1906 : i32 to vector<16xi32>
          %add3A_1908 = arith.addi %add3A_1903, %add3A_1907 : vector<16xi32>
          tpu.vector_store_idx %arg10[%add3A_1908, %add3A_1713], %gather3A_1904 : memref<160x128xf32, #tpu.memory_space<vmem>>[vector<16xi32>, vector<16xi32>], vector<16xf32>,
          %add3A_1909 = arith.constant 15 : i32
          %add3A_1910 = vector.broadcast %add3A_1909 : i32 to vector<16xi32>
          %add3A_1911 = arith.addi %iota3A, %add3A_1910 : vector<16xi32>
          %and3A_1912 = arith.constant 15 : i32
          %and3A_1913 = vector.broadcast %and3A_1912 : i32 to vector<16xi32>
          %and3A_1914 = arith.andi %add3A_1911, %and3A_1913 : vector<16xi32>
          %add3A_1915 = vector.broadcast %mul3A_1688 : i32 to vector<16xi32>
          %add3A_1916 = arith.addi %and3A_1914, %add3A_1915 : vector<16xi32>
          %gather3A_1917 = tpu.vector_load_idx %arg8[%add3A_1711, %add3A_1916] : memref<640x32xf32, #tpu.memory_space<vmem>>[vector<16xi32>, vector<16xi32>], vector<16xf32>,
          %mul3A_1918 = arith.constant 32 : i32
          %mul3A_1919 = arith.muli %select_n3A, %mul3A_1918 : i32
          %add3A_1920 = vector.broadcast %mul3A_1919 : i32 to vector<16xi32>
          %add3A_1921 = arith.addi %add3A_1916, %add3A_1920 : vector<16xi32>
          tpu.vector_store_idx %arg10[%add3A_1921, %add3A_1713], %gather3A_1917 : memref<160x128xf32, #tpu.memory_space<vmem>>[vector<16xi32>, vector<16xi32>], vector<16xf32>,
        }
        %scan3A_921 = arith.constant 80 : i32
        %mul3A_922 = arith.constant 5 : i32
        %mul3A_923 = arith.muli %mul3A_904, %mul3A_922 : i32
        %add3A_924 = arith.constant 0 : i32
        %add3A_925 = arith.addi %mul3A_923, %add3A_924 : i32
        %dma_start3A_926 = arith.constant 0 : i32
        %dma_start3A_927 = arith.constant 0 : i32
        %dma_start3A_928 = arith.constant 0 : i32
        %dma_start3A_929 = tpu.memref_slice %arg10[%dma_start3A_927, %dma_start3A_928] : memref<160x128xf32, #tpu.memory_space<vmem>> -> memref<8x128xf32, #tpu.memory_space<vmem>>
        %dma_start3A_930 = arith.constant 0 : i32
        %dma_start3A_931 = arith.constant 0 : i32
        %dma_start3A_932 = tpu.memref_slice %arg4[%add3A_925, %dma_start3A_926, %add3A_12, %dma_start3A_930, %dma_start3A_931] : memref<50x4x128x8x128xf32, #tpu.memory_space<hbm>> -> memref<1x1x1x8x128xf32, #tpu.memory_space<hbm>>
        %dma_start3A_933 = tpu.memref_squeeze %dma_start3A_932 : memref<1x1x1x8x128xf32, #tpu.memory_space<hbm>> -> memref<8x128xf32, #tpu.memory_space<hbm>>
        %dma_start3A_934 = arith.constant 0 : i32
        %dma_start3A_935 = arith.constant 0 : i32
        %dma_start3A_936 = tpu.memref_slice %arg4[%add3A_925, %dma_start3A_926, %add3A_12, %dma_start3A_934, %dma_start3A_935] : memref<50x4x128x8x128xf32, #tpu.memory_space<hbm>> -> memref<1x1x1x8x128xf32, #tpu.memory_space<hbm>>
        %dma_start3A_937 = tpu.memref_squeeze %dma_start3A_936 : memref<1x1x1x8x128xf32, #tpu.memory_space<hbm>> -> memref<8x128xf32, #tpu.memory_space<hbm>>
        %dma_start3A_938 = arith.constant 0 : i32
        %dma_start3A_939 = arith.constant 0 : i32
        %dma_start3A_940 = tpu.memref_slice %arg10[%dma_start3A_938, %dma_start3A_939] : memref<160x128xf32, #tpu.memory_space<vmem>> -> memref<8x128xf32, #tpu.memory_space<vmem>>
        tpu.enqueue_dma source(%dma_start3A_940 : memref<8x128xf32, #tpu.memory_space<vmem>>) target(%dma_start3A_937 : memref<8x128xf32, #tpu.memory_space<hbm>>) target_semaphore(%arg14 : memref<!tpu.dma_semaphore, #tpu.memory_space<semaphore_mem>>)
        %add3A_941 = arith.constant 0 : i32
        %add3A_942 = arith.addi %mul3A_923, %add3A_941 : i32
        %dma_start3A_943 = arith.constant 1 : i32
        %dma_start3A_944 = arith.constant 8 : i32
        %dma_start3A_945 = arith.constant 0 : i32
        %dma_start3A_946 = tpu.memref_slice %arg10[%dma_start3A_944, %dma_start3A_945] : memref<160x128xf32, #tpu.memory_space<vmem>> -> memref<8x128xf32, #tpu.memory_space<vmem>>
        %dma_start3A_947 = arith.constant 0 : i32
        %dma_start3A_948 = arith.constant 0 : i32
        %dma_start3A_949 = tpu.memref_slice %arg4[%add3A_942, %dma_start3A_943, %add3A_12, %dma_start3A_947, %dma_start3A_948] : memref<50x4x128x8x128xf32, #tpu.memory_space<hbm>> -> memref<1x1x1x8x128xf32, #tpu.memory_space<hbm>>
        %dma_start3A_950 = tpu.memref_squeeze %dma_start3A_949 : memref<1x1x1x8x128xf32, #tpu.memory_space<hbm>> -> memref<8x128xf32, #tpu.memory_space<hbm>>
        %dma_start3A_951 = arith.constant 0 : i32
        %dma_start3A_952 = arith.constant 0 : i32
        %dma_start3A_953 = tpu.memref_slice %arg4[%add3A_942, %dma_start3A_943, %add3A_12, %dma_start3A_951, %dma_start3A_952] : memref<50x4x128x8x128xf32, #tpu.memory_space<hbm>> -> memref<1x1x1x8x128xf32, #tpu.memory_space<hbm>>
        %dma_start3A_954 = tpu.memref_squeeze %dma_start3A_953 : memref<1x1x1x8x128xf32, #tpu.memory_space<hbm>> -> memref<8x128xf32, #tpu.memory_space<hbm>>
        %dma_start3A_955 = arith.constant 8 : i32
        %dma_start3A_956 = arith.constant 0 : i32
        %dma_start3A_957 = tpu.memref_slice %arg10[%dma_start3A_955, %dma_start3A_956] : memref<160x128xf32, #tpu.memory_space<vmem>> -> memref<8x128xf32, #tpu.memory_space<vmem>>
        tpu.enqueue_dma source(%dma_start3A_957 : memref<8x128xf32, #tpu.memory_space<vmem>>) target(%dma_start3A_954 : memref<8x128xf32, #tpu.memory_space<hbm>>) target_semaphore(%arg14 : memref<!tpu.dma_semaphore, #tpu.memory_space<semaphore_mem>>)
        %add3A_958 = arith.constant 0 : i32
        %add3A_959 = arith.addi %mul3A_923, %add3A_958 : i32
        %dma_start3A_960 = arith.constant 2 : i32
        %dma_start3A_961 = arith.constant 16 : i32
        %dma_start3A_962 = arith.constant 0 : i32
        %dma_start3A_963 = tpu.memref_slice %arg10[%dma_start3A_961, %dma_start3A_962] : memref<160x128xf32, #tpu.memory_space<vmem>> -> memref<8x128xf32, #tpu.memory_space<vmem>>
        %dma_start3A_964 = arith.constant 0 : i32
        %dma_start3A_965 = arith.constant 0 : i32
        %dma_start3A_966 = tpu.memref_slice %arg4[%add3A_959, %dma_start3A_960, %add3A_12, %dma_start3A_964, %dma_start3A_965] : memref<50x4x128x8x128xf32, #tpu.memory_space<hbm>> -> memref<1x1x1x8x128xf32, #tpu.memory_space<hbm>>
        %dma_start3A_967 = tpu.memref_squeeze %dma_start3A_966 : memref<1x1x1x8x128xf32, #tpu.memory_space<hbm>> -> memref<8x128xf32, #tpu.memory_space<hbm>>
        %dma_start3A_968 = arith.constant 0 : i32
        %dma_start3A_969 = arith.constant 0 : i32
        %dma_start3A_970 = tpu.memref_slice %arg4[%add3A_959, %dma_start3A_960, %add3A_12, %dma_start3A_968, %dma_start3A_969] : memref<50x4x128x8x128xf32, #tpu.memory_space<hbm>> -> memref<1x1x1x8x128xf32, #tpu.memory_space<hbm>>
        %dma_start3A_971 = tpu.memref_squeeze %dma_start3A_970 : memref<1x1x1x8x128xf32, #tpu.memory_space<hbm>> -> memref<8x128xf32, #tpu.memory_space<hbm>>
        %dma_start3A_972 = arith.constant 16 : i32
        %dma_start3A_973 = arith.constant 0 : i32
        %dma_start3A_974 = tpu.memref_slice %arg10[%dma_start3A_972, %dma_start3A_973] : memref<160x128xf32, #tpu.memory_space<vmem>> -> memref<8x128xf32, #tpu.memory_space<vmem>>
        tpu.enqueue_dma source(%dma_start3A_974 : memref<8x128xf32, #tpu.memory_space<vmem>>) target(%dma_start3A_971 : memref<8x128xf32, #tpu.memory_space<hbm>>) target_semaphore(%arg14 : memref<!tpu.dma_semaphore, #tpu.memory_space<semaphore_mem>>)
        %add3A_975 = arith.constant 0 : i32
        %add3A_976 = arith.addi %mul3A_923, %add3A_975 : i32
        %dma_start3A_977 = arith.constant 3 : i32
        %dma_start3A_978 = arith.constant 24 : i32
        %dma_start3A_979 = arith.constant 0 : i32
        %dma_start3A_980 = tpu.memref_slice %arg10[%dma_start3A_978, %dma_start3A_979] : memref<160x128xf32, #tpu.memory_space<vmem>> -> memref<8x128xf32, #tpu.memory_space<vmem>>
        %dma_start3A_981 = arith.constant 0 : i32
        %dma_start3A_982 = arith.constant 0 : i32
        %dma_start3A_983 = tpu.memref_slice %arg4[%add3A_976, %dma_start3A_977, %add3A_12, %dma_start3A_981, %dma_start3A_982] : memref<50x4x128x8x128xf32, #tpu.memory_space<hbm>> -> memref<1x1x1x8x128xf32, #tpu.memory_space<hbm>>
        %dma_start3A_984 = tpu.memref_squeeze %dma_start3A_983 : memref<1x1x1x8x128xf32, #tpu.memory_space<hbm>> -> memref<8x128xf32, #tpu.memory_space<hbm>>
        %dma_start3A_985 = arith.constant 0 : i32
        %dma_start3A_986 = arith.constant 0 : i32
        %dma_start3A_987 = tpu.memref_slice %arg4[%add3A_976, %dma_start3A_977, %add3A_12, %dma_start3A_985, %dma_start3A_986] : memref<50x4x128x8x128xf32, #tpu.memory_space<hbm>> -> memref<1x1x1x8x128xf32, #tpu.memory_space<hbm>>
        %dma_start3A_988 = tpu.memref_squeeze %dma_start3A_987 : memref<1x1x1x8x128xf32, #tpu.memory_space<hbm>> -> memref<8x128xf32, #tpu.memory_space<hbm>>
        %dma_start3A_989 = arith.constant 24 : i32
        %dma_start3A_990 = arith.constant 0 : i32
        %dma_start3A_991 = tpu.memref_slice %arg10[%dma_start3A_989, %dma_start3A_990] : memref<160x128xf32, #tpu.memory_space<vmem>> -> memref<8x128xf32, #tpu.memory_space<vmem>>
        tpu.enqueue_dma source(%dma_start3A_991 : memref<8x128xf32, #tpu.memory_space<vmem>>) target(%dma_start3A_988 : memref<8x128xf32, #tpu.memory_space<hbm>>) target_semaphore(%arg14 : memref<!tpu.dma_semaphore, #tpu.memory_space<semaphore_mem>>)
        %add3A_992 = arith.constant 1 : i32
        %add3A_993 = arith.addi %mul3A_923, %add3A_992 : i32
        %dma_start3A_994 = arith.constant 0 : i32
        %dma_start3A_995 = arith.constant 32 : i32
        %dma_start3A_996 = arith.constant 0 : i32
        %dma_start3A_997 = tpu.memref_slice %arg10[%dma_start3A_995, %dma_start3A_996] : memref<160x128xf32, #tpu.memory_space<vmem>> -> memref<8x128xf32, #tpu.memory_space<vmem>>
        %dma_start3A_998 = arith.constant 0 : i32
        %dma_start3A_999 = arith.constant 0 : i32
        %dma_start3A_1000 = tpu.memref_slice %arg4[%add3A_993, %dma_start3A_994, %add3A_12, %dma_start3A_998, %dma_start3A_999] : memref<50x4x128x8x128xf32, #tpu.memory_space<hbm>> -> memref<1x1x1x8x128xf32, #tpu.memory_space<hbm>>
        %dma_start3A_1001 = tpu.memref_squeeze %dma_start3A_1000 : memref<1x1x1x8x128xf32, #tpu.memory_space<hbm>> -> memref<8x128xf32, #tpu.memory_space<hbm>>
        %dma_start3A_1002 = arith.constant 0 : i32
        %dma_start3A_1003 = arith.constant 0 : i32
        %dma_start3A_1004 = tpu.memref_slice %arg4[%add3A_993, %dma_start3A_994, %add3A_12, %dma_start3A_1002, %dma_start3A_1003] : memref<50x4x128x8x128xf32, #tpu.memory_space<hbm>> -> memref<1x1x1x8x128xf32, #tpu.memory_space<hbm>>
        %dma_start3A_1005 = tpu.memref_squeeze %dma_start3A_1004 : memref<1x1x1x8x128xf32, #tpu.memory_space<hbm>> -> memref<8x128xf32, #tpu.memory_space<hbm>>
        %dma_start3A_1006 = arith.constant 32 : i32
        %dma_start3A_1007 = arith.constant 0 : i32
        %dma_start3A_1008 = tpu.memref_slice %arg10[%dma_start3A_1006, %dma_start3A_1007] : memref<160x128xf32, #tpu.memory_space<vmem>> -> memref<8x128xf32, #tpu.memory_space<vmem>>
        tpu.enqueue_dma source(%dma_start3A_1008 : memref<8x128xf32, #tpu.memory_space<vmem>>) target(%dma_start3A_1005 : memref<8x128xf32, #tpu.memory_space<hbm>>) target_semaphore(%arg14 : memref<!tpu.dma_semaphore, #tpu.memory_space<semaphore_mem>>)
        %add3A_1009 = arith.constant 1 : i32
        %add3A_1010 = arith.addi %mul3A_923, %add3A_1009 : i32
        %dma_start3A_1011 = arith.constant 1 : i32
        %dma_start3A_1012 = arith.constant 40 : i32
        %dma_start3A_1013 = arith.constant 0 : i32
        %dma_start3A_1014 = tpu.memref_slice %arg10[%dma_start3A_1012, %dma_start3A_1013] : memref<160x128xf32, #tpu.memory_space<vmem>> -> memref<8x128xf32, #tpu.memory_space<vmem>>
        %dma_start3A_1015 = arith.constant 0 : i32
        %dma_start3A_1016 = arith.constant 0 : i32
        %dma_start3A_1017 = tpu.memref_slice %arg4[%add3A_1010, %dma_start3A_1011, %add3A_12, %dma_start3A_1015, %dma_start3A_1016] : memref<50x4x128x8x128xf32, #tpu.memory_space<hbm>> -> memref<1x1x1x8x128xf32, #tpu.memory_space<hbm>>
        %dma_start3A_1018 = tpu.memref_squeeze %dma_start3A_1017 : memref<1x1x1x8x128xf32, #tpu.memory_space<hbm>> -> memref<8x128xf32, #tpu.memory_space<hbm>>
        %dma_start3A_1019 = arith.constant 0 : i32
        %dma_start3A_1020 = arith.constant 0 : i32
        %dma_start3A_1021 = tpu.memref_slice %arg4[%add3A_1010, %dma_start3A_1011, %add3A_12, %dma_start3A_1019, %dma_start3A_1020] : memref<50x4x128x8x128xf32, #tpu.memory_space<hbm>> -> memref<1x1x1x8x128xf32, #tpu.memory_space<hbm>>
        %dma_start3A_1022 = tpu.memref_squeeze %dma_start3A_1021 : memref<1x1x1x8x128xf32, #tpu.memory_space<hbm>> -> memref<8x128xf32, #tpu.memory_space<hbm>>
        %dma_start3A_1023 = arith.constant 40 : i32
        %dma_start3A_1024 = arith.constant 0 : i32
        %dma_start3A_1025 = tpu.memref_slice %arg10[%dma_start3A_1023, %dma_start3A_1024] : memref<160x128xf32, #tpu.memory_space<vmem>> -> memref<8x128xf32, #tpu.memory_space<vmem>>
        tpu.enqueue_dma source(%dma_start3A_1025 : memref<8x128xf32, #tpu.memory_space<vmem>>) target(%dma_start3A_1022 : memref<8x128xf32, #tpu.memory_space<hbm>>) target_semaphore(%arg14 : memref<!tpu.dma_semaphore, #tpu.memory_space<semaphore_mem>>)
        %add3A_1026 = arith.constant 1 : i32
        %add3A_1027 = arith.addi %mul3A_923, %add3A_1026 : i32
        %dma_start3A_1028 = arith.constant 2 : i32
        %dma_start3A_1029 = arith.constant 48 : i32
        %dma_start3A_1030 = arith.constant 0 : i32
        %dma_start3A_1031 = tpu.memref_slice %arg10[%dma_start3A_1029, %dma_start3A_1030] : memref<160x128xf32, #tpu.memory_space<vmem>> -> memref<8x128xf32, #tpu.memory_space<vmem>>
        %dma_start3A_1032 = arith.constant 0 : i32
        %dma_start3A_1033 = arith.constant 0 : i32
        %dma_start3A_1034 = tpu.memref_slice %arg4[%add3A_1027, %dma_start3A_1028, %add3A_12, %dma_start3A_1032, %dma_start3A_1033] : memref<50x4x128x8x128xf32, #tpu.memory_space<hbm>> -> memref<1x1x1x8x128xf32, #tpu.memory_space<hbm>>
        %dma_start3A_1035 = tpu.memref_squeeze %dma_start3A_1034 : memref<1x1x1x8x128xf32, #tpu.memory_space<hbm>> -> memref<8x128xf32, #tpu.memory_space<hbm>>
        %dma_start3A_1036 = arith.constant 0 : i32
        %dma_start3A_1037 = arith.constant 0 : i32
        %dma_start3A_1038 = tpu.memref_slice %arg4[%add3A_1027, %dma_start3A_1028, %add3A_12, %dma_start3A_1036, %dma_start3A_1037] : memref<50x4x128x8x128xf32, #tpu.memory_space<hbm>> -> memref<1x1x1x8x128xf32, #tpu.memory_space<hbm>>
        %dma_start3A_1039 = tpu.memref_squeeze %dma_start3A_1038 : memref<1x1x1x8x128xf32, #tpu.memory_space<hbm>> -> memref<8x128xf32, #tpu.memory_space<hbm>>
        %dma_start3A_1040 = arith.constant 48 : i32
        %dma_start3A_1041 = arith.constant 0 : i32
        %dma_start3A_1042 = tpu.memref_slice %arg10[%dma_start3A_1040, %dma_start3A_1041] : memref<160x128xf32, #tpu.memory_space<vmem>> -> memref<8x128xf32, #tpu.memory_space<vmem>>
        tpu.enqueue_dma source(%dma_start3A_1042 : memref<8x128xf32, #tpu.memory_space<vmem>>) target(%dma_start3A_1039 : memref<8x128xf32, #tpu.memory_space<hbm>>) target_semaphore(%arg14 : memref<!tpu.dma_semaphore, #tpu.memory_space<semaphore_mem>>)
        %add3A_1043 = arith.constant 1 : i32
        %add3A_1044 = arith.addi %mul3A_923, %add3A_1043 : i32
        %dma_start3A_1045 = arith.constant 3 : i32
        %dma_start3A_1046 = arith.constant 56 : i32
        %dma_start3A_1047 = arith.constant 0 : i32
        %dma_start3A_1048 = tpu.memref_slice %arg10[%dma_start3A_1046, %dma_start3A_1047] : memref<160x128xf32, #tpu.memory_space<vmem>> -> memref<8x128xf32, #tpu.memory_space<vmem>>
        %dma_start3A_1049 = arith.constant 0 : i32
        %dma_start3A_1050 = arith.constant 0 : i32
        %dma_start3A_1051 = tpu.memref_slice %arg4[%add3A_1044, %dma_start3A_1045, %add3A_12, %dma_start3A_1049, %dma_start3A_1050] : memref<50x4x128x8x128xf32, #tpu.memory_space<hbm>> -> memref<1x1x1x8x128xf32, #tpu.memory_space<hbm>>
        %dma_start3A_1052 = tpu.memref_squeeze %dma_start3A_1051 : memref<1x1x1x8x128xf32, #tpu.memory_space<hbm>> -> memref<8x128xf32, #tpu.memory_space<hbm>>
        %dma_start3A_1053 = arith.constant 0 : i32
        %dma_start3A_1054 = arith.constant 0 : i32
        %dma_start3A_1055 = tpu.memref_slice %arg4[%add3A_1044, %dma_start3A_1045, %add3A_12, %dma_start3A_1053, %dma_start3A_1054] : memref<50x4x128x8x128xf32, #tpu.memory_space<hbm>> -> memref<1x1x1x8x128xf32, #tpu.memory_space<hbm>>
        %dma_start3A_1056 = tpu.memref_squeeze %dma_start3A_1055 : memref<1x1x1x8x128xf32, #tpu.memory_space<hbm>> -> memref<8x128xf32, #tpu.memory_space<hbm>>
        %dma_start3A_1057 = arith.constant 56 : i32
        %dma_start3A_1058 = arith.constant 0 : i32
        %dma_start3A_1059 = tpu.memref_slice %arg10[%dma_start3A_1057, %dma_start3A_1058] : memref<160x128xf32, #tpu.memory_space<vmem>> -> memref<8x128xf32, #tpu.memory_space<vmem>>
        tpu.enqueue_dma source(%dma_start3A_1059 : memref<8x128xf32, #tpu.memory_space<vmem>>) target(%dma_start3A_1056 : memref<8x128xf32, #tpu.memory_space<hbm>>) target_semaphore(%arg14 : memref<!tpu.dma_semaphore, #tpu.memory_space<semaphore_mem>>)
        %add3A_1060 = arith.constant 2 : i32
        %add3A_1061 = arith.addi %mul3A_923, %add3A_1060 : i32
        %dma_start3A_1062 = arith.constant 0 : i32
        %dma_start3A_1063 = arith.constant 64 : i32
        %dma_start3A_1064 = arith.constant 0 : i32
        %dma_start3A_1065 = tpu.memref_slice %arg10[%dma_start3A_1063, %dma_start3A_1064] : memref<160x128xf32, #tpu.memory_space<vmem>> -> memref<8x128xf32, #tpu.memory_space<vmem>>
        %dma_start3A_1066 = arith.constant 0 : i32
        %dma_start3A_1067 = arith.constant 0 : i32
        %dma_start3A_1068 = tpu.memref_slice %arg4[%add3A_1061, %dma_start3A_1062, %add3A_12, %dma_start3A_1066, %dma_start3A_1067] : memref<50x4x128x8x128xf32, #tpu.memory_space<hbm>> -> memref<1x1x1x8x128xf32, #tpu.memory_space<hbm>>
        %dma_start3A_1069 = tpu.memref_squeeze %dma_start3A_1068 : memref<1x1x1x8x128xf32, #tpu.memory_space<hbm>> -> memref<8x128xf32, #tpu.memory_space<hbm>>
        %dma_start3A_1070 = arith.constant 0 : i32
        %dma_start3A_1071 = arith.constant 0 : i32
        %dma_start3A_1072 = tpu.memref_slice %arg4[%add3A_1061, %dma_start3A_1062, %add3A_12, %dma_start3A_1070, %dma_start3A_1071] : memref<50x4x128x8x128xf32, #tpu.memory_space<hbm>> -> memref<1x1x1x8x128xf32, #tpu.memory_space<hbm>>
        %dma_start3A_1073 = tpu.memref_squeeze %dma_start3A_1072 : memref<1x1x1x8x128xf32, #tpu.memory_space<hbm>> -> memref<8x128xf32, #tpu.memory_space<hbm>>
        %dma_start3A_1074 = arith.constant 64 : i32
        %dma_start3A_1075 = arith.constant 0 : i32
        %dma_start3A_1076 = tpu.memref_slice %arg10[%dma_start3A_1074, %dma_start3A_1075] : memref<160x128xf32, #tpu.memory_space<vmem>> -> memref<8x128xf32, #tpu.memory_space<vmem>>
        tpu.enqueue_dma source(%dma_start3A_1076 : memref<8x128xf32, #tpu.memory_space<vmem>>) target(%dma_start3A_1073 : memref<8x128xf32, #tpu.memory_space<hbm>>) target_semaphore(%arg14 : memref<!tpu.dma_semaphore, #tpu.memory_space<semaphore_mem>>)
        %add3A_1077 = arith.constant 2 : i32
        %add3A_1078 = arith.addi %mul3A_923, %add3A_1077 : i32
        %dma_start3A_1079 = arith.constant 1 : i32
        %dma_start3A_1080 = arith.constant 72 : i32
        %dma_start3A_1081 = arith.constant 0 : i32
        %dma_start3A_1082 = tpu.memref_slice %arg10[%dma_start3A_1080, %dma_start3A_1081] : memref<160x128xf32, #tpu.memory_space<vmem>> -> memref<8x128xf32, #tpu.memory_space<vmem>>
        %dma_start3A_1083 = arith.constant 0 : i32
        %dma_start3A_1084 = arith.constant 0 : i32
        %dma_start3A_1085 = tpu.memref_slice %arg4[%add3A_1078, %dma_start3A_1079, %add3A_12, %dma_start3A_1083, %dma_start3A_1084] : memref<50x4x128x8x128xf32, #tpu.memory_space<hbm>> -> memref<1x1x1x8x128xf32, #tpu.memory_space<hbm>>
        %dma_start3A_1086 = tpu.memref_squeeze %dma_start3A_1085 : memref<1x1x1x8x128xf32, #tpu.memory_space<hbm>> -> memref<8x128xf32, #tpu.memory_space<hbm>>
        %dma_start3A_1087 = arith.constant 0 : i32
        %dma_start3A_1088 = arith.constant 0 : i32
        %dma_start3A_1089 = tpu.memref_slice %arg4[%add3A_1078, %dma_start3A_1079, %add3A_12, %dma_start3A_1087, %dma_start3A_1088] : memref<50x4x128x8x128xf32, #tpu.memory_space<hbm>> -> memref<1x1x1x8x128xf32, #tpu.memory_space<hbm>>
        %dma_start3A_1090 = tpu.memref_squeeze %dma_start3A_1089 : memref<1x1x1x8x128xf32, #tpu.memory_space<hbm>> -> memref<8x128xf32, #tpu.memory_space<hbm>>
        %dma_start3A_1091 = arith.constant 72 : i32
        %dma_start3A_1092 = arith.constant 0 : i32
        %dma_start3A_1093 = tpu.memref_slice %arg10[%dma_start3A_1091, %dma_start3A_1092] : memref<160x128xf32, #tpu.memory_space<vmem>> -> memref<8x128xf32, #tpu.memory_space<vmem>>
        tpu.enqueue_dma source(%dma_start3A_1093 : memref<8x128xf32, #tpu.memory_space<vmem>>) target(%dma_start3A_1090 : memref<8x128xf32, #tpu.memory_space<hbm>>) target_semaphore(%arg14 : memref<!tpu.dma_semaphore, #tpu.memory_space<semaphore_mem>>)
        %add3A_1094 = arith.constant 2 : i32
        %add3A_1095 = arith.addi %mul3A_923, %add3A_1094 : i32
        %dma_start3A_1096 = arith.constant 2 : i32
        %dma_start3A_1097 = arith.constant 80 : i32
        %dma_start3A_1098 = arith.constant 0 : i32
        %dma_start3A_1099 = tpu.memref_slice %arg10[%dma_start3A_1097, %dma_start3A_1098] : memref<160x128xf32, #tpu.memory_space<vmem>> -> memref<8x128xf32, #tpu.memory_space<vmem>>
        %dma_start3A_1100 = arith.constant 0 : i32
        %dma_start3A_1101 = arith.constant 0 : i32
        %dma_start3A_1102 = tpu.memref_slice %arg4[%add3A_1095, %dma_start3A_1096, %add3A_12, %dma_start3A_1100, %dma_start3A_1101] : memref<50x4x128x8x128xf32, #tpu.memory_space<hbm>> -> memref<1x1x1x8x128xf32, #tpu.memory_space<hbm>>
        %dma_start3A_1103 = tpu.memref_squeeze %dma_start3A_1102 : memref<1x1x1x8x128xf32, #tpu.memory_space<hbm>> -> memref<8x128xf32, #tpu.memory_space<hbm>>
        %dma_start3A_1104 = arith.constant 0 : i32
        %dma_start3A_1105 = arith.constant 0 : i32
        %dma_start3A_1106 = tpu.memref_slice %arg4[%add3A_1095, %dma_start3A_1096, %add3A_12, %dma_start3A_1104, %dma_start3A_1105] : memref<50x4x128x8x128xf32, #tpu.memory_space<hbm>> -> memref<1x1x1x8x128xf32, #tpu.memory_space<hbm>>
        %dma_start3A_1107 = tpu.memref_squeeze %dma_start3A_1106 : memref<1x1x1x8x128xf32, #tpu.memory_space<hbm>> -> memref<8x128xf32, #tpu.memory_space<hbm>>
        %dma_start3A_1108 = arith.constant 80 : i32
        %dma_start3A_1109 = arith.constant 0 : i32
        %dma_start3A_1110 = tpu.memref_slice %arg10[%dma_start3A_1108, %dma_start3A_1109] : memref<160x128xf32, #tpu.memory_space<vmem>> -> memref<8x128xf32, #tpu.memory_space<vmem>>
        tpu.enqueue_dma source(%dma_start3A_1110 : memref<8x128xf32, #tpu.memory_space<vmem>>) target(%dma_start3A_1107 : memref<8x128xf32, #tpu.memory_space<hbm>>) target_semaphore(%arg14 : memref<!tpu.dma_semaphore, #tpu.memory_space<semaphore_mem>>)
        %add3A_1111 = arith.constant 2 : i32
        %add3A_1112 = arith.addi %mul3A_923, %add3A_1111 : i32
        %dma_start3A_1113 = arith.constant 3 : i32
        %dma_start3A_1114 = arith.constant 88 : i32
        %dma_start3A_1115 = arith.constant 0 : i32
        %dma_start3A_1116 = tpu.memref_slice %arg10[%dma_start3A_1114, %dma_start3A_1115] : memref<160x128xf32, #tpu.memory_space<vmem>> -> memref<8x128xf32, #tpu.memory_space<vmem>>
        %dma_start3A_1117 = arith.constant 0 : i32
        %dma_start3A_1118 = arith.constant 0 : i32
        %dma_start3A_1119 = tpu.memref_slice %arg4[%add3A_1112, %dma_start3A_1113, %add3A_12, %dma_start3A_1117, %dma_start3A_1118] : memref<50x4x128x8x128xf32, #tpu.memory_space<hbm>> -> memref<1x1x1x8x128xf32, #tpu.memory_space<hbm>>
        %dma_start3A_1120 = tpu.memref_squeeze %dma_start3A_1119 : memref<1x1x1x8x128xf32, #tpu.memory_space<hbm>> -> memref<8x128xf32, #tpu.memory_space<hbm>>
        %dma_start3A_1121 = arith.constant 0 : i32
        %dma_start3A_1122 = arith.constant 0 : i32
        %dma_start3A_1123 = tpu.memref_slice %arg4[%add3A_1112, %dma_start3A_1113, %add3A_12, %dma_start3A_1121, %dma_start3A_1122] : memref<50x4x128x8x128xf32, #tpu.memory_space<hbm>> -> memref<1x1x1x8x128xf32, #tpu.memory_space<hbm>>
        %dma_start3A_1124 = tpu.memref_squeeze %dma_start3A_1123 : memref<1x1x1x8x128xf32, #tpu.memory_space<hbm>> -> memref<8x128xf32, #tpu.memory_space<hbm>>
        %dma_start3A_1125 = arith.constant 88 : i32
        %dma_start3A_1126 = arith.constant 0 : i32
        %dma_start3A_1127 = tpu.memref_slice %arg10[%dma_start3A_1125, %dma_start3A_1126] : memref<160x128xf32, #tpu.memory_space<vmem>> -> memref<8x128xf32, #tpu.memory_space<vmem>>
        tpu.enqueue_dma source(%dma_start3A_1127 : memref<8x128xf32, #tpu.memory_space<vmem>>) target(%dma_start3A_1124 : memref<8x128xf32, #tpu.memory_space<hbm>>) target_semaphore(%arg14 : memref<!tpu.dma_semaphore, #tpu.memory_space<semaphore_mem>>)
        %add3A_1128 = arith.constant 3 : i32
        %add3A_1129 = arith.addi %mul3A_923, %add3A_1128 : i32
        %dma_start3A_1130 = arith.constant 0 : i32
        %dma_start3A_1131 = arith.constant 96 : i32
        %dma_start3A_1132 = arith.constant 0 : i32
        %dma_start3A_1133 = tpu.memref_slice %arg10[%dma_start3A_1131, %dma_start3A_1132] : memref<160x128xf32, #tpu.memory_space<vmem>> -> memref<8x128xf32, #tpu.memory_space<vmem>>
        %dma_start3A_1134 = arith.constant 0 : i32
        %dma_start3A_1135 = arith.constant 0 : i32
        %dma_start3A_1136 = tpu.memref_slice %arg4[%add3A_1129, %dma_start3A_1130, %add3A_12, %dma_start3A_1134, %dma_start3A_1135] : memref<50x4x128x8x128xf32, #tpu.memory_space<hbm>> -> memref<1x1x1x8x128xf32, #tpu.memory_space<hbm>>
        %dma_start3A_1137 = tpu.memref_squeeze %dma_start3A_1136 : memref<1x1x1x8x128xf32, #tpu.memory_space<hbm>> -> memref<8x128xf32, #tpu.memory_space<hbm>>
        %dma_start3A_1138 = arith.constant 0 : i32
        %dma_start3A_1139 = arith.constant 0 : i32
        %dma_start3A_1140 = tpu.memref_slice %arg4[%add3A_1129, %dma_start3A_1130, %add3A_12, %dma_start3A_1138, %dma_start3A_1139] : memref<50x4x128x8x128xf32, #tpu.memory_space<hbm>> -> memref<1x1x1x8x128xf32, #tpu.memory_space<hbm>>
        %dma_start3A_1141 = tpu.memref_squeeze %dma_start3A_1140 : memref<1x1x1x8x128xf32, #tpu.memory_space<hbm>> -> memref<8x128xf32, #tpu.memory_space<hbm>>
        %dma_start3A_1142 = arith.constant 96 : i32
        %dma_start3A_1143 = arith.constant 0 : i32
        %dma_start3A_1144 = tpu.memref_slice %arg10[%dma_start3A_1142, %dma_start3A_1143] : memref<160x128xf32, #tpu.memory_space<vmem>> -> memref<8x128xf32, #tpu.memory_space<vmem>>
        tpu.enqueue_dma source(%dma_start3A_1144 : memref<8x128xf32, #tpu.memory_space<vmem>>) target(%dma_start3A_1141 : memref<8x128xf32, #tpu.memory_space<hbm>>) target_semaphore(%arg14 : memref<!tpu.dma_semaphore, #tpu.memory_space<semaphore_mem>>)
        %add3A_1145 = arith.constant 3 : i32
        %add3A_1146 = arith.addi %mul3A_923, %add3A_1145 : i32
        %dma_start3A_1147 = arith.constant 1 : i32
        %dma_start3A_1148 = arith.constant 104 : i32
        %dma_start3A_1149 = arith.constant 0 : i32
        %dma_start3A_1150 = tpu.memref_slice %arg10[%dma_start3A_1148, %dma_start3A_1149] : memref<160x128xf32, #tpu.memory_space<vmem>> -> memref<8x128xf32, #tpu.memory_space<vmem>>
        %dma_start3A_1151 = arith.constant 0 : i32
        %dma_start3A_1152 = arith.constant 0 : i32
        %dma_start3A_1153 = tpu.memref_slice %arg4[%add3A_1146, %dma_start3A_1147, %add3A_12, %dma_start3A_1151, %dma_start3A_1152] : memref<50x4x128x8x128xf32, #tpu.memory_space<hbm>> -> memref<1x1x1x8x128xf32, #tpu.memory_space<hbm>>
        %dma_start3A_1154 = tpu.memref_squeeze %dma_start3A_1153 : memref<1x1x1x8x128xf32, #tpu.memory_space<hbm>> -> memref<8x128xf32, #tpu.memory_space<hbm>>
        %dma_start3A_1155 = arith.constant 0 : i32
        %dma_start3A_1156 = arith.constant 0 : i32
        %dma_start3A_1157 = tpu.memref_slice %arg4[%add3A_1146, %dma_start3A_1147, %add3A_12, %dma_start3A_1155, %dma_start3A_1156] : memref<50x4x128x8x128xf32, #tpu.memory_space<hbm>> -> memref<1x1x1x8x128xf32, #tpu.memory_space<hbm>>
        %dma_start3A_1158 = tpu.memref_squeeze %dma_start3A_1157 : memref<1x1x1x8x128xf32, #tpu.memory_space<hbm>> -> memref<8x128xf32, #tpu.memory_space<hbm>>
        %dma_start3A_1159 = arith.constant 104 : i32
        %dma_start3A_1160 = arith.constant 0 : i32
        %dma_start3A_1161 = tpu.memref_slice %arg10[%dma_start3A_1159, %dma_start3A_1160] : memref<160x128xf32, #tpu.memory_space<vmem>> -> memref<8x128xf32, #tpu.memory_space<vmem>>
        tpu.enqueue_dma source(%dma_start3A_1161 : memref<8x128xf32, #tpu.memory_space<vmem>>) target(%dma_start3A_1158 : memref<8x128xf32, #tpu.memory_space<hbm>>) target_semaphore(%arg14 : memref<!tpu.dma_semaphore, #tpu.memory_space<semaphore_mem>>)
        %add3A_1162 = arith.constant 3 : i32
        %add3A_1163 = arith.addi %mul3A_923, %add3A_1162 : i32
        %dma_start3A_1164 = arith.constant 2 : i32
        %dma_start3A_1165 = arith.constant 112 : i32
        %dma_start3A_1166 = arith.constant 0 : i32
        %dma_start3A_1167 = tpu.memref_slice %arg10[%dma_start3A_1165, %dma_start3A_1166] : memref<160x128xf32, #tpu.memory_space<vmem>> -> memref<8x128xf32, #tpu.memory_space<vmem>>
        %dma_start3A_1168 = arith.constant 0 : i32
        %dma_start3A_1169 = arith.constant 0 : i32
        %dma_start3A_1170 = tpu.memref_slice %arg4[%add3A_1163, %dma_start3A_1164, %add3A_12, %dma_start3A_1168, %dma_start3A_1169] : memref<50x4x128x8x128xf32, #tpu.memory_space<hbm>> -> memref<1x1x1x8x128xf32, #tpu.memory_space<hbm>>
        %dma_start3A_1171 = tpu.memref_squeeze %dma_start3A_1170 : memref<1x1x1x8x128xf32, #tpu.memory_space<hbm>> -> memref<8x128xf32, #tpu.memory_space<hbm>>
        %dma_start3A_1172 = arith.constant 0 : i32
        %dma_start3A_1173 = arith.constant 0 : i32
        %dma_start3A_1174 = tpu.memref_slice %arg4[%add3A_1163, %dma_start3A_1164, %add3A_12, %dma_start3A_1172, %dma_start3A_1173] : memref<50x4x128x8x128xf32, #tpu.memory_space<hbm>> -> memref<1x1x1x8x128xf32, #tpu.memory_space<hbm>>
        %dma_start3A_1175 = tpu.memref_squeeze %dma_start3A_1174 : memref<1x1x1x8x128xf32, #tpu.memory_space<hbm>> -> memref<8x128xf32, #tpu.memory_space<hbm>>
        %dma_start3A_1176 = arith.constant 112 : i32
        %dma_start3A_1177 = arith.constant 0 : i32
        %dma_start3A_1178 = tpu.memref_slice %arg10[%dma_start3A_1176, %dma_start3A_1177] : memref<160x128xf32, #tpu.memory_space<vmem>> -> memref<8x128xf32, #tpu.memory_space<vmem>>
        tpu.enqueue_dma source(%dma_start3A_1178 : memref<8x128xf32, #tpu.memory_space<vmem>>) target(%dma_start3A_1175 : memref<8x128xf32, #tpu.memory_space<hbm>>) target_semaphore(%arg14 : memref<!tpu.dma_semaphore, #tpu.memory_space<semaphore_mem>>)
        %add3A_1179 = arith.constant 3 : i32
        %add3A_1180 = arith.addi %mul3A_923, %add3A_1179 : i32
        %dma_start3A_1181 = arith.constant 3 : i32
        %dma_start3A_1182 = arith.constant 120 : i32
        %dma_start3A_1183 = arith.constant 0 : i32
        %dma_start3A_1184 = tpu.memref_slice %arg10[%dma_start3A_1182, %dma_start3A_1183] : memref<160x128xf32, #tpu.memory_space<vmem>> -> memref<8x128xf32, #tpu.memory_space<vmem>>
        %dma_start3A_1185 = arith.constant 0 : i32
        %dma_start3A_1186 = arith.constant 0 : i32
        %dma_start3A_1187 = tpu.memref_slice %arg4[%add3A_1180, %dma_start3A_1181, %add3A_12, %dma_start3A_1185, %dma_start3A_1186] : memref<50x4x128x8x128xf32, #tpu.memory_space<hbm>> -> memref<1x1x1x8x128xf32, #tpu.memory_space<hbm>>
        %dma_start3A_1188 = tpu.memref_squeeze %dma_start3A_1187 : memref<1x1x1x8x128xf32, #tpu.memory_space<hbm>> -> memref<8x128xf32, #tpu.memory_space<hbm>>
        %dma_start3A_1189 = arith.constant 0 : i32
        %dma_start3A_1190 = arith.constant 0 : i32
        %dma_start3A_1191 = tpu.memref_slice %arg4[%add3A_1180, %dma_start3A_1181, %add3A_12, %dma_start3A_1189, %dma_start3A_1190] : memref<50x4x128x8x128xf32, #tpu.memory_space<hbm>> -> memref<1x1x1x8x128xf32, #tpu.memory_space<hbm>>
        %dma_start3A_1192 = tpu.memref_squeeze %dma_start3A_1191 : memref<1x1x1x8x128xf32, #tpu.memory_space<hbm>> -> memref<8x128xf32, #tpu.memory_space<hbm>>
        %dma_start3A_1193 = arith.constant 120 : i32
        %dma_start3A_1194 = arith.constant 0 : i32
        %dma_start3A_1195 = tpu.memref_slice %arg10[%dma_start3A_1193, %dma_start3A_1194] : memref<160x128xf32, #tpu.memory_space<vmem>> -> memref<8x128xf32, #tpu.memory_space<vmem>>
        tpu.enqueue_dma source(%dma_start3A_1195 : memref<8x128xf32, #tpu.memory_space<vmem>>) target(%dma_start3A_1192 : memref<8x128xf32, #tpu.memory_space<hbm>>) target_semaphore(%arg14 : memref<!tpu.dma_semaphore, #tpu.memory_space<semaphore_mem>>)
        %add3A_1196 = arith.constant 4 : i32
        %add3A_1197 = arith.addi %mul3A_923, %add3A_1196 : i32
        %dma_start3A_1198 = arith.constant 0 : i32
        %dma_start3A_1199 = arith.constant 128 : i32
        %dma_start3A_1200 = arith.constant 0 : i32
        %dma_start3A_1201 = tpu.memref_slice %arg10[%dma_start3A_1199, %dma_start3A_1200] : memref<160x128xf32, #tpu.memory_space<vmem>> -> memref<8x128xf32, #tpu.memory_space<vmem>>
        %dma_start3A_1202 = arith.constant 0 : i32
        %dma_start3A_1203 = arith.constant 0 : i32
        %dma_start3A_1204 = tpu.memref_slice %arg4[%add3A_1197, %dma_start3A_1198, %add3A_12, %dma_start3A_1202, %dma_start3A_1203] : memref<50x4x128x8x128xf32, #tpu.memory_space<hbm>> -> memref<1x1x1x8x128xf32, #tpu.memory_space<hbm>>
        %dma_start3A_1205 = tpu.memref_squeeze %dma_start3A_1204 : memref<1x1x1x8x128xf32, #tpu.memory_space<hbm>> -> memref<8x128xf32, #tpu.memory_space<hbm>>
        %dma_start3A_1206 = arith.constant 0 : i32
        %dma_start3A_1207 = arith.constant 0 : i32
        %dma_start3A_1208 = tpu.memref_slice %arg4[%add3A_1197, %dma_start3A_1198, %add3A_12, %dma_start3A_1206, %dma_start3A_1207] : memref<50x4x128x8x128xf32, #tpu.memory_space<hbm>> -> memref<1x1x1x8x128xf32, #tpu.memory_space<hbm>>
        %dma_start3A_1209 = tpu.memref_squeeze %dma_start3A_1208 : memref<1x1x1x8x128xf32, #tpu.memory_space<hbm>> -> memref<8x128xf32, #tpu.memory_space<hbm>>
        %dma_start3A_1210 = arith.constant 128 : i32
        %dma_start3A_1211 = arith.constant 0 : i32
        %dma_start3A_1212 = tpu.memref_slice %arg10[%dma_start3A_1210, %dma_start3A_1211] : memref<160x128xf32, #tpu.memory_space<vmem>> -> memref<8x128xf32, #tpu.memory_space<vmem>>
        tpu.enqueue_dma source(%dma_start3A_1212 : memref<8x128xf32, #tpu.memory_space<vmem>>) target(%dma_start3A_1209 : memref<8x128xf32, #tpu.memory_space<hbm>>) target_semaphore(%arg14 : memref<!tpu.dma_semaphore, #tpu.memory_space<semaphore_mem>>)
        %add3A_1213 = arith.constant 4 : i32
        %add3A_1214 = arith.addi %mul3A_923, %add3A_1213 : i32
        %dma_start3A_1215 = arith.constant 1 : i32
        %dma_start3A_1216 = arith.constant 136 : i32
        %dma_start3A_1217 = arith.constant 0 : i32
        %dma_start3A_1218 = tpu.memref_slice %arg10[%dma_start3A_1216, %dma_start3A_1217] : memref<160x128xf32, #tpu.memory_space<vmem>> -> memref<8x128xf32, #tpu.memory_space<vmem>>
        %dma_start3A_1219 = arith.constant 0 : i32
        %dma_start3A_1220 = arith.constant 0 : i32
        %dma_start3A_1221 = tpu.memref_slice %arg4[%add3A_1214, %dma_start3A_1215, %add3A_12, %dma_start3A_1219, %dma_start3A_1220] : memref<50x4x128x8x128xf32, #tpu.memory_space<hbm>> -> memref<1x1x1x8x128xf32, #tpu.memory_space<hbm>>
        %dma_start3A_1222 = tpu.memref_squeeze %dma_start3A_1221 : memref<1x1x1x8x128xf32, #tpu.memory_space<hbm>> -> memref<8x128xf32, #tpu.memory_space<hbm>>
        %dma_start3A_1223 = arith.constant 0 : i32
        %dma_start3A_1224 = arith.constant 0 : i32
        %dma_start3A_1225 = tpu.memref_slice %arg4[%add3A_1214, %dma_start3A_1215, %add3A_12, %dma_start3A_1223, %dma_start3A_1224] : memref<50x4x128x8x128xf32, #tpu.memory_space<hbm>> -> memref<1x1x1x8x128xf32, #tpu.memory_space<hbm>>
        %dma_start3A_1226 = tpu.memref_squeeze %dma_start3A_1225 : memref<1x1x1x8x128xf32, #tpu.memory_space<hbm>> -> memref<8x128xf32, #tpu.memory_space<hbm>>
        %dma_start3A_1227 = arith.constant 136 : i32
        %dma_start3A_1228 = arith.constant 0 : i32
        %dma_start3A_1229 = tpu.memref_slice %arg10[%dma_start3A_1227, %dma_start3A_1228] : memref<160x128xf32, #tpu.memory_space<vmem>> -> memref<8x128xf32, #tpu.memory_space<vmem>>
        tpu.enqueue_dma source(%dma_start3A_1229 : memref<8x128xf32, #tpu.memory_space<vmem>>) target(%dma_start3A_1226 : memref<8x128xf32, #tpu.memory_space<hbm>>) target_semaphore(%arg14 : memref<!tpu.dma_semaphore, #tpu.memory_space<semaphore_mem>>)
        %add3A_1230 = arith.constant 4 : i32
        %add3A_1231 = arith.addi %mul3A_923, %add3A_1230 : i32
        %dma_start3A_1232 = arith.constant 2 : i32
        %dma_start3A_1233 = arith.constant 144 : i32
        %dma_start3A_1234 = arith.constant 0 : i32
        %dma_start3A_1235 = tpu.memref_slice %arg10[%dma_start3A_1233, %dma_start3A_1234] : memref<160x128xf32, #tpu.memory_space<vmem>> -> memref<8x128xf32, #tpu.memory_space<vmem>>
        %dma_start3A_1236 = arith.constant 0 : i32
        %dma_start3A_1237 = arith.constant 0 : i32
        %dma_start3A_1238 = tpu.memref_slice %arg4[%add3A_1231, %dma_start3A_1232, %add3A_12, %dma_start3A_1236, %dma_start3A_1237] : memref<50x4x128x8x128xf32, #tpu.memory_space<hbm>> -> memref<1x1x1x8x128xf32, #tpu.memory_space<hbm>>
        %dma_start3A_1239 = tpu.memref_squeeze %dma_start3A_1238 : memref<1x1x1x8x128xf32, #tpu.memory_space<hbm>> -> memref<8x128xf32, #tpu.memory_space<hbm>>
        %dma_start3A_1240 = arith.constant 0 : i32
        %dma_start3A_1241 = arith.constant 0 : i32
        %dma_start3A_1242 = tpu.memref_slice %arg4[%add3A_1231, %dma_start3A_1232, %add3A_12, %dma_start3A_1240, %dma_start3A_1241] : memref<50x4x128x8x128xf32, #tpu.memory_space<hbm>> -> memref<1x1x1x8x128xf32, #tpu.memory_space<hbm>>
        %dma_start3A_1243 = tpu.memref_squeeze %dma_start3A_1242 : memref<1x1x1x8x128xf32, #tpu.memory_space<hbm>> -> memref<8x128xf32, #tpu.memory_space<hbm>>
        %dma_start3A_1244 = arith.constant 144 : i32
        %dma_start3A_1245 = arith.constant 0 : i32
        %dma_start3A_1246 = tpu.memref_slice %arg10[%dma_start3A_1244, %dma_start3A_1245] : memref<160x128xf32, #tpu.memory_space<vmem>> -> memref<8x128xf32, #tpu.memory_space<vmem>>
        tpu.enqueue_dma source(%dma_start3A_1246 : memref<8x128xf32, #tpu.memory_space<vmem>>) target(%dma_start3A_1243 : memref<8x128xf32, #tpu.memory_space<hbm>>) target_semaphore(%arg14 : memref<!tpu.dma_semaphore, #tpu.memory_space<semaphore_mem>>)
        %add3A_1247 = arith.constant 4 : i32
        %add3A_1248 = arith.addi %mul3A_923, %add3A_1247 : i32
        %dma_start3A_1249 = arith.constant 3 : i32
        %dma_start3A_1250 = arith.constant 152 : i32
        %dma_start3A_1251 = arith.constant 0 : i32
        %dma_start3A_1252 = tpu.memref_slice %arg10[%dma_start3A_1250, %dma_start3A_1251] : memref<160x128xf32, #tpu.memory_space<vmem>> -> memref<8x128xf32, #tpu.memory_space<vmem>>
        %dma_start3A_1253 = arith.constant 0 : i32
        %dma_start3A_1254 = arith.constant 0 : i32
        %dma_start3A_1255 = tpu.memref_slice %arg4[%add3A_1248, %dma_start3A_1249, %add3A_12, %dma_start3A_1253, %dma_start3A_1254] : memref<50x4x128x8x128xf32, #tpu.memory_space<hbm>> -> memref<1x1x1x8x128xf32, #tpu.memory_space<hbm>>
        %dma_start3A_1256 = tpu.memref_squeeze %dma_start3A_1255 : memref<1x1x1x8x128xf32, #tpu.memory_space<hbm>> -> memref<8x128xf32, #tpu.memory_space<hbm>>
        %dma_start3A_1257 = arith.constant 0 : i32
        %dma_start3A_1258 = arith.constant 0 : i32
        %dma_start3A_1259 = tpu.memref_slice %arg4[%add3A_1248, %dma_start3A_1249, %add3A_12, %dma_start3A_1257, %dma_start3A_1258] : memref<50x4x128x8x128xf32, #tpu.memory_space<hbm>> -> memref<1x1x1x8x128xf32, #tpu.memory_space<hbm>>
        %dma_start3A_1260 = tpu.memref_squeeze %dma_start3A_1259 : memref<1x1x1x8x128xf32, #tpu.memory_space<hbm>> -> memref<8x128xf32, #tpu.memory_space<hbm>>
        %dma_start3A_1261 = arith.constant 152 : i32
        %dma_start3A_1262 = arith.constant 0 : i32
        %dma_start3A_1263 = tpu.memref_slice %arg10[%dma_start3A_1261, %dma_start3A_1262] : memref<160x128xf32, #tpu.memory_space<vmem>> -> memref<8x128xf32, #tpu.memory_space<vmem>>
        tpu.enqueue_dma source(%dma_start3A_1263 : memref<8x128xf32, #tpu.memory_space<vmem>>) target(%dma_start3A_1260 : memref<8x128xf32, #tpu.memory_space<hbm>>) target_semaphore(%arg14 : memref<!tpu.dma_semaphore, #tpu.memory_space<semaphore_mem>>)
        %mul3A_1264 = arith.constant 2 : i32
        %mul3A_1265 = arith.muli %scan3A_902, %mul3A_1264 : i32
        %add3A_1266 = arith.constant 1 : i32
        %add3A_1267 = arith.addi %mul3A_1265, %add3A_1266 : i32
        %ge3A_1268 = arith.constant 2 : i32
        %ge3A_1269 = arith.cmpi sge, %add3A_1267, %ge3A_1268 : i32
        %convert_element_type3A_1270 = arith.extui %ge3A_1269 : i1 to i32
        %cond3A_1271 = arith.constant 0 : i32
        %cond3A_1272 = arith.cmpi ne, %convert_element_type3A_1270, %cond3A_1271 : i32
        scf.if %cond3A_1272 {
          %sub3A = arith.constant 2 : i32
          %sub3A_1631 = arith.subi %add3A_1267, %sub3A : i32
          %mul3A_1632 = arith.constant 5 : i32
          %mul3A_1633 = arith.muli %sub3A_1631, %mul3A_1632 : i32
          %add3A_1634 = arith.constant 0 : i32
          %add3A_1635 = arith.addi %mul3A_1633, %add3A_1634 : i32
          %dma_wait3A_1636 = arith.constant 0 : i32
          %dma_wait3A_1637 = arith.constant 0 : i32
          %dma_wait3A_1638 = arith.constant 0 : i32
          %dma_wait3A_1639 = tpu.memref_slice %arg11[%dma_wait3A_1637, %dma_wait3A_1638] : memref<160x128xf32, #tpu.memory_space<vmem>> -> memref<8x128xf32, #tpu.memory_space<vmem>>
          %dma_wait3A_1640 = arith.constant 0 : i32
          %dma_wait3A_1641 = arith.constant 0 : i32
          %dma_wait3A_1642 = tpu.memref_slice %arg4[%add3A_1635, %dma_wait3A_1636, %add3A_12, %dma_wait3A_1640, %dma_wait3A_1641] : memref<50x4x128x8x128xf32, #tpu.memory_space<hbm>> -> memref<1x1x1x8x128xf32, #tpu.memory_space<hbm>>
          %dma_wait3A_1643 = tpu.memref_squeeze %dma_wait3A_1642 : memref<1x1x1x8x128xf32, #tpu.memory_space<hbm>> -> memref<8x128xf32, #tpu.memory_space<hbm>>
          %dma_wait3A_1644 = arith.constant 0 : i32
          %dma_wait3A_1645 = arith.constant 0 : i32
          %dma_wait3A_1646 = tpu.memref_slice %arg4[%add3A_1635, %dma_wait3A_1636, %add3A_12, %dma_wait3A_1644, %dma_wait3A_1645] : memref<50x4x128x8x128xf32, #tpu.memory_space<hbm>> -> memref<1x1x1x8x128xf32, #tpu.memory_space<hbm>>
          %dma_wait3A_1647 = tpu.memref_squeeze %dma_wait3A_1646 : memref<1x1x1x8x128xf32, #tpu.memory_space<hbm>> -> memref<8x128xf32, #tpu.memory_space<hbm>>
          %dma_wait3A_1648 = arith.constant 0 : i32
          %dma_wait3A_1649 = arith.constant 0 : i32
          %dma_wait3A_1650 = tpu.memref_slice %arg11[%dma_wait3A_1648, %dma_wait3A_1649] : memref<160x128xf32, #tpu.memory_space<vmem>> -> memref<8x128xf32, #tpu.memory_space<vmem>>
          tpu.wait_dma2 semaphore(%arg15 : memref<!tpu.dma_semaphore, #tpu.memory_space<semaphore_mem>>) src(%dma_wait3A_1650 : memref<8x128xf32, #tpu.memory_space<vmem>>) dst(%dma_wait3A_1647 : memref<8x128xf32, #tpu.memory_space<hbm>>)
          %add3A_1651 = arith.constant 0 : i32
          %add3A_1652 = arith.addi %mul3A_1633, %add3A_1651 : i32
          %dma_wait3A_1653 = arith.constant 1 : i32
          %dma_wait3A_1654 = arith.constant 8 : i32
          %dma_wait3A_1655 = arith.constant 0 : i32
          %dma_wait3A_1656 = tpu.memref_slice %arg11[%dma_wait3A_1654, %dma_wait3A_1655] : memref<160x128xf32, #tpu.memory_space<vmem>> -> memref<8x128xf32, #tpu.memory_space<vmem>>
          %dma_wait3A_1657 = arith.constant 0 : i32
          %dma_wait3A_1658 = arith.constant 0 : i32
          %dma_wait3A_1659 = tpu.memref_slice %arg4[%add3A_1652, %dma_wait3A_1653, %add3A_12, %dma_wait3A_1657, %dma_wait3A_1658] : memref<50x4x128x8x128xf32, #tpu.memory_space<hbm>> -> memref<1x1x1x8x128xf32, #tpu.memory_space<hbm>>
          %dma_wait3A_1660 = tpu.memref_squeeze %dma_wait3A_1659 : memref<1x1x1x8x128xf32, #tpu.memory_space<hbm>> -> memref<8x128xf32, #tpu.memory_space<hbm>>
          %dma_wait3A_1661 = arith.constant 0 : i32
          %dma_wait3A_1662 = arith.constant 0 : i32
          %dma_wait3A_1663 = tpu.memref_slice %arg4[%add3A_1652, %dma_wait3A_1653, %add3A_12, %dma_wait3A_1661, %dma_wait3A_1662] : memref<50x4x128x8x128xf32, #tpu.memory_space<hbm>> -> memref<1x1x1x8x128xf32, #tpu.memory_space<hbm>>
          %dma_wait3A_1664 = tpu.memref_squeeze %dma_wait3A_1663 : memref<1x1x1x8x128xf32, #tpu.memory_space<hbm>> -> memref<8x128xf32, #tpu.memory_space<hbm>>
          %dma_wait3A_1665 = arith.constant 8 : i32
          %dma_wait3A_1666 = arith.constant 0 : i32
          %dma_wait3A_1667 = tpu.memref_slice %arg11[%dma_wait3A_1665, %dma_wait3A_1666] : memref<160x128xf32, #tpu.memory_space<vmem>> -> memref<8x128xf32, #tpu.memory_space<vmem>>
          tpu.wait_dma2 semaphore(%arg15 : memref<!tpu.dma_semaphore, #tpu.memory_space<semaphore_mem>>) src(%dma_wait3A_1667 : memref<8x128xf32, #tpu.memory_space<vmem>>) dst(%dma_wait3A_1664 : memref<8x128xf32, #tpu.memory_space<hbm>>)
          %add3A_1668 = arith.constant 0 : i32
          %add3A_1669 = arith.addi %mul3A_1633, %add3A_1668 : i32
          %dma_wait3A_1670 = arith.constant 2 : i32
          %dma_wait3A_1671 = arith.constant 16 : i32
          %dma_wait3A_1672 = arith.constant 0 : i32
          %dma_wait3A_1673 = tpu.memref_slice %arg11[%dma_wait3A_1671, %dma_wait3A_1672] : memref<160x128xf32, #tpu.memory_space<vmem>> -> memref<8x128xf32, #tpu.memory_space<vmem>>
          %dma_wait3A_1674 = arith.constant 0 : i32
          %dma_wait3A_1675 = arith.constant 0 : i32
          %dma_wait3A_1676 = tpu.memref_slice %arg4[%add3A_1669, %dma_wait3A_1670, %add3A_12, %dma_wait3A_1674, %dma_wait3A_1675] : memref<50x4x128x8x128xf32, #tpu.memory_space<hbm>> -> memref<1x1x1x8x128xf32, #tpu.memory_space<hbm>>
          %dma_wait3A_1677 = tpu.memref_squeeze %dma_wait3A_1676 : memref<1x1x1x8x128xf32, #tpu.memory_space<hbm>> -> memref<8x128xf32, #tpu.memory_space<hbm>>
          %dma_wait3A_1678 = arith.constant 0 : i32
          %dma_wait3A_1679 = arith.constant 0 : i32
          %dma_wait3A_1680 = tpu.memref_slice %arg4[%add3A_1669, %dma_wait3A_1670, %add3A_12, %dma_wait3A_1678, %dma_wait3A_1679] : memref<50x4x128x8x128xf32, #tpu.memory_space<hbm>> -> memref<1x1x1x8x128xf32, #tpu.memory_space<hbm>>
          %dma_wait3A_1681 = tpu.memref_squeeze %dma_wait3A_1680 : memref<1x1x1x8x128xf32, #tpu.memory_space<hbm>> -> memref<8x128xf32, #tpu.memory_space<hbm>>
          %dma_wait3A_1682 = arith.constant 16 : i32
          %dma_wait3A_1683 = arith.constant 0 : i32
          %dma_wait3A_1684 = tpu.memref_slice %arg11[%dma_wait3A_1682, %dma_wait3A_1683] : memref<160x128xf32, #tpu.memory_space<vmem>> -> memref<8x128xf32, #tpu.memory_space<vmem>>
          tpu.wait_dma2 semaphore(%arg15 : memref<!tpu.dma_semaphore, #tpu.memory_space<semaphore_mem>>) src(%dma_wait3A_1684 : memref<8x128xf32, #tpu.memory_space<vmem>>) dst(%dma_wait3A_1681 : memref<8x128xf32, #tpu.memory_space<hbm>>)
          %add3A_1685 = arith.constant 0 : i32
          %add3A_1686 = arith.addi %mul3A_1633, %add3A_1685 : i32
          %dma_wait3A_1687 = arith.constant 3 : i32
          %dma_wait3A_1688 = arith.constant 24 : i32
          %dma_wait3A_1689 = arith.constant 0 : i32
          %dma_wait3A_1690 = tpu.memref_slice %arg11[%dma_wait3A_1688, %dma_wait3A_1689] : memref<160x128xf32, #tpu.memory_space<vmem>> -> memref<8x128xf32, #tpu.memory_space<vmem>>
          %dma_wait3A_1691 = arith.constant 0 : i32
          %dma_wait3A_1692 = arith.constant 0 : i32
          %dma_wait3A_1693 = tpu.memref_slice %arg4[%add3A_1686, %dma_wait3A_1687, %add3A_12, %dma_wait3A_1691, %dma_wait3A_1692] : memref<50x4x128x8x128xf32, #tpu.memory_space<hbm>> -> memref<1x1x1x8x128xf32, #tpu.memory_space<hbm>>
          %dma_wait3A_1694 = tpu.memref_squeeze %dma_wait3A_1693 : memref<1x1x1x8x128xf32, #tpu.memory_space<hbm>> -> memref<8x128xf32, #tpu.memory_space<hbm>>
          %dma_wait3A_1695 = arith.constant 0 : i32
          %dma_wait3A_1696 = arith.constant 0 : i32
          %dma_wait3A_1697 = tpu.memref_slice %arg4[%add3A_1686, %dma_wait3A_1687, %add3A_12, %dma_wait3A_1695, %dma_wait3A_1696] : memref<50x4x128x8x128xf32, #tpu.memory_space<hbm>> -> memref<1x1x1x8x128xf32, #tpu.memory_space<hbm>>
          %dma_wait3A_1698 = tpu.memref_squeeze %dma_wait3A_1697 : memref<1x1x1x8x128xf32, #tpu.memory_space<hbm>> -> memref<8x128xf32, #tpu.memory_space<hbm>>
          %dma_wait3A_1699 = arith.constant 24 : i32
          %dma_wait3A_1700 = arith.constant 0 : i32
          %dma_wait3A_1701 = tpu.memref_slice %arg11[%dma_wait3A_1699, %dma_wait3A_1700] : memref<160x128xf32, #tpu.memory_space<vmem>> -> memref<8x128xf32, #tpu.memory_space<vmem>>
          tpu.wait_dma2 semaphore(%arg15 : memref<!tpu.dma_semaphore, #tpu.memory_space<semaphore_mem>>) src(%dma_wait3A_1701 : memref<8x128xf32, #tpu.memory_space<vmem>>) dst(%dma_wait3A_1698 : memref<8x128xf32, #tpu.memory_space<hbm>>)
          %add3A_1702 = arith.constant 1 : i32
          %add3A_1703 = arith.addi %mul3A_1633, %add3A_1702 : i32
          %dma_wait3A_1704 = arith.constant 0 : i32
          %dma_wait3A_1705 = arith.constant 32 : i32
          %dma_wait3A_1706 = arith.constant 0 : i32
          %dma_wait3A_1707 = tpu.memref_slice %arg11[%dma_wait3A_1705, %dma_wait3A_1706] : memref<160x128xf32, #tpu.memory_space<vmem>> -> memref<8x128xf32, #tpu.memory_space<vmem>>
          %dma_wait3A_1708 = arith.constant 0 : i32
          %dma_wait3A_1709 = arith.constant 0 : i32
          %dma_wait3A_1710 = tpu.memref_slice %arg4[%add3A_1703, %dma_wait3A_1704, %add3A_12, %dma_wait3A_1708, %dma_wait3A_1709] : memref<50x4x128x8x128xf32, #tpu.memory_space<hbm>> -> memref<1x1x1x8x128xf32, #tpu.memory_space<hbm>>
          %dma_wait3A_1711 = tpu.memref_squeeze %dma_wait3A_1710 : memref<1x1x1x8x128xf32, #tpu.memory_space<hbm>> -> memref<8x128xf32, #tpu.memory_space<hbm>>
          %dma_wait3A_1712 = arith.constant 0 : i32
          %dma_wait3A_1713 = arith.constant 0 : i32
          %dma_wait3A_1714 = tpu.memref_slice %arg4[%add3A_1703, %dma_wait3A_1704, %add3A_12, %dma_wait3A_1712, %dma_wait3A_1713] : memref<50x4x128x8x128xf32, #tpu.memory_space<hbm>> -> memref<1x1x1x8x128xf32, #tpu.memory_space<hbm>>
          %dma_wait3A_1715 = tpu.memref_squeeze %dma_wait3A_1714 : memref<1x1x1x8x128xf32, #tpu.memory_space<hbm>> -> memref<8x128xf32, #tpu.memory_space<hbm>>
          %dma_wait3A_1716 = arith.constant 32 : i32
          %dma_wait3A_1717 = arith.constant 0 : i32
          %dma_wait3A_1718 = tpu.memref_slice %arg11[%dma_wait3A_1716, %dma_wait3A_1717] : memref<160x128xf32, #tpu.memory_space<vmem>> -> memref<8x128xf32, #tpu.memory_space<vmem>>
          tpu.wait_dma2 semaphore(%arg15 : memref<!tpu.dma_semaphore, #tpu.memory_space<semaphore_mem>>) src(%dma_wait3A_1718 : memref<8x128xf32, #tpu.memory_space<vmem>>) dst(%dma_wait3A_1715 : memref<8x128xf32, #tpu.memory_space<hbm>>)
          %add3A_1719 = arith.constant 1 : i32
          %add3A_1720 = arith.addi %mul3A_1633, %add3A_1719 : i32
          %dma_wait3A_1721 = arith.constant 1 : i32
          %dma_wait3A_1722 = arith.constant 40 : i32
          %dma_wait3A_1723 = arith.constant 0 : i32
          %dma_wait3A_1724 = tpu.memref_slice %arg11[%dma_wait3A_1722, %dma_wait3A_1723] : memref<160x128xf32, #tpu.memory_space<vmem>> -> memref<8x128xf32, #tpu.memory_space<vmem>>
          %dma_wait3A_1725 = arith.constant 0 : i32
          %dma_wait3A_1726 = arith.constant 0 : i32
          %dma_wait3A_1727 = tpu.memref_slice %arg4[%add3A_1720, %dma_wait3A_1721, %add3A_12, %dma_wait3A_1725, %dma_wait3A_1726] : memref<50x4x128x8x128xf32, #tpu.memory_space<hbm>> -> memref<1x1x1x8x128xf32, #tpu.memory_space<hbm>>
          %dma_wait3A_1728 = tpu.memref_squeeze %dma_wait3A_1727 : memref<1x1x1x8x128xf32, #tpu.memory_space<hbm>> -> memref<8x128xf32, #tpu.memory_space<hbm>>
          %dma_wait3A_1729 = arith.constant 0 : i32
          %dma_wait3A_1730 = arith.constant 0 : i32
          %dma_wait3A_1731 = tpu.memref_slice %arg4[%add3A_1720, %dma_wait3A_1721, %add3A_12, %dma_wait3A_1729, %dma_wait3A_1730] : memref<50x4x128x8x128xf32, #tpu.memory_space<hbm>> -> memref<1x1x1x8x128xf32, #tpu.memory_space<hbm>>
          %dma_wait3A_1732 = tpu.memref_squeeze %dma_wait3A_1731 : memref<1x1x1x8x128xf32, #tpu.memory_space<hbm>> -> memref<8x128xf32, #tpu.memory_space<hbm>>
          %dma_wait3A_1733 = arith.constant 40 : i32
          %dma_wait3A_1734 = arith.constant 0 : i32
          %dma_wait3A_1735 = tpu.memref_slice %arg11[%dma_wait3A_1733, %dma_wait3A_1734] : memref<160x128xf32, #tpu.memory_space<vmem>> -> memref<8x128xf32, #tpu.memory_space<vmem>>
          tpu.wait_dma2 semaphore(%arg15 : memref<!tpu.dma_semaphore, #tpu.memory_space<semaphore_mem>>) src(%dma_wait3A_1735 : memref<8x128xf32, #tpu.memory_space<vmem>>) dst(%dma_wait3A_1732 : memref<8x128xf32, #tpu.memory_space<hbm>>)
          %add3A_1736 = arith.constant 1 : i32
          %add3A_1737 = arith.addi %mul3A_1633, %add3A_1736 : i32
          %dma_wait3A_1738 = arith.constant 2 : i32
          %dma_wait3A_1739 = arith.constant 48 : i32
          %dma_wait3A_1740 = arith.constant 0 : i32
          %dma_wait3A_1741 = tpu.memref_slice %arg11[%dma_wait3A_1739, %dma_wait3A_1740] : memref<160x128xf32, #tpu.memory_space<vmem>> -> memref<8x128xf32, #tpu.memory_space<vmem>>
          %dma_wait3A_1742 = arith.constant 0 : i32
          %dma_wait3A_1743 = arith.constant 0 : i32
          %dma_wait3A_1744 = tpu.memref_slice %arg4[%add3A_1737, %dma_wait3A_1738, %add3A_12, %dma_wait3A_1742, %dma_wait3A_1743] : memref<50x4x128x8x128xf32, #tpu.memory_space<hbm>> -> memref<1x1x1x8x128xf32, #tpu.memory_space<hbm>>
          %dma_wait3A_1745 = tpu.memref_squeeze %dma_wait3A_1744 : memref<1x1x1x8x128xf32, #tpu.memory_space<hbm>> -> memref<8x128xf32, #tpu.memory_space<hbm>>
          %dma_wait3A_1746 = arith.constant 0 : i32
          %dma_wait3A_1747 = arith.constant 0 : i32
          %dma_wait3A_1748 = tpu.memref_slice %arg4[%add3A_1737, %dma_wait3A_1738, %add3A_12, %dma_wait3A_1746, %dma_wait3A_1747] : memref<50x4x128x8x128xf32, #tpu.memory_space<hbm>> -> memref<1x1x1x8x128xf32, #tpu.memory_space<hbm>>
          %dma_wait3A_1749 = tpu.memref_squeeze %dma_wait3A_1748 : memref<1x1x1x8x128xf32, #tpu.memory_space<hbm>> -> memref<8x128xf32, #tpu.memory_space<hbm>>
          %dma_wait3A_1750 = arith.constant 48 : i32
          %dma_wait3A_1751 = arith.constant 0 : i32
          %dma_wait3A_1752 = tpu.memref_slice %arg11[%dma_wait3A_1750, %dma_wait3A_1751] : memref<160x128xf32, #tpu.memory_space<vmem>> -> memref<8x128xf32, #tpu.memory_space<vmem>>
          tpu.wait_dma2 semaphore(%arg15 : memref<!tpu.dma_semaphore, #tpu.memory_space<semaphore_mem>>) src(%dma_wait3A_1752 : memref<8x128xf32, #tpu.memory_space<vmem>>) dst(%dma_wait3A_1749 : memref<8x128xf32, #tpu.memory_space<hbm>>)
          %add3A_1753 = arith.constant 1 : i32
          %add3A_1754 = arith.addi %mul3A_1633, %add3A_1753 : i32
          %dma_wait3A_1755 = arith.constant 3 : i32
          %dma_wait3A_1756 = arith.constant 56 : i32
          %dma_wait3A_1757 = arith.constant 0 : i32
          %dma_wait3A_1758 = tpu.memref_slice %arg11[%dma_wait3A_1756, %dma_wait3A_1757] : memref<160x128xf32, #tpu.memory_space<vmem>> -> memref<8x128xf32, #tpu.memory_space<vmem>>
          %dma_wait3A_1759 = arith.constant 0 : i32
          %dma_wait3A_1760 = arith.constant 0 : i32
          %dma_wait3A_1761 = tpu.memref_slice %arg4[%add3A_1754, %dma_wait3A_1755, %add3A_12, %dma_wait3A_1759, %dma_wait3A_1760] : memref<50x4x128x8x128xf32, #tpu.memory_space<hbm>> -> memref<1x1x1x8x128xf32, #tpu.memory_space<hbm>>
          %dma_wait3A_1762 = tpu.memref_squeeze %dma_wait3A_1761 : memref<1x1x1x8x128xf32, #tpu.memory_space<hbm>> -> memref<8x128xf32, #tpu.memory_space<hbm>>
          %dma_wait3A_1763 = arith.constant 0 : i32
          %dma_wait3A_1764 = arith.constant 0 : i32
          %dma_wait3A_1765 = tpu.memref_slice %arg4[%add3A_1754, %dma_wait3A_1755, %add3A_12, %dma_wait3A_1763, %dma_wait3A_1764] : memref<50x4x128x8x128xf32, #tpu.memory_space<hbm>> -> memref<1x1x1x8x128xf32, #tpu.memory_space<hbm>>
          %dma_wait3A_1766 = tpu.memref_squeeze %dma_wait3A_1765 : memref<1x1x1x8x128xf32, #tpu.memory_space<hbm>> -> memref<8x128xf32, #tpu.memory_space<hbm>>
          %dma_wait3A_1767 = arith.constant 56 : i32
          %dma_wait3A_1768 = arith.constant 0 : i32
          %dma_wait3A_1769 = tpu.memref_slice %arg11[%dma_wait3A_1767, %dma_wait3A_1768] : memref<160x128xf32, #tpu.memory_space<vmem>> -> memref<8x128xf32, #tpu.memory_space<vmem>>
          tpu.wait_dma2 semaphore(%arg15 : memref<!tpu.dma_semaphore, #tpu.memory_space<semaphore_mem>>) src(%dma_wait3A_1769 : memref<8x128xf32, #tpu.memory_space<vmem>>) dst(%dma_wait3A_1766 : memref<8x128xf32, #tpu.memory_space<hbm>>)
          %add3A_1770 = arith.constant 2 : i32
          %add3A_1771 = arith.addi %mul3A_1633, %add3A_1770 : i32
          %dma_wait3A_1772 = arith.constant 0 : i32
          %dma_wait3A_1773 = arith.constant 64 : i32
          %dma_wait3A_1774 = arith.constant 0 : i32
          %dma_wait3A_1775 = tpu.memref_slice %arg11[%dma_wait3A_1773, %dma_wait3A_1774] : memref<160x128xf32, #tpu.memory_space<vmem>> -> memref<8x128xf32, #tpu.memory_space<vmem>>
          %dma_wait3A_1776 = arith.constant 0 : i32
          %dma_wait3A_1777 = arith.constant 0 : i32
          %dma_wait3A_1778 = tpu.memref_slice %arg4[%add3A_1771, %dma_wait3A_1772, %add3A_12, %dma_wait3A_1776, %dma_wait3A_1777] : memref<50x4x128x8x128xf32, #tpu.memory_space<hbm>> -> memref<1x1x1x8x128xf32, #tpu.memory_space<hbm>>
          %dma_wait3A_1779 = tpu.memref_squeeze %dma_wait3A_1778 : memref<1x1x1x8x128xf32, #tpu.memory_space<hbm>> -> memref<8x128xf32, #tpu.memory_space<hbm>>
          %dma_wait3A_1780 = arith.constant 0 : i32
          %dma_wait3A_1781 = arith.constant 0 : i32
          %dma_wait3A_1782 = tpu.memref_slice %arg4[%add3A_1771, %dma_wait3A_1772, %add3A_12, %dma_wait3A_1780, %dma_wait3A_1781] : memref<50x4x128x8x128xf32, #tpu.memory_space<hbm>> -> memref<1x1x1x8x128xf32, #tpu.memory_space<hbm>>
          %dma_wait3A_1783 = tpu.memref_squeeze %dma_wait3A_1782 : memref<1x1x1x8x128xf32, #tpu.memory_space<hbm>> -> memref<8x128xf32, #tpu.memory_space<hbm>>
          %dma_wait3A_1784 = arith.constant 64 : i32
          %dma_wait3A_1785 = arith.constant 0 : i32
          %dma_wait3A_1786 = tpu.memref_slice %arg11[%dma_wait3A_1784, %dma_wait3A_1785] : memref<160x128xf32, #tpu.memory_space<vmem>> -> memref<8x128xf32, #tpu.memory_space<vmem>>
          tpu.wait_dma2 semaphore(%arg15 : memref<!tpu.dma_semaphore, #tpu.memory_space<semaphore_mem>>) src(%dma_wait3A_1786 : memref<8x128xf32, #tpu.memory_space<vmem>>) dst(%dma_wait3A_1783 : memref<8x128xf32, #tpu.memory_space<hbm>>)
          %add3A_1787 = arith.constant 2 : i32
          %add3A_1788 = arith.addi %mul3A_1633, %add3A_1787 : i32
          %dma_wait3A_1789 = arith.constant 1 : i32
          %dma_wait3A_1790 = arith.constant 72 : i32
          %dma_wait3A_1791 = arith.constant 0 : i32
          %dma_wait3A_1792 = tpu.memref_slice %arg11[%dma_wait3A_1790, %dma_wait3A_1791] : memref<160x128xf32, #tpu.memory_space<vmem>> -> memref<8x128xf32, #tpu.memory_space<vmem>>
          %dma_wait3A_1793 = arith.constant 0 : i32
          %dma_wait3A_1794 = arith.constant 0 : i32
          %dma_wait3A_1795 = tpu.memref_slice %arg4[%add3A_1788, %dma_wait3A_1789, %add3A_12, %dma_wait3A_1793, %dma_wait3A_1794] : memref<50x4x128x8x128xf32, #tpu.memory_space<hbm>> -> memref<1x1x1x8x128xf32, #tpu.memory_space<hbm>>
          %dma_wait3A_1796 = tpu.memref_squeeze %dma_wait3A_1795 : memref<1x1x1x8x128xf32, #tpu.memory_space<hbm>> -> memref<8x128xf32, #tpu.memory_space<hbm>>
          %dma_wait3A_1797 = arith.constant 0 : i32
          %dma_wait3A_1798 = arith.constant 0 : i32
          %dma_wait3A_1799 = tpu.memref_slice %arg4[%add3A_1788, %dma_wait3A_1789, %add3A_12, %dma_wait3A_1797, %dma_wait3A_1798] : memref<50x4x128x8x128xf32, #tpu.memory_space<hbm>> -> memref<1x1x1x8x128xf32, #tpu.memory_space<hbm>>
          %dma_wait3A_1800 = tpu.memref_squeeze %dma_wait3A_1799 : memref<1x1x1x8x128xf32, #tpu.memory_space<hbm>> -> memref<8x128xf32, #tpu.memory_space<hbm>>
          %dma_wait3A_1801 = arith.constant 72 : i32
          %dma_wait3A_1802 = arith.constant 0 : i32
          %dma_wait3A_1803 = tpu.memref_slice %arg11[%dma_wait3A_1801, %dma_wait3A_1802] : memref<160x128xf32, #tpu.memory_space<vmem>> -> memref<8x128xf32, #tpu.memory_space<vmem>>
          tpu.wait_dma2 semaphore(%arg15 : memref<!tpu.dma_semaphore, #tpu.memory_space<semaphore_mem>>) src(%dma_wait3A_1803 : memref<8x128xf32, #tpu.memory_space<vmem>>) dst(%dma_wait3A_1800 : memref<8x128xf32, #tpu.memory_space<hbm>>)
          %add3A_1804 = arith.constant 2 : i32
          %add3A_1805 = arith.addi %mul3A_1633, %add3A_1804 : i32
          %dma_wait3A_1806 = arith.constant 2 : i32
          %dma_wait3A_1807 = arith.constant 80 : i32
          %dma_wait3A_1808 = arith.constant 0 : i32
          %dma_wait3A_1809 = tpu.memref_slice %arg11[%dma_wait3A_1807, %dma_wait3A_1808] : memref<160x128xf32, #tpu.memory_space<vmem>> -> memref<8x128xf32, #tpu.memory_space<vmem>>
          %dma_wait3A_1810 = arith.constant 0 : i32
          %dma_wait3A_1811 = arith.constant 0 : i32
          %dma_wait3A_1812 = tpu.memref_slice %arg4[%add3A_1805, %dma_wait3A_1806, %add3A_12, %dma_wait3A_1810, %dma_wait3A_1811] : memref<50x4x128x8x128xf32, #tpu.memory_space<hbm>> -> memref<1x1x1x8x128xf32, #tpu.memory_space<hbm>>
          %dma_wait3A_1813 = tpu.memref_squeeze %dma_wait3A_1812 : memref<1x1x1x8x128xf32, #tpu.memory_space<hbm>> -> memref<8x128xf32, #tpu.memory_space<hbm>>
          %dma_wait3A_1814 = arith.constant 0 : i32
          %dma_wait3A_1815 = arith.constant 0 : i32
          %dma_wait3A_1816 = tpu.memref_slice %arg4[%add3A_1805, %dma_wait3A_1806, %add3A_12, %dma_wait3A_1814, %dma_wait3A_1815] : memref<50x4x128x8x128xf32, #tpu.memory_space<hbm>> -> memref<1x1x1x8x128xf32, #tpu.memory_space<hbm>>
          %dma_wait3A_1817 = tpu.memref_squeeze %dma_wait3A_1816 : memref<1x1x1x8x128xf32, #tpu.memory_space<hbm>> -> memref<8x128xf32, #tpu.memory_space<hbm>>
          %dma_wait3A_1818 = arith.constant 80 : i32
          %dma_wait3A_1819 = arith.constant 0 : i32
          %dma_wait3A_1820 = tpu.memref_slice %arg11[%dma_wait3A_1818, %dma_wait3A_1819] : memref<160x128xf32, #tpu.memory_space<vmem>> -> memref<8x128xf32, #tpu.memory_space<vmem>>
          tpu.wait_dma2 semaphore(%arg15 : memref<!tpu.dma_semaphore, #tpu.memory_space<semaphore_mem>>) src(%dma_wait3A_1820 : memref<8x128xf32, #tpu.memory_space<vmem>>) dst(%dma_wait3A_1817 : memref<8x128xf32, #tpu.memory_space<hbm>>)
          %add3A_1821 = arith.constant 2 : i32
          %add3A_1822 = arith.addi %mul3A_1633, %add3A_1821 : i32
          %dma_wait3A_1823 = arith.constant 3 : i32
          %dma_wait3A_1824 = arith.constant 88 : i32
          %dma_wait3A_1825 = arith.constant 0 : i32
          %dma_wait3A_1826 = tpu.memref_slice %arg11[%dma_wait3A_1824, %dma_wait3A_1825] : memref<160x128xf32, #tpu.memory_space<vmem>> -> memref<8x128xf32, #tpu.memory_space<vmem>>
          %dma_wait3A_1827 = arith.constant 0 : i32
          %dma_wait3A_1828 = arith.constant 0 : i32
          %dma_wait3A_1829 = tpu.memref_slice %arg4[%add3A_1822, %dma_wait3A_1823, %add3A_12, %dma_wait3A_1827, %dma_wait3A_1828] : memref<50x4x128x8x128xf32, #tpu.memory_space<hbm>> -> memref<1x1x1x8x128xf32, #tpu.memory_space<hbm>>
          %dma_wait3A_1830 = tpu.memref_squeeze %dma_wait3A_1829 : memref<1x1x1x8x128xf32, #tpu.memory_space<hbm>> -> memref<8x128xf32, #tpu.memory_space<hbm>>
          %dma_wait3A_1831 = arith.constant 0 : i32
          %dma_wait3A_1832 = arith.constant 0 : i32
          %dma_wait3A_1833 = tpu.memref_slice %arg4[%add3A_1822, %dma_wait3A_1823, %add3A_12, %dma_wait3A_1831, %dma_wait3A_1832] : memref<50x4x128x8x128xf32, #tpu.memory_space<hbm>> -> memref<1x1x1x8x128xf32, #tpu.memory_space<hbm>>
          %dma_wait3A_1834 = tpu.memref_squeeze %dma_wait3A_1833 : memref<1x1x1x8x128xf32, #tpu.memory_space<hbm>> -> memref<8x128xf32, #tpu.memory_space<hbm>>
          %dma_wait3A_1835 = arith.constant 88 : i32
          %dma_wait3A_1836 = arith.constant 0 : i32
          %dma_wait3A_1837 = tpu.memref_slice %arg11[%dma_wait3A_1835, %dma_wait3A_1836] : memref<160x128xf32, #tpu.memory_space<vmem>> -> memref<8x128xf32, #tpu.memory_space<vmem>>
          tpu.wait_dma2 semaphore(%arg15 : memref<!tpu.dma_semaphore, #tpu.memory_space<semaphore_mem>>) src(%dma_wait3A_1837 : memref<8x128xf32, #tpu.memory_space<vmem>>) dst(%dma_wait3A_1834 : memref<8x128xf32, #tpu.memory_space<hbm>>)
          %add3A_1838 = arith.constant 3 : i32
          %add3A_1839 = arith.addi %mul3A_1633, %add3A_1838 : i32
          %dma_wait3A_1840 = arith.constant 0 : i32
          %dma_wait3A_1841 = arith.constant 96 : i32
          %dma_wait3A_1842 = arith.constant 0 : i32
          %dma_wait3A_1843 = tpu.memref_slice %arg11[%dma_wait3A_1841, %dma_wait3A_1842] : memref<160x128xf32, #tpu.memory_space<vmem>> -> memref<8x128xf32, #tpu.memory_space<vmem>>
          %dma_wait3A_1844 = arith.constant 0 : i32
          %dma_wait3A_1845 = arith.constant 0 : i32
          %dma_wait3A_1846 = tpu.memref_slice %arg4[%add3A_1839, %dma_wait3A_1840, %add3A_12, %dma_wait3A_1844, %dma_wait3A_1845] : memref<50x4x128x8x128xf32, #tpu.memory_space<hbm>> -> memref<1x1x1x8x128xf32, #tpu.memory_space<hbm>>
          %dma_wait3A_1847 = tpu.memref_squeeze %dma_wait3A_1846 : memref<1x1x1x8x128xf32, #tpu.memory_space<hbm>> -> memref<8x128xf32, #tpu.memory_space<hbm>>
          %dma_wait3A_1848 = arith.constant 0 : i32
          %dma_wait3A_1849 = arith.constant 0 : i32
          %dma_wait3A_1850 = tpu.memref_slice %arg4[%add3A_1839, %dma_wait3A_1840, %add3A_12, %dma_wait3A_1848, %dma_wait3A_1849] : memref<50x4x128x8x128xf32, #tpu.memory_space<hbm>> -> memref<1x1x1x8x128xf32, #tpu.memory_space<hbm>>
          %dma_wait3A_1851 = tpu.memref_squeeze %dma_wait3A_1850 : memref<1x1x1x8x128xf32, #tpu.memory_space<hbm>> -> memref<8x128xf32, #tpu.memory_space<hbm>>
          %dma_wait3A_1852 = arith.constant 96 : i32
          %dma_wait3A_1853 = arith.constant 0 : i32
          %dma_wait3A_1854 = tpu.memref_slice %arg11[%dma_wait3A_1852, %dma_wait3A_1853] : memref<160x128xf32, #tpu.memory_space<vmem>> -> memref<8x128xf32, #tpu.memory_space<vmem>>
          tpu.wait_dma2 semaphore(%arg15 : memref<!tpu.dma_semaphore, #tpu.memory_space<semaphore_mem>>) src(%dma_wait3A_1854 : memref<8x128xf32, #tpu.memory_space<vmem>>) dst(%dma_wait3A_1851 : memref<8x128xf32, #tpu.memory_space<hbm>>)
          %add3A_1855 = arith.constant 3 : i32
          %add3A_1856 = arith.addi %mul3A_1633, %add3A_1855 : i32
          %dma_wait3A_1857 = arith.constant 1 : i32
          %dma_wait3A_1858 = arith.constant 104 : i32
          %dma_wait3A_1859 = arith.constant 0 : i32
          %dma_wait3A_1860 = tpu.memref_slice %arg11[%dma_wait3A_1858, %dma_wait3A_1859] : memref<160x128xf32, #tpu.memory_space<vmem>> -> memref<8x128xf32, #tpu.memory_space<vmem>>
          %dma_wait3A_1861 = arith.constant 0 : i32
          %dma_wait3A_1862 = arith.constant 0 : i32
          %dma_wait3A_1863 = tpu.memref_slice %arg4[%add3A_1856, %dma_wait3A_1857, %add3A_12, %dma_wait3A_1861, %dma_wait3A_1862] : memref<50x4x128x8x128xf32, #tpu.memory_space<hbm>> -> memref<1x1x1x8x128xf32, #tpu.memory_space<hbm>>
          %dma_wait3A_1864 = tpu.memref_squeeze %dma_wait3A_1863 : memref<1x1x1x8x128xf32, #tpu.memory_space<hbm>> -> memref<8x128xf32, #tpu.memory_space<hbm>>
          %dma_wait3A_1865 = arith.constant 0 : i32
          %dma_wait3A_1866 = arith.constant 0 : i32
          %dma_wait3A_1867 = tpu.memref_slice %arg4[%add3A_1856, %dma_wait3A_1857, %add3A_12, %dma_wait3A_1865, %dma_wait3A_1866] : memref<50x4x128x8x128xf32, #tpu.memory_space<hbm>> -> memref<1x1x1x8x128xf32, #tpu.memory_space<hbm>>
          %dma_wait3A_1868 = tpu.memref_squeeze %dma_wait3A_1867 : memref<1x1x1x8x128xf32, #tpu.memory_space<hbm>> -> memref<8x128xf32, #tpu.memory_space<hbm>>
          %dma_wait3A_1869 = arith.constant 104 : i32
          %dma_wait3A_1870 = arith.constant 0 : i32
          %dma_wait3A_1871 = tpu.memref_slice %arg11[%dma_wait3A_1869, %dma_wait3A_1870] : memref<160x128xf32, #tpu.memory_space<vmem>> -> memref<8x128xf32, #tpu.memory_space<vmem>>
          tpu.wait_dma2 semaphore(%arg15 : memref<!tpu.dma_semaphore, #tpu.memory_space<semaphore_mem>>) src(%dma_wait3A_1871 : memref<8x128xf32, #tpu.memory_space<vmem>>) dst(%dma_wait3A_1868 : memref<8x128xf32, #tpu.memory_space<hbm>>)
          %add3A_1872 = arith.constant 3 : i32
          %add3A_1873 = arith.addi %mul3A_1633, %add3A_1872 : i32
          %dma_wait3A_1874 = arith.constant 2 : i32
          %dma_wait3A_1875 = arith.constant 112 : i32
          %dma_wait3A_1876 = arith.constant 0 : i32
          %dma_wait3A_1877 = tpu.memref_slice %arg11[%dma_wait3A_1875, %dma_wait3A_1876] : memref<160x128xf32, #tpu.memory_space<vmem>> -> memref<8x128xf32, #tpu.memory_space<vmem>>
          %dma_wait3A_1878 = arith.constant 0 : i32
          %dma_wait3A_1879 = arith.constant 0 : i32
          %dma_wait3A_1880 = tpu.memref_slice %arg4[%add3A_1873, %dma_wait3A_1874, %add3A_12, %dma_wait3A_1878, %dma_wait3A_1879] : memref<50x4x128x8x128xf32, #tpu.memory_space<hbm>> -> memref<1x1x1x8x128xf32, #tpu.memory_space<hbm>>
          %dma_wait3A_1881 = tpu.memref_squeeze %dma_wait3A_1880 : memref<1x1x1x8x128xf32, #tpu.memory_space<hbm>> -> memref<8x128xf32, #tpu.memory_space<hbm>>
          %dma_wait3A_1882 = arith.constant 0 : i32
          %dma_wait3A_1883 = arith.constant 0 : i32
          %dma_wait3A_1884 = tpu.memref_slice %arg4[%add3A_1873, %dma_wait3A_1874, %add3A_12, %dma_wait3A_1882, %dma_wait3A_1883] : memref<50x4x128x8x128xf32, #tpu.memory_space<hbm>> -> memref<1x1x1x8x128xf32, #tpu.memory_space<hbm>>
          %dma_wait3A_1885 = tpu.memref_squeeze %dma_wait3A_1884 : memref<1x1x1x8x128xf32, #tpu.memory_space<hbm>> -> memref<8x128xf32, #tpu.memory_space<hbm>>
          %dma_wait3A_1886 = arith.constant 112 : i32
          %dma_wait3A_1887 = arith.constant 0 : i32
          %dma_wait3A_1888 = tpu.memref_slice %arg11[%dma_wait3A_1886, %dma_wait3A_1887] : memref<160x128xf32, #tpu.memory_space<vmem>> -> memref<8x128xf32, #tpu.memory_space<vmem>>
          tpu.wait_dma2 semaphore(%arg15 : memref<!tpu.dma_semaphore, #tpu.memory_space<semaphore_mem>>) src(%dma_wait3A_1888 : memref<8x128xf32, #tpu.memory_space<vmem>>) dst(%dma_wait3A_1885 : memref<8x128xf32, #tpu.memory_space<hbm>>)
          %add3A_1889 = arith.constant 3 : i32
          %add3A_1890 = arith.addi %mul3A_1633, %add3A_1889 : i32
          %dma_wait3A_1891 = arith.constant 3 : i32
          %dma_wait3A_1892 = arith.constant 120 : i32
          %dma_wait3A_1893 = arith.constant 0 : i32
          %dma_wait3A_1894 = tpu.memref_slice %arg11[%dma_wait3A_1892, %dma_wait3A_1893] : memref<160x128xf32, #tpu.memory_space<vmem>> -> memref<8x128xf32, #tpu.memory_space<vmem>>
          %dma_wait3A_1895 = arith.constant 0 : i32
          %dma_wait3A_1896 = arith.constant 0 : i32
          %dma_wait3A_1897 = tpu.memref_slice %arg4[%add3A_1890, %dma_wait3A_1891, %add3A_12, %dma_wait3A_1895, %dma_wait3A_1896] : memref<50x4x128x8x128xf32, #tpu.memory_space<hbm>> -> memref<1x1x1x8x128xf32, #tpu.memory_space<hbm>>
          %dma_wait3A_1898 = tpu.memref_squeeze %dma_wait3A_1897 : memref<1x1x1x8x128xf32, #tpu.memory_space<hbm>> -> memref<8x128xf32, #tpu.memory_space<hbm>>
          %dma_wait3A_1899 = arith.constant 0 : i32
          %dma_wait3A_1900 = arith.constant 0 : i32
          %dma_wait3A_1901 = tpu.memref_slice %arg4[%add3A_1890, %dma_wait3A_1891, %add3A_12, %dma_wait3A_1899, %dma_wait3A_1900] : memref<50x4x128x8x128xf32, #tpu.memory_space<hbm>> -> memref<1x1x1x8x128xf32, #tpu.memory_space<hbm>>
          %dma_wait3A_1902 = tpu.memref_squeeze %dma_wait3A_1901 : memref<1x1x1x8x128xf32, #tpu.memory_space<hbm>> -> memref<8x128xf32, #tpu.memory_space<hbm>>
          %dma_wait3A_1903 = arith.constant 120 : i32
          %dma_wait3A_1904 = arith.constant 0 : i32
          %dma_wait3A_1905 = tpu.memref_slice %arg11[%dma_wait3A_1903, %dma_wait3A_1904] : memref<160x128xf32, #tpu.memory_space<vmem>> -> memref<8x128xf32, #tpu.memory_space<vmem>>
          tpu.wait_dma2 semaphore(%arg15 : memref<!tpu.dma_semaphore, #tpu.memory_space<semaphore_mem>>) src(%dma_wait3A_1905 : memref<8x128xf32, #tpu.memory_space<vmem>>) dst(%dma_wait3A_1902 : memref<8x128xf32, #tpu.memory_space<hbm>>)
          %add3A_1906 = arith.constant 4 : i32
          %add3A_1907 = arith.addi %mul3A_1633, %add3A_1906 : i32
          %dma_wait3A_1908 = arith.constant 0 : i32
          %dma_wait3A_1909 = arith.constant 128 : i32
          %dma_wait3A_1910 = arith.constant 0 : i32
          %dma_wait3A_1911 = tpu.memref_slice %arg11[%dma_wait3A_1909, %dma_wait3A_1910] : memref<160x128xf32, #tpu.memory_space<vmem>> -> memref<8x128xf32, #tpu.memory_space<vmem>>
          %dma_wait3A_1912 = arith.constant 0 : i32
          %dma_wait3A_1913 = arith.constant 0 : i32
          %dma_wait3A_1914 = tpu.memref_slice %arg4[%add3A_1907, %dma_wait3A_1908, %add3A_12, %dma_wait3A_1912, %dma_wait3A_1913] : memref<50x4x128x8x128xf32, #tpu.memory_space<hbm>> -> memref<1x1x1x8x128xf32, #tpu.memory_space<hbm>>
          %dma_wait3A_1915 = tpu.memref_squeeze %dma_wait3A_1914 : memref<1x1x1x8x128xf32, #tpu.memory_space<hbm>> -> memref<8x128xf32, #tpu.memory_space<hbm>>
          %dma_wait3A_1916 = arith.constant 0 : i32
          %dma_wait3A_1917 = arith.constant 0 : i32
          %dma_wait3A_1918 = tpu.memref_slice %arg4[%add3A_1907, %dma_wait3A_1908, %add3A_12, %dma_wait3A_1916, %dma_wait3A_1917] : memref<50x4x128x8x128xf32, #tpu.memory_space<hbm>> -> memref<1x1x1x8x128xf32, #tpu.memory_space<hbm>>
          %dma_wait3A_1919 = tpu.memref_squeeze %dma_wait3A_1918 : memref<1x1x1x8x128xf32, #tpu.memory_space<hbm>> -> memref<8x128xf32, #tpu.memory_space<hbm>>
          %dma_wait3A_1920 = arith.constant 128 : i32
          %dma_wait3A_1921 = arith.constant 0 : i32
          %dma_wait3A_1922 = tpu.memref_slice %arg11[%dma_wait3A_1920, %dma_wait3A_1921] : memref<160x128xf32, #tpu.memory_space<vmem>> -> memref<8x128xf32, #tpu.memory_space<vmem>>
          tpu.wait_dma2 semaphore(%arg15 : memref<!tpu.dma_semaphore, #tpu.memory_space<semaphore_mem>>) src(%dma_wait3A_1922 : memref<8x128xf32, #tpu.memory_space<vmem>>) dst(%dma_wait3A_1919 : memref<8x128xf32, #tpu.memory_space<hbm>>)
          %add3A_1923 = arith.constant 4 : i32
          %add3A_1924 = arith.addi %mul3A_1633, %add3A_1923 : i32
          %dma_wait3A_1925 = arith.constant 1 : i32
          %dma_wait3A_1926 = arith.constant 136 : i32
          %dma_wait3A_1927 = arith.constant 0 : i32
          %dma_wait3A_1928 = tpu.memref_slice %arg11[%dma_wait3A_1926, %dma_wait3A_1927] : memref<160x128xf32, #tpu.memory_space<vmem>> -> memref<8x128xf32, #tpu.memory_space<vmem>>
          %dma_wait3A_1929 = arith.constant 0 : i32
          %dma_wait3A_1930 = arith.constant 0 : i32
          %dma_wait3A_1931 = tpu.memref_slice %arg4[%add3A_1924, %dma_wait3A_1925, %add3A_12, %dma_wait3A_1929, %dma_wait3A_1930] : memref<50x4x128x8x128xf32, #tpu.memory_space<hbm>> -> memref<1x1x1x8x128xf32, #tpu.memory_space<hbm>>
          %dma_wait3A_1932 = tpu.memref_squeeze %dma_wait3A_1931 : memref<1x1x1x8x128xf32, #tpu.memory_space<hbm>> -> memref<8x128xf32, #tpu.memory_space<hbm>>
          %dma_wait3A_1933 = arith.constant 0 : i32
          %dma_wait3A_1934 = arith.constant 0 : i32
          %dma_wait3A_1935 = tpu.memref_slice %arg4[%add3A_1924, %dma_wait3A_1925, %add3A_12, %dma_wait3A_1933, %dma_wait3A_1934] : memref<50x4x128x8x128xf32, #tpu.memory_space<hbm>> -> memref<1x1x1x8x128xf32, #tpu.memory_space<hbm>>
          %dma_wait3A_1936 = tpu.memref_squeeze %dma_wait3A_1935 : memref<1x1x1x8x128xf32, #tpu.memory_space<hbm>> -> memref<8x128xf32, #tpu.memory_space<hbm>>
          %dma_wait3A_1937 = arith.constant 136 : i32
          %dma_wait3A_1938 = arith.constant 0 : i32
          %dma_wait3A_1939 = tpu.memref_slice %arg11[%dma_wait3A_1937, %dma_wait3A_1938] : memref<160x128xf32, #tpu.memory_space<vmem>> -> memref<8x128xf32, #tpu.memory_space<vmem>>
          tpu.wait_dma2 semaphore(%arg15 : memref<!tpu.dma_semaphore, #tpu.memory_space<semaphore_mem>>) src(%dma_wait3A_1939 : memref<8x128xf32, #tpu.memory_space<vmem>>) dst(%dma_wait3A_1936 : memref<8x128xf32, #tpu.memory_space<hbm>>)
          %add3A_1940 = arith.constant 4 : i32
          %add3A_1941 = arith.addi %mul3A_1633, %add3A_1940 : i32
          %dma_wait3A_1942 = arith.constant 2 : i32
          %dma_wait3A_1943 = arith.constant 144 : i32
          %dma_wait3A_1944 = arith.constant 0 : i32
          %dma_wait3A_1945 = tpu.memref_slice %arg11[%dma_wait3A_1943, %dma_wait3A_1944] : memref<160x128xf32, #tpu.memory_space<vmem>> -> memref<8x128xf32, #tpu.memory_space<vmem>>
          %dma_wait3A_1946 = arith.constant 0 : i32
          %dma_wait3A_1947 = arith.constant 0 : i32
          %dma_wait3A_1948 = tpu.memref_slice %arg4[%add3A_1941, %dma_wait3A_1942, %add3A_12, %dma_wait3A_1946, %dma_wait3A_1947] : memref<50x4x128x8x128xf32, #tpu.memory_space<hbm>> -> memref<1x1x1x8x128xf32, #tpu.memory_space<hbm>>
          %dma_wait3A_1949 = tpu.memref_squeeze %dma_wait3A_1948 : memref<1x1x1x8x128xf32, #tpu.memory_space<hbm>> -> memref<8x128xf32, #tpu.memory_space<hbm>>
          %dma_wait3A_1950 = arith.constant 0 : i32
          %dma_wait3A_1951 = arith.constant 0 : i32
          %dma_wait3A_1952 = tpu.memref_slice %arg4[%add3A_1941, %dma_wait3A_1942, %add3A_12, %dma_wait3A_1950, %dma_wait3A_1951] : memref<50x4x128x8x128xf32, #tpu.memory_space<hbm>> -> memref<1x1x1x8x128xf32, #tpu.memory_space<hbm>>
          %dma_wait3A_1953 = tpu.memref_squeeze %dma_wait3A_1952 : memref<1x1x1x8x128xf32, #tpu.memory_space<hbm>> -> memref<8x128xf32, #tpu.memory_space<hbm>>
          %dma_wait3A_1954 = arith.constant 144 : i32
          %dma_wait3A_1955 = arith.constant 0 : i32
          %dma_wait3A_1956 = tpu.memref_slice %arg11[%dma_wait3A_1954, %dma_wait3A_1955] : memref<160x128xf32, #tpu.memory_space<vmem>> -> memref<8x128xf32, #tpu.memory_space<vmem>>
          tpu.wait_dma2 semaphore(%arg15 : memref<!tpu.dma_semaphore, #tpu.memory_space<semaphore_mem>>) src(%dma_wait3A_1956 : memref<8x128xf32, #tpu.memory_space<vmem>>) dst(%dma_wait3A_1953 : memref<8x128xf32, #tpu.memory_space<hbm>>)
          %add3A_1957 = arith.constant 4 : i32
          %add3A_1958 = arith.addi %mul3A_1633, %add3A_1957 : i32
          %dma_wait3A_1959 = arith.constant 3 : i32
          %dma_wait3A_1960 = arith.constant 152 : i32
          %dma_wait3A_1961 = arith.constant 0 : i32
          %dma_wait3A_1962 = tpu.memref_slice %arg11[%dma_wait3A_1960, %dma_wait3A_1961] : memref<160x128xf32, #tpu.memory_space<vmem>> -> memref<8x128xf32, #tpu.memory_space<vmem>>
          %dma_wait3A_1963 = arith.constant 0 : i32
          %dma_wait3A_1964 = arith.constant 0 : i32
          %dma_wait3A_1965 = tpu.memref_slice %arg4[%add3A_1958, %dma_wait3A_1959, %add3A_12, %dma_wait3A_1963, %dma_wait3A_1964] : memref<50x4x128x8x128xf32, #tpu.memory_space<hbm>> -> memref<1x1x1x8x128xf32, #tpu.memory_space<hbm>>
          %dma_wait3A_1966 = tpu.memref_squeeze %dma_wait3A_1965 : memref<1x1x1x8x128xf32, #tpu.memory_space<hbm>> -> memref<8x128xf32, #tpu.memory_space<hbm>>
          %dma_wait3A_1967 = arith.constant 0 : i32
          %dma_wait3A_1968 = arith.constant 0 : i32
          %dma_wait3A_1969 = tpu.memref_slice %arg4[%add3A_1958, %dma_wait3A_1959, %add3A_12, %dma_wait3A_1967, %dma_wait3A_1968] : memref<50x4x128x8x128xf32, #tpu.memory_space<hbm>> -> memref<1x1x1x8x128xf32, #tpu.memory_space<hbm>>
          %dma_wait3A_1970 = tpu.memref_squeeze %dma_wait3A_1969 : memref<1x1x1x8x128xf32, #tpu.memory_space<hbm>> -> memref<8x128xf32, #tpu.memory_space<hbm>>
          %dma_wait3A_1971 = arith.constant 152 : i32
          %dma_wait3A_1972 = arith.constant 0 : i32
          %dma_wait3A_1973 = tpu.memref_slice %arg11[%dma_wait3A_1971, %dma_wait3A_1972] : memref<160x128xf32, #tpu.memory_space<vmem>> -> memref<8x128xf32, #tpu.memory_space<vmem>>
          tpu.wait_dma2 semaphore(%arg15 : memref<!tpu.dma_semaphore, #tpu.memory_space<semaphore_mem>>) src(%dma_wait3A_1973 : memref<8x128xf32, #tpu.memory_space<vmem>>) dst(%dma_wait3A_1970 : memref<8x128xf32, #tpu.memory_space<hbm>>)
        } else {
        }
        %add3A_1273 = arith.constant 1 : i32
        %add3A_1274 = arith.addi %add3A_1267, %add3A_1273 : i32
        %lt3A_1275 = arith.constant 10 : i32
        %lt3A_1276 = arith.cmpi slt, %add3A_1274, %lt3A_1275 : i32
        %convert_element_type3A_1277 = arith.extui %lt3A_1276 : i1 to i32
        %cond3A_1278 = arith.constant 0 : i32
        %cond3A_1279 = arith.cmpi ne, %convert_element_type3A_1277, %cond3A_1278 : i32
        scf.if %cond3A_1279 {
          %add3A_1631 = arith.constant 1 : i32
          %add3A_1632 = arith.addi %add3A_1267, %add3A_1631 : i32
          %mul3A_1633 = arith.constant 5 : i32
          %mul3A_1634 = arith.muli %add3A_1632, %mul3A_1633 : i32
          %add3A_1635 = arith.constant 0 : i32
          %add3A_1636 = arith.addi %add3A_1635, %mul3A_1634 : i32
          %add3A_1637 = arith.constant 0 : i32
          %add3A_1638 = arith.addi %add3A_1636, %add3A_1637 : i32
          %add3A_1639 = vector.broadcast %add3A_1638 : i32 to vector<16xi32>
          %add3A_1640 = arith.addi %mul3A_3, %add3A_1639 : vector<16xi32>
          %gather3A_1641 = tpu.vector_load_idx %arg5[%add3A_1640] : memref<6400xi32, #tpu.memory_space<vmem>>[vector<16xi32>], vector<16xi32>,
          %swap3A_1642 = arith.constant 0 : index
          %swap3A_1643 = tpu.vector_load %arg6[%swap3A_1642] {strides = array<i32>} : memref<640xi32, #tpu.memory_space<vmem>>, vector<16xi32>,
          tpu.vector_store %arg6[%swap3A_1642], %gather3A_1641 {strides = array<i32>} : memref<640xi32, #tpu.memory_space<vmem>>, vector<16xi32>,
          %add3A_1644 = arith.constant 800 : i32
          %add3A_1645 = arith.addi %add3A_1644, %mul3A_1634 : i32
          %add3A_1646 = arith.constant 0 : i32
          %add3A_1647 = arith.addi %add3A_1645, %add3A_1646 : i32
          %add3A_1648 = vector.broadcast %add3A_1647 : i32 to vector<16xi32>
          %add3A_1649 = arith.addi %mul3A_3, %add3A_1648 : vector<16xi32>
          %gather3A_1650 = tpu.vector_load_idx %arg5[%add3A_1649] : memref<6400xi32, #tpu.memory_space<vmem>>[vector<16xi32>], vector<16xi32>,
          %swap3A_1651 = arith.constant 16 : index
          %swap3A_1652 = tpu.vector_load %arg6[%swap3A_1651] {strides = array<i32>} : memref<640xi32, #tpu.memory_space<vmem>>, vector<16xi32>,
          tpu.vector_store %arg6[%swap3A_1651], %gather3A_1650 {strides = array<i32>} : memref<640xi32, #tpu.memory_space<vmem>>, vector<16xi32>,
          %add3A_1653 = arith.constant 1600 : i32
          %add3A_1654 = arith.addi %add3A_1653, %mul3A_1634 : i32
          %add3A_1655 = arith.constant 0 : i32
          %add3A_1656 = arith.addi %add3A_1654, %add3A_1655 : i32
          %add3A_1657 = vector.broadcast %add3A_1656 : i32 to vector<16xi32>
          %add3A_1658 = arith.addi %mul3A_3, %add3A_1657 : vector<16xi32>
          %gather3A_1659 = tpu.vector_load_idx %arg5[%add3A_1658] : memref<6400xi32, #tpu.memory_space<vmem>>[vector<16xi32>], vector<16xi32>,
          %swap3A_1660 = arith.constant 32 : index
          %swap3A_1661 = tpu.vector_load %arg6[%swap3A_1660] {strides = array<i32>} : memref<640xi32, #tpu.memory_space<vmem>>, vector<16xi32>,
          tpu.vector_store %arg6[%swap3A_1660], %gather3A_1659 {strides = array<i32>} : memref<640xi32, #tpu.memory_space<vmem>>, vector<16xi32>,
          %add3A_1662 = arith.constant 2400 : i32
          %add3A_1663 = arith.addi %add3A_1662, %mul3A_1634 : i32
          %add3A_1664 = arith.constant 0 : i32
          %add3A_1665 = arith.addi %add3A_1663, %add3A_1664 : i32
          %add3A_1666 = vector.broadcast %add3A_1665 : i32 to vector<16xi32>
          %add3A_1667 = arith.addi %mul3A_3, %add3A_1666 : vector<16xi32>
          %gather3A_1668 = tpu.vector_load_idx %arg5[%add3A_1667] : memref<6400xi32, #tpu.memory_space<vmem>>[vector<16xi32>], vector<16xi32>,
          %swap3A_1669 = arith.constant 48 : index
          %swap3A_1670 = tpu.vector_load %arg6[%swap3A_1669] {strides = array<i32>} : memref<640xi32, #tpu.memory_space<vmem>>, vector<16xi32>,
          tpu.vector_store %arg6[%swap3A_1669], %gather3A_1668 {strides = array<i32>} : memref<640xi32, #tpu.memory_space<vmem>>, vector<16xi32>,
          %add3A_1671 = arith.constant 3200 : i32
          %add3A_1672 = arith.addi %add3A_1671, %mul3A_1634 : i32
          %add3A_1673 = arith.constant 0 : i32
          %add3A_1674 = arith.addi %add3A_1672, %add3A_1673 : i32
          %add3A_1675 = vector.broadcast %add3A_1674 : i32 to vector<16xi32>
          %add3A_1676 = arith.addi %mul3A_3, %add3A_1675 : vector<16xi32>
          %gather3A_1677 = tpu.vector_load_idx %arg5[%add3A_1676] : memref<6400xi32, #tpu.memory_space<vmem>>[vector<16xi32>], vector<16xi32>,
          %swap3A_1678 = arith.constant 64 : index
          %swap3A_1679 = tpu.vector_load %arg6[%swap3A_1678] {strides = array<i32>} : memref<640xi32, #tpu.memory_space<vmem>>, vector<16xi32>,
          tpu.vector_store %arg6[%swap3A_1678], %gather3A_1677 {strides = array<i32>} : memref<640xi32, #tpu.memory_space<vmem>>, vector<16xi32>,
          %add3A_1680 = arith.constant 4000 : i32
          %add3A_1681 = arith.addi %add3A_1680, %mul3A_1634 : i32
          %add3A_1682 = arith.constant 0 : i32
          %add3A_1683 = arith.addi %add3A_1681, %add3A_1682 : i32
          %add3A_1684 = vector.broadcast %add3A_1683 : i32 to vector<16xi32>
          %add3A_1685 = arith.addi %mul3A_3, %add3A_1684 : vector<16xi32>
          %gather3A_1686 = tpu.vector_load_idx %arg5[%add3A_1685] : memref<6400xi32, #tpu.memory_space<vmem>>[vector<16xi32>], vector<16xi32>,
          %swap3A_1687 = arith.constant 80 : index
          %swap3A_1688 = tpu.vector_load %arg6[%swap3A_1687] {strides = array<i32>} : memref<640xi32, #tpu.memory_space<vmem>>, vector<16xi32>,
          tpu.vector_store %arg6[%swap3A_1687], %gather3A_1686 {strides = array<i32>} : memref<640xi32, #tpu.memory_space<vmem>>, vector<16xi32>,
          %add3A_1689 = arith.constant 4800 : i32
          %add3A_1690 = arith.addi %add3A_1689, %mul3A_1634 : i32
          %add3A_1691 = arith.constant 0 : i32
          %add3A_1692 = arith.addi %add3A_1690, %add3A_1691 : i32
          %add3A_1693 = vector.broadcast %add3A_1692 : i32 to vector<16xi32>
          %add3A_1694 = arith.addi %mul3A_3, %add3A_1693 : vector<16xi32>
          %gather3A_1695 = tpu.vector_load_idx %arg5[%add3A_1694] : memref<6400xi32, #tpu.memory_space<vmem>>[vector<16xi32>], vector<16xi32>,
          %swap3A_1696 = arith.constant 96 : index
          %swap3A_1697 = tpu.vector_load %arg6[%swap3A_1696] {strides = array<i32>} : memref<640xi32, #tpu.memory_space<vmem>>, vector<16xi32>,
          tpu.vector_store %arg6[%swap3A_1696], %gather3A_1695 {strides = array<i32>} : memref<640xi32, #tpu.memory_space<vmem>>, vector<16xi32>,
          %add3A_1698 = arith.constant 5600 : i32
          %add3A_1699 = arith.addi %add3A_1698, %mul3A_1634 : i32
          %add3A_1700 = arith.constant 0 : i32
          %add3A_1701 = arith.addi %add3A_1699, %add3A_1700 : i32
          %add3A_1702 = vector.broadcast %add3A_1701 : i32 to vector<16xi32>
          %add3A_1703 = arith.addi %mul3A_3, %add3A_1702 : vector<16xi32>
          %gather3A_1704 = tpu.vector_load_idx %arg5[%add3A_1703] : memref<6400xi32, #tpu.memory_space<vmem>>[vector<16xi32>], vector<16xi32>,
          %swap3A_1705 = arith.constant 112 : index
          %swap3A_1706 = tpu.vector_load %arg6[%swap3A_1705] {strides = array<i32>} : memref<640xi32, #tpu.memory_space<vmem>>, vector<16xi32>,
          tpu.vector_store %arg6[%swap3A_1705], %gather3A_1704 {strides = array<i32>} : memref<640xi32, #tpu.memory_space<vmem>>, vector<16xi32>,
          %add3A_1707 = arith.constant 0 : i32
          %add3A_1708 = arith.addi %add3A_1707, %mul3A_1634 : i32
          %add3A_1709 = arith.constant 1 : i32
          %add3A_1710 = arith.addi %add3A_1708, %add3A_1709 : i32
          %add3A_1711 = vector.broadcast %add3A_1710 : i32 to vector<16xi32>
          %add3A_1712 = arith.addi %mul3A_3, %add3A_1711 : vector<16xi32>
          %gather3A_1713 = tpu.vector_load_idx %arg5[%add3A_1712] : memref<6400xi32, #tpu.memory_space<vmem>>[vector<16xi32>], vector<16xi32>,
          %swap3A_1714 = arith.constant 128 : index
          %swap3A_1715 = tpu.vector_load %arg6[%swap3A_1714] {strides = array<i32>} : memref<640xi32, #tpu.memory_space<vmem>>, vector<16xi32>,
          tpu.vector_store %arg6[%swap3A_1714], %gather3A_1713 {strides = array<i32>} : memref<640xi32, #tpu.memory_space<vmem>>, vector<16xi32>,
          %add3A_1716 = arith.constant 800 : i32
          %add3A_1717 = arith.addi %add3A_1716, %mul3A_1634 : i32
          %add3A_1718 = arith.constant 1 : i32
          %add3A_1719 = arith.addi %add3A_1717, %add3A_1718 : i32
          %add3A_1720 = vector.broadcast %add3A_1719 : i32 to vector<16xi32>
          %add3A_1721 = arith.addi %mul3A_3, %add3A_1720 : vector<16xi32>
          %gather3A_1722 = tpu.vector_load_idx %arg5[%add3A_1721] : memref<6400xi32, #tpu.memory_space<vmem>>[vector<16xi32>], vector<16xi32>,
          %swap3A_1723 = arith.constant 144 : index
          %swap3A_1724 = tpu.vector_load %arg6[%swap3A_1723] {strides = array<i32>} : memref<640xi32, #tpu.memory_space<vmem>>, vector<16xi32>,
          tpu.vector_store %arg6[%swap3A_1723], %gather3A_1722 {strides = array<i32>} : memref<640xi32, #tpu.memory_space<vmem>>, vector<16xi32>,
          %add3A_1725 = arith.constant 1600 : i32
          %add3A_1726 = arith.addi %add3A_1725, %mul3A_1634 : i32
          %add3A_1727 = arith.constant 1 : i32
          %add3A_1728 = arith.addi %add3A_1726, %add3A_1727 : i32
          %add3A_1729 = vector.broadcast %add3A_1728 : i32 to vector<16xi32>
          %add3A_1730 = arith.addi %mul3A_3, %add3A_1729 : vector<16xi32>
          %gather3A_1731 = tpu.vector_load_idx %arg5[%add3A_1730] : memref<6400xi32, #tpu.memory_space<vmem>>[vector<16xi32>], vector<16xi32>,
          %swap3A_1732 = arith.constant 160 : index
          %swap3A_1733 = tpu.vector_load %arg6[%swap3A_1732] {strides = array<i32>} : memref<640xi32, #tpu.memory_space<vmem>>, vector<16xi32>,
          tpu.vector_store %arg6[%swap3A_1732], %gather3A_1731 {strides = array<i32>} : memref<640xi32, #tpu.memory_space<vmem>>, vector<16xi32>,
          %add3A_1734 = arith.constant 2400 : i32
          %add3A_1735 = arith.addi %add3A_1734, %mul3A_1634 : i32
          %add3A_1736 = arith.constant 1 : i32
          %add3A_1737 = arith.addi %add3A_1735, %add3A_1736 : i32
          %add3A_1738 = vector.broadcast %add3A_1737 : i32 to vector<16xi32>
          %add3A_1739 = arith.addi %mul3A_3, %add3A_1738 : vector<16xi32>
          %gather3A_1740 = tpu.vector_load_idx %arg5[%add3A_1739] : memref<6400xi32, #tpu.memory_space<vmem>>[vector<16xi32>], vector<16xi32>,
          %swap3A_1741 = arith.constant 176 : index
          %swap3A_1742 = tpu.vector_load %arg6[%swap3A_1741] {strides = array<i32>} : memref<640xi32, #tpu.memory_space<vmem>>, vector<16xi32>,
          tpu.vector_store %arg6[%swap3A_1741], %gather3A_1740 {strides = array<i32>} : memref<640xi32, #tpu.memory_space<vmem>>, vector<16xi32>,
          %add3A_1743 = arith.constant 3200 : i32
          %add3A_1744 = arith.addi %add3A_1743, %mul3A_1634 : i32
          %add3A_1745 = arith.constant 1 : i32
          %add3A_1746 = arith.addi %add3A_1744, %add3A_1745 : i32
          %add3A_1747 = vector.broadcast %add3A_1746 : i32 to vector<16xi32>
          %add3A_1748 = arith.addi %mul3A_3, %add3A_1747 : vector<16xi32>
          %gather3A_1749 = tpu.vector_load_idx %arg5[%add3A_1748] : memref<6400xi32, #tpu.memory_space<vmem>>[vector<16xi32>], vector<16xi32>,
          %swap3A_1750 = arith.constant 192 : index
          %swap3A_1751 = tpu.vector_load %arg6[%swap3A_1750] {strides = array<i32>} : memref<640xi32, #tpu.memory_space<vmem>>, vector<16xi32>,
          tpu.vector_store %arg6[%swap3A_1750], %gather3A_1749 {strides = array<i32>} : memref<640xi32, #tpu.memory_space<vmem>>, vector<16xi32>,
          %add3A_1752 = arith.constant 4000 : i32
          %add3A_1753 = arith.addi %add3A_1752, %mul3A_1634 : i32
          %add3A_1754 = arith.constant 1 : i32
          %add3A_1755 = arith.addi %add3A_1753, %add3A_1754 : i32
          %add3A_1756 = vector.broadcast %add3A_1755 : i32 to vector<16xi32>
          %add3A_1757 = arith.addi %mul3A_3, %add3A_1756 : vector<16xi32>
          %gather3A_1758 = tpu.vector_load_idx %arg5[%add3A_1757] : memref<6400xi32, #tpu.memory_space<vmem>>[vector<16xi32>], vector<16xi32>,
          %swap3A_1759 = arith.constant 208 : index
          %swap3A_1760 = tpu.vector_load %arg6[%swap3A_1759] {strides = array<i32>} : memref<640xi32, #tpu.memory_space<vmem>>, vector<16xi32>,
          tpu.vector_store %arg6[%swap3A_1759], %gather3A_1758 {strides = array<i32>} : memref<640xi32, #tpu.memory_space<vmem>>, vector<16xi32>,
          %add3A_1761 = arith.constant 4800 : i32
          %add3A_1762 = arith.addi %add3A_1761, %mul3A_1634 : i32
          %add3A_1763 = arith.constant 1 : i32
          %add3A_1764 = arith.addi %add3A_1762, %add3A_1763 : i32
          %add3A_1765 = vector.broadcast %add3A_1764 : i32 to vector<16xi32>
          %add3A_1766 = arith.addi %mul3A_3, %add3A_1765 : vector<16xi32>
          %gather3A_1767 = tpu.vector_load_idx %arg5[%add3A_1766] : memref<6400xi32, #tpu.memory_space<vmem>>[vector<16xi32>], vector<16xi32>,
          %swap3A_1768 = arith.constant 224 : index
          %swap3A_1769 = tpu.vector_load %arg6[%swap3A_1768] {strides = array<i32>} : memref<640xi32, #tpu.memory_space<vmem>>, vector<16xi32>,
          tpu.vector_store %arg6[%swap3A_1768], %gather3A_1767 {strides = array<i32>} : memref<640xi32, #tpu.memory_space<vmem>>, vector<16xi32>,
          %add3A_1770 = arith.constant 5600 : i32
          %add3A_1771 = arith.addi %add3A_1770, %mul3A_1634 : i32
          %add3A_1772 = arith.constant 1 : i32
          %add3A_1773 = arith.addi %add3A_1771, %add3A_1772 : i32
          %add3A_1774 = vector.broadcast %add3A_1773 : i32 to vector<16xi32>
          %add3A_1775 = arith.addi %mul3A_3, %add3A_1774 : vector<16xi32>
          %gather3A_1776 = tpu.vector_load_idx %arg5[%add3A_1775] : memref<6400xi32, #tpu.memory_space<vmem>>[vector<16xi32>], vector<16xi32>,
          %swap3A_1777 = arith.constant 240 : index
          %swap3A_1778 = tpu.vector_load %arg6[%swap3A_1777] {strides = array<i32>} : memref<640xi32, #tpu.memory_space<vmem>>, vector<16xi32>,
          tpu.vector_store %arg6[%swap3A_1777], %gather3A_1776 {strides = array<i32>} : memref<640xi32, #tpu.memory_space<vmem>>, vector<16xi32>,
          %add3A_1779 = arith.constant 0 : i32
          %add3A_1780 = arith.addi %add3A_1779, %mul3A_1634 : i32
          %add3A_1781 = arith.constant 2 : i32
          %add3A_1782 = arith.addi %add3A_1780, %add3A_1781 : i32
          %add3A_1783 = vector.broadcast %add3A_1782 : i32 to vector<16xi32>
          %add3A_1784 = arith.addi %mul3A_3, %add3A_1783 : vector<16xi32>
          %gather3A_1785 = tpu.vector_load_idx %arg5[%add3A_1784] : memref<6400xi32, #tpu.memory_space<vmem>>[vector<16xi32>], vector<16xi32>,
          %swap3A_1786 = arith.constant 256 : index
          %swap3A_1787 = tpu.vector_load %arg6[%swap3A_1786] {strides = array<i32>} : memref<640xi32, #tpu.memory_space<vmem>>, vector<16xi32>,
          tpu.vector_store %arg6[%swap3A_1786], %gather3A_1785 {strides = array<i32>} : memref<640xi32, #tpu.memory_space<vmem>>, vector<16xi32>,
          %add3A_1788 = arith.constant 800 : i32
          %add3A_1789 = arith.addi %add3A_1788, %mul3A_1634 : i32
          %add3A_1790 = arith.constant 2 : i32
          %add3A_1791 = arith.addi %add3A_1789, %add3A_1790 : i32
          %add3A_1792 = vector.broadcast %add3A_1791 : i32 to vector<16xi32>
          %add3A_1793 = arith.addi %mul3A_3, %add3A_1792 : vector<16xi32>
          %gather3A_1794 = tpu.vector_load_idx %arg5[%add3A_1793] : memref<6400xi32, #tpu.memory_space<vmem>>[vector<16xi32>], vector<16xi32>,
          %swap3A_1795 = arith.constant 272 : index
          %swap3A_1796 = tpu.vector_load %arg6[%swap3A_1795] {strides = array<i32>} : memref<640xi32, #tpu.memory_space<vmem>>, vector<16xi32>,
          tpu.vector_store %arg6[%swap3A_1795], %gather3A_1794 {strides = array<i32>} : memref<640xi32, #tpu.memory_space<vmem>>, vector<16xi32>,
          %add3A_1797 = arith.constant 1600 : i32
          %add3A_1798 = arith.addi %add3A_1797, %mul3A_1634 : i32
          %add3A_1799 = arith.constant 2 : i32
          %add3A_1800 = arith.addi %add3A_1798, %add3A_1799 : i32
          %add3A_1801 = vector.broadcast %add3A_1800 : i32 to vector<16xi32>
          %add3A_1802 = arith.addi %mul3A_3, %add3A_1801 : vector<16xi32>
          %gather3A_1803 = tpu.vector_load_idx %arg5[%add3A_1802] : memref<6400xi32, #tpu.memory_space<vmem>>[vector<16xi32>], vector<16xi32>,
          %swap3A_1804 = arith.constant 288 : index
          %swap3A_1805 = tpu.vector_load %arg6[%swap3A_1804] {strides = array<i32>} : memref<640xi32, #tpu.memory_space<vmem>>, vector<16xi32>,
          tpu.vector_store %arg6[%swap3A_1804], %gather3A_1803 {strides = array<i32>} : memref<640xi32, #tpu.memory_space<vmem>>, vector<16xi32>,
          %add3A_1806 = arith.constant 2400 : i32
          %add3A_1807 = arith.addi %add3A_1806, %mul3A_1634 : i32
          %add3A_1808 = arith.constant 2 : i32
          %add3A_1809 = arith.addi %add3A_1807, %add3A_1808 : i32
          %add3A_1810 = vector.broadcast %add3A_1809 : i32 to vector<16xi32>
          %add3A_1811 = arith.addi %mul3A_3, %add3A_1810 : vector<16xi32>
          %gather3A_1812 = tpu.vector_load_idx %arg5[%add3A_1811] : memref<6400xi32, #tpu.memory_space<vmem>>[vector<16xi32>], vector<16xi32>,
          %swap3A_1813 = arith.constant 304 : index
          %swap3A_1814 = tpu.vector_load %arg6[%swap3A_1813] {strides = array<i32>} : memref<640xi32, #tpu.memory_space<vmem>>, vector<16xi32>,
          tpu.vector_store %arg6[%swap3A_1813], %gather3A_1812 {strides = array<i32>} : memref<640xi32, #tpu.memory_space<vmem>>, vector<16xi32>,
          %add3A_1815 = arith.constant 3200 : i32
          %add3A_1816 = arith.addi %add3A_1815, %mul3A_1634 : i32
          %add3A_1817 = arith.constant 2 : i32
          %add3A_1818 = arith.addi %add3A_1816, %add3A_1817 : i32
          %add3A_1819 = vector.broadcast %add3A_1818 : i32 to vector<16xi32>
          %add3A_1820 = arith.addi %mul3A_3, %add3A_1819 : vector<16xi32>
          %gather3A_1821 = tpu.vector_load_idx %arg5[%add3A_1820] : memref<6400xi32, #tpu.memory_space<vmem>>[vector<16xi32>], vector<16xi32>,
          %swap3A_1822 = arith.constant 320 : index
          %swap3A_1823 = tpu.vector_load %arg6[%swap3A_1822] {strides = array<i32>} : memref<640xi32, #tpu.memory_space<vmem>>, vector<16xi32>,
          tpu.vector_store %arg6[%swap3A_1822], %gather3A_1821 {strides = array<i32>} : memref<640xi32, #tpu.memory_space<vmem>>, vector<16xi32>,
          %add3A_1824 = arith.constant 4000 : i32
          %add3A_1825 = arith.addi %add3A_1824, %mul3A_1634 : i32
          %add3A_1826 = arith.constant 2 : i32
          %add3A_1827 = arith.addi %add3A_1825, %add3A_1826 : i32
          %add3A_1828 = vector.broadcast %add3A_1827 : i32 to vector<16xi32>
          %add3A_1829 = arith.addi %mul3A_3, %add3A_1828 : vector<16xi32>
          %gather3A_1830 = tpu.vector_load_idx %arg5[%add3A_1829] : memref<6400xi32, #tpu.memory_space<vmem>>[vector<16xi32>], vector<16xi32>,
          %swap3A_1831 = arith.constant 336 : index
          %swap3A_1832 = tpu.vector_load %arg6[%swap3A_1831] {strides = array<i32>} : memref<640xi32, #tpu.memory_space<vmem>>, vector<16xi32>,
          tpu.vector_store %arg6[%swap3A_1831], %gather3A_1830 {strides = array<i32>} : memref<640xi32, #tpu.memory_space<vmem>>, vector<16xi32>,
          %add3A_1833 = arith.constant 4800 : i32
          %add3A_1834 = arith.addi %add3A_1833, %mul3A_1634 : i32
          %add3A_1835 = arith.constant 2 : i32
          %add3A_1836 = arith.addi %add3A_1834, %add3A_1835 : i32
          %add3A_1837 = vector.broadcast %add3A_1836 : i32 to vector<16xi32>
          %add3A_1838 = arith.addi %mul3A_3, %add3A_1837 : vector<16xi32>
          %gather3A_1839 = tpu.vector_load_idx %arg5[%add3A_1838] : memref<6400xi32, #tpu.memory_space<vmem>>[vector<16xi32>], vector<16xi32>,
          %swap3A_1840 = arith.constant 352 : index
          %swap3A_1841 = tpu.vector_load %arg6[%swap3A_1840] {strides = array<i32>} : memref<640xi32, #tpu.memory_space<vmem>>, vector<16xi32>,
          tpu.vector_store %arg6[%swap3A_1840], %gather3A_1839 {strides = array<i32>} : memref<640xi32, #tpu.memory_space<vmem>>, vector<16xi32>,
          %add3A_1842 = arith.constant 5600 : i32
          %add3A_1843 = arith.addi %add3A_1842, %mul3A_1634 : i32
          %add3A_1844 = arith.constant 2 : i32
          %add3A_1845 = arith.addi %add3A_1843, %add3A_1844 : i32
          %add3A_1846 = vector.broadcast %add3A_1845 : i32 to vector<16xi32>
          %add3A_1847 = arith.addi %mul3A_3, %add3A_1846 : vector<16xi32>
          %gather3A_1848 = tpu.vector_load_idx %arg5[%add3A_1847] : memref<6400xi32, #tpu.memory_space<vmem>>[vector<16xi32>], vector<16xi32>,
          %swap3A_1849 = arith.constant 368 : index
          %swap3A_1850 = tpu.vector_load %arg6[%swap3A_1849] {strides = array<i32>} : memref<640xi32, #tpu.memory_space<vmem>>, vector<16xi32>,
          tpu.vector_store %arg6[%swap3A_1849], %gather3A_1848 {strides = array<i32>} : memref<640xi32, #tpu.memory_space<vmem>>, vector<16xi32>,
          %add3A_1851 = arith.constant 0 : i32
          %add3A_1852 = arith.addi %add3A_1851, %mul3A_1634 : i32
          %add3A_1853 = arith.constant 3 : i32
          %add3A_1854 = arith.addi %add3A_1852, %add3A_1853 : i32
          %add3A_1855 = vector.broadcast %add3A_1854 : i32 to vector<16xi32>
          %add3A_1856 = arith.addi %mul3A_3, %add3A_1855 : vector<16xi32>
          %gather3A_1857 = tpu.vector_load_idx %arg5[%add3A_1856] : memref<6400xi32, #tpu.memory_space<vmem>>[vector<16xi32>], vector<16xi32>,
          %swap3A_1858 = arith.constant 384 : index
          %swap3A_1859 = tpu.vector_load %arg6[%swap3A_1858] {strides = array<i32>} : memref<640xi32, #tpu.memory_space<vmem>>, vector<16xi32>,
          tpu.vector_store %arg6[%swap3A_1858], %gather3A_1857 {strides = array<i32>} : memref<640xi32, #tpu.memory_space<vmem>>, vector<16xi32>,
          %add3A_1860 = arith.constant 800 : i32
          %add3A_1861 = arith.addi %add3A_1860, %mul3A_1634 : i32
          %add3A_1862 = arith.constant 3 : i32
          %add3A_1863 = arith.addi %add3A_1861, %add3A_1862 : i32
          %add3A_1864 = vector.broadcast %add3A_1863 : i32 to vector<16xi32>
          %add3A_1865 = arith.addi %mul3A_3, %add3A_1864 : vector<16xi32>
          %gather3A_1866 = tpu.vector_load_idx %arg5[%add3A_1865] : memref<6400xi32, #tpu.memory_space<vmem>>[vector<16xi32>], vector<16xi32>,
          %swap3A_1867 = arith.constant 400 : index
          %swap3A_1868 = tpu.vector_load %arg6[%swap3A_1867] {strides = array<i32>} : memref<640xi32, #tpu.memory_space<vmem>>, vector<16xi32>,
          tpu.vector_store %arg6[%swap3A_1867], %gather3A_1866 {strides = array<i32>} : memref<640xi32, #tpu.memory_space<vmem>>, vector<16xi32>,
          %add3A_1869 = arith.constant 1600 : i32
          %add3A_1870 = arith.addi %add3A_1869, %mul3A_1634 : i32
          %add3A_1871 = arith.constant 3 : i32
          %add3A_1872 = arith.addi %add3A_1870, %add3A_1871 : i32
          %add3A_1873 = vector.broadcast %add3A_1872 : i32 to vector<16xi32>
          %add3A_1874 = arith.addi %mul3A_3, %add3A_1873 : vector<16xi32>
          %gather3A_1875 = tpu.vector_load_idx %arg5[%add3A_1874] : memref<6400xi32, #tpu.memory_space<vmem>>[vector<16xi32>], vector<16xi32>,
          %swap3A_1876 = arith.constant 416 : index
          %swap3A_1877 = tpu.vector_load %arg6[%swap3A_1876] {strides = array<i32>} : memref<640xi32, #tpu.memory_space<vmem>>, vector<16xi32>,
          tpu.vector_store %arg6[%swap3A_1876], %gather3A_1875 {strides = array<i32>} : memref<640xi32, #tpu.memory_space<vmem>>, vector<16xi32>,
          %add3A_1878 = arith.constant 2400 : i32
          %add3A_1879 = arith.addi %add3A_1878, %mul3A_1634 : i32
          %add3A_1880 = arith.constant 3 : i32
          %add3A_1881 = arith.addi %add3A_1879, %add3A_1880 : i32
          %add3A_1882 = vector.broadcast %add3A_1881 : i32 to vector<16xi32>
          %add3A_1883 = arith.addi %mul3A_3, %add3A_1882 : vector<16xi32>
          %gather3A_1884 = tpu.vector_load_idx %arg5[%add3A_1883] : memref<6400xi32, #tpu.memory_space<vmem>>[vector<16xi32>], vector<16xi32>,
          %swap3A_1885 = arith.constant 432 : index
          %swap3A_1886 = tpu.vector_load %arg6[%swap3A_1885] {strides = array<i32>} : memref<640xi32, #tpu.memory_space<vmem>>, vector<16xi32>,
          tpu.vector_store %arg6[%swap3A_1885], %gather3A_1884 {strides = array<i32>} : memref<640xi32, #tpu.memory_space<vmem>>, vector<16xi32>,
          %add3A_1887 = arith.constant 3200 : i32
          %add3A_1888 = arith.addi %add3A_1887, %mul3A_1634 : i32
          %add3A_1889 = arith.constant 3 : i32
          %add3A_1890 = arith.addi %add3A_1888, %add3A_1889 : i32
          %add3A_1891 = vector.broadcast %add3A_1890 : i32 to vector<16xi32>
          %add3A_1892 = arith.addi %mul3A_3, %add3A_1891 : vector<16xi32>
          %gather3A_1893 = tpu.vector_load_idx %arg5[%add3A_1892] : memref<6400xi32, #tpu.memory_space<vmem>>[vector<16xi32>], vector<16xi32>,
          %swap3A_1894 = arith.constant 448 : index
          %swap3A_1895 = tpu.vector_load %arg6[%swap3A_1894] {strides = array<i32>} : memref<640xi32, #tpu.memory_space<vmem>>, vector<16xi32>,
          tpu.vector_store %arg6[%swap3A_1894], %gather3A_1893 {strides = array<i32>} : memref<640xi32, #tpu.memory_space<vmem>>, vector<16xi32>,
          %add3A_1896 = arith.constant 4000 : i32
          %add3A_1897 = arith.addi %add3A_1896, %mul3A_1634 : i32
          %add3A_1898 = arith.constant 3 : i32
          %add3A_1899 = arith.addi %add3A_1897, %add3A_1898 : i32
          %add3A_1900 = vector.broadcast %add3A_1899 : i32 to vector<16xi32>
          %add3A_1901 = arith.addi %mul3A_3, %add3A_1900 : vector<16xi32>
          %gather3A_1902 = tpu.vector_load_idx %arg5[%add3A_1901] : memref<6400xi32, #tpu.memory_space<vmem>>[vector<16xi32>], vector<16xi32>,
          %swap3A_1903 = arith.constant 464 : index
          %swap3A_1904 = tpu.vector_load %arg6[%swap3A_1903] {strides = array<i32>} : memref<640xi32, #tpu.memory_space<vmem>>, vector<16xi32>,
          tpu.vector_store %arg6[%swap3A_1903], %gather3A_1902 {strides = array<i32>} : memref<640xi32, #tpu.memory_space<vmem>>, vector<16xi32>,
          %add3A_1905 = arith.constant 4800 : i32
          %add3A_1906 = arith.addi %add3A_1905, %mul3A_1634 : i32
          %add3A_1907 = arith.constant 3 : i32
          %add3A_1908 = arith.addi %add3A_1906, %add3A_1907 : i32
          %add3A_1909 = vector.broadcast %add3A_1908 : i32 to vector<16xi32>
          %add3A_1910 = arith.addi %mul3A_3, %add3A_1909 : vector<16xi32>
          %gather3A_1911 = tpu.vector_load_idx %arg5[%add3A_1910] : memref<6400xi32, #tpu.memory_space<vmem>>[vector<16xi32>], vector<16xi32>,
          %swap3A_1912 = arith.constant 480 : index
          %swap3A_1913 = tpu.vector_load %arg6[%swap3A_1912] {strides = array<i32>} : memref<640xi32, #tpu.memory_space<vmem>>, vector<16xi32>,
          tpu.vector_store %arg6[%swap3A_1912], %gather3A_1911 {strides = array<i32>} : memref<640xi32, #tpu.memory_space<vmem>>, vector<16xi32>,
          %add3A_1914 = arith.constant 5600 : i32
          %add3A_1915 = arith.addi %add3A_1914, %mul3A_1634 : i32
          %add3A_1916 = arith.constant 3 : i32
          %add3A_1917 = arith.addi %add3A_1915, %add3A_1916 : i32
          %add3A_1918 = vector.broadcast %add3A_1917 : i32 to vector<16xi32>
          %add3A_1919 = arith.addi %mul3A_3, %add3A_1918 : vector<16xi32>
          %gather3A_1920 = tpu.vector_load_idx %arg5[%add3A_1919] : memref<6400xi32, #tpu.memory_space<vmem>>[vector<16xi32>], vector<16xi32>,
          %swap3A_1921 = arith.constant 496 : index
          %swap3A_1922 = tpu.vector_load %arg6[%swap3A_1921] {strides = array<i32>} : memref<640xi32, #tpu.memory_space<vmem>>, vector<16xi32>,
          tpu.vector_store %arg6[%swap3A_1921], %gather3A_1920 {strides = array<i32>} : memref<640xi32, #tpu.memory_space<vmem>>, vector<16xi32>,
          %add3A_1923 = arith.constant 0 : i32
          %add3A_1924 = arith.addi %add3A_1923, %mul3A_1634 : i32
          %add3A_1925 = arith.constant 4 : i32
          %add3A_1926 = arith.addi %add3A_1924, %add3A_1925 : i32
          %add3A_1927 = vector.broadcast %add3A_1926 : i32 to vector<16xi32>
          %add3A_1928 = arith.addi %mul3A_3, %add3A_1927 : vector<16xi32>
          %gather3A_1929 = tpu.vector_load_idx %arg5[%add3A_1928] : memref<6400xi32, #tpu.memory_space<vmem>>[vector<16xi32>], vector<16xi32>,
          %swap3A_1930 = arith.constant 512 : index
          %swap3A_1931 = tpu.vector_load %arg6[%swap3A_1930] {strides = array<i32>} : memref<640xi32, #tpu.memory_space<vmem>>, vector<16xi32>,
          tpu.vector_store %arg6[%swap3A_1930], %gather3A_1929 {strides = array<i32>} : memref<640xi32, #tpu.memory_space<vmem>>, vector<16xi32>,
          %add3A_1932 = arith.constant 800 : i32
          %add3A_1933 = arith.addi %add3A_1932, %mul3A_1634 : i32
          %add3A_1934 = arith.constant 4 : i32
          %add3A_1935 = arith.addi %add3A_1933, %add3A_1934 : i32
          %add3A_1936 = vector.broadcast %add3A_1935 : i32 to vector<16xi32>
          %add3A_1937 = arith.addi %mul3A_3, %add3A_1936 : vector<16xi32>
          %gather3A_1938 = tpu.vector_load_idx %arg5[%add3A_1937] : memref<6400xi32, #tpu.memory_space<vmem>>[vector<16xi32>], vector<16xi32>,
          %swap3A_1939 = arith.constant 528 : index
          %swap3A_1940 = tpu.vector_load %arg6[%swap3A_1939] {strides = array<i32>} : memref<640xi32, #tpu.memory_space<vmem>>, vector<16xi32>,
          tpu.vector_store %arg6[%swap3A_1939], %gather3A_1938 {strides = array<i32>} : memref<640xi32, #tpu.memory_space<vmem>>, vector<16xi32>,
          %add3A_1941 = arith.constant 1600 : i32
          %add3A_1942 = arith.addi %add3A_1941, %mul3A_1634 : i32
          %add3A_1943 = arith.constant 4 : i32
          %add3A_1944 = arith.addi %add3A_1942, %add3A_1943 : i32
          %add3A_1945 = vector.broadcast %add3A_1944 : i32 to vector<16xi32>
          %add3A_1946 = arith.addi %mul3A_3, %add3A_1945 : vector<16xi32>
          %gather3A_1947 = tpu.vector_load_idx %arg5[%add3A_1946] : memref<6400xi32, #tpu.memory_space<vmem>>[vector<16xi32>], vector<16xi32>,
          %swap3A_1948 = arith.constant 544 : index
          %swap3A_1949 = tpu.vector_load %arg6[%swap3A_1948] {strides = array<i32>} : memref<640xi32, #tpu.memory_space<vmem>>, vector<16xi32>,
          tpu.vector_store %arg6[%swap3A_1948], %gather3A_1947 {strides = array<i32>} : memref<640xi32, #tpu.memory_space<vmem>>, vector<16xi32>,
          %add3A_1950 = arith.constant 2400 : i32
          %add3A_1951 = arith.addi %add3A_1950, %mul3A_1634 : i32
          %add3A_1952 = arith.constant 4 : i32
          %add3A_1953 = arith.addi %add3A_1951, %add3A_1952 : i32
          %add3A_1954 = vector.broadcast %add3A_1953 : i32 to vector<16xi32>
          %add3A_1955 = arith.addi %mul3A_3, %add3A_1954 : vector<16xi32>
          %gather3A_1956 = tpu.vector_load_idx %arg5[%add3A_1955] : memref<6400xi32, #tpu.memory_space<vmem>>[vector<16xi32>], vector<16xi32>,
          %swap3A_1957 = arith.constant 560 : index
          %swap3A_1958 = tpu.vector_load %arg6[%swap3A_1957] {strides = array<i32>} : memref<640xi32, #tpu.memory_space<vmem>>, vector<16xi32>,
          tpu.vector_store %arg6[%swap3A_1957], %gather3A_1956 {strides = array<i32>} : memref<640xi32, #tpu.memory_space<vmem>>, vector<16xi32>,
          %add3A_1959 = arith.constant 3200 : i32
          %add3A_1960 = arith.addi %add3A_1959, %mul3A_1634 : i32
          %add3A_1961 = arith.constant 4 : i32
          %add3A_1962 = arith.addi %add3A_1960, %add3A_1961 : i32
          %add3A_1963 = vector.broadcast %add3A_1962 : i32 to vector<16xi32>
          %add3A_1964 = arith.addi %mul3A_3, %add3A_1963 : vector<16xi32>
          %gather3A_1965 = tpu.vector_load_idx %arg5[%add3A_1964] : memref<6400xi32, #tpu.memory_space<vmem>>[vector<16xi32>], vector<16xi32>,
          %swap3A_1966 = arith.constant 576 : index
          %swap3A_1967 = tpu.vector_load %arg6[%swap3A_1966] {strides = array<i32>} : memref<640xi32, #tpu.memory_space<vmem>>, vector<16xi32>,
          tpu.vector_store %arg6[%swap3A_1966], %gather3A_1965 {strides = array<i32>} : memref<640xi32, #tpu.memory_space<vmem>>, vector<16xi32>,
          %add3A_1968 = arith.constant 4000 : i32
          %add3A_1969 = arith.addi %add3A_1968, %mul3A_1634 : i32
          %add3A_1970 = arith.constant 4 : i32
          %add3A_1971 = arith.addi %add3A_1969, %add3A_1970 : i32
          %add3A_1972 = vector.broadcast %add3A_1971 : i32 to vector<16xi32>
          %add3A_1973 = arith.addi %mul3A_3, %add3A_1972 : vector<16xi32>
          %gather3A_1974 = tpu.vector_load_idx %arg5[%add3A_1973] : memref<6400xi32, #tpu.memory_space<vmem>>[vector<16xi32>], vector<16xi32>,
          %swap3A_1975 = arith.constant 592 : index
          %swap3A_1976 = tpu.vector_load %arg6[%swap3A_1975] {strides = array<i32>} : memref<640xi32, #tpu.memory_space<vmem>>, vector<16xi32>,
          tpu.vector_store %arg6[%swap3A_1975], %gather3A_1974 {strides = array<i32>} : memref<640xi32, #tpu.memory_space<vmem>>, vector<16xi32>,
          %add3A_1977 = arith.constant 4800 : i32
          %add3A_1978 = arith.addi %add3A_1977, %mul3A_1634 : i32
          %add3A_1979 = arith.constant 4 : i32
          %add3A_1980 = arith.addi %add3A_1978, %add3A_1979 : i32
          %add3A_1981 = vector.broadcast %add3A_1980 : i32 to vector<16xi32>
          %add3A_1982 = arith.addi %mul3A_3, %add3A_1981 : vector<16xi32>
          %gather3A_1983 = tpu.vector_load_idx %arg5[%add3A_1982] : memref<6400xi32, #tpu.memory_space<vmem>>[vector<16xi32>], vector<16xi32>,
          %swap3A_1984 = arith.constant 608 : index
          %swap3A_1985 = tpu.vector_load %arg6[%swap3A_1984] {strides = array<i32>} : memref<640xi32, #tpu.memory_space<vmem>>, vector<16xi32>,
          tpu.vector_store %arg6[%swap3A_1984], %gather3A_1983 {strides = array<i32>} : memref<640xi32, #tpu.memory_space<vmem>>, vector<16xi32>,
          %add3A_1986 = arith.constant 5600 : i32
          %add3A_1987 = arith.addi %add3A_1986, %mul3A_1634 : i32
          %add3A_1988 = arith.constant 4 : i32
          %add3A_1989 = arith.addi %add3A_1987, %add3A_1988 : i32
          %add3A_1990 = vector.broadcast %add3A_1989 : i32 to vector<16xi32>
          %add3A_1991 = arith.addi %mul3A_3, %add3A_1990 : vector<16xi32>
          %gather3A_1992 = tpu.vector_load_idx %arg5[%add3A_1991] : memref<6400xi32, #tpu.memory_space<vmem>>[vector<16xi32>], vector<16xi32>,
          %swap3A_1993 = arith.constant 624 : index
          %swap3A_1994 = tpu.vector_load %arg6[%swap3A_1993] {strides = array<i32>} : memref<640xi32, #tpu.memory_space<vmem>>, vector<16xi32>,
          tpu.vector_store %arg6[%swap3A_1993], %gather3A_1992 {strides = array<i32>} : memref<640xi32, #tpu.memory_space<vmem>>, vector<16xi32>,
          %dma_start3A_1995 = arith.constant 0 : i32
          %dma_start3A_1996 = arith.constant 0 : i32
          %dma_start3A_1997 = tpu.memref_slice %arg3[%dma_start3A_1995, %dma_start3A_1996] : memref<1000000x32xf32, #tpu.memory_space<hbm>> -> memref<1000000x32xf32, #tpu.memory_space<hbm>>
          tpu.enqueue_indirect_dma source(%dma_start3A_1997 : memref<1000000x32xf32, #tpu.memory_space<hbm>>) target(%arg8 : memref<640x32xf32, #tpu.memory_space<vmem>>) offsets(%arg6 : memref<640xi32, #tpu.memory_space<vmem>>) semaphore(%arg12 : memref<!tpu.dma_semaphore, #tpu.memory_space<semaphore_mem>>)
        } else {
        }
        %dma_wait3A_1280 = arith.constant 0 : i32
        %dma_wait3A_1281 = arith.constant 0 : i32
        %dma_wait3A_1282 = tpu.memref_slice %arg3[%dma_wait3A_1280, %dma_wait3A_1281] : memref<1000000x32xf32, #tpu.memory_space<hbm>> -> memref<1000000x32xf32, #tpu.memory_space<hbm>>
        tpu.wait_indirect_dma semaphore(%arg13 : memref<!tpu.dma_semaphore, #tpu.memory_space<semaphore_mem>>) src(%dma_wait3A_1282 : memref<1000000x32xf32, #tpu.memory_space<hbm>>) dst(%arg9 : memref<640x32xf32, #tpu.memory_space<vmem>>)
        %scan3A_1283 = arith.constant 0 : i32
        %scan3A_1284 = arith.constant 0 : i32
        %scan3A_1285 = arith.constant 80 : i32
        %scan3A_1286 = arith.addi %scan3A_1284, %scan3A_1285 : i32
        %scan3A_1287 = arith.constant 1 : i32
        scf.for %scan3A_1631 = %scan3A_1284 to %scan3A_1286 step %scan3A_1287  : i32 {
          %jit3A = arith.constant 16 : i32
          %div3A = arith.divsi %scan3A_1631, %jit3A : i32
          %sign3A = arith.constant 0 : i32
          %sign3A_1632 = arith.cmpi sgt, %scan3A_1631, %sign3A : i32
          %sign3A_1633 = arith.extui %sign3A_1632 : i1 to i32
          %sign3A_1634 = arith.constant 0 : i32
          %sign3A_1635 = arith.cmpi slt, %scan3A_1631, %sign3A_1634 : i32
          %sign3A_1636 = arith.extui %sign3A_1635 : i1 to i32
          %sign3A_1637 = arith.subi %sign3A_1633, %sign3A_1636 : i32
          %sign3A_1638 = arith.constant 0 : i32
          %sign3A_1639 = arith.cmpi sgt, %jit3A, %sign3A_1638 : i32
          %sign3A_1640 = arith.extui %sign3A_1639 : i1 to i32
          %sign3A_1641 = arith.constant 0 : i32
          %sign3A_1642 = arith.cmpi slt, %jit3A, %sign3A_1641 : i32
          %sign3A_1643 = arith.extui %sign3A_1642 : i1 to i32
          %sign3A_1644 = arith.subi %sign3A_1640, %sign3A_1643 : i32
          %ne3A = arith.cmpi ne, %sign3A_1637, %sign3A_1644 : i32
          %rem3A = arith.remsi %scan3A_1631, %jit3A : i32
          %ne3A_1645 = arith.constant 0 : i32
          %ne3A_1646 = arith.cmpi ne, %rem3A, %ne3A_1645 : i32
          %and3A = arith.andi %ne3A, %ne3A_1646 : i1
          %sub3A = arith.constant 1 : i32
          %sub3A_1647 = arith.subi %div3A, %sub3A : i32
          %select_n3A = arith.select %and3A, %sub3A_1647, %div3A : i32
          %jit3A_1648 = arith.constant 16 : i32
          %eq3A = arith.constant 0 : i32
          %eq3A_1649 = arith.cmpi eq, %jit3A_1648, %eq3A : i32
          %jit3A_1650 = arith.constant 1 : i32
          %select_n3A_1651 = arith.select %eq3A_1649, %jit3A_1650, %jit3A_1648 : i32
          %rem3A_1652 = arith.remsi %scan3A_1631, %select_n3A_1651 : i32
          %ne3A_1653 = arith.constant 0 : i32
          %ne3A_1654 = arith.cmpi ne, %rem3A_1652, %ne3A_1653 : i32
          %lt3A_1655 = arith.constant 0 : i32
          %lt3A_1656 = arith.cmpi slt, %rem3A_1652, %lt3A_1655 : i32
          %lt3A_1657 = arith.constant 0 : i32
          %lt3A_1658 = arith.cmpi slt, %select_n3A_1651, %lt3A_1657 : i32
          %ne3A_1659 = arith.xori %lt3A_1656, %lt3A_1658 : i1
          %and3A_1660 = arith.andi %ne3A_1659, %ne3A_1654 : i1
          %add3A_1661 = arith.addi %rem3A_1652, %select_n3A_1651 : i32
          %select_n3A_1662 = arith.select %and3A_1660, %add3A_1661, %rem3A_1652 : i32
          %jit3A_1663 = arith.constant 8 : i32
          %div3A_1664 = arith.divsi %select_n3A_1662, %jit3A_1663 : i32
          %sign3A_1665 = arith.constant 0 : i32
          %sign3A_1666 = arith.cmpi sgt, %select_n3A_1662, %sign3A_1665 : i32
          %sign3A_1667 = arith.extui %sign3A_1666 : i1 to i32
          %sign3A_1668 = arith.constant 0 : i32
          %sign3A_1669 = arith.cmpi slt, %select_n3A_1662, %sign3A_1668 : i32
          %sign3A_1670 = arith.extui %sign3A_1669 : i1 to i32
          %sign3A_1671 = arith.subi %sign3A_1667, %sign3A_1670 : i32
          %sign3A_1672 = arith.constant 0 : i32
          %sign3A_1673 = arith.cmpi sgt, %jit3A_1663, %sign3A_1672 : i32
          %sign3A_1674 = arith.extui %sign3A_1673 : i1 to i32
          %sign3A_1675 = arith.constant 0 : i32
          %sign3A_1676 = arith.cmpi slt, %jit3A_1663, %sign3A_1675 : i32
          %sign3A_1677 = arith.extui %sign3A_1676 : i1 to i32
          %sign3A_1678 = arith.subi %sign3A_1674, %sign3A_1677 : i32
          %ne3A_1679 = arith.cmpi ne, %sign3A_1671, %sign3A_1678 : i32
          %rem3A_1680 = arith.remsi %select_n3A_1662, %jit3A_1663 : i32
          %ne3A_1681 = arith.constant 0 : i32
          %ne3A_1682 = arith.cmpi ne, %rem3A_1680, %ne3A_1681 : i32
          %and3A_1683 = arith.andi %ne3A_1679, %ne3A_1682 : i1
          %sub3A_1684 = arith.constant 1 : i32
          %sub3A_1685 = arith.subi %div3A_1664, %sub3A_1684 : i32
          %select_n3A_1686 = arith.select %and3A_1683, %sub3A_1685, %div3A_1664 : i32
          %mul3A_1687 = arith.constant 16 : i32
          %mul3A_1688 = arith.muli %select_n3A_1686, %mul3A_1687 : i32
          %jit3A_1689 = arith.constant 8 : i32
          %eq3A_1690 = arith.constant 0 : i32
          %eq3A_1691 = arith.cmpi eq, %jit3A_1689, %eq3A_1690 : i32
          %jit3A_1692 = arith.constant 1 : i32
          %select_n3A_1693 = arith.select %eq3A_1691, %jit3A_1692, %jit3A_1689 : i32
          %rem3A_1694 = arith.remsi %select_n3A_1662, %select_n3A_1693 : i32
          %ne3A_1695 = arith.constant 0 : i32
          %ne3A_1696 = arith.cmpi ne, %rem3A_1694, %ne3A_1695 : i32
          %lt3A_1697 = arith.constant 0 : i32
          %lt3A_1698 = arith.cmpi slt, %rem3A_1694, %lt3A_1697 : i32
          %lt3A_1699 = arith.constant 0 : i32
          %lt3A_1700 = arith.cmpi slt, %select_n3A_1693, %lt3A_1699 : i32
          %ne3A_1701 = arith.xori %lt3A_1698, %lt3A_1700 : i1
          %and3A_1702 = arith.andi %ne3A_1701, %ne3A_1696 : i1
          %add3A_1703 = arith.addi %rem3A_1694, %select_n3A_1693 : i32
          %select_n3A_1704 = arith.select %and3A_1702, %add3A_1703, %rem3A_1694 : i32
          %mul3A_1705 = arith.constant 16 : i32
          %mul3A_1706 = arith.muli %select_n3A_1704, %mul3A_1705 : i32
          %mul3A_1707 = arith.constant 128 : i32
          %mul3A_1708 = arith.muli %select_n3A, %mul3A_1707 : i32
          %add3A_1709 = arith.addi %mul3A_1708, %mul3A_1706 : i32
          %add3A_1710 = vector.broadcast %add3A_1709 : i32 to vector<16xi32>
          %add3A_1711 = arith.addi %iota3A, %add3A_1710 : vector<16xi32>
          %add3A_1712 = vector.broadcast %mul3A_1706 : i32 to vector<16xi32>
          %add3A_1713 = arith.addi %iota3A, %add3A_1712 : vector<16xi32>
          %add3A_1714 = arith.constant 0 : i32
          %add3A_1715 = vector.broadcast %add3A_1714 : i32 to vector<16xi32>
          %add3A_1716 = arith.addi %iota3A, %add3A_1715 : vector<16xi32>
          %and3A_1717 = arith.constant 15 : i32
          %and3A_1718 = vector.broadcast %and3A_1717 : i32 to vector<16xi32>
          %and3A_1719 = arith.andi %add3A_1716, %and3A_1718 : vector<16xi32>
          %add3A_1720 = vector.broadcast %mul3A_1688 : i32 to vector<16xi32>
          %add3A_1721 = arith.addi %and3A_1719, %add3A_1720 : vector<16xi32>
          %gather3A_1722 = tpu.vector_load_idx %arg9[%add3A_1711, %add3A_1721] : memref<640x32xf32, #tpu.memory_space<vmem>>[vector<16xi32>, vector<16xi32>], vector<16xf32>,
          %mul3A_1723 = arith.constant 32 : i32
          %mul3A_1724 = arith.muli %select_n3A, %mul3A_1723 : i32
          %add3A_1725 = vector.broadcast %mul3A_1724 : i32 to vector<16xi32>
          %add3A_1726 = arith.addi %add3A_1721, %add3A_1725 : vector<16xi32>
          tpu.vector_store_idx %arg11[%add3A_1726, %add3A_1713], %gather3A_1722 : memref<160x128xf32, #tpu.memory_space<vmem>>[vector<16xi32>, vector<16xi32>], vector<16xf32>,
          %add3A_1727 = arith.constant 1 : i32
          %add3A_1728 = vector.broadcast %add3A_1727 : i32 to vector<16xi32>
          %add3A_1729 = arith.addi %iota3A, %add3A_1728 : vector<16xi32>
          %and3A_1730 = arith.constant 15 : i32
          %and3A_1731 = vector.broadcast %and3A_1730 : i32 to vector<16xi32>
          %and3A_1732 = arith.andi %add3A_1729, %and3A_1731 : vector<16xi32>
          %add3A_1733 = vector.broadcast %mul3A_1688 : i32 to vector<16xi32>
          %add3A_1734 = arith.addi %and3A_1732, %add3A_1733 : vector<16xi32>
          %gather3A_1735 = tpu.vector_load_idx %arg9[%add3A_1711, %add3A_1734] : memref<640x32xf32, #tpu.memory_space<vmem>>[vector<16xi32>, vector<16xi32>], vector<16xf32>,
          %mul3A_1736 = arith.constant 32 : i32
          %mul3A_1737 = arith.muli %select_n3A, %mul3A_1736 : i32
          %add3A_1738 = vector.broadcast %mul3A_1737 : i32 to vector<16xi32>
          %add3A_1739 = arith.addi %add3A_1734, %add3A_1738 : vector<16xi32>
          tpu.vector_store_idx %arg11[%add3A_1739, %add3A_1713], %gather3A_1735 : memref<160x128xf32, #tpu.memory_space<vmem>>[vector<16xi32>, vector<16xi32>], vector<16xf32>,
          %add3A_1740 = arith.constant 2 : i32
          %add3A_1741 = vector.broadcast %add3A_1740 : i32 to vector<16xi32>
          %add3A_1742 = arith.addi %iota3A, %add3A_1741 : vector<16xi32>
          %and3A_1743 = arith.constant 15 : i32
          %and3A_1744 = vector.broadcast %and3A_1743 : i32 to vector<16xi32>
          %and3A_1745 = arith.andi %add3A_1742, %and3A_1744 : vector<16xi32>
          %add3A_1746 = vector.broadcast %mul3A_1688 : i32 to vector<16xi32>
          %add3A_1747 = arith.addi %and3A_1745, %add3A_1746 : vector<16xi32>
          %gather3A_1748 = tpu.vector_load_idx %arg9[%add3A_1711, %add3A_1747] : memref<640x32xf32, #tpu.memory_space<vmem>>[vector<16xi32>, vector<16xi32>], vector<16xf32>,
          %mul3A_1749 = arith.constant 32 : i32
          %mul3A_1750 = arith.muli %select_n3A, %mul3A_1749 : i32
          %add3A_1751 = vector.broadcast %mul3A_1750 : i32 to vector<16xi32>
          %add3A_1752 = arith.addi %add3A_1747, %add3A_1751 : vector<16xi32>
          tpu.vector_store_idx %arg11[%add3A_1752, %add3A_1713], %gather3A_1748 : memref<160x128xf32, #tpu.memory_space<vmem>>[vector<16xi32>, vector<16xi32>], vector<16xf32>,
          %add3A_1753 = arith.constant 3 : i32
          %add3A_1754 = vector.broadcast %add3A_1753 : i32 to vector<16xi32>
          %add3A_1755 = arith.addi %iota3A, %add3A_1754 : vector<16xi32>
          %and3A_1756 = arith.constant 15 : i32
          %and3A_1757 = vector.broadcast %and3A_1756 : i32 to vector<16xi32>
          %and3A_1758 = arith.andi %add3A_1755, %and3A_1757 : vector<16xi32>
          %add3A_1759 = vector.broadcast %mul3A_1688 : i32 to vector<16xi32>
          %add3A_1760 = arith.addi %and3A_1758, %add3A_1759 : vector<16xi32>
          %gather3A_1761 = tpu.vector_load_idx %arg9[%add3A_1711, %add3A_1760] : memref<640x32xf32, #tpu.memory_space<vmem>>[vector<16xi32>, vector<16xi32>], vector<16xf32>,
          %mul3A_1762 = arith.constant 32 : i32
          %mul3A_1763 = arith.muli %select_n3A, %mul3A_1762 : i32
          %add3A_1764 = vector.broadcast %mul3A_1763 : i32 to vector<16xi32>
          %add3A_1765 = arith.addi %add3A_1760, %add3A_1764 : vector<16xi32>
          tpu.vector_store_idx %arg11[%add3A_1765, %add3A_1713], %gather3A_1761 : memref<160x128xf32, #tpu.memory_space<vmem>>[vector<16xi32>, vector<16xi32>], vector<16xf32>,
          %add3A_1766 = arith.constant 4 : i32
          %add3A_1767 = vector.broadcast %add3A_1766 : i32 to vector<16xi32>
          %add3A_1768 = arith.addi %iota3A, %add3A_1767 : vector<16xi32>
          %and3A_1769 = arith.constant 15 : i32
          %and3A_1770 = vector.broadcast %and3A_1769 : i32 to vector<16xi32>
          %and3A_1771 = arith.andi %add3A_1768, %and3A_1770 : vector<16xi32>
          %add3A_1772 = vector.broadcast %mul3A_1688 : i32 to vector<16xi32>
          %add3A_1773 = arith.addi %and3A_1771, %add3A_1772 : vector<16xi32>
          %gather3A_1774 = tpu.vector_load_idx %arg9[%add3A_1711, %add3A_1773] : memref<640x32xf32, #tpu.memory_space<vmem>>[vector<16xi32>, vector<16xi32>], vector<16xf32>,
          %mul3A_1775 = arith.constant 32 : i32
          %mul3A_1776 = arith.muli %select_n3A, %mul3A_1775 : i32
          %add3A_1777 = vector.broadcast %mul3A_1776 : i32 to vector<16xi32>
          %add3A_1778 = arith.addi %add3A_1773, %add3A_1777 : vector<16xi32>
          tpu.vector_store_idx %arg11[%add3A_1778, %add3A_1713], %gather3A_1774 : memref<160x128xf32, #tpu.memory_space<vmem>>[vector<16xi32>, vector<16xi32>], vector<16xf32>,
          %add3A_1779 = arith.constant 5 : i32
          %add3A_1780 = vector.broadcast %add3A_1779 : i32 to vector<16xi32>
          %add3A_1781 = arith.addi %iota3A, %add3A_1780 : vector<16xi32>
          %and3A_1782 = arith.constant 15 : i32
          %and3A_1783 = vector.broadcast %and3A_1782 : i32 to vector<16xi32>
          %and3A_1784 = arith.andi %add3A_1781, %and3A_1783 : vector<16xi32>
          %add3A_1785 = vector.broadcast %mul3A_1688 : i32 to vector<16xi32>
          %add3A_1786 = arith.addi %and3A_1784, %add3A_1785 : vector<16xi32>
          %gather3A_1787 = tpu.vector_load_idx %arg9[%add3A_1711, %add3A_1786] : memref<640x32xf32, #tpu.memory_space<vmem>>[vector<16xi32>, vector<16xi32>], vector<16xf32>,
          %mul3A_1788 = arith.constant 32 : i32
          %mul3A_1789 = arith.muli %select_n3A, %mul3A_1788 : i32
          %add3A_1790 = vector.broadcast %mul3A_1789 : i32 to vector<16xi32>
          %add3A_1791 = arith.addi %add3A_1786, %add3A_1790 : vector<16xi32>
          tpu.vector_store_idx %arg11[%add3A_1791, %add3A_1713], %gather3A_1787 : memref<160x128xf32, #tpu.memory_space<vmem>>[vector<16xi32>, vector<16xi32>], vector<16xf32>,
          %add3A_1792 = arith.constant 6 : i32
          %add3A_1793 = vector.broadcast %add3A_1792 : i32 to vector<16xi32>
          %add3A_1794 = arith.addi %iota3A, %add3A_1793 : vector<16xi32>
          %and3A_1795 = arith.constant 15 : i32
          %and3A_1796 = vector.broadcast %and3A_1795 : i32 to vector<16xi32>
          %and3A_1797 = arith.andi %add3A_1794, %and3A_1796 : vector<16xi32>
          %add3A_1798 = vector.broadcast %mul3A_1688 : i32 to vector<16xi32>
          %add3A_1799 = arith.addi %and3A_1797, %add3A_1798 : vector<16xi32>
          %gather3A_1800 = tpu.vector_load_idx %arg9[%add3A_1711, %add3A_1799] : memref<640x32xf32, #tpu.memory_space<vmem>>[vector<16xi32>, vector<16xi32>], vector<16xf32>,
          %mul3A_1801 = arith.constant 32 : i32
          %mul3A_1802 = arith.muli %select_n3A, %mul3A_1801 : i32
          %add3A_1803 = vector.broadcast %mul3A_1802 : i32 to vector<16xi32>
          %add3A_1804 = arith.addi %add3A_1799, %add3A_1803 : vector<16xi32>
          tpu.vector_store_idx %arg11[%add3A_1804, %add3A_1713], %gather3A_1800 : memref<160x128xf32, #tpu.memory_space<vmem>>[vector<16xi32>, vector<16xi32>], vector<16xf32>,
          %add3A_1805 = arith.constant 7 : i32
          %add3A_1806 = vector.broadcast %add3A_1805 : i32 to vector<16xi32>
          %add3A_1807 = arith.addi %iota3A, %add3A_1806 : vector<16xi32>
          %and3A_1808 = arith.constant 15 : i32
          %and3A_1809 = vector.broadcast %and3A_1808 : i32 to vector<16xi32>
          %and3A_1810 = arith.andi %add3A_1807, %and3A_1809 : vector<16xi32>
          %add3A_1811 = vector.broadcast %mul3A_1688 : i32 to vector<16xi32>
          %add3A_1812 = arith.addi %and3A_1810, %add3A_1811 : vector<16xi32>
          %gather3A_1813 = tpu.vector_load_idx %arg9[%add3A_1711, %add3A_1812] : memref<640x32xf32, #tpu.memory_space<vmem>>[vector<16xi32>, vector<16xi32>], vector<16xf32>,
          %mul3A_1814 = arith.constant 32 : i32
          %mul3A_1815 = arith.muli %select_n3A, %mul3A_1814 : i32
          %add3A_1816 = vector.broadcast %mul3A_1815 : i32 to vector<16xi32>
          %add3A_1817 = arith.addi %add3A_1812, %add3A_1816 : vector<16xi32>
          tpu.vector_store_idx %arg11[%add3A_1817, %add3A_1713], %gather3A_1813 : memref<160x128xf32, #tpu.memory_space<vmem>>[vector<16xi32>, vector<16xi32>], vector<16xf32>,
          %add3A_1818 = arith.constant 8 : i32
          %add3A_1819 = vector.broadcast %add3A_1818 : i32 to vector<16xi32>
          %add3A_1820 = arith.addi %iota3A, %add3A_1819 : vector<16xi32>
          %and3A_1821 = arith.constant 15 : i32
          %and3A_1822 = vector.broadcast %and3A_1821 : i32 to vector<16xi32>
          %and3A_1823 = arith.andi %add3A_1820, %and3A_1822 : vector<16xi32>
          %add3A_1824 = vector.broadcast %mul3A_1688 : i32 to vector<16xi32>
          %add3A_1825 = arith.addi %and3A_1823, %add3A_1824 : vector<16xi32>
          %gather3A_1826 = tpu.vector_load_idx %arg9[%add3A_1711, %add3A_1825] : memref<640x32xf32, #tpu.memory_space<vmem>>[vector<16xi32>, vector<16xi32>], vector<16xf32>,
          %mul3A_1827 = arith.constant 32 : i32
          %mul3A_1828 = arith.muli %select_n3A, %mul3A_1827 : i32
          %add3A_1829 = vector.broadcast %mul3A_1828 : i32 to vector<16xi32>
          %add3A_1830 = arith.addi %add3A_1825, %add3A_1829 : vector<16xi32>
          tpu.vector_store_idx %arg11[%add3A_1830, %add3A_1713], %gather3A_1826 : memref<160x128xf32, #tpu.memory_space<vmem>>[vector<16xi32>, vector<16xi32>], vector<16xf32>,
          %add3A_1831 = arith.constant 9 : i32
          %add3A_1832 = vector.broadcast %add3A_1831 : i32 to vector<16xi32>
          %add3A_1833 = arith.addi %iota3A, %add3A_1832 : vector<16xi32>
          %and3A_1834 = arith.constant 15 : i32
          %and3A_1835 = vector.broadcast %and3A_1834 : i32 to vector<16xi32>
          %and3A_1836 = arith.andi %add3A_1833, %and3A_1835 : vector<16xi32>
          %add3A_1837 = vector.broadcast %mul3A_1688 : i32 to vector<16xi32>
          %add3A_1838 = arith.addi %and3A_1836, %add3A_1837 : vector<16xi32>
          %gather3A_1839 = tpu.vector_load_idx %arg9[%add3A_1711, %add3A_1838] : memref<640x32xf32, #tpu.memory_space<vmem>>[vector<16xi32>, vector<16xi32>], vector<16xf32>,
          %mul3A_1840 = arith.constant 32 : i32
          %mul3A_1841 = arith.muli %select_n3A, %mul3A_1840 : i32
          %add3A_1842 = vector.broadcast %mul3A_1841 : i32 to vector<16xi32>
          %add3A_1843 = arith.addi %add3A_1838, %add3A_1842 : vector<16xi32>
          tpu.vector_store_idx %arg11[%add3A_1843, %add3A_1713], %gather3A_1839 : memref<160x128xf32, #tpu.memory_space<vmem>>[vector<16xi32>, vector<16xi32>], vector<16xf32>,
          %add3A_1844 = arith.constant 10 : i32
          %add3A_1845 = vector.broadcast %add3A_1844 : i32 to vector<16xi32>
          %add3A_1846 = arith.addi %iota3A, %add3A_1845 : vector<16xi32>
          %and3A_1847 = arith.constant 15 : i32
          %and3A_1848 = vector.broadcast %and3A_1847 : i32 to vector<16xi32>
          %and3A_1849 = arith.andi %add3A_1846, %and3A_1848 : vector<16xi32>
          %add3A_1850 = vector.broadcast %mul3A_1688 : i32 to vector<16xi32>
          %add3A_1851 = arith.addi %and3A_1849, %add3A_1850 : vector<16xi32>
          %gather3A_1852 = tpu.vector_load_idx %arg9[%add3A_1711, %add3A_1851] : memref<640x32xf32, #tpu.memory_space<vmem>>[vector<16xi32>, vector<16xi32>], vector<16xf32>,
          %mul3A_1853 = arith.constant 32 : i32
          %mul3A_1854 = arith.muli %select_n3A, %mul3A_1853 : i32
          %add3A_1855 = vector.broadcast %mul3A_1854 : i32 to vector<16xi32>
          %add3A_1856 = arith.addi %add3A_1851, %add3A_1855 : vector<16xi32>
          tpu.vector_store_idx %arg11[%add3A_1856, %add3A_1713], %gather3A_1852 : memref<160x128xf32, #tpu.memory_space<vmem>>[vector<16xi32>, vector<16xi32>], vector<16xf32>,
          %add3A_1857 = arith.constant 11 : i32
          %add3A_1858 = vector.broadcast %add3A_1857 : i32 to vector<16xi32>
          %add3A_1859 = arith.addi %iota3A, %add3A_1858 : vector<16xi32>
          %and3A_1860 = arith.constant 15 : i32
          %and3A_1861 = vector.broadcast %and3A_1860 : i32 to vector<16xi32>
          %and3A_1862 = arith.andi %add3A_1859, %and3A_1861 : vector<16xi32>
          %add3A_1863 = vector.broadcast %mul3A_1688 : i32 to vector<16xi32>
          %add3A_1864 = arith.addi %and3A_1862, %add3A_1863 : vector<16xi32>
          %gather3A_1865 = tpu.vector_load_idx %arg9[%add3A_1711, %add3A_1864] : memref<640x32xf32, #tpu.memory_space<vmem>>[vector<16xi32>, vector<16xi32>], vector<16xf32>,
          %mul3A_1866 = arith.constant 32 : i32
          %mul3A_1867 = arith.muli %select_n3A, %mul3A_1866 : i32
          %add3A_1868 = vector.broadcast %mul3A_1867 : i32 to vector<16xi32>
          %add3A_1869 = arith.addi %add3A_1864, %add3A_1868 : vector<16xi32>
          tpu.vector_store_idx %arg11[%add3A_1869, %add3A_1713], %gather3A_1865 : memref<160x128xf32, #tpu.memory_space<vmem>>[vector<16xi32>, vector<16xi32>], vector<16xf32>,
          %add3A_1870 = arith.constant 12 : i32
          %add3A_1871 = vector.broadcast %add3A_1870 : i32 to vector<16xi32>
          %add3A_1872 = arith.addi %iota3A, %add3A_1871 : vector<16xi32>
          %and3A_1873 = arith.constant 15 : i32
          %and3A_1874 = vector.broadcast %and3A_1873 : i32 to vector<16xi32>
          %and3A_1875 = arith.andi %add3A_1872, %and3A_1874 : vector<16xi32>
          %add3A_1876 = vector.broadcast %mul3A_1688 : i32 to vector<16xi32>
          %add3A_1877 = arith.addi %and3A_1875, %add3A_1876 : vector<16xi32>
          %gather3A_1878 = tpu.vector_load_idx %arg9[%add3A_1711, %add3A_1877] : memref<640x32xf32, #tpu.memory_space<vmem>>[vector<16xi32>, vector<16xi32>], vector<16xf32>,
          %mul3A_1879 = arith.constant 32 : i32
          %mul3A_1880 = arith.muli %select_n3A, %mul3A_1879 : i32
          %add3A_1881 = vector.broadcast %mul3A_1880 : i32 to vector<16xi32>
          %add3A_1882 = arith.addi %add3A_1877, %add3A_1881 : vector<16xi32>
          tpu.vector_store_idx %arg11[%add3A_1882, %add3A_1713], %gather3A_1878 : memref<160x128xf32, #tpu.memory_space<vmem>>[vector<16xi32>, vector<16xi32>], vector<16xf32>,
          %add3A_1883 = arith.constant 13 : i32
          %add3A_1884 = vector.broadcast %add3A_1883 : i32 to vector<16xi32>
          %add3A_1885 = arith.addi %iota3A, %add3A_1884 : vector<16xi32>
          %and3A_1886 = arith.constant 15 : i32
          %and3A_1887 = vector.broadcast %and3A_1886 : i32 to vector<16xi32>
          %and3A_1888 = arith.andi %add3A_1885, %and3A_1887 : vector<16xi32>
          %add3A_1889 = vector.broadcast %mul3A_1688 : i32 to vector<16xi32>
          %add3A_1890 = arith.addi %and3A_1888, %add3A_1889 : vector<16xi32>
          %gather3A_1891 = tpu.vector_load_idx %arg9[%add3A_1711, %add3A_1890] : memref<640x32xf32, #tpu.memory_space<vmem>>[vector<16xi32>, vector<16xi32>], vector<16xf32>,
          %mul3A_1892 = arith.constant 32 : i32
          %mul3A_1893 = arith.muli %select_n3A, %mul3A_1892 : i32
          %add3A_1894 = vector.broadcast %mul3A_1893 : i32 to vector<16xi32>
          %add3A_1895 = arith.addi %add3A_1890, %add3A_1894 : vector<16xi32>
          tpu.vector_store_idx %arg11[%add3A_1895, %add3A_1713], %gather3A_1891 : memref<160x128xf32, #tpu.memory_space<vmem>>[vector<16xi32>, vector<16xi32>], vector<16xf32>,
          %add3A_1896 = arith.constant 14 : i32
          %add3A_1897 = vector.broadcast %add3A_1896 : i32 to vector<16xi32>
          %add3A_1898 = arith.addi %iota3A, %add3A_1897 : vector<16xi32>
          %and3A_1899 = arith.constant 15 : i32
          %and3A_1900 = vector.broadcast %and3A_1899 : i32 to vector<16xi32>
          %and3A_1901 = arith.andi %add3A_1898, %and3A_1900 : vector<16xi32>
          %add3A_1902 = vector.broadcast %mul3A_1688 : i32 to vector<16xi32>
          %add3A_1903 = arith.addi %and3A_1901, %add3A_1902 : vector<16xi32>
          %gather3A_1904 = tpu.vector_load_idx %arg9[%add3A_1711, %add3A_1903] : memref<640x32xf32, #tpu.memory_space<vmem>>[vector<16xi32>, vector<16xi32>], vector<16xf32>,
          %mul3A_1905 = arith.constant 32 : i32
          %mul3A_1906 = arith.muli %select_n3A, %mul3A_1905 : i32
          %add3A_1907 = vector.broadcast %mul3A_1906 : i32 to vector<16xi32>
          %add3A_1908 = arith.addi %add3A_1903, %add3A_1907 : vector<16xi32>
          tpu.vector_store_idx %arg11[%add3A_1908, %add3A_1713], %gather3A_1904 : memref<160x128xf32, #tpu.memory_space<vmem>>[vector<16xi32>, vector<16xi32>], vector<16xf32>,
          %add3A_1909 = arith.constant 15 : i32
          %add3A_1910 = vector.broadcast %add3A_1909 : i32 to vector<16xi32>
          %add3A_1911 = arith.addi %iota3A, %add3A_1910 : vector<16xi32>
          %and3A_1912 = arith.constant 15 : i32
          %and3A_1913 = vector.broadcast %and3A_1912 : i32 to vector<16xi32>
          %and3A_1914 = arith.andi %add3A_1911, %and3A_1913 : vector<16xi32>
          %add3A_1915 = vector.broadcast %mul3A_1688 : i32 to vector<16xi32>
          %add3A_1916 = arith.addi %and3A_1914, %add3A_1915 : vector<16xi32>
          %gather3A_1917 = tpu.vector_load_idx %arg9[%add3A_1711, %add3A_1916] : memref<640x32xf32, #tpu.memory_space<vmem>>[vector<16xi32>, vector<16xi32>], vector<16xf32>,
          %mul3A_1918 = arith.constant 32 : i32
          %mul3A_1919 = arith.muli %select_n3A, %mul3A_1918 : i32
          %add3A_1920 = vector.broadcast %mul3A_1919 : i32 to vector<16xi32>
          %add3A_1921 = arith.addi %add3A_1916, %add3A_1920 : vector<16xi32>
          tpu.vector_store_idx %arg11[%add3A_1921, %add3A_1713], %gather3A_1917 : memref<160x128xf32, #tpu.memory_space<vmem>>[vector<16xi32>, vector<16xi32>], vector<16xf32>,
        }
        %scan3A_1288 = arith.constant 80 : i32
        %mul3A_1289 = arith.constant 5 : i32
        %mul3A_1290 = arith.muli %add3A_1267, %mul3A_1289 : i32
        %add3A_1291 = arith.constant 0 : i32
        %add3A_1292 = arith.addi %mul3A_1290, %add3A_1291 : i32
        %dma_start3A_1293 = arith.constant 0 : i32
        %dma_start3A_1294 = arith.constant 0 : i32
        %dma_start3A_1295 = arith.constant 0 : i32
        %dma_start3A_1296 = tpu.memref_slice %arg11[%dma_start3A_1294, %dma_start3A_1295] : memref<160x128xf32, #tpu.memory_space<vmem>> -> memref<8x128xf32, #tpu.memory_space<vmem>>
        %dma_start3A_1297 = arith.constant 0 : i32
        %dma_start3A_1298 = arith.constant 0 : i32
        %dma_start3A_1299 = tpu.memref_slice %arg4[%add3A_1292, %dma_start3A_1293, %add3A_12, %dma_start3A_1297, %dma_start3A_1298] : memref<50x4x128x8x128xf32, #tpu.memory_space<hbm>> -> memref<1x1x1x8x128xf32, #tpu.memory_space<hbm>>
        %dma_start3A_1300 = tpu.memref_squeeze %dma_start3A_1299 : memref<1x1x1x8x128xf32, #tpu.memory_space<hbm>> -> memref<8x128xf32, #tpu.memory_space<hbm>>
        %dma_start3A_1301 = arith.constant 0 : i32
        %dma_start3A_1302 = arith.constant 0 : i32
        %dma_start3A_1303 = tpu.memref_slice %arg4[%add3A_1292, %dma_start3A_1293, %add3A_12, %dma_start3A_1301, %dma_start3A_1302] : memref<50x4x128x8x128xf32, #tpu.memory_space<hbm>> -> memref<1x1x1x8x128xf32, #tpu.memory_space<hbm>>
        %dma_start3A_1304 = tpu.memref_squeeze %dma_start3A_1303 : memref<1x1x1x8x128xf32, #tpu.memory_space<hbm>> -> memref<8x128xf32, #tpu.memory_space<hbm>>
        %dma_start3A_1305 = arith.constant 0 : i32
        %dma_start3A_1306 = arith.constant 0 : i32
        %dma_start3A_1307 = tpu.memref_slice %arg11[%dma_start3A_1305, %dma_start3A_1306] : memref<160x128xf32, #tpu.memory_space<vmem>> -> memref<8x128xf32, #tpu.memory_space<vmem>>
        tpu.enqueue_dma source(%dma_start3A_1307 : memref<8x128xf32, #tpu.memory_space<vmem>>) target(%dma_start3A_1304 : memref<8x128xf32, #tpu.memory_space<hbm>>) target_semaphore(%arg15 : memref<!tpu.dma_semaphore, #tpu.memory_space<semaphore_mem>>)
        %add3A_1308 = arith.constant 0 : i32
        %add3A_1309 = arith.addi %mul3A_1290, %add3A_1308 : i32
        %dma_start3A_1310 = arith.constant 1 : i32
        %dma_start3A_1311 = arith.constant 8 : i32
        %dma_start3A_1312 = arith.constant 0 : i32
        %dma_start3A_1313 = tpu.memref_slice %arg11[%dma_start3A_1311, %dma_start3A_1312] : memref<160x128xf32, #tpu.memory_space<vmem>> -> memref<8x128xf32, #tpu.memory_space<vmem>>
        %dma_start3A_1314 = arith.constant 0 : i32
        %dma_start3A_1315 = arith.constant 0 : i32
        %dma_start3A_1316 = tpu.memref_slice %arg4[%add3A_1309, %dma_start3A_1310, %add3A_12, %dma_start3A_1314, %dma_start3A_1315] : memref<50x4x128x8x128xf32, #tpu.memory_space<hbm>> -> memref<1x1x1x8x128xf32, #tpu.memory_space<hbm>>
        %dma_start3A_1317 = tpu.memref_squeeze %dma_start3A_1316 : memref<1x1x1x8x128xf32, #tpu.memory_space<hbm>> -> memref<8x128xf32, #tpu.memory_space<hbm>>
        %dma_start3A_1318 = arith.constant 0 : i32
        %dma_start3A_1319 = arith.constant 0 : i32
        %dma_start3A_1320 = tpu.memref_slice %arg4[%add3A_1309, %dma_start3A_1310, %add3A_12, %dma_start3A_1318, %dma_start3A_1319] : memref<50x4x128x8x128xf32, #tpu.memory_space<hbm>> -> memref<1x1x1x8x128xf32, #tpu.memory_space<hbm>>
        %dma_start3A_1321 = tpu.memref_squeeze %dma_start3A_1320 : memref<1x1x1x8x128xf32, #tpu.memory_space<hbm>> -> memref<8x128xf32, #tpu.memory_space<hbm>>
        %dma_start3A_1322 = arith.constant 8 : i32
        %dma_start3A_1323 = arith.constant 0 : i32
        %dma_start3A_1324 = tpu.memref_slice %arg11[%dma_start3A_1322, %dma_start3A_1323] : memref<160x128xf32, #tpu.memory_space<vmem>> -> memref<8x128xf32, #tpu.memory_space<vmem>>
        tpu.enqueue_dma source(%dma_start3A_1324 : memref<8x128xf32, #tpu.memory_space<vmem>>) target(%dma_start3A_1321 : memref<8x128xf32, #tpu.memory_space<hbm>>) target_semaphore(%arg15 : memref<!tpu.dma_semaphore, #tpu.memory_space<semaphore_mem>>)
        %add3A_1325 = arith.constant 0 : i32
        %add3A_1326 = arith.addi %mul3A_1290, %add3A_1325 : i32
        %dma_start3A_1327 = arith.constant 2 : i32
        %dma_start3A_1328 = arith.constant 16 : i32
        %dma_start3A_1329 = arith.constant 0 : i32
        %dma_start3A_1330 = tpu.memref_slice %arg11[%dma_start3A_1328, %dma_start3A_1329] : memref<160x128xf32, #tpu.memory_space<vmem>> -> memref<8x128xf32, #tpu.memory_space<vmem>>
        %dma_start3A_1331 = arith.constant 0 : i32
        %dma_start3A_1332 = arith.constant 0 : i32
        %dma_start3A_1333 = tpu.memref_slice %arg4[%add3A_1326, %dma_start3A_1327, %add3A_12, %dma_start3A_1331, %dma_start3A_1332] : memref<50x4x128x8x128xf32, #tpu.memory_space<hbm>> -> memref<1x1x1x8x128xf32, #tpu.memory_space<hbm>>
        %dma_start3A_1334 = tpu.memref_squeeze %dma_start3A_1333 : memref<1x1x1x8x128xf32, #tpu.memory_space<hbm>> -> memref<8x128xf32, #tpu.memory_space<hbm>>
        %dma_start3A_1335 = arith.constant 0 : i32
        %dma_start3A_1336 = arith.constant 0 : i32
        %dma_start3A_1337 = tpu.memref_slice %arg4[%add3A_1326, %dma_start3A_1327, %add3A_12, %dma_start3A_1335, %dma_start3A_1336] : memref<50x4x128x8x128xf32, #tpu.memory_space<hbm>> -> memref<1x1x1x8x128xf32, #tpu.memory_space<hbm>>
        %dma_start3A_1338 = tpu.memref_squeeze %dma_start3A_1337 : memref<1x1x1x8x128xf32, #tpu.memory_space<hbm>> -> memref<8x128xf32, #tpu.memory_space<hbm>>
        %dma_start3A_1339 = arith.constant 16 : i32
        %dma_start3A_1340 = arith.constant 0 : i32
        %dma_start3A_1341 = tpu.memref_slice %arg11[%dma_start3A_1339, %dma_start3A_1340] : memref<160x128xf32, #tpu.memory_space<vmem>> -> memref<8x128xf32, #tpu.memory_space<vmem>>
        tpu.enqueue_dma source(%dma_start3A_1341 : memref<8x128xf32, #tpu.memory_space<vmem>>) target(%dma_start3A_1338 : memref<8x128xf32, #tpu.memory_space<hbm>>) target_semaphore(%arg15 : memref<!tpu.dma_semaphore, #tpu.memory_space<semaphore_mem>>)
        %add3A_1342 = arith.constant 0 : i32
        %add3A_1343 = arith.addi %mul3A_1290, %add3A_1342 : i32
        %dma_start3A_1344 = arith.constant 3 : i32
        %dma_start3A_1345 = arith.constant 24 : i32
        %dma_start3A_1346 = arith.constant 0 : i32
        %dma_start3A_1347 = tpu.memref_slice %arg11[%dma_start3A_1345, %dma_start3A_1346] : memref<160x128xf32, #tpu.memory_space<vmem>> -> memref<8x128xf32, #tpu.memory_space<vmem>>
        %dma_start3A_1348 = arith.constant 0 : i32
        %dma_start3A_1349 = arith.constant 0 : i32
        %dma_start3A_1350 = tpu.memref_slice %arg4[%add3A_1343, %dma_start3A_1344, %add3A_12, %dma_start3A_1348, %dma_start3A_1349] : memref<50x4x128x8x128xf32, #tpu.memory_space<hbm>> -> memref<1x1x1x8x128xf32, #tpu.memory_space<hbm>>
        %dma_start3A_1351 = tpu.memref_squeeze %dma_start3A_1350 : memref<1x1x1x8x128xf32, #tpu.memory_space<hbm>> -> memref<8x128xf32, #tpu.memory_space<hbm>>
        %dma_start3A_1352 = arith.constant 0 : i32
        %dma_start3A_1353 = arith.constant 0 : i32
        %dma_start3A_1354 = tpu.memref_slice %arg4[%add3A_1343, %dma_start3A_1344, %add3A_12, %dma_start3A_1352, %dma_start3A_1353] : memref<50x4x128x8x128xf32, #tpu.memory_space<hbm>> -> memref<1x1x1x8x128xf32, #tpu.memory_space<hbm>>
        %dma_start3A_1355 = tpu.memref_squeeze %dma_start3A_1354 : memref<1x1x1x8x128xf32, #tpu.memory_space<hbm>> -> memref<8x128xf32, #tpu.memory_space<hbm>>
        %dma_start3A_1356 = arith.constant 24 : i32
        %dma_start3A_1357 = arith.constant 0 : i32
        %dma_start3A_1358 = tpu.memref_slice %arg11[%dma_start3A_1356, %dma_start3A_1357] : memref<160x128xf32, #tpu.memory_space<vmem>> -> memref<8x128xf32, #tpu.memory_space<vmem>>
        tpu.enqueue_dma source(%dma_start3A_1358 : memref<8x128xf32, #tpu.memory_space<vmem>>) target(%dma_start3A_1355 : memref<8x128xf32, #tpu.memory_space<hbm>>) target_semaphore(%arg15 : memref<!tpu.dma_semaphore, #tpu.memory_space<semaphore_mem>>)
        %add3A_1359 = arith.constant 1 : i32
        %add3A_1360 = arith.addi %mul3A_1290, %add3A_1359 : i32
        %dma_start3A_1361 = arith.constant 0 : i32
        %dma_start3A_1362 = arith.constant 32 : i32
        %dma_start3A_1363 = arith.constant 0 : i32
        %dma_start3A_1364 = tpu.memref_slice %arg11[%dma_start3A_1362, %dma_start3A_1363] : memref<160x128xf32, #tpu.memory_space<vmem>> -> memref<8x128xf32, #tpu.memory_space<vmem>>
        %dma_start3A_1365 = arith.constant 0 : i32
        %dma_start3A_1366 = arith.constant 0 : i32
        %dma_start3A_1367 = tpu.memref_slice %arg4[%add3A_1360, %dma_start3A_1361, %add3A_12, %dma_start3A_1365, %dma_start3A_1366] : memref<50x4x128x8x128xf32, #tpu.memory_space<hbm>> -> memref<1x1x1x8x128xf32, #tpu.memory_space<hbm>>
        %dma_start3A_1368 = tpu.memref_squeeze %dma_start3A_1367 : memref<1x1x1x8x128xf32, #tpu.memory_space<hbm>> -> memref<8x128xf32, #tpu.memory_space<hbm>>
        %dma_start3A_1369 = arith.constant 0 : i32
        %dma_start3A_1370 = arith.constant 0 : i32
        %dma_start3A_1371 = tpu.memref_slice %arg4[%add3A_1360, %dma_start3A_1361, %add3A_12, %dma_start3A_1369, %dma_start3A_1370] : memref<50x4x128x8x128xf32, #tpu.memory_space<hbm>> -> memref<1x1x1x8x128xf32, #tpu.memory_space<hbm>>
        %dma_start3A_1372 = tpu.memref_squeeze %dma_start3A_1371 : memref<1x1x1x8x128xf32, #tpu.memory_space<hbm>> -> memref<8x128xf32, #tpu.memory_space<hbm>>
        %dma_start3A_1373 = arith.constant 32 : i32
        %dma_start3A_1374 = arith.constant 0 : i32
        %dma_start3A_1375 = tpu.memref_slice %arg11[%dma_start3A_1373, %dma_start3A_1374] : memref<160x128xf32, #tpu.memory_space<vmem>> -> memref<8x128xf32, #tpu.memory_space<vmem>>
        tpu.enqueue_dma source(%dma_start3A_1375 : memref<8x128xf32, #tpu.memory_space<vmem>>) target(%dma_start3A_1372 : memref<8x128xf32, #tpu.memory_space<hbm>>) target_semaphore(%arg15 : memref<!tpu.dma_semaphore, #tpu.memory_space<semaphore_mem>>)
        %add3A_1376 = arith.constant 1 : i32
        %add3A_1377 = arith.addi %mul3A_1290, %add3A_1376 : i32
        %dma_start3A_1378 = arith.constant 1 : i32
        %dma_start3A_1379 = arith.constant 40 : i32
        %dma_start3A_1380 = arith.constant 0 : i32
        %dma_start3A_1381 = tpu.memref_slice %arg11[%dma_start3A_1379, %dma_start3A_1380] : memref<160x128xf32, #tpu.memory_space<vmem>> -> memref<8x128xf32, #tpu.memory_space<vmem>>
        %dma_start3A_1382 = arith.constant 0 : i32
        %dma_start3A_1383 = arith.constant 0 : i32
        %dma_start3A_1384 = tpu.memref_slice %arg4[%add3A_1377, %dma_start3A_1378, %add3A_12, %dma_start3A_1382, %dma_start3A_1383] : memref<50x4x128x8x128xf32, #tpu.memory_space<hbm>> -> memref<1x1x1x8x128xf32, #tpu.memory_space<hbm>>
        %dma_start3A_1385 = tpu.memref_squeeze %dma_start3A_1384 : memref<1x1x1x8x128xf32, #tpu.memory_space<hbm>> -> memref<8x128xf32, #tpu.memory_space<hbm>>
        %dma_start3A_1386 = arith.constant 0 : i32
        %dma_start3A_1387 = arith.constant 0 : i32
        %dma_start3A_1388 = tpu.memref_slice %arg4[%add3A_1377, %dma_start3A_1378, %add3A_12, %dma_start3A_1386, %dma_start3A_1387] : memref<50x4x128x8x128xf32, #tpu.memory_space<hbm>> -> memref<1x1x1x8x128xf32, #tpu.memory_space<hbm>>
        %dma_start3A_1389 = tpu.memref_squeeze %dma_start3A_1388 : memref<1x1x1x8x128xf32, #tpu.memory_space<hbm>> -> memref<8x128xf32, #tpu.memory_space<hbm>>
        %dma_start3A_1390 = arith.constant 40 : i32
        %dma_start3A_1391 = arith.constant 0 : i32
        %dma_start3A_1392 = tpu.memref_slice %arg11[%dma_start3A_1390, %dma_start3A_1391] : memref<160x128xf32, #tpu.memory_space<vmem>> -> memref<8x128xf32, #tpu.memory_space<vmem>>
        tpu.enqueue_dma source(%dma_start3A_1392 : memref<8x128xf32, #tpu.memory_space<vmem>>) target(%dma_start3A_1389 : memref<8x128xf32, #tpu.memory_space<hbm>>) target_semaphore(%arg15 : memref<!tpu.dma_semaphore, #tpu.memory_space<semaphore_mem>>)
        %add3A_1393 = arith.constant 1 : i32
        %add3A_1394 = arith.addi %mul3A_1290, %add3A_1393 : i32
        %dma_start3A_1395 = arith.constant 2 : i32
        %dma_start3A_1396 = arith.constant 48 : i32
        %dma_start3A_1397 = arith.constant 0 : i32
        %dma_start3A_1398 = tpu.memref_slice %arg11[%dma_start3A_1396, %dma_start3A_1397] : memref<160x128xf32, #tpu.memory_space<vmem>> -> memref<8x128xf32, #tpu.memory_space<vmem>>
        %dma_start3A_1399 = arith.constant 0 : i32
        %dma_start3A_1400 = arith.constant 0 : i32
        %dma_start3A_1401 = tpu.memref_slice %arg4[%add3A_1394, %dma_start3A_1395, %add3A_12, %dma_start3A_1399, %dma_start3A_1400] : memref<50x4x128x8x128xf32, #tpu.memory_space<hbm>> -> memref<1x1x1x8x128xf32, #tpu.memory_space<hbm>>
        %dma_start3A_1402 = tpu.memref_squeeze %dma_start3A_1401 : memref<1x1x1x8x128xf32, #tpu.memory_space<hbm>> -> memref<8x128xf32, #tpu.memory_space<hbm>>
        %dma_start3A_1403 = arith.constant 0 : i32
        %dma_start3A_1404 = arith.constant 0 : i32
        %dma_start3A_1405 = tpu.memref_slice %arg4[%add3A_1394, %dma_start3A_1395, %add3A_12, %dma_start3A_1403, %dma_start3A_1404] : memref<50x4x128x8x128xf32, #tpu.memory_space<hbm>> -> memref<1x1x1x8x128xf32, #tpu.memory_space<hbm>>
        %dma_start3A_1406 = tpu.memref_squeeze %dma_start3A_1405 : memref<1x1x1x8x128xf32, #tpu.memory_space<hbm>> -> memref<8x128xf32, #tpu.memory_space<hbm>>
        %dma_start3A_1407 = arith.constant 48 : i32
        %dma_start3A_1408 = arith.constant 0 : i32
        %dma_start3A_1409 = tpu.memref_slice %arg11[%dma_start3A_1407, %dma_start3A_1408] : memref<160x128xf32, #tpu.memory_space<vmem>> -> memref<8x128xf32, #tpu.memory_space<vmem>>
        tpu.enqueue_dma source(%dma_start3A_1409 : memref<8x128xf32, #tpu.memory_space<vmem>>) target(%dma_start3A_1406 : memref<8x128xf32, #tpu.memory_space<hbm>>) target_semaphore(%arg15 : memref<!tpu.dma_semaphore, #tpu.memory_space<semaphore_mem>>)
        %add3A_1410 = arith.constant 1 : i32
        %add3A_1411 = arith.addi %mul3A_1290, %add3A_1410 : i32
        %dma_start3A_1412 = arith.constant 3 : i32
        %dma_start3A_1413 = arith.constant 56 : i32
        %dma_start3A_1414 = arith.constant 0 : i32
        %dma_start3A_1415 = tpu.memref_slice %arg11[%dma_start3A_1413, %dma_start3A_1414] : memref<160x128xf32, #tpu.memory_space<vmem>> -> memref<8x128xf32, #tpu.memory_space<vmem>>
        %dma_start3A_1416 = arith.constant 0 : i32
        %dma_start3A_1417 = arith.constant 0 : i32
        %dma_start3A_1418 = tpu.memref_slice %arg4[%add3A_1411, %dma_start3A_1412, %add3A_12, %dma_start3A_1416, %dma_start3A_1417] : memref<50x4x128x8x128xf32, #tpu.memory_space<hbm>> -> memref<1x1x1x8x128xf32, #tpu.memory_space<hbm>>
        %dma_start3A_1419 = tpu.memref_squeeze %dma_start3A_1418 : memref<1x1x1x8x128xf32, #tpu.memory_space<hbm>> -> memref<8x128xf32, #tpu.memory_space<hbm>>
        %dma_start3A_1420 = arith.constant 0 : i32
        %dma_start3A_1421 = arith.constant 0 : i32
        %dma_start3A_1422 = tpu.memref_slice %arg4[%add3A_1411, %dma_start3A_1412, %add3A_12, %dma_start3A_1420, %dma_start3A_1421] : memref<50x4x128x8x128xf32, #tpu.memory_space<hbm>> -> memref<1x1x1x8x128xf32, #tpu.memory_space<hbm>>
        %dma_start3A_1423 = tpu.memref_squeeze %dma_start3A_1422 : memref<1x1x1x8x128xf32, #tpu.memory_space<hbm>> -> memref<8x128xf32, #tpu.memory_space<hbm>>
        %dma_start3A_1424 = arith.constant 56 : i32
        %dma_start3A_1425 = arith.constant 0 : i32
        %dma_start3A_1426 = tpu.memref_slice %arg11[%dma_start3A_1424, %dma_start3A_1425] : memref<160x128xf32, #tpu.memory_space<vmem>> -> memref<8x128xf32, #tpu.memory_space<vmem>>
        tpu.enqueue_dma source(%dma_start3A_1426 : memref<8x128xf32, #tpu.memory_space<vmem>>) target(%dma_start3A_1423 : memref<8x128xf32, #tpu.memory_space<hbm>>) target_semaphore(%arg15 : memref<!tpu.dma_semaphore, #tpu.memory_space<semaphore_mem>>)
        %add3A_1427 = arith.constant 2 : i32
        %add3A_1428 = arith.addi %mul3A_1290, %add3A_1427 : i32
        %dma_start3A_1429 = arith.constant 0 : i32
        %dma_start3A_1430 = arith.constant 64 : i32
        %dma_start3A_1431 = arith.constant 0 : i32
        %dma_start3A_1432 = tpu.memref_slice %arg11[%dma_start3A_1430, %dma_start3A_1431] : memref<160x128xf32, #tpu.memory_space<vmem>> -> memref<8x128xf32, #tpu.memory_space<vmem>>
        %dma_start3A_1433 = arith.constant 0 : i32
        %dma_start3A_1434 = arith.constant 0 : i32
        %dma_start3A_1435 = tpu.memref_slice %arg4[%add3A_1428, %dma_start3A_1429, %add3A_12, %dma_start3A_1433, %dma_start3A_1434] : memref<50x4x128x8x128xf32, #tpu.memory_space<hbm>> -> memref<1x1x1x8x128xf32, #tpu.memory_space<hbm>>
        %dma_start3A_1436 = tpu.memref_squeeze %dma_start3A_1435 : memref<1x1x1x8x128xf32, #tpu.memory_space<hbm>> -> memref<8x128xf32, #tpu.memory_space<hbm>>
        %dma_start3A_1437 = arith.constant 0 : i32
        %dma_start3A_1438 = arith.constant 0 : i32
        %dma_start3A_1439 = tpu.memref_slice %arg4[%add3A_1428, %dma_start3A_1429, %add3A_12, %dma_start3A_1437, %dma_start3A_1438] : memref<50x4x128x8x128xf32, #tpu.memory_space<hbm>> -> memref<1x1x1x8x128xf32, #tpu.memory_space<hbm>>
        %dma_start3A_1440 = tpu.memref_squeeze %dma_start3A_1439 : memref<1x1x1x8x128xf32, #tpu.memory_space<hbm>> -> memref<8x128xf32, #tpu.memory_space<hbm>>
        %dma_start3A_1441 = arith.constant 64 : i32
        %dma_start3A_1442 = arith.constant 0 : i32
        %dma_start3A_1443 = tpu.memref_slice %arg11[%dma_start3A_1441, %dma_start3A_1442] : memref<160x128xf32, #tpu.memory_space<vmem>> -> memref<8x128xf32, #tpu.memory_space<vmem>>
        tpu.enqueue_dma source(%dma_start3A_1443 : memref<8x128xf32, #tpu.memory_space<vmem>>) target(%dma_start3A_1440 : memref<8x128xf32, #tpu.memory_space<hbm>>) target_semaphore(%arg15 : memref<!tpu.dma_semaphore, #tpu.memory_space<semaphore_mem>>)
        %add3A_1444 = arith.constant 2 : i32
        %add3A_1445 = arith.addi %mul3A_1290, %add3A_1444 : i32
        %dma_start3A_1446 = arith.constant 1 : i32
        %dma_start3A_1447 = arith.constant 72 : i32
        %dma_start3A_1448 = arith.constant 0 : i32
        %dma_start3A_1449 = tpu.memref_slice %arg11[%dma_start3A_1447, %dma_start3A_1448] : memref<160x128xf32, #tpu.memory_space<vmem>> -> memref<8x128xf32, #tpu.memory_space<vmem>>
        %dma_start3A_1450 = arith.constant 0 : i32
        %dma_start3A_1451 = arith.constant 0 : i32
        %dma_start3A_1452 = tpu.memref_slice %arg4[%add3A_1445, %dma_start3A_1446, %add3A_12, %dma_start3A_1450, %dma_start3A_1451] : memref<50x4x128x8x128xf32, #tpu.memory_space<hbm>> -> memref<1x1x1x8x128xf32, #tpu.memory_space<hbm>>
        %dma_start3A_1453 = tpu.memref_squeeze %dma_start3A_1452 : memref<1x1x1x8x128xf32, #tpu.memory_space<hbm>> -> memref<8x128xf32, #tpu.memory_space<hbm>>
        %dma_start3A_1454 = arith.constant 0 : i32
        %dma_start3A_1455 = arith.constant 0 : i32
        %dma_start3A_1456 = tpu.memref_slice %arg4[%add3A_1445, %dma_start3A_1446, %add3A_12, %dma_start3A_1454, %dma_start3A_1455] : memref<50x4x128x8x128xf32, #tpu.memory_space<hbm>> -> memref<1x1x1x8x128xf32, #tpu.memory_space<hbm>>
        %dma_start3A_1457 = tpu.memref_squeeze %dma_start3A_1456 : memref<1x1x1x8x128xf32, #tpu.memory_space<hbm>> -> memref<8x128xf32, #tpu.memory_space<hbm>>
        %dma_start3A_1458 = arith.constant 72 : i32
        %dma_start3A_1459 = arith.constant 0 : i32
        %dma_start3A_1460 = tpu.memref_slice %arg11[%dma_start3A_1458, %dma_start3A_1459] : memref<160x128xf32, #tpu.memory_space<vmem>> -> memref<8x128xf32, #tpu.memory_space<vmem>>
        tpu.enqueue_dma source(%dma_start3A_1460 : memref<8x128xf32, #tpu.memory_space<vmem>>) target(%dma_start3A_1457 : memref<8x128xf32, #tpu.memory_space<hbm>>) target_semaphore(%arg15 : memref<!tpu.dma_semaphore, #tpu.memory_space<semaphore_mem>>)
        %add3A_1461 = arith.constant 2 : i32
        %add3A_1462 = arith.addi %mul3A_1290, %add3A_1461 : i32
        %dma_start3A_1463 = arith.constant 2 : i32
        %dma_start3A_1464 = arith.constant 80 : i32
        %dma_start3A_1465 = arith.constant 0 : i32
        %dma_start3A_1466 = tpu.memref_slice %arg11[%dma_start3A_1464, %dma_start3A_1465] : memref<160x128xf32, #tpu.memory_space<vmem>> -> memref<8x128xf32, #tpu.memory_space<vmem>>
        %dma_start3A_1467 = arith.constant 0 : i32
        %dma_start3A_1468 = arith.constant 0 : i32
        %dma_start3A_1469 = tpu.memref_slice %arg4[%add3A_1462, %dma_start3A_1463, %add3A_12, %dma_start3A_1467, %dma_start3A_1468] : memref<50x4x128x8x128xf32, #tpu.memory_space<hbm>> -> memref<1x1x1x8x128xf32, #tpu.memory_space<hbm>>
        %dma_start3A_1470 = tpu.memref_squeeze %dma_start3A_1469 : memref<1x1x1x8x128xf32, #tpu.memory_space<hbm>> -> memref<8x128xf32, #tpu.memory_space<hbm>>
        %dma_start3A_1471 = arith.constant 0 : i32
        %dma_start3A_1472 = arith.constant 0 : i32
        %dma_start3A_1473 = tpu.memref_slice %arg4[%add3A_1462, %dma_start3A_1463, %add3A_12, %dma_start3A_1471, %dma_start3A_1472] : memref<50x4x128x8x128xf32, #tpu.memory_space<hbm>> -> memref<1x1x1x8x128xf32, #tpu.memory_space<hbm>>
        %dma_start3A_1474 = tpu.memref_squeeze %dma_start3A_1473 : memref<1x1x1x8x128xf32, #tpu.memory_space<hbm>> -> memref<8x128xf32, #tpu.memory_space<hbm>>
        %dma_start3A_1475 = arith.constant 80 : i32
        %dma_start3A_1476 = arith.constant 0 : i32
        %dma_start3A_1477 = tpu.memref_slice %arg11[%dma_start3A_1475, %dma_start3A_1476] : memref<160x128xf32, #tpu.memory_space<vmem>> -> memref<8x128xf32, #tpu.memory_space<vmem>>
        tpu.enqueue_dma source(%dma_start3A_1477 : memref<8x128xf32, #tpu.memory_space<vmem>>) target(%dma_start3A_1474 : memref<8x128xf32, #tpu.memory_space<hbm>>) target_semaphore(%arg15 : memref<!tpu.dma_semaphore, #tpu.memory_space<semaphore_mem>>)
        %add3A_1478 = arith.constant 2 : i32
        %add3A_1479 = arith.addi %mul3A_1290, %add3A_1478 : i32
        %dma_start3A_1480 = arith.constant 3 : i32
        %dma_start3A_1481 = arith.constant 88 : i32
        %dma_start3A_1482 = arith.constant 0 : i32
        %dma_start3A_1483 = tpu.memref_slice %arg11[%dma_start3A_1481, %dma_start3A_1482] : memref<160x128xf32, #tpu.memory_space<vmem>> -> memref<8x128xf32, #tpu.memory_space<vmem>>
        %dma_start3A_1484 = arith.constant 0 : i32
        %dma_start3A_1485 = arith.constant 0 : i32
        %dma_start3A_1486 = tpu.memref_slice %arg4[%add3A_1479, %dma_start3A_1480, %add3A_12, %dma_start3A_1484, %dma_start3A_1485] : memref<50x4x128x8x128xf32, #tpu.memory_space<hbm>> -> memref<1x1x1x8x128xf32, #tpu.memory_space<hbm>>
        %dma_start3A_1487 = tpu.memref_squeeze %dma_start3A_1486 : memref<1x1x1x8x128xf32, #tpu.memory_space<hbm>> -> memref<8x128xf32, #tpu.memory_space<hbm>>
        %dma_start3A_1488 = arith.constant 0 : i32
        %dma_start3A_1489 = arith.constant 0 : i32
        %dma_start3A_1490 = tpu.memref_slice %arg4[%add3A_1479, %dma_start3A_1480, %add3A_12, %dma_start3A_1488, %dma_start3A_1489] : memref<50x4x128x8x128xf32, #tpu.memory_space<hbm>> -> memref<1x1x1x8x128xf32, #tpu.memory_space<hbm>>
        %dma_start3A_1491 = tpu.memref_squeeze %dma_start3A_1490 : memref<1x1x1x8x128xf32, #tpu.memory_space<hbm>> -> memref<8x128xf32, #tpu.memory_space<hbm>>
        %dma_start3A_1492 = arith.constant 88 : i32
        %dma_start3A_1493 = arith.constant 0 : i32
        %dma_start3A_1494 = tpu.memref_slice %arg11[%dma_start3A_1492, %dma_start3A_1493] : memref<160x128xf32, #tpu.memory_space<vmem>> -> memref<8x128xf32, #tpu.memory_space<vmem>>
        tpu.enqueue_dma source(%dma_start3A_1494 : memref<8x128xf32, #tpu.memory_space<vmem>>) target(%dma_start3A_1491 : memref<8x128xf32, #tpu.memory_space<hbm>>) target_semaphore(%arg15 : memref<!tpu.dma_semaphore, #tpu.memory_space<semaphore_mem>>)
        %add3A_1495 = arith.constant 3 : i32
        %add3A_1496 = arith.addi %mul3A_1290, %add3A_1495 : i32
        %dma_start3A_1497 = arith.constant 0 : i32
        %dma_start3A_1498 = arith.constant 96 : i32
        %dma_start3A_1499 = arith.constant 0 : i32
        %dma_start3A_1500 = tpu.memref_slice %arg11[%dma_start3A_1498, %dma_start3A_1499] : memref<160x128xf32, #tpu.memory_space<vmem>> -> memref<8x128xf32, #tpu.memory_space<vmem>>
        %dma_start3A_1501 = arith.constant 0 : i32
        %dma_start3A_1502 = arith.constant 0 : i32
        %dma_start3A_1503 = tpu.memref_slice %arg4[%add3A_1496, %dma_start3A_1497, %add3A_12, %dma_start3A_1501, %dma_start3A_1502] : memref<50x4x128x8x128xf32, #tpu.memory_space<hbm>> -> memref<1x1x1x8x128xf32, #tpu.memory_space<hbm>>
        %dma_start3A_1504 = tpu.memref_squeeze %dma_start3A_1503 : memref<1x1x1x8x128xf32, #tpu.memory_space<hbm>> -> memref<8x128xf32, #tpu.memory_space<hbm>>
        %dma_start3A_1505 = arith.constant 0 : i32
        %dma_start3A_1506 = arith.constant 0 : i32
        %dma_start3A_1507 = tpu.memref_slice %arg4[%add3A_1496, %dma_start3A_1497, %add3A_12, %dma_start3A_1505, %dma_start3A_1506] : memref<50x4x128x8x128xf32, #tpu.memory_space<hbm>> -> memref<1x1x1x8x128xf32, #tpu.memory_space<hbm>>
        %dma_start3A_1508 = tpu.memref_squeeze %dma_start3A_1507 : memref<1x1x1x8x128xf32, #tpu.memory_space<hbm>> -> memref<8x128xf32, #tpu.memory_space<hbm>>
        %dma_start3A_1509 = arith.constant 96 : i32
        %dma_start3A_1510 = arith.constant 0 : i32
        %dma_start3A_1511 = tpu.memref_slice %arg11[%dma_start3A_1509, %dma_start3A_1510] : memref<160x128xf32, #tpu.memory_space<vmem>> -> memref<8x128xf32, #tpu.memory_space<vmem>>
        tpu.enqueue_dma source(%dma_start3A_1511 : memref<8x128xf32, #tpu.memory_space<vmem>>) target(%dma_start3A_1508 : memref<8x128xf32, #tpu.memory_space<hbm>>) target_semaphore(%arg15 : memref<!tpu.dma_semaphore, #tpu.memory_space<semaphore_mem>>)
        %add3A_1512 = arith.constant 3 : i32
        %add3A_1513 = arith.addi %mul3A_1290, %add3A_1512 : i32
        %dma_start3A_1514 = arith.constant 1 : i32
        %dma_start3A_1515 = arith.constant 104 : i32
        %dma_start3A_1516 = arith.constant 0 : i32
        %dma_start3A_1517 = tpu.memref_slice %arg11[%dma_start3A_1515, %dma_start3A_1516] : memref<160x128xf32, #tpu.memory_space<vmem>> -> memref<8x128xf32, #tpu.memory_space<vmem>>
        %dma_start3A_1518 = arith.constant 0 : i32
        %dma_start3A_1519 = arith.constant 0 : i32
        %dma_start3A_1520 = tpu.memref_slice %arg4[%add3A_1513, %dma_start3A_1514, %add3A_12, %dma_start3A_1518, %dma_start3A_1519] : memref<50x4x128x8x128xf32, #tpu.memory_space<hbm>> -> memref<1x1x1x8x128xf32, #tpu.memory_space<hbm>>
        %dma_start3A_1521 = tpu.memref_squeeze %dma_start3A_1520 : memref<1x1x1x8x128xf32, #tpu.memory_space<hbm>> -> memref<8x128xf32, #tpu.memory_space<hbm>>
        %dma_start3A_1522 = arith.constant 0 : i32
        %dma_start3A_1523 = arith.constant 0 : i32
        %dma_start3A_1524 = tpu.memref_slice %arg4[%add3A_1513, %dma_start3A_1514, %add3A_12, %dma_start3A_1522, %dma_start3A_1523] : memref<50x4x128x8x128xf32, #tpu.memory_space<hbm>> -> memref<1x1x1x8x128xf32, #tpu.memory_space<hbm>>
        %dma_start3A_1525 = tpu.memref_squeeze %dma_start3A_1524 : memref<1x1x1x8x128xf32, #tpu.memory_space<hbm>> -> memref<8x128xf32, #tpu.memory_space<hbm>>
        %dma_start3A_1526 = arith.constant 104 : i32
        %dma_start3A_1527 = arith.constant 0 : i32
        %dma_start3A_1528 = tpu.memref_slice %arg11[%dma_start3A_1526, %dma_start3A_1527] : memref<160x128xf32, #tpu.memory_space<vmem>> -> memref<8x128xf32, #tpu.memory_space<vmem>>
        tpu.enqueue_dma source(%dma_start3A_1528 : memref<8x128xf32, #tpu.memory_space<vmem>>) target(%dma_start3A_1525 : memref<8x128xf32, #tpu.memory_space<hbm>>) target_semaphore(%arg15 : memref<!tpu.dma_semaphore, #tpu.memory_space<semaphore_mem>>)
        %add3A_1529 = arith.constant 3 : i32
        %add3A_1530 = arith.addi %mul3A_1290, %add3A_1529 : i32
        %dma_start3A_1531 = arith.constant 2 : i32
        %dma_start3A_1532 = arith.constant 112 : i32
        %dma_start3A_1533 = arith.constant 0 : i32
        %dma_start3A_1534 = tpu.memref_slice %arg11[%dma_start3A_1532, %dma_start3A_1533] : memref<160x128xf32, #tpu.memory_space<vmem>> -> memref<8x128xf32, #tpu.memory_space<vmem>>
        %dma_start3A_1535 = arith.constant 0 : i32
        %dma_start3A_1536 = arith.constant 0 : i32
        %dma_start3A_1537 = tpu.memref_slice %arg4[%add3A_1530, %dma_start3A_1531, %add3A_12, %dma_start3A_1535, %dma_start3A_1536] : memref<50x4x128x8x128xf32, #tpu.memory_space<hbm>> -> memref<1x1x1x8x128xf32, #tpu.memory_space<hbm>>
        %dma_start3A_1538 = tpu.memref_squeeze %dma_start3A_1537 : memref<1x1x1x8x128xf32, #tpu.memory_space<hbm>> -> memref<8x128xf32, #tpu.memory_space<hbm>>
        %dma_start3A_1539 = arith.constant 0 : i32
        %dma_start3A_1540 = arith.constant 0 : i32
        %dma_start3A_1541 = tpu.memref_slice %arg4[%add3A_1530, %dma_start3A_1531, %add3A_12, %dma_start3A_1539, %dma_start3A_1540] : memref<50x4x128x8x128xf32, #tpu.memory_space<hbm>> -> memref<1x1x1x8x128xf32, #tpu.memory_space<hbm>>
        %dma_start3A_1542 = tpu.memref_squeeze %dma_start3A_1541 : memref<1x1x1x8x128xf32, #tpu.memory_space<hbm>> -> memref<8x128xf32, #tpu.memory_space<hbm>>
        %dma_start3A_1543 = arith.constant 112 : i32
        %dma_start3A_1544 = arith.constant 0 : i32
        %dma_start3A_1545 = tpu.memref_slice %arg11[%dma_start3A_1543, %dma_start3A_1544] : memref<160x128xf32, #tpu.memory_space<vmem>> -> memref<8x128xf32, #tpu.memory_space<vmem>>
        tpu.enqueue_dma source(%dma_start3A_1545 : memref<8x128xf32, #tpu.memory_space<vmem>>) target(%dma_start3A_1542 : memref<8x128xf32, #tpu.memory_space<hbm>>) target_semaphore(%arg15 : memref<!tpu.dma_semaphore, #tpu.memory_space<semaphore_mem>>)
        %add3A_1546 = arith.constant 3 : i32
        %add3A_1547 = arith.addi %mul3A_1290, %add3A_1546 : i32
        %dma_start3A_1548 = arith.constant 3 : i32
        %dma_start3A_1549 = arith.constant 120 : i32
        %dma_start3A_1550 = arith.constant 0 : i32
        %dma_start3A_1551 = tpu.memref_slice %arg11[%dma_start3A_1549, %dma_start3A_1550] : memref<160x128xf32, #tpu.memory_space<vmem>> -> memref<8x128xf32, #tpu.memory_space<vmem>>
        %dma_start3A_1552 = arith.constant 0 : i32
        %dma_start3A_1553 = arith.constant 0 : i32
        %dma_start3A_1554 = tpu.memref_slice %arg4[%add3A_1547, %dma_start3A_1548, %add3A_12, %dma_start3A_1552, %dma_start3A_1553] : memref<50x4x128x8x128xf32, #tpu.memory_space<hbm>> -> memref<1x1x1x8x128xf32, #tpu.memory_space<hbm>>
        %dma_start3A_1555 = tpu.memref_squeeze %dma_start3A_1554 : memref<1x1x1x8x128xf32, #tpu.memory_space<hbm>> -> memref<8x128xf32, #tpu.memory_space<hbm>>
        %dma_start3A_1556 = arith.constant 0 : i32
        %dma_start3A_1557 = arith.constant 0 : i32
        %dma_start3A_1558 = tpu.memref_slice %arg4[%add3A_1547, %dma_start3A_1548, %add3A_12, %dma_start3A_1556, %dma_start3A_1557] : memref<50x4x128x8x128xf32, #tpu.memory_space<hbm>> -> memref<1x1x1x8x128xf32, #tpu.memory_space<hbm>>
        %dma_start3A_1559 = tpu.memref_squeeze %dma_start3A_1558 : memref<1x1x1x8x128xf32, #tpu.memory_space<hbm>> -> memref<8x128xf32, #tpu.memory_space<hbm>>
        %dma_start3A_1560 = arith.constant 120 : i32
        %dma_start3A_1561 = arith.constant 0 : i32
        %dma_start3A_1562 = tpu.memref_slice %arg11[%dma_start3A_1560, %dma_start3A_1561] : memref<160x128xf32, #tpu.memory_space<vmem>> -> memref<8x128xf32, #tpu.memory_space<vmem>>
        tpu.enqueue_dma source(%dma_start3A_1562 : memref<8x128xf32, #tpu.memory_space<vmem>>) target(%dma_start3A_1559 : memref<8x128xf32, #tpu.memory_space<hbm>>) target_semaphore(%arg15 : memref<!tpu.dma_semaphore, #tpu.memory_space<semaphore_mem>>)
        %add3A_1563 = arith.constant 4 : i32
        %add3A_1564 = arith.addi %mul3A_1290, %add3A_1563 : i32
        %dma_start3A_1565 = arith.constant 0 : i32
        %dma_start3A_1566 = arith.constant 128 : i32
        %dma_start3A_1567 = arith.constant 0 : i32
        %dma_start3A_1568 = tpu.memref_slice %arg11[%dma_start3A_1566, %dma_start3A_1567] : memref<160x128xf32, #tpu.memory_space<vmem>> -> memref<8x128xf32, #tpu.memory_space<vmem>>
        %dma_start3A_1569 = arith.constant 0 : i32
        %dma_start3A_1570 = arith.constant 0 : i32
        %dma_start3A_1571 = tpu.memref_slice %arg4[%add3A_1564, %dma_start3A_1565, %add3A_12, %dma_start3A_1569, %dma_start3A_1570] : memref<50x4x128x8x128xf32, #tpu.memory_space<hbm>> -> memref<1x1x1x8x128xf32, #tpu.memory_space<hbm>>
        %dma_start3A_1572 = tpu.memref_squeeze %dma_start3A_1571 : memref<1x1x1x8x128xf32, #tpu.memory_space<hbm>> -> memref<8x128xf32, #tpu.memory_space<hbm>>
        %dma_start3A_1573 = arith.constant 0 : i32
        %dma_start3A_1574 = arith.constant 0 : i32
        %dma_start3A_1575 = tpu.memref_slice %arg4[%add3A_1564, %dma_start3A_1565, %add3A_12, %dma_start3A_1573, %dma_start3A_1574] : memref<50x4x128x8x128xf32, #tpu.memory_space<hbm>> -> memref<1x1x1x8x128xf32, #tpu.memory_space<hbm>>
        %dma_start3A_1576 = tpu.memref_squeeze %dma_start3A_1575 : memref<1x1x1x8x128xf32, #tpu.memory_space<hbm>> -> memref<8x128xf32, #tpu.memory_space<hbm>>
        %dma_start3A_1577 = arith.constant 128 : i32
        %dma_start3A_1578 = arith.constant 0 : i32
        %dma_start3A_1579 = tpu.memref_slice %arg11[%dma_start3A_1577, %dma_start3A_1578] : memref<160x128xf32, #tpu.memory_space<vmem>> -> memref<8x128xf32, #tpu.memory_space<vmem>>
        tpu.enqueue_dma source(%dma_start3A_1579 : memref<8x128xf32, #tpu.memory_space<vmem>>) target(%dma_start3A_1576 : memref<8x128xf32, #tpu.memory_space<hbm>>) target_semaphore(%arg15 : memref<!tpu.dma_semaphore, #tpu.memory_space<semaphore_mem>>)
        %add3A_1580 = arith.constant 4 : i32
        %add3A_1581 = arith.addi %mul3A_1290, %add3A_1580 : i32
        %dma_start3A_1582 = arith.constant 1 : i32
        %dma_start3A_1583 = arith.constant 136 : i32
        %dma_start3A_1584 = arith.constant 0 : i32
        %dma_start3A_1585 = tpu.memref_slice %arg11[%dma_start3A_1583, %dma_start3A_1584] : memref<160x128xf32, #tpu.memory_space<vmem>> -> memref<8x128xf32, #tpu.memory_space<vmem>>
        %dma_start3A_1586 = arith.constant 0 : i32
        %dma_start3A_1587 = arith.constant 0 : i32
        %dma_start3A_1588 = tpu.memref_slice %arg4[%add3A_1581, %dma_start3A_1582, %add3A_12, %dma_start3A_1586, %dma_start3A_1587] : memref<50x4x128x8x128xf32, #tpu.memory_space<hbm>> -> memref<1x1x1x8x128xf32, #tpu.memory_space<hbm>>
        %dma_start3A_1589 = tpu.memref_squeeze %dma_start3A_1588 : memref<1x1x1x8x128xf32, #tpu.memory_space<hbm>> -> memref<8x128xf32, #tpu.memory_space<hbm>>
        %dma_start3A_1590 = arith.constant 0 : i32
        %dma_start3A_1591 = arith.constant 0 : i32
        %dma_start3A_1592 = tpu.memref_slice %arg4[%add3A_1581, %dma_start3A_1582, %add3A_12, %dma_start3A_1590, %dma_start3A_1591] : memref<50x4x128x8x128xf32, #tpu.memory_space<hbm>> -> memref<1x1x1x8x128xf32, #tpu.memory_space<hbm>>
        %dma_start3A_1593 = tpu.memref_squeeze %dma_start3A_1592 : memref<1x1x1x8x128xf32, #tpu.memory_space<hbm>> -> memref<8x128xf32, #tpu.memory_space<hbm>>
        %dma_start3A_1594 = arith.constant 136 : i32
        %dma_start3A_1595 = arith.constant 0 : i32
        %dma_start3A_1596 = tpu.memref_slice %arg11[%dma_start3A_1594, %dma_start3A_1595] : memref<160x128xf32, #tpu.memory_space<vmem>> -> memref<8x128xf32, #tpu.memory_space<vmem>>
        tpu.enqueue_dma source(%dma_start3A_1596 : memref<8x128xf32, #tpu.memory_space<vmem>>) target(%dma_start3A_1593 : memref<8x128xf32, #tpu.memory_space<hbm>>) target_semaphore(%arg15 : memref<!tpu.dma_semaphore, #tpu.memory_space<semaphore_mem>>)
        %add3A_1597 = arith.constant 4 : i32
        %add3A_1598 = arith.addi %mul3A_1290, %add3A_1597 : i32
        %dma_start3A_1599 = arith.constant 2 : i32
        %dma_start3A_1600 = arith.constant 144 : i32
        %dma_start3A_1601 = arith.constant 0 : i32
        %dma_start3A_1602 = tpu.memref_slice %arg11[%dma_start3A_1600, %dma_start3A_1601] : memref<160x128xf32, #tpu.memory_space<vmem>> -> memref<8x128xf32, #tpu.memory_space<vmem>>
        %dma_start3A_1603 = arith.constant 0 : i32
        %dma_start3A_1604 = arith.constant 0 : i32
        %dma_start3A_1605 = tpu.memref_slice %arg4[%add3A_1598, %dma_start3A_1599, %add3A_12, %dma_start3A_1603, %dma_start3A_1604] : memref<50x4x128x8x128xf32, #tpu.memory_space<hbm>> -> memref<1x1x1x8x128xf32, #tpu.memory_space<hbm>>
        %dma_start3A_1606 = tpu.memref_squeeze %dma_start3A_1605 : memref<1x1x1x8x128xf32, #tpu.memory_space<hbm>> -> memref<8x128xf32, #tpu.memory_space<hbm>>
        %dma_start3A_1607 = arith.constant 0 : i32
        %dma_start3A_1608 = arith.constant 0 : i32
        %dma_start3A_1609 = tpu.memref_slice %arg4[%add3A_1598, %dma_start3A_1599, %add3A_12, %dma_start3A_1607, %dma_start3A_1608] : memref<50x4x128x8x128xf32, #tpu.memory_space<hbm>> -> memref<1x1x1x8x128xf32, #tpu.memory_space<hbm>>
        %dma_start3A_1610 = tpu.memref_squeeze %dma_start3A_1609 : memref<1x1x1x8x128xf32, #tpu.memory_space<hbm>> -> memref<8x128xf32, #tpu.memory_space<hbm>>
        %dma_start3A_1611 = arith.constant 144 : i32
        %dma_start3A_1612 = arith.constant 0 : i32
        %dma_start3A_1613 = tpu.memref_slice %arg11[%dma_start3A_1611, %dma_start3A_1612] : memref<160x128xf32, #tpu.memory_space<vmem>> -> memref<8x128xf32, #tpu.memory_space<vmem>>
        tpu.enqueue_dma source(%dma_start3A_1613 : memref<8x128xf32, #tpu.memory_space<vmem>>) target(%dma_start3A_1610 : memref<8x128xf32, #tpu.memory_space<hbm>>) target_semaphore(%arg15 : memref<!tpu.dma_semaphore, #tpu.memory_space<semaphore_mem>>)
        %add3A_1614 = arith.constant 4 : i32
        %add3A_1615 = arith.addi %mul3A_1290, %add3A_1614 : i32
        %dma_start3A_1616 = arith.constant 3 : i32
        %dma_start3A_1617 = arith.constant 152 : i32
        %dma_start3A_1618 = arith.constant 0 : i32
        %dma_start3A_1619 = tpu.memref_slice %arg11[%dma_start3A_1617, %dma_start3A_1618] : memref<160x128xf32, #tpu.memory_space<vmem>> -> memref<8x128xf32, #tpu.memory_space<vmem>>
        %dma_start3A_1620 = arith.constant 0 : i32
        %dma_start3A_1621 = arith.constant 0 : i32
        %dma_start3A_1622 = tpu.memref_slice %arg4[%add3A_1615, %dma_start3A_1616, %add3A_12, %dma_start3A_1620, %dma_start3A_1621] : memref<50x4x128x8x128xf32, #tpu.memory_space<hbm>> -> memref<1x1x1x8x128xf32, #tpu.memory_space<hbm>>
        %dma_start3A_1623 = tpu.memref_squeeze %dma_start3A_1622 : memref<1x1x1x8x128xf32, #tpu.memory_space<hbm>> -> memref<8x128xf32, #tpu.memory_space<hbm>>
        %dma_start3A_1624 = arith.constant 0 : i32
        %dma_start3A_1625 = arith.constant 0 : i32
        %dma_start3A_1626 = tpu.memref_slice %arg4[%add3A_1615, %dma_start3A_1616, %add3A_12, %dma_start3A_1624, %dma_start3A_1625] : memref<50x4x128x8x128xf32, #tpu.memory_space<hbm>> -> memref<1x1x1x8x128xf32, #tpu.memory_space<hbm>>
        %dma_start3A_1627 = tpu.memref_squeeze %dma_start3A_1626 : memref<1x1x1x8x128xf32, #tpu.memory_space<hbm>> -> memref<8x128xf32, #tpu.memory_space<hbm>>
        %dma_start3A_1628 = arith.constant 152 : i32
        %dma_start3A_1629 = arith.constant 0 : i32
        %dma_start3A_1630 = tpu.memref_slice %arg11[%dma_start3A_1628, %dma_start3A_1629] : memref<160x128xf32, #tpu.memory_space<vmem>> -> memref<8x128xf32, #tpu.memory_space<vmem>>
        tpu.enqueue_dma source(%dma_start3A_1630 : memref<8x128xf32, #tpu.memory_space<vmem>>) target(%dma_start3A_1627 : memref<8x128xf32, #tpu.memory_space<hbm>>) target_semaphore(%arg15 : memref<!tpu.dma_semaphore, #tpu.memory_space<semaphore_mem>>)
      }
      %scan3A_262 = arith.constant 5 : i32
      %dma_wait3A = arith.constant 40 : i32
      %dma_wait3A_263 = arith.constant 0 : i32
      %dma_wait3A_264 = arith.constant 0 : i32
      %dma_wait3A_265 = arith.constant 0 : i32
      %dma_wait3A_266 = tpu.memref_slice %arg10[%dma_wait3A_264, %dma_wait3A_265] : memref<160x128xf32, #tpu.memory_space<vmem>> -> memref<8x128xf32, #tpu.memory_space<vmem>>
      %dma_wait3A_267 = arith.constant 0 : i32
      %dma_wait3A_268 = arith.constant 0 : i32
      %dma_wait3A_269 = tpu.memref_slice %arg4[%dma_wait3A, %dma_wait3A_263, %add3A_12, %dma_wait3A_267, %dma_wait3A_268] : memref<50x4x128x8x128xf32, #tpu.memory_space<hbm>> -> memref<1x1x1x8x128xf32, #tpu.memory_space<hbm>>
      %dma_wait3A_270 = tpu.memref_squeeze %dma_wait3A_269 : memref<1x1x1x8x128xf32, #tpu.memory_space<hbm>> -> memref<8x128xf32, #tpu.memory_space<hbm>>
      %dma_wait3A_271 = arith.constant 0 : i32
      %dma_wait3A_272 = arith.constant 0 : i32
      %dma_wait3A_273 = tpu.memref_slice %arg4[%dma_wait3A, %dma_wait3A_263, %add3A_12, %dma_wait3A_271, %dma_wait3A_272] : memref<50x4x128x8x128xf32, #tpu.memory_space<hbm>> -> memref<1x1x1x8x128xf32, #tpu.memory_space<hbm>>
      %dma_wait3A_274 = tpu.memref_squeeze %dma_wait3A_273 : memref<1x1x1x8x128xf32, #tpu.memory_space<hbm>> -> memref<8x128xf32, #tpu.memory_space<hbm>>
      %dma_wait3A_275 = arith.constant 0 : i32
      %dma_wait3A_276 = arith.constant 0 : i32
      %dma_wait3A_277 = tpu.memref_slice %arg10[%dma_wait3A_275, %dma_wait3A_276] : memref<160x128xf32, #tpu.memory_space<vmem>> -> memref<8x128xf32, #tpu.memory_space<vmem>>
      tpu.wait_dma2 semaphore(%arg14 : memref<!tpu.dma_semaphore, #tpu.memory_space<semaphore_mem>>) src(%dma_wait3A_277 : memref<8x128xf32, #tpu.memory_space<vmem>>) dst(%dma_wait3A_274 : memref<8x128xf32, #tpu.memory_space<hbm>>)
      %dma_wait3A_278 = arith.constant 40 : i32
      %dma_wait3A_279 = arith.constant 1 : i32
      %dma_wait3A_280 = arith.constant 8 : i32
      %dma_wait3A_281 = arith.constant 0 : i32
      %dma_wait3A_282 = tpu.memref_slice %arg10[%dma_wait3A_280, %dma_wait3A_281] : memref<160x128xf32, #tpu.memory_space<vmem>> -> memref<8x128xf32, #tpu.memory_space<vmem>>
      %dma_wait3A_283 = arith.constant 0 : i32
      %dma_wait3A_284 = arith.constant 0 : i32
      %dma_wait3A_285 = tpu.memref_slice %arg4[%dma_wait3A_278, %dma_wait3A_279, %add3A_12, %dma_wait3A_283, %dma_wait3A_284] : memref<50x4x128x8x128xf32, #tpu.memory_space<hbm>> -> memref<1x1x1x8x128xf32, #tpu.memory_space<hbm>>
      %dma_wait3A_286 = tpu.memref_squeeze %dma_wait3A_285 : memref<1x1x1x8x128xf32, #tpu.memory_space<hbm>> -> memref<8x128xf32, #tpu.memory_space<hbm>>
      %dma_wait3A_287 = arith.constant 0 : i32
      %dma_wait3A_288 = arith.constant 0 : i32
      %dma_wait3A_289 = tpu.memref_slice %arg4[%dma_wait3A_278, %dma_wait3A_279, %add3A_12, %dma_wait3A_287, %dma_wait3A_288] : memref<50x4x128x8x128xf32, #tpu.memory_space<hbm>> -> memref<1x1x1x8x128xf32, #tpu.memory_space<hbm>>
      %dma_wait3A_290 = tpu.memref_squeeze %dma_wait3A_289 : memref<1x1x1x8x128xf32, #tpu.memory_space<hbm>> -> memref<8x128xf32, #tpu.memory_space<hbm>>
      %dma_wait3A_291 = arith.constant 8 : i32
      %dma_wait3A_292 = arith.constant 0 : i32
      %dma_wait3A_293 = tpu.memref_slice %arg10[%dma_wait3A_291, %dma_wait3A_292] : memref<160x128xf32, #tpu.memory_space<vmem>> -> memref<8x128xf32, #tpu.memory_space<vmem>>
      tpu.wait_dma2 semaphore(%arg14 : memref<!tpu.dma_semaphore, #tpu.memory_space<semaphore_mem>>) src(%dma_wait3A_293 : memref<8x128xf32, #tpu.memory_space<vmem>>) dst(%dma_wait3A_290 : memref<8x128xf32, #tpu.memory_space<hbm>>)
      %dma_wait3A_294 = arith.constant 40 : i32
      %dma_wait3A_295 = arith.constant 2 : i32
      %dma_wait3A_296 = arith.constant 16 : i32
      %dma_wait3A_297 = arith.constant 0 : i32
      %dma_wait3A_298 = tpu.memref_slice %arg10[%dma_wait3A_296, %dma_wait3A_297] : memref<160x128xf32, #tpu.memory_space<vmem>> -> memref<8x128xf32, #tpu.memory_space<vmem>>
      %dma_wait3A_299 = arith.constant 0 : i32
      %dma_wait3A_300 = arith.constant 0 : i32
      %dma_wait3A_301 = tpu.memref_slice %arg4[%dma_wait3A_294, %dma_wait3A_295, %add3A_12, %dma_wait3A_299, %dma_wait3A_300] : memref<50x4x128x8x128xf32, #tpu.memory_space<hbm>> -> memref<1x1x1x8x128xf32, #tpu.memory_space<hbm>>
      %dma_wait3A_302 = tpu.memref_squeeze %dma_wait3A_301 : memref<1x1x1x8x128xf32, #tpu.memory_space<hbm>> -> memref<8x128xf32, #tpu.memory_space<hbm>>
      %dma_wait3A_303 = arith.constant 0 : i32
      %dma_wait3A_304 = arith.constant 0 : i32
      %dma_wait3A_305 = tpu.memref_slice %arg4[%dma_wait3A_294, %dma_wait3A_295, %add3A_12, %dma_wait3A_303, %dma_wait3A_304] : memref<50x4x128x8x128xf32, #tpu.memory_space<hbm>> -> memref<1x1x1x8x128xf32, #tpu.memory_space<hbm>>
      %dma_wait3A_306 = tpu.memref_squeeze %dma_wait3A_305 : memref<1x1x1x8x128xf32, #tpu.memory_space<hbm>> -> memref<8x128xf32, #tpu.memory_space<hbm>>
      %dma_wait3A_307 = arith.constant 16 : i32
      %dma_wait3A_308 = arith.constant 0 : i32
      %dma_wait3A_309 = tpu.memref_slice %arg10[%dma_wait3A_307, %dma_wait3A_308] : memref<160x128xf32, #tpu.memory_space<vmem>> -> memref<8x128xf32, #tpu.memory_space<vmem>>
      tpu.wait_dma2 semaphore(%arg14 : memref<!tpu.dma_semaphore, #tpu.memory_space<semaphore_mem>>) src(%dma_wait3A_309 : memref<8x128xf32, #tpu.memory_space<vmem>>) dst(%dma_wait3A_306 : memref<8x128xf32, #tpu.memory_space<hbm>>)
      %dma_wait3A_310 = arith.constant 40 : i32
      %dma_wait3A_311 = arith.constant 3 : i32
      %dma_wait3A_312 = arith.constant 24 : i32
      %dma_wait3A_313 = arith.constant 0 : i32
      %dma_wait3A_314 = tpu.memref_slice %arg10[%dma_wait3A_312, %dma_wait3A_313] : memref<160x128xf32, #tpu.memory_space<vmem>> -> memref<8x128xf32, #tpu.memory_space<vmem>>
      %dma_wait3A_315 = arith.constant 0 : i32
      %dma_wait3A_316 = arith.constant 0 : i32
      %dma_wait3A_317 = tpu.memref_slice %arg4[%dma_wait3A_310, %dma_wait3A_311, %add3A_12, %dma_wait3A_315, %dma_wait3A_316] : memref<50x4x128x8x128xf32, #tpu.memory_space<hbm>> -> memref<1x1x1x8x128xf32, #tpu.memory_space<hbm>>
      %dma_wait3A_318 = tpu.memref_squeeze %dma_wait3A_317 : memref<1x1x1x8x128xf32, #tpu.memory_space<hbm>> -> memref<8x128xf32, #tpu.memory_space<hbm>>
      %dma_wait3A_319 = arith.constant 0 : i32
      %dma_wait3A_320 = arith.constant 0 : i32
      %dma_wait3A_321 = tpu.memref_slice %arg4[%dma_wait3A_310, %dma_wait3A_311, %add3A_12, %dma_wait3A_319, %dma_wait3A_320] : memref<50x4x128x8x128xf32, #tpu.memory_space<hbm>> -> memref<1x1x1x8x128xf32, #tpu.memory_space<hbm>>
      %dma_wait3A_322 = tpu.memref_squeeze %dma_wait3A_321 : memref<1x1x1x8x128xf32, #tpu.memory_space<hbm>> -> memref<8x128xf32, #tpu.memory_space<hbm>>
      %dma_wait3A_323 = arith.constant 24 : i32
      %dma_wait3A_324 = arith.constant 0 : i32
      %dma_wait3A_325 = tpu.memref_slice %arg10[%dma_wait3A_323, %dma_wait3A_324] : memref<160x128xf32, #tpu.memory_space<vmem>> -> memref<8x128xf32, #tpu.memory_space<vmem>>
      tpu.wait_dma2 semaphore(%arg14 : memref<!tpu.dma_semaphore, #tpu.memory_space<semaphore_mem>>) src(%dma_wait3A_325 : memref<8x128xf32, #tpu.memory_space<vmem>>) dst(%dma_wait3A_322 : memref<8x128xf32, #tpu.memory_space<hbm>>)
      %dma_wait3A_326 = arith.constant 41 : i32
      %dma_wait3A_327 = arith.constant 0 : i32
      %dma_wait3A_328 = arith.constant 32 : i32
      %dma_wait3A_329 = arith.constant 0 : i32
      %dma_wait3A_330 = tpu.memref_slice %arg10[%dma_wait3A_328, %dma_wait3A_329] : memref<160x128xf32, #tpu.memory_space<vmem>> -> memref<8x128xf32, #tpu.memory_space<vmem>>
      %dma_wait3A_331 = arith.constant 0 : i32
      %dma_wait3A_332 = arith.constant 0 : i32
      %dma_wait3A_333 = tpu.memref_slice %arg4[%dma_wait3A_326, %dma_wait3A_327, %add3A_12, %dma_wait3A_331, %dma_wait3A_332] : memref<50x4x128x8x128xf32, #tpu.memory_space<hbm>> -> memref<1x1x1x8x128xf32, #tpu.memory_space<hbm>>
      %dma_wait3A_334 = tpu.memref_squeeze %dma_wait3A_333 : memref<1x1x1x8x128xf32, #tpu.memory_space<hbm>> -> memref<8x128xf32, #tpu.memory_space<hbm>>
      %dma_wait3A_335 = arith.constant 0 : i32
      %dma_wait3A_336 = arith.constant 0 : i32
      %dma_wait3A_337 = tpu.memref_slice %arg4[%dma_wait3A_326, %dma_wait3A_327, %add3A_12, %dma_wait3A_335, %dma_wait3A_336] : memref<50x4x128x8x128xf32, #tpu.memory_space<hbm>> -> memref<1x1x1x8x128xf32, #tpu.memory_space<hbm>>
      %dma_wait3A_338 = tpu.memref_squeeze %dma_wait3A_337 : memref<1x1x1x8x128xf32, #tpu.memory_space<hbm>> -> memref<8x128xf32, #tpu.memory_space<hbm>>
      %dma_wait3A_339 = arith.constant 32 : i32
      %dma_wait3A_340 = arith.constant 0 : i32
      %dma_wait3A_341 = tpu.memref_slice %arg10[%dma_wait3A_339, %dma_wait3A_340] : memref<160x128xf32, #tpu.memory_space<vmem>> -> memref<8x128xf32, #tpu.memory_space<vmem>>
      tpu.wait_dma2 semaphore(%arg14 : memref<!tpu.dma_semaphore, #tpu.memory_space<semaphore_mem>>) src(%dma_wait3A_341 : memref<8x128xf32, #tpu.memory_space<vmem>>) dst(%dma_wait3A_338 : memref<8x128xf32, #tpu.memory_space<hbm>>)
      %dma_wait3A_342 = arith.constant 41 : i32
      %dma_wait3A_343 = arith.constant 1 : i32
      %dma_wait3A_344 = arith.constant 40 : i32
      %dma_wait3A_345 = arith.constant 0 : i32
      %dma_wait3A_346 = tpu.memref_slice %arg10[%dma_wait3A_344, %dma_wait3A_345] : memref<160x128xf32, #tpu.memory_space<vmem>> -> memref<8x128xf32, #tpu.memory_space<vmem>>
      %dma_wait3A_347 = arith.constant 0 : i32
      %dma_wait3A_348 = arith.constant 0 : i32
      %dma_wait3A_349 = tpu.memref_slice %arg4[%dma_wait3A_342, %dma_wait3A_343, %add3A_12, %dma_wait3A_347, %dma_wait3A_348] : memref<50x4x128x8x128xf32, #tpu.memory_space<hbm>> -> memref<1x1x1x8x128xf32, #tpu.memory_space<hbm>>
      %dma_wait3A_350 = tpu.memref_squeeze %dma_wait3A_349 : memref<1x1x1x8x128xf32, #tpu.memory_space<hbm>> -> memref<8x128xf32, #tpu.memory_space<hbm>>
      %dma_wait3A_351 = arith.constant 0 : i32
      %dma_wait3A_352 = arith.constant 0 : i32
      %dma_wait3A_353 = tpu.memref_slice %arg4[%dma_wait3A_342, %dma_wait3A_343, %add3A_12, %dma_wait3A_351, %dma_wait3A_352] : memref<50x4x128x8x128xf32, #tpu.memory_space<hbm>> -> memref<1x1x1x8x128xf32, #tpu.memory_space<hbm>>
      %dma_wait3A_354 = tpu.memref_squeeze %dma_wait3A_353 : memref<1x1x1x8x128xf32, #tpu.memory_space<hbm>> -> memref<8x128xf32, #tpu.memory_space<hbm>>
      %dma_wait3A_355 = arith.constant 40 : i32
      %dma_wait3A_356 = arith.constant 0 : i32
      %dma_wait3A_357 = tpu.memref_slice %arg10[%dma_wait3A_355, %dma_wait3A_356] : memref<160x128xf32, #tpu.memory_space<vmem>> -> memref<8x128xf32, #tpu.memory_space<vmem>>
      tpu.wait_dma2 semaphore(%arg14 : memref<!tpu.dma_semaphore, #tpu.memory_space<semaphore_mem>>) src(%dma_wait3A_357 : memref<8x128xf32, #tpu.memory_space<vmem>>) dst(%dma_wait3A_354 : memref<8x128xf32, #tpu.memory_space<hbm>>)
      %dma_wait3A_358 = arith.constant 41 : i32
      %dma_wait3A_359 = arith.constant 2 : i32
      %dma_wait3A_360 = arith.constant 48 : i32
      %dma_wait3A_361 = arith.constant 0 : i32
      %dma_wait3A_362 = tpu.memref_slice %arg10[%dma_wait3A_360, %dma_wait3A_361] : memref<160x128xf32, #tpu.memory_space<vmem>> -> memref<8x128xf32, #tpu.memory_space<vmem>>
      %dma_wait3A_363 = arith.constant 0 : i32
      %dma_wait3A_364 = arith.constant 0 : i32
      %dma_wait3A_365 = tpu.memref_slice %arg4[%dma_wait3A_358, %dma_wait3A_359, %add3A_12, %dma_wait3A_363, %dma_wait3A_364] : memref<50x4x128x8x128xf32, #tpu.memory_space<hbm>> -> memref<1x1x1x8x128xf32, #tpu.memory_space<hbm>>
      %dma_wait3A_366 = tpu.memref_squeeze %dma_wait3A_365 : memref<1x1x1x8x128xf32, #tpu.memory_space<hbm>> -> memref<8x128xf32, #tpu.memory_space<hbm>>
      %dma_wait3A_367 = arith.constant 0 : i32
      %dma_wait3A_368 = arith.constant 0 : i32
      %dma_wait3A_369 = tpu.memref_slice %arg4[%dma_wait3A_358, %dma_wait3A_359, %add3A_12, %dma_wait3A_367, %dma_wait3A_368] : memref<50x4x128x8x128xf32, #tpu.memory_space<hbm>> -> memref<1x1x1x8x128xf32, #tpu.memory_space<hbm>>
      %dma_wait3A_370 = tpu.memref_squeeze %dma_wait3A_369 : memref<1x1x1x8x128xf32, #tpu.memory_space<hbm>> -> memref<8x128xf32, #tpu.memory_space<hbm>>
      %dma_wait3A_371 = arith.constant 48 : i32
      %dma_wait3A_372 = arith.constant 0 : i32
      %dma_wait3A_373 = tpu.memref_slice %arg10[%dma_wait3A_371, %dma_wait3A_372] : memref<160x128xf32, #tpu.memory_space<vmem>> -> memref<8x128xf32, #tpu.memory_space<vmem>>
      tpu.wait_dma2 semaphore(%arg14 : memref<!tpu.dma_semaphore, #tpu.memory_space<semaphore_mem>>) src(%dma_wait3A_373 : memref<8x128xf32, #tpu.memory_space<vmem>>) dst(%dma_wait3A_370 : memref<8x128xf32, #tpu.memory_space<hbm>>)
      %dma_wait3A_374 = arith.constant 41 : i32
      %dma_wait3A_375 = arith.constant 3 : i32
      %dma_wait3A_376 = arith.constant 56 : i32
      %dma_wait3A_377 = arith.constant 0 : i32
      %dma_wait3A_378 = tpu.memref_slice %arg10[%dma_wait3A_376, %dma_wait3A_377] : memref<160x128xf32, #tpu.memory_space<vmem>> -> memref<8x128xf32, #tpu.memory_space<vmem>>
      %dma_wait3A_379 = arith.constant 0 : i32
      %dma_wait3A_380 = arith.constant 0 : i32
      %dma_wait3A_381 = tpu.memref_slice %arg4[%dma_wait3A_374, %dma_wait3A_375, %add3A_12, %dma_wait3A_379, %dma_wait3A_380] : memref<50x4x128x8x128xf32, #tpu.memory_space<hbm>> -> memref<1x1x1x8x128xf32, #tpu.memory_space<hbm>>
      %dma_wait3A_382 = tpu.memref_squeeze %dma_wait3A_381 : memref<1x1x1x8x128xf32, #tpu.memory_space<hbm>> -> memref<8x128xf32, #tpu.memory_space<hbm>>
      %dma_wait3A_383 = arith.constant 0 : i32
      %dma_wait3A_384 = arith.constant 0 : i32
      %dma_wait3A_385 = tpu.memref_slice %arg4[%dma_wait3A_374, %dma_wait3A_375, %add3A_12, %dma_wait3A_383, %dma_wait3A_384] : memref<50x4x128x8x128xf32, #tpu.memory_space<hbm>> -> memref<1x1x1x8x128xf32, #tpu.memory_space<hbm>>
      %dma_wait3A_386 = tpu.memref_squeeze %dma_wait3A_385 : memref<1x1x1x8x128xf32, #tpu.memory_space<hbm>> -> memref<8x128xf32, #tpu.memory_space<hbm>>
      %dma_wait3A_387 = arith.constant 56 : i32
      %dma_wait3A_388 = arith.constant 0 : i32
      %dma_wait3A_389 = tpu.memref_slice %arg10[%dma_wait3A_387, %dma_wait3A_388] : memref<160x128xf32, #tpu.memory_space<vmem>> -> memref<8x128xf32, #tpu.memory_space<vmem>>
      tpu.wait_dma2 semaphore(%arg14 : memref<!tpu.dma_semaphore, #tpu.memory_space<semaphore_mem>>) src(%dma_wait3A_389 : memref<8x128xf32, #tpu.memory_space<vmem>>) dst(%dma_wait3A_386 : memref<8x128xf32, #tpu.memory_space<hbm>>)
      %dma_wait3A_390 = arith.constant 42 : i32
      %dma_wait3A_391 = arith.constant 0 : i32
      %dma_wait3A_392 = arith.constant 64 : i32
      %dma_wait3A_393 = arith.constant 0 : i32
      %dma_wait3A_394 = tpu.memref_slice %arg10[%dma_wait3A_392, %dma_wait3A_393] : memref<160x128xf32, #tpu.memory_space<vmem>> -> memref<8x128xf32, #tpu.memory_space<vmem>>
      %dma_wait3A_395 = arith.constant 0 : i32
      %dma_wait3A_396 = arith.constant 0 : i32
      %dma_wait3A_397 = tpu.memref_slice %arg4[%dma_wait3A_390, %dma_wait3A_391, %add3A_12, %dma_wait3A_395, %dma_wait3A_396] : memref<50x4x128x8x128xf32, #tpu.memory_space<hbm>> -> memref<1x1x1x8x128xf32, #tpu.memory_space<hbm>>
      %dma_wait3A_398 = tpu.memref_squeeze %dma_wait3A_397 : memref<1x1x1x8x128xf32, #tpu.memory_space<hbm>> -> memref<8x128xf32, #tpu.memory_space<hbm>>
      %dma_wait3A_399 = arith.constant 0 : i32
      %dma_wait3A_400 = arith.constant 0 : i32
      %dma_wait3A_401 = tpu.memref_slice %arg4[%dma_wait3A_390, %dma_wait3A_391, %add3A_12, %dma_wait3A_399, %dma_wait3A_400] : memref<50x4x128x8x128xf32, #tpu.memory_space<hbm>> -> memref<1x1x1x8x128xf32, #tpu.memory_space<hbm>>
      %dma_wait3A_402 = tpu.memref_squeeze %dma_wait3A_401 : memref<1x1x1x8x128xf32, #tpu.memory_space<hbm>> -> memref<8x128xf32, #tpu.memory_space<hbm>>
      %dma_wait3A_403 = arith.constant 64 : i32
      %dma_wait3A_404 = arith.constant 0 : i32
      %dma_wait3A_405 = tpu.memref_slice %arg10[%dma_wait3A_403, %dma_wait3A_404] : memref<160x128xf32, #tpu.memory_space<vmem>> -> memref<8x128xf32, #tpu.memory_space<vmem>>
      tpu.wait_dma2 semaphore(%arg14 : memref<!tpu.dma_semaphore, #tpu.memory_space<semaphore_mem>>) src(%dma_wait3A_405 : memref<8x128xf32, #tpu.memory_space<vmem>>) dst(%dma_wait3A_402 : memref<8x128xf32, #tpu.memory_space<hbm>>)
      %dma_wait3A_406 = arith.constant 42 : i32
      %dma_wait3A_407 = arith.constant 1 : i32
      %dma_wait3A_408 = arith.constant 72 : i32
      %dma_wait3A_409 = arith.constant 0 : i32
      %dma_wait3A_410 = tpu.memref_slice %arg10[%dma_wait3A_408, %dma_wait3A_409] : memref<160x128xf32, #tpu.memory_space<vmem>> -> memref<8x128xf32, #tpu.memory_space<vmem>>
      %dma_wait3A_411 = arith.constant 0 : i32
      %dma_wait3A_412 = arith.constant 0 : i32
      %dma_wait3A_413 = tpu.memref_slice %arg4[%dma_wait3A_406, %dma_wait3A_407, %add3A_12, %dma_wait3A_411, %dma_wait3A_412] : memref<50x4x128x8x128xf32, #tpu.memory_space<hbm>> -> memref<1x1x1x8x128xf32, #tpu.memory_space<hbm>>
      %dma_wait3A_414 = tpu.memref_squeeze %dma_wait3A_413 : memref<1x1x1x8x128xf32, #tpu.memory_space<hbm>> -> memref<8x128xf32, #tpu.memory_space<hbm>>
      %dma_wait3A_415 = arith.constant 0 : i32
      %dma_wait3A_416 = arith.constant 0 : i32
      %dma_wait3A_417 = tpu.memref_slice %arg4[%dma_wait3A_406, %dma_wait3A_407, %add3A_12, %dma_wait3A_415, %dma_wait3A_416] : memref<50x4x128x8x128xf32, #tpu.memory_space<hbm>> -> memref<1x1x1x8x128xf32, #tpu.memory_space<hbm>>
      %dma_wait3A_418 = tpu.memref_squeeze %dma_wait3A_417 : memref<1x1x1x8x128xf32, #tpu.memory_space<hbm>> -> memref<8x128xf32, #tpu.memory_space<hbm>>
      %dma_wait3A_419 = arith.constant 72 : i32
      %dma_wait3A_420 = arith.constant 0 : i32
      %dma_wait3A_421 = tpu.memref_slice %arg10[%dma_wait3A_419, %dma_wait3A_420] : memref<160x128xf32, #tpu.memory_space<vmem>> -> memref<8x128xf32, #tpu.memory_space<vmem>>
      tpu.wait_dma2 semaphore(%arg14 : memref<!tpu.dma_semaphore, #tpu.memory_space<semaphore_mem>>) src(%dma_wait3A_421 : memref<8x128xf32, #tpu.memory_space<vmem>>) dst(%dma_wait3A_418 : memref<8x128xf32, #tpu.memory_space<hbm>>)
      %dma_wait3A_422 = arith.constant 42 : i32
      %dma_wait3A_423 = arith.constant 2 : i32
      %dma_wait3A_424 = arith.constant 80 : i32
      %dma_wait3A_425 = arith.constant 0 : i32
      %dma_wait3A_426 = tpu.memref_slice %arg10[%dma_wait3A_424, %dma_wait3A_425] : memref<160x128xf32, #tpu.memory_space<vmem>> -> memref<8x128xf32, #tpu.memory_space<vmem>>
      %dma_wait3A_427 = arith.constant 0 : i32
      %dma_wait3A_428 = arith.constant 0 : i32
      %dma_wait3A_429 = tpu.memref_slice %arg4[%dma_wait3A_422, %dma_wait3A_423, %add3A_12, %dma_wait3A_427, %dma_wait3A_428] : memref<50x4x128x8x128xf32, #tpu.memory_space<hbm>> -> memref<1x1x1x8x128xf32, #tpu.memory_space<hbm>>
      %dma_wait3A_430 = tpu.memref_squeeze %dma_wait3A_429 : memref<1x1x1x8x128xf32, #tpu.memory_space<hbm>> -> memref<8x128xf32, #tpu.memory_space<hbm>>
      %dma_wait3A_431 = arith.constant 0 : i32
      %dma_wait3A_432 = arith.constant 0 : i32
      %dma_wait3A_433 = tpu.memref_slice %arg4[%dma_wait3A_422, %dma_wait3A_423, %add3A_12, %dma_wait3A_431, %dma_wait3A_432] : memref<50x4x128x8x128xf32, #tpu.memory_space<hbm>> -> memref<1x1x1x8x128xf32, #tpu.memory_space<hbm>>
      %dma_wait3A_434 = tpu.memref_squeeze %dma_wait3A_433 : memref<1x1x1x8x128xf32, #tpu.memory_space<hbm>> -> memref<8x128xf32, #tpu.memory_space<hbm>>
      %dma_wait3A_435 = arith.constant 80 : i32
      %dma_wait3A_436 = arith.constant 0 : i32
      %dma_wait3A_437 = tpu.memref_slice %arg10[%dma_wait3A_435, %dma_wait3A_436] : memref<160x128xf32, #tpu.memory_space<vmem>> -> memref<8x128xf32, #tpu.memory_space<vmem>>
      tpu.wait_dma2 semaphore(%arg14 : memref<!tpu.dma_semaphore, #tpu.memory_space<semaphore_mem>>) src(%dma_wait3A_437 : memref<8x128xf32, #tpu.memory_space<vmem>>) dst(%dma_wait3A_434 : memref<8x128xf32, #tpu.memory_space<hbm>>)
      %dma_wait3A_438 = arith.constant 42 : i32
      %dma_wait3A_439 = arith.constant 3 : i32
      %dma_wait3A_440 = arith.constant 88 : i32
      %dma_wait3A_441 = arith.constant 0 : i32
      %dma_wait3A_442 = tpu.memref_slice %arg10[%dma_wait3A_440, %dma_wait3A_441] : memref<160x128xf32, #tpu.memory_space<vmem>> -> memref<8x128xf32, #tpu.memory_space<vmem>>
      %dma_wait3A_443 = arith.constant 0 : i32
      %dma_wait3A_444 = arith.constant 0 : i32
      %dma_wait3A_445 = tpu.memref_slice %arg4[%dma_wait3A_438, %dma_wait3A_439, %add3A_12, %dma_wait3A_443, %dma_wait3A_444] : memref<50x4x128x8x128xf32, #tpu.memory_space<hbm>> -> memref<1x1x1x8x128xf32, #tpu.memory_space<hbm>>
      %dma_wait3A_446 = tpu.memref_squeeze %dma_wait3A_445 : memref<1x1x1x8x128xf32, #tpu.memory_space<hbm>> -> memref<8x128xf32, #tpu.memory_space<hbm>>
      %dma_wait3A_447 = arith.constant 0 : i32
      %dma_wait3A_448 = arith.constant 0 : i32
      %dma_wait3A_449 = tpu.memref_slice %arg4[%dma_wait3A_438, %dma_wait3A_439, %add3A_12, %dma_wait3A_447, %dma_wait3A_448] : memref<50x4x128x8x128xf32, #tpu.memory_space<hbm>> -> memref<1x1x1x8x128xf32, #tpu.memory_space<hbm>>
      %dma_wait3A_450 = tpu.memref_squeeze %dma_wait3A_449 : memref<1x1x1x8x128xf32, #tpu.memory_space<hbm>> -> memref<8x128xf32, #tpu.memory_space<hbm>>
      %dma_wait3A_451 = arith.constant 88 : i32
      %dma_wait3A_452 = arith.constant 0 : i32
      %dma_wait3A_453 = tpu.memref_slice %arg10[%dma_wait3A_451, %dma_wait3A_452] : memref<160x128xf32, #tpu.memory_space<vmem>> -> memref<8x128xf32, #tpu.memory_space<vmem>>
      tpu.wait_dma2 semaphore(%arg14 : memref<!tpu.dma_semaphore, #tpu.memory_space<semaphore_mem>>) src(%dma_wait3A_453 : memref<8x128xf32, #tpu.memory_space<vmem>>) dst(%dma_wait3A_450 : memref<8x128xf32, #tpu.memory_space<hbm>>)
      %dma_wait3A_454 = arith.constant 43 : i32
      %dma_wait3A_455 = arith.constant 0 : i32
      %dma_wait3A_456 = arith.constant 96 : i32
      %dma_wait3A_457 = arith.constant 0 : i32
      %dma_wait3A_458 = tpu.memref_slice %arg10[%dma_wait3A_456, %dma_wait3A_457] : memref<160x128xf32, #tpu.memory_space<vmem>> -> memref<8x128xf32, #tpu.memory_space<vmem>>
      %dma_wait3A_459 = arith.constant 0 : i32
      %dma_wait3A_460 = arith.constant 0 : i32
      %dma_wait3A_461 = tpu.memref_slice %arg4[%dma_wait3A_454, %dma_wait3A_455, %add3A_12, %dma_wait3A_459, %dma_wait3A_460] : memref<50x4x128x8x128xf32, #tpu.memory_space<hbm>> -> memref<1x1x1x8x128xf32, #tpu.memory_space<hbm>>
      %dma_wait3A_462 = tpu.memref_squeeze %dma_wait3A_461 : memref<1x1x1x8x128xf32, #tpu.memory_space<hbm>> -> memref<8x128xf32, #tpu.memory_space<hbm>>
      %dma_wait3A_463 = arith.constant 0 : i32
      %dma_wait3A_464 = arith.constant 0 : i32
      %dma_wait3A_465 = tpu.memref_slice %arg4[%dma_wait3A_454, %dma_wait3A_455, %add3A_12, %dma_wait3A_463, %dma_wait3A_464] : memref<50x4x128x8x128xf32, #tpu.memory_space<hbm>> -> memref<1x1x1x8x128xf32, #tpu.memory_space<hbm>>
      %dma_wait3A_466 = tpu.memref_squeeze %dma_wait3A_465 : memref<1x1x1x8x128xf32, #tpu.memory_space<hbm>> -> memref<8x128xf32, #tpu.memory_space<hbm>>
      %dma_wait3A_467 = arith.constant 96 : i32
      %dma_wait3A_468 = arith.constant 0 : i32
      %dma_wait3A_469 = tpu.memref_slice %arg10[%dma_wait3A_467, %dma_wait3A_468] : memref<160x128xf32, #tpu.memory_space<vmem>> -> memref<8x128xf32, #tpu.memory_space<vmem>>
      tpu.wait_dma2 semaphore(%arg14 : memref<!tpu.dma_semaphore, #tpu.memory_space<semaphore_mem>>) src(%dma_wait3A_469 : memref<8x128xf32, #tpu.memory_space<vmem>>) dst(%dma_wait3A_466 : memref<8x128xf32, #tpu.memory_space<hbm>>)
      %dma_wait3A_470 = arith.constant 43 : i32
      %dma_wait3A_471 = arith.constant 1 : i32
      %dma_wait3A_472 = arith.constant 104 : i32
      %dma_wait3A_473 = arith.constant 0 : i32
      %dma_wait3A_474 = tpu.memref_slice %arg10[%dma_wait3A_472, %dma_wait3A_473] : memref<160x128xf32, #tpu.memory_space<vmem>> -> memref<8x128xf32, #tpu.memory_space<vmem>>
      %dma_wait3A_475 = arith.constant 0 : i32
      %dma_wait3A_476 = arith.constant 0 : i32
      %dma_wait3A_477 = tpu.memref_slice %arg4[%dma_wait3A_470, %dma_wait3A_471, %add3A_12, %dma_wait3A_475, %dma_wait3A_476] : memref<50x4x128x8x128xf32, #tpu.memory_space<hbm>> -> memref<1x1x1x8x128xf32, #tpu.memory_space<hbm>>
      %dma_wait3A_478 = tpu.memref_squeeze %dma_wait3A_477 : memref<1x1x1x8x128xf32, #tpu.memory_space<hbm>> -> memref<8x128xf32, #tpu.memory_space<hbm>>
      %dma_wait3A_479 = arith.constant 0 : i32
      %dma_wait3A_480 = arith.constant 0 : i32
      %dma_wait3A_481 = tpu.memref_slice %arg4[%dma_wait3A_470, %dma_wait3A_471, %add3A_12, %dma_wait3A_479, %dma_wait3A_480] : memref<50x4x128x8x128xf32, #tpu.memory_space<hbm>> -> memref<1x1x1x8x128xf32, #tpu.memory_space<hbm>>
      %dma_wait3A_482 = tpu.memref_squeeze %dma_wait3A_481 : memref<1x1x1x8x128xf32, #tpu.memory_space<hbm>> -> memref<8x128xf32, #tpu.memory_space<hbm>>
      %dma_wait3A_483 = arith.constant 104 : i32
      %dma_wait3A_484 = arith.constant 0 : i32
      %dma_wait3A_485 = tpu.memref_slice %arg10[%dma_wait3A_483, %dma_wait3A_484] : memref<160x128xf32, #tpu.memory_space<vmem>> -> memref<8x128xf32, #tpu.memory_space<vmem>>
      tpu.wait_dma2 semaphore(%arg14 : memref<!tpu.dma_semaphore, #tpu.memory_space<semaphore_mem>>) src(%dma_wait3A_485 : memref<8x128xf32, #tpu.memory_space<vmem>>) dst(%dma_wait3A_482 : memref<8x128xf32, #tpu.memory_space<hbm>>)
      %dma_wait3A_486 = arith.constant 43 : i32
      %dma_wait3A_487 = arith.constant 2 : i32
      %dma_wait3A_488 = arith.constant 112 : i32
      %dma_wait3A_489 = arith.constant 0 : i32
      %dma_wait3A_490 = tpu.memref_slice %arg10[%dma_wait3A_488, %dma_wait3A_489] : memref<160x128xf32, #tpu.memory_space<vmem>> -> memref<8x128xf32, #tpu.memory_space<vmem>>
      %dma_wait3A_491 = arith.constant 0 : i32
      %dma_wait3A_492 = arith.constant 0 : i32
      %dma_wait3A_493 = tpu.memref_slice %arg4[%dma_wait3A_486, %dma_wait3A_487, %add3A_12, %dma_wait3A_491, %dma_wait3A_492] : memref<50x4x128x8x128xf32, #tpu.memory_space<hbm>> -> memref<1x1x1x8x128xf32, #tpu.memory_space<hbm>>
      %dma_wait3A_494 = tpu.memref_squeeze %dma_wait3A_493 : memref<1x1x1x8x128xf32, #tpu.memory_space<hbm>> -> memref<8x128xf32, #tpu.memory_space<hbm>>
      %dma_wait3A_495 = arith.constant 0 : i32
      %dma_wait3A_496 = arith.constant 0 : i32
      %dma_wait3A_497 = tpu.memref_slice %arg4[%dma_wait3A_486, %dma_wait3A_487, %add3A_12, %dma_wait3A_495, %dma_wait3A_496] : memref<50x4x128x8x128xf32, #tpu.memory_space<hbm>> -> memref<1x1x1x8x128xf32, #tpu.memory_space<hbm>>
      %dma_wait3A_498 = tpu.memref_squeeze %dma_wait3A_497 : memref<1x1x1x8x128xf32, #tpu.memory_space<hbm>> -> memref<8x128xf32, #tpu.memory_space<hbm>>
      %dma_wait3A_499 = arith.constant 112 : i32
      %dma_wait3A_500 = arith.constant 0 : i32
      %dma_wait3A_501 = tpu.memref_slice %arg10[%dma_wait3A_499, %dma_wait3A_500] : memref<160x128xf32, #tpu.memory_space<vmem>> -> memref<8x128xf32, #tpu.memory_space<vmem>>
      tpu.wait_dma2 semaphore(%arg14 : memref<!tpu.dma_semaphore, #tpu.memory_space<semaphore_mem>>) src(%dma_wait3A_501 : memref<8x128xf32, #tpu.memory_space<vmem>>) dst(%dma_wait3A_498 : memref<8x128xf32, #tpu.memory_space<hbm>>)
      %dma_wait3A_502 = arith.constant 43 : i32
      %dma_wait3A_503 = arith.constant 3 : i32
      %dma_wait3A_504 = arith.constant 120 : i32
      %dma_wait3A_505 = arith.constant 0 : i32
      %dma_wait3A_506 = tpu.memref_slice %arg10[%dma_wait3A_504, %dma_wait3A_505] : memref<160x128xf32, #tpu.memory_space<vmem>> -> memref<8x128xf32, #tpu.memory_space<vmem>>
      %dma_wait3A_507 = arith.constant 0 : i32
      %dma_wait3A_508 = arith.constant 0 : i32
      %dma_wait3A_509 = tpu.memref_slice %arg4[%dma_wait3A_502, %dma_wait3A_503, %add3A_12, %dma_wait3A_507, %dma_wait3A_508] : memref<50x4x128x8x128xf32, #tpu.memory_space<hbm>> -> memref<1x1x1x8x128xf32, #tpu.memory_space<hbm>>
      %dma_wait3A_510 = tpu.memref_squeeze %dma_wait3A_509 : memref<1x1x1x8x128xf32, #tpu.memory_space<hbm>> -> memref<8x128xf32, #tpu.memory_space<hbm>>
      %dma_wait3A_511 = arith.constant 0 : i32
      %dma_wait3A_512 = arith.constant 0 : i32
      %dma_wait3A_513 = tpu.memref_slice %arg4[%dma_wait3A_502, %dma_wait3A_503, %add3A_12, %dma_wait3A_511, %dma_wait3A_512] : memref<50x4x128x8x128xf32, #tpu.memory_space<hbm>> -> memref<1x1x1x8x128xf32, #tpu.memory_space<hbm>>
      %dma_wait3A_514 = tpu.memref_squeeze %dma_wait3A_513 : memref<1x1x1x8x128xf32, #tpu.memory_space<hbm>> -> memref<8x128xf32, #tpu.memory_space<hbm>>
      %dma_wait3A_515 = arith.constant 120 : i32
      %dma_wait3A_516 = arith.constant 0 : i32
      %dma_wait3A_517 = tpu.memref_slice %arg10[%dma_wait3A_515, %dma_wait3A_516] : memref<160x128xf32, #tpu.memory_space<vmem>> -> memref<8x128xf32, #tpu.memory_space<vmem>>
      tpu.wait_dma2 semaphore(%arg14 : memref<!tpu.dma_semaphore, #tpu.memory_space<semaphore_mem>>) src(%dma_wait3A_517 : memref<8x128xf32, #tpu.memory_space<vmem>>) dst(%dma_wait3A_514 : memref<8x128xf32, #tpu.memory_space<hbm>>)
      %dma_wait3A_518 = arith.constant 44 : i32
      %dma_wait3A_519 = arith.constant 0 : i32
      %dma_wait3A_520 = arith.constant 128 : i32
      %dma_wait3A_521 = arith.constant 0 : i32
      %dma_wait3A_522 = tpu.memref_slice %arg10[%dma_wait3A_520, %dma_wait3A_521] : memref<160x128xf32, #tpu.memory_space<vmem>> -> memref<8x128xf32, #tpu.memory_space<vmem>>
      %dma_wait3A_523 = arith.constant 0 : i32
      %dma_wait3A_524 = arith.constant 0 : i32
      %dma_wait3A_525 = tpu.memref_slice %arg4[%dma_wait3A_518, %dma_wait3A_519, %add3A_12, %dma_wait3A_523, %dma_wait3A_524] : memref<50x4x128x8x128xf32, #tpu.memory_space<hbm>> -> memref<1x1x1x8x128xf32, #tpu.memory_space<hbm>>
      %dma_wait3A_526 = tpu.memref_squeeze %dma_wait3A_525 : memref<1x1x1x8x128xf32, #tpu.memory_space<hbm>> -> memref<8x128xf32, #tpu.memory_space<hbm>>
      %dma_wait3A_527 = arith.constant 0 : i32
      %dma_wait3A_528 = arith.constant 0 : i32
      %dma_wait3A_529 = tpu.memref_slice %arg4[%dma_wait3A_518, %dma_wait3A_519, %add3A_12, %dma_wait3A_527, %dma_wait3A_528] : memref<50x4x128x8x128xf32, #tpu.memory_space<hbm>> -> memref<1x1x1x8x128xf32, #tpu.memory_space<hbm>>
      %dma_wait3A_530 = tpu.memref_squeeze %dma_wait3A_529 : memref<1x1x1x8x128xf32, #tpu.memory_space<hbm>> -> memref<8x128xf32, #tpu.memory_space<hbm>>
      %dma_wait3A_531 = arith.constant 128 : i32
      %dma_wait3A_532 = arith.constant 0 : i32
      %dma_wait3A_533 = tpu.memref_slice %arg10[%dma_wait3A_531, %dma_wait3A_532] : memref<160x128xf32, #tpu.memory_space<vmem>> -> memref<8x128xf32, #tpu.memory_space<vmem>>
      tpu.wait_dma2 semaphore(%arg14 : memref<!tpu.dma_semaphore, #tpu.memory_space<semaphore_mem>>) src(%dma_wait3A_533 : memref<8x128xf32, #tpu.memory_space<vmem>>) dst(%dma_wait3A_530 : memref<8x128xf32, #tpu.memory_space<hbm>>)
      %dma_wait3A_534 = arith.constant 44 : i32
      %dma_wait3A_535 = arith.constant 1 : i32
      %dma_wait3A_536 = arith.constant 136 : i32
      %dma_wait3A_537 = arith.constant 0 : i32
      %dma_wait3A_538 = tpu.memref_slice %arg10[%dma_wait3A_536, %dma_wait3A_537] : memref<160x128xf32, #tpu.memory_space<vmem>> -> memref<8x128xf32, #tpu.memory_space<vmem>>
      %dma_wait3A_539 = arith.constant 0 : i32
      %dma_wait3A_540 = arith.constant 0 : i32
      %dma_wait3A_541 = tpu.memref_slice %arg4[%dma_wait3A_534, %dma_wait3A_535, %add3A_12, %dma_wait3A_539, %dma_wait3A_540] : memref<50x4x128x8x128xf32, #tpu.memory_space<hbm>> -> memref<1x1x1x8x128xf32, #tpu.memory_space<hbm>>
      %dma_wait3A_542 = tpu.memref_squeeze %dma_wait3A_541 : memref<1x1x1x8x128xf32, #tpu.memory_space<hbm>> -> memref<8x128xf32, #tpu.memory_space<hbm>>
      %dma_wait3A_543 = arith.constant 0 : i32
      %dma_wait3A_544 = arith.constant 0 : i32
      %dma_wait3A_545 = tpu.memref_slice %arg4[%dma_wait3A_534, %dma_wait3A_535, %add3A_12, %dma_wait3A_543, %dma_wait3A_544] : memref<50x4x128x8x128xf32, #tpu.memory_space<hbm>> -> memref<1x1x1x8x128xf32, #tpu.memory_space<hbm>>
      %dma_wait3A_546 = tpu.memref_squeeze %dma_wait3A_545 : memref<1x1x1x8x128xf32, #tpu.memory_space<hbm>> -> memref<8x128xf32, #tpu.memory_space<hbm>>
      %dma_wait3A_547 = arith.constant 136 : i32
      %dma_wait3A_548 = arith.constant 0 : i32
      %dma_wait3A_549 = tpu.memref_slice %arg10[%dma_wait3A_547, %dma_wait3A_548] : memref<160x128xf32, #tpu.memory_space<vmem>> -> memref<8x128xf32, #tpu.memory_space<vmem>>
      tpu.wait_dma2 semaphore(%arg14 : memref<!tpu.dma_semaphore, #tpu.memory_space<semaphore_mem>>) src(%dma_wait3A_549 : memref<8x128xf32, #tpu.memory_space<vmem>>) dst(%dma_wait3A_546 : memref<8x128xf32, #tpu.memory_space<hbm>>)
      %dma_wait3A_550 = arith.constant 44 : i32
      %dma_wait3A_551 = arith.constant 2 : i32
      %dma_wait3A_552 = arith.constant 144 : i32
      %dma_wait3A_553 = arith.constant 0 : i32
      %dma_wait3A_554 = tpu.memref_slice %arg10[%dma_wait3A_552, %dma_wait3A_553] : memref<160x128xf32, #tpu.memory_space<vmem>> -> memref<8x128xf32, #tpu.memory_space<vmem>>
      %dma_wait3A_555 = arith.constant 0 : i32
      %dma_wait3A_556 = arith.constant 0 : i32
      %dma_wait3A_557 = tpu.memref_slice %arg4[%dma_wait3A_550, %dma_wait3A_551, %add3A_12, %dma_wait3A_555, %dma_wait3A_556] : memref<50x4x128x8x128xf32, #tpu.memory_space<hbm>> -> memref<1x1x1x8x128xf32, #tpu.memory_space<hbm>>
      %dma_wait3A_558 = tpu.memref_squeeze %dma_wait3A_557 : memref<1x1x1x8x128xf32, #tpu.memory_space<hbm>> -> memref<8x128xf32, #tpu.memory_space<hbm>>
      %dma_wait3A_559 = arith.constant 0 : i32
      %dma_wait3A_560 = arith.constant 0 : i32
      %dma_wait3A_561 = tpu.memref_slice %arg4[%dma_wait3A_550, %dma_wait3A_551, %add3A_12, %dma_wait3A_559, %dma_wait3A_560] : memref<50x4x128x8x128xf32, #tpu.memory_space<hbm>> -> memref<1x1x1x8x128xf32, #tpu.memory_space<hbm>>
      %dma_wait3A_562 = tpu.memref_squeeze %dma_wait3A_561 : memref<1x1x1x8x128xf32, #tpu.memory_space<hbm>> -> memref<8x128xf32, #tpu.memory_space<hbm>>
      %dma_wait3A_563 = arith.constant 144 : i32
      %dma_wait3A_564 = arith.constant 0 : i32
      %dma_wait3A_565 = tpu.memref_slice %arg10[%dma_wait3A_563, %dma_wait3A_564] : memref<160x128xf32, #tpu.memory_space<vmem>> -> memref<8x128xf32, #tpu.memory_space<vmem>>
      tpu.wait_dma2 semaphore(%arg14 : memref<!tpu.dma_semaphore, #tpu.memory_space<semaphore_mem>>) src(%dma_wait3A_565 : memref<8x128xf32, #tpu.memory_space<vmem>>) dst(%dma_wait3A_562 : memref<8x128xf32, #tpu.memory_space<hbm>>)
      %dma_wait3A_566 = arith.constant 44 : i32
      %dma_wait3A_567 = arith.constant 3 : i32
      %dma_wait3A_568 = arith.constant 152 : i32
      %dma_wait3A_569 = arith.constant 0 : i32
      %dma_wait3A_570 = tpu.memref_slice %arg10[%dma_wait3A_568, %dma_wait3A_569] : memref<160x128xf32, #tpu.memory_space<vmem>> -> memref<8x128xf32, #tpu.memory_space<vmem>>
      %dma_wait3A_571 = arith.constant 0 : i32
      %dma_wait3A_572 = arith.constant 0 : i32
      %dma_wait3A_573 = tpu.memref_slice %arg4[%dma_wait3A_566, %dma_wait3A_567, %add3A_12, %dma_wait3A_571, %dma_wait3A_572] : memref<50x4x128x8x128xf32, #tpu.memory_space<hbm>> -> memref<1x1x1x8x128xf32, #tpu.memory_space<hbm>>
      %dma_wait3A_574 = tpu.memref_squeeze %dma_wait3A_573 : memref<1x1x1x8x128xf32, #tpu.memory_space<hbm>> -> memref<8x128xf32, #tpu.memory_space<hbm>>
      %dma_wait3A_575 = arith.constant 0 : i32
      %dma_wait3A_576 = arith.constant 0 : i32
      %dma_wait3A_577 = tpu.memref_slice %arg4[%dma_wait3A_566, %dma_wait3A_567, %add3A_12, %dma_wait3A_575, %dma_wait3A_576] : memref<50x4x128x8x128xf32, #tpu.memory_space<hbm>> -> memref<1x1x1x8x128xf32, #tpu.memory_space<hbm>>
      %dma_wait3A_578 = tpu.memref_squeeze %dma_wait3A_577 : memref<1x1x1x8x128xf32, #tpu.memory_space<hbm>> -> memref<8x128xf32, #tpu.memory_space<hbm>>
      %dma_wait3A_579 = arith.constant 152 : i32
      %dma_wait3A_580 = arith.constant 0 : i32
      %dma_wait3A_581 = tpu.memref_slice %arg10[%dma_wait3A_579, %dma_wait3A_580] : memref<160x128xf32, #tpu.memory_space<vmem>> -> memref<8x128xf32, #tpu.memory_space<vmem>>
      tpu.wait_dma2 semaphore(%arg14 : memref<!tpu.dma_semaphore, #tpu.memory_space<semaphore_mem>>) src(%dma_wait3A_581 : memref<8x128xf32, #tpu.memory_space<vmem>>) dst(%dma_wait3A_578 : memref<8x128xf32, #tpu.memory_space<hbm>>)
      %dma_wait3A_582 = arith.constant 45 : i32
      %dma_wait3A_583 = arith.constant 0 : i32
      %dma_wait3A_584 = arith.constant 0 : i32
      %dma_wait3A_585 = arith.constant 0 : i32
      %dma_wait3A_586 = tpu.memref_slice %arg11[%dma_wait3A_584, %dma_wait3A_585] : memref<160x128xf32, #tpu.memory_space<vmem>> -> memref<8x128xf32, #tpu.memory_space<vmem>>
      %dma_wait3A_587 = arith.constant 0 : i32
      %dma_wait3A_588 = arith.constant 0 : i32
      %dma_wait3A_589 = tpu.memref_slice %arg4[%dma_wait3A_582, %dma_wait3A_583, %add3A_12, %dma_wait3A_587, %dma_wait3A_588] : memref<50x4x128x8x128xf32, #tpu.memory_space<hbm>> -> memref<1x1x1x8x128xf32, #tpu.memory_space<hbm>>
      %dma_wait3A_590 = tpu.memref_squeeze %dma_wait3A_589 : memref<1x1x1x8x128xf32, #tpu.memory_space<hbm>> -> memref<8x128xf32, #tpu.memory_space<hbm>>
      %dma_wait3A_591 = arith.constant 0 : i32
      %dma_wait3A_592 = arith.constant 0 : i32
      %dma_wait3A_593 = tpu.memref_slice %arg4[%dma_wait3A_582, %dma_wait3A_583, %add3A_12, %dma_wait3A_591, %dma_wait3A_592] : memref<50x4x128x8x128xf32, #tpu.memory_space<hbm>> -> memref<1x1x1x8x128xf32, #tpu.memory_space<hbm>>
      %dma_wait3A_594 = tpu.memref_squeeze %dma_wait3A_593 : memref<1x1x1x8x128xf32, #tpu.memory_space<hbm>> -> memref<8x128xf32, #tpu.memory_space<hbm>>
      %dma_wait3A_595 = arith.constant 0 : i32
      %dma_wait3A_596 = arith.constant 0 : i32
      %dma_wait3A_597 = tpu.memref_slice %arg11[%dma_wait3A_595, %dma_wait3A_596] : memref<160x128xf32, #tpu.memory_space<vmem>> -> memref<8x128xf32, #tpu.memory_space<vmem>>
      tpu.wait_dma2 semaphore(%arg15 : memref<!tpu.dma_semaphore, #tpu.memory_space<semaphore_mem>>) src(%dma_wait3A_597 : memref<8x128xf32, #tpu.memory_space<vmem>>) dst(%dma_wait3A_594 : memref<8x128xf32, #tpu.memory_space<hbm>>)
      %dma_wait3A_598 = arith.constant 45 : i32
      %dma_wait3A_599 = arith.constant 1 : i32
      %dma_wait3A_600 = arith.constant 8 : i32
      %dma_wait3A_601 = arith.constant 0 : i32
      %dma_wait3A_602 = tpu.memref_slice %arg11[%dma_wait3A_600, %dma_wait3A_601] : memref<160x128xf32, #tpu.memory_space<vmem>> -> memref<8x128xf32, #tpu.memory_space<vmem>>
      %dma_wait3A_603 = arith.constant 0 : i32
      %dma_wait3A_604 = arith.constant 0 : i32
      %dma_wait3A_605 = tpu.memref_slice %arg4[%dma_wait3A_598, %dma_wait3A_599, %add3A_12, %dma_wait3A_603, %dma_wait3A_604] : memref<50x4x128x8x128xf32, #tpu.memory_space<hbm>> -> memref<1x1x1x8x128xf32, #tpu.memory_space<hbm>>
      %dma_wait3A_606 = tpu.memref_squeeze %dma_wait3A_605 : memref<1x1x1x8x128xf32, #tpu.memory_space<hbm>> -> memref<8x128xf32, #tpu.memory_space<hbm>>
      %dma_wait3A_607 = arith.constant 0 : i32
      %dma_wait3A_608 = arith.constant 0 : i32
      %dma_wait3A_609 = tpu.memref_slice %arg4[%dma_wait3A_598, %dma_wait3A_599, %add3A_12, %dma_wait3A_607, %dma_wait3A_608] : memref<50x4x128x8x128xf32, #tpu.memory_space<hbm>> -> memref<1x1x1x8x128xf32, #tpu.memory_space<hbm>>
      %dma_wait3A_610 = tpu.memref_squeeze %dma_wait3A_609 : memref<1x1x1x8x128xf32, #tpu.memory_space<hbm>> -> memref<8x128xf32, #tpu.memory_space<hbm>>
      %dma_wait3A_611 = arith.constant 8 : i32
      %dma_wait3A_612 = arith.constant 0 : i32
      %dma_wait3A_613 = tpu.memref_slice %arg11[%dma_wait3A_611, %dma_wait3A_612] : memref<160x128xf32, #tpu.memory_space<vmem>> -> memref<8x128xf32, #tpu.memory_space<vmem>>
      tpu.wait_dma2 semaphore(%arg15 : memref<!tpu.dma_semaphore, #tpu.memory_space<semaphore_mem>>) src(%dma_wait3A_613 : memref<8x128xf32, #tpu.memory_space<vmem>>) dst(%dma_wait3A_610 : memref<8x128xf32, #tpu.memory_space<hbm>>)
      %dma_wait3A_614 = arith.constant 45 : i32
      %dma_wait3A_615 = arith.constant 2 : i32
      %dma_wait3A_616 = arith.constant 16 : i32
      %dma_wait3A_617 = arith.constant 0 : i32
      %dma_wait3A_618 = tpu.memref_slice %arg11[%dma_wait3A_616, %dma_wait3A_617] : memref<160x128xf32, #tpu.memory_space<vmem>> -> memref<8x128xf32, #tpu.memory_space<vmem>>
      %dma_wait3A_619 = arith.constant 0 : i32
      %dma_wait3A_620 = arith.constant 0 : i32
      %dma_wait3A_621 = tpu.memref_slice %arg4[%dma_wait3A_614, %dma_wait3A_615, %add3A_12, %dma_wait3A_619, %dma_wait3A_620] : memref<50x4x128x8x128xf32, #tpu.memory_space<hbm>> -> memref<1x1x1x8x128xf32, #tpu.memory_space<hbm>>
      %dma_wait3A_622 = tpu.memref_squeeze %dma_wait3A_621 : memref<1x1x1x8x128xf32, #tpu.memory_space<hbm>> -> memref<8x128xf32, #tpu.memory_space<hbm>>
      %dma_wait3A_623 = arith.constant 0 : i32
      %dma_wait3A_624 = arith.constant 0 : i32
      %dma_wait3A_625 = tpu.memref_slice %arg4[%dma_wait3A_614, %dma_wait3A_615, %add3A_12, %dma_wait3A_623, %dma_wait3A_624] : memref<50x4x128x8x128xf32, #tpu.memory_space<hbm>> -> memref<1x1x1x8x128xf32, #tpu.memory_space<hbm>>
      %dma_wait3A_626 = tpu.memref_squeeze %dma_wait3A_625 : memref<1x1x1x8x128xf32, #tpu.memory_space<hbm>> -> memref<8x128xf32, #tpu.memory_space<hbm>>
      %dma_wait3A_627 = arith.constant 16 : i32
      %dma_wait3A_628 = arith.constant 0 : i32
      %dma_wait3A_629 = tpu.memref_slice %arg11[%dma_wait3A_627, %dma_wait3A_628] : memref<160x128xf32, #tpu.memory_space<vmem>> -> memref<8x128xf32, #tpu.memory_space<vmem>>
      tpu.wait_dma2 semaphore(%arg15 : memref<!tpu.dma_semaphore, #tpu.memory_space<semaphore_mem>>) src(%dma_wait3A_629 : memref<8x128xf32, #tpu.memory_space<vmem>>) dst(%dma_wait3A_626 : memref<8x128xf32, #tpu.memory_space<hbm>>)
      %dma_wait3A_630 = arith.constant 45 : i32
      %dma_wait3A_631 = arith.constant 3 : i32
      %dma_wait3A_632 = arith.constant 24 : i32
      %dma_wait3A_633 = arith.constant 0 : i32
      %dma_wait3A_634 = tpu.memref_slice %arg11[%dma_wait3A_632, %dma_wait3A_633] : memref<160x128xf32, #tpu.memory_space<vmem>> -> memref<8x128xf32, #tpu.memory_space<vmem>>
      %dma_wait3A_635 = arith.constant 0 : i32
      %dma_wait3A_636 = arith.constant 0 : i32
      %dma_wait3A_637 = tpu.memref_slice %arg4[%dma_wait3A_630, %dma_wait3A_631, %add3A_12, %dma_wait3A_635, %dma_wait3A_636] : memref<50x4x128x8x128xf32, #tpu.memory_space<hbm>> -> memref<1x1x1x8x128xf32, #tpu.memory_space<hbm>>
      %dma_wait3A_638 = tpu.memref_squeeze %dma_wait3A_637 : memref<1x1x1x8x128xf32, #tpu.memory_space<hbm>> -> memref<8x128xf32, #tpu.memory_space<hbm>>
      %dma_wait3A_639 = arith.constant 0 : i32
      %dma_wait3A_640 = arith.constant 0 : i32
      %dma_wait3A_641 = tpu.memref_slice %arg4[%dma_wait3A_630, %dma_wait3A_631, %add3A_12, %dma_wait3A_639, %dma_wait3A_640] : memref<50x4x128x8x128xf32, #tpu.memory_space<hbm>> -> memref<1x1x1x8x128xf32, #tpu.memory_space<hbm>>
      %dma_wait3A_642 = tpu.memref_squeeze %dma_wait3A_641 : memref<1x1x1x8x128xf32, #tpu.memory_space<hbm>> -> memref<8x128xf32, #tpu.memory_space<hbm>>
      %dma_wait3A_643 = arith.constant 24 : i32
      %dma_wait3A_644 = arith.constant 0 : i32
      %dma_wait3A_645 = tpu.memref_slice %arg11[%dma_wait3A_643, %dma_wait3A_644] : memref<160x128xf32, #tpu.memory_space<vmem>> -> memref<8x128xf32, #tpu.memory_space<vmem>>
      tpu.wait_dma2 semaphore(%arg15 : memref<!tpu.dma_semaphore, #tpu.memory_space<semaphore_mem>>) src(%dma_wait3A_645 : memref<8x128xf32, #tpu.memory_space<vmem>>) dst(%dma_wait3A_642 : memref<8x128xf32, #tpu.memory_space<hbm>>)
      %dma_wait3A_646 = arith.constant 46 : i32
      %dma_wait3A_647 = arith.constant 0 : i32
      %dma_wait3A_648 = arith.constant 32 : i32
      %dma_wait3A_649 = arith.constant 0 : i32
      %dma_wait3A_650 = tpu.memref_slice %arg11[%dma_wait3A_648, %dma_wait3A_649] : memref<160x128xf32, #tpu.memory_space<vmem>> -> memref<8x128xf32, #tpu.memory_space<vmem>>
      %dma_wait3A_651 = arith.constant 0 : i32
      %dma_wait3A_652 = arith.constant 0 : i32
      %dma_wait3A_653 = tpu.memref_slice %arg4[%dma_wait3A_646, %dma_wait3A_647, %add3A_12, %dma_wait3A_651, %dma_wait3A_652] : memref<50x4x128x8x128xf32, #tpu.memory_space<hbm>> -> memref<1x1x1x8x128xf32, #tpu.memory_space<hbm>>
      %dma_wait3A_654 = tpu.memref_squeeze %dma_wait3A_653 : memref<1x1x1x8x128xf32, #tpu.memory_space<hbm>> -> memref<8x128xf32, #tpu.memory_space<hbm>>
      %dma_wait3A_655 = arith.constant 0 : i32
      %dma_wait3A_656 = arith.constant 0 : i32
      %dma_wait3A_657 = tpu.memref_slice %arg4[%dma_wait3A_646, %dma_wait3A_647, %add3A_12, %dma_wait3A_655, %dma_wait3A_656] : memref<50x4x128x8x128xf32, #tpu.memory_space<hbm>> -> memref<1x1x1x8x128xf32, #tpu.memory_space<hbm>>
      %dma_wait3A_658 = tpu.memref_squeeze %dma_wait3A_657 : memref<1x1x1x8x128xf32, #tpu.memory_space<hbm>> -> memref<8x128xf32, #tpu.memory_space<hbm>>
      %dma_wait3A_659 = arith.constant 32 : i32
      %dma_wait3A_660 = arith.constant 0 : i32
      %dma_wait3A_661 = tpu.memref_slice %arg11[%dma_wait3A_659, %dma_wait3A_660] : memref<160x128xf32, #tpu.memory_space<vmem>> -> memref<8x128xf32, #tpu.memory_space<vmem>>
      tpu.wait_dma2 semaphore(%arg15 : memref<!tpu.dma_semaphore, #tpu.memory_space<semaphore_mem>>) src(%dma_wait3A_661 : memref<8x128xf32, #tpu.memory_space<vmem>>) dst(%dma_wait3A_658 : memref<8x128xf32, #tpu.memory_space<hbm>>)
      %dma_wait3A_662 = arith.constant 46 : i32
      %dma_wait3A_663 = arith.constant 1 : i32
      %dma_wait3A_664 = arith.constant 40 : i32
      %dma_wait3A_665 = arith.constant 0 : i32
      %dma_wait3A_666 = tpu.memref_slice %arg11[%dma_wait3A_664, %dma_wait3A_665] : memref<160x128xf32, #tpu.memory_space<vmem>> -> memref<8x128xf32, #tpu.memory_space<vmem>>
      %dma_wait3A_667 = arith.constant 0 : i32
      %dma_wait3A_668 = arith.constant 0 : i32
      %dma_wait3A_669 = tpu.memref_slice %arg4[%dma_wait3A_662, %dma_wait3A_663, %add3A_12, %dma_wait3A_667, %dma_wait3A_668] : memref<50x4x128x8x128xf32, #tpu.memory_space<hbm>> -> memref<1x1x1x8x128xf32, #tpu.memory_space<hbm>>
      %dma_wait3A_670 = tpu.memref_squeeze %dma_wait3A_669 : memref<1x1x1x8x128xf32, #tpu.memory_space<hbm>> -> memref<8x128xf32, #tpu.memory_space<hbm>>
      %dma_wait3A_671 = arith.constant 0 : i32
      %dma_wait3A_672 = arith.constant 0 : i32
      %dma_wait3A_673 = tpu.memref_slice %arg4[%dma_wait3A_662, %dma_wait3A_663, %add3A_12, %dma_wait3A_671, %dma_wait3A_672] : memref<50x4x128x8x128xf32, #tpu.memory_space<hbm>> -> memref<1x1x1x8x128xf32, #tpu.memory_space<hbm>>
      %dma_wait3A_674 = tpu.memref_squeeze %dma_wait3A_673 : memref<1x1x1x8x128xf32, #tpu.memory_space<hbm>> -> memref<8x128xf32, #tpu.memory_space<hbm>>
      %dma_wait3A_675 = arith.constant 40 : i32
      %dma_wait3A_676 = arith.constant 0 : i32
      %dma_wait3A_677 = tpu.memref_slice %arg11[%dma_wait3A_675, %dma_wait3A_676] : memref<160x128xf32, #tpu.memory_space<vmem>> -> memref<8x128xf32, #tpu.memory_space<vmem>>
      tpu.wait_dma2 semaphore(%arg15 : memref<!tpu.dma_semaphore, #tpu.memory_space<semaphore_mem>>) src(%dma_wait3A_677 : memref<8x128xf32, #tpu.memory_space<vmem>>) dst(%dma_wait3A_674 : memref<8x128xf32, #tpu.memory_space<hbm>>)
      %dma_wait3A_678 = arith.constant 46 : i32
      %dma_wait3A_679 = arith.constant 2 : i32
      %dma_wait3A_680 = arith.constant 48 : i32
      %dma_wait3A_681 = arith.constant 0 : i32
      %dma_wait3A_682 = tpu.memref_slice %arg11[%dma_wait3A_680, %dma_wait3A_681] : memref<160x128xf32, #tpu.memory_space<vmem>> -> memref<8x128xf32, #tpu.memory_space<vmem>>
      %dma_wait3A_683 = arith.constant 0 : i32
      %dma_wait3A_684 = arith.constant 0 : i32
      %dma_wait3A_685 = tpu.memref_slice %arg4[%dma_wait3A_678, %dma_wait3A_679, %add3A_12, %dma_wait3A_683, %dma_wait3A_684] : memref<50x4x128x8x128xf32, #tpu.memory_space<hbm>> -> memref<1x1x1x8x128xf32, #tpu.memory_space<hbm>>
      %dma_wait3A_686 = tpu.memref_squeeze %dma_wait3A_685 : memref<1x1x1x8x128xf32, #tpu.memory_space<hbm>> -> memref<8x128xf32, #tpu.memory_space<hbm>>
      %dma_wait3A_687 = arith.constant 0 : i32
      %dma_wait3A_688 = arith.constant 0 : i32
      %dma_wait3A_689 = tpu.memref_slice %arg4[%dma_wait3A_678, %dma_wait3A_679, %add3A_12, %dma_wait3A_687, %dma_wait3A_688] : memref<50x4x128x8x128xf32, #tpu.memory_space<hbm>> -> memref<1x1x1x8x128xf32, #tpu.memory_space<hbm>>
      %dma_wait3A_690 = tpu.memref_squeeze %dma_wait3A_689 : memref<1x1x1x8x128xf32, #tpu.memory_space<hbm>> -> memref<8x128xf32, #tpu.memory_space<hbm>>
      %dma_wait3A_691 = arith.constant 48 : i32
      %dma_wait3A_692 = arith.constant 0 : i32
      %dma_wait3A_693 = tpu.memref_slice %arg11[%dma_wait3A_691, %dma_wait3A_692] : memref<160x128xf32, #tpu.memory_space<vmem>> -> memref<8x128xf32, #tpu.memory_space<vmem>>
      tpu.wait_dma2 semaphore(%arg15 : memref<!tpu.dma_semaphore, #tpu.memory_space<semaphore_mem>>) src(%dma_wait3A_693 : memref<8x128xf32, #tpu.memory_space<vmem>>) dst(%dma_wait3A_690 : memref<8x128xf32, #tpu.memory_space<hbm>>)
      %dma_wait3A_694 = arith.constant 46 : i32
      %dma_wait3A_695 = arith.constant 3 : i32
      %dma_wait3A_696 = arith.constant 56 : i32
      %dma_wait3A_697 = arith.constant 0 : i32
      %dma_wait3A_698 = tpu.memref_slice %arg11[%dma_wait3A_696, %dma_wait3A_697] : memref<160x128xf32, #tpu.memory_space<vmem>> -> memref<8x128xf32, #tpu.memory_space<vmem>>
      %dma_wait3A_699 = arith.constant 0 : i32
      %dma_wait3A_700 = arith.constant 0 : i32
      %dma_wait3A_701 = tpu.memref_slice %arg4[%dma_wait3A_694, %dma_wait3A_695, %add3A_12, %dma_wait3A_699, %dma_wait3A_700] : memref<50x4x128x8x128xf32, #tpu.memory_space<hbm>> -> memref<1x1x1x8x128xf32, #tpu.memory_space<hbm>>
      %dma_wait3A_702 = tpu.memref_squeeze %dma_wait3A_701 : memref<1x1x1x8x128xf32, #tpu.memory_space<hbm>> -> memref<8x128xf32, #tpu.memory_space<hbm>>
      %dma_wait3A_703 = arith.constant 0 : i32
      %dma_wait3A_704 = arith.constant 0 : i32
      %dma_wait3A_705 = tpu.memref_slice %arg4[%dma_wait3A_694, %dma_wait3A_695, %add3A_12, %dma_wait3A_703, %dma_wait3A_704] : memref<50x4x128x8x128xf32, #tpu.memory_space<hbm>> -> memref<1x1x1x8x128xf32, #tpu.memory_space<hbm>>
      %dma_wait3A_706 = tpu.memref_squeeze %dma_wait3A_705 : memref<1x1x1x8x128xf32, #tpu.memory_space<hbm>> -> memref<8x128xf32, #tpu.memory_space<hbm>>
      %dma_wait3A_707 = arith.constant 56 : i32
      %dma_wait3A_708 = arith.constant 0 : i32
      %dma_wait3A_709 = tpu.memref_slice %arg11[%dma_wait3A_707, %dma_wait3A_708] : memref<160x128xf32, #tpu.memory_space<vmem>> -> memref<8x128xf32, #tpu.memory_space<vmem>>
      tpu.wait_dma2 semaphore(%arg15 : memref<!tpu.dma_semaphore, #tpu.memory_space<semaphore_mem>>) src(%dma_wait3A_709 : memref<8x128xf32, #tpu.memory_space<vmem>>) dst(%dma_wait3A_706 : memref<8x128xf32, #tpu.memory_space<hbm>>)
      %dma_wait3A_710 = arith.constant 47 : i32
      %dma_wait3A_711 = arith.constant 0 : i32
      %dma_wait3A_712 = arith.constant 64 : i32
      %dma_wait3A_713 = arith.constant 0 : i32
      %dma_wait3A_714 = tpu.memref_slice %arg11[%dma_wait3A_712, %dma_wait3A_713] : memref<160x128xf32, #tpu.memory_space<vmem>> -> memref<8x128xf32, #tpu.memory_space<vmem>>
      %dma_wait3A_715 = arith.constant 0 : i32
      %dma_wait3A_716 = arith.constant 0 : i32
      %dma_wait3A_717 = tpu.memref_slice %arg4[%dma_wait3A_710, %dma_wait3A_711, %add3A_12, %dma_wait3A_715, %dma_wait3A_716] : memref<50x4x128x8x128xf32, #tpu.memory_space<hbm>> -> memref<1x1x1x8x128xf32, #tpu.memory_space<hbm>>
      %dma_wait3A_718 = tpu.memref_squeeze %dma_wait3A_717 : memref<1x1x1x8x128xf32, #tpu.memory_space<hbm>> -> memref<8x128xf32, #tpu.memory_space<hbm>>
      %dma_wait3A_719 = arith.constant 0 : i32
      %dma_wait3A_720 = arith.constant 0 : i32
      %dma_wait3A_721 = tpu.memref_slice %arg4[%dma_wait3A_710, %dma_wait3A_711, %add3A_12, %dma_wait3A_719, %dma_wait3A_720] : memref<50x4x128x8x128xf32, #tpu.memory_space<hbm>> -> memref<1x1x1x8x128xf32, #tpu.memory_space<hbm>>
      %dma_wait3A_722 = tpu.memref_squeeze %dma_wait3A_721 : memref<1x1x1x8x128xf32, #tpu.memory_space<hbm>> -> memref<8x128xf32, #tpu.memory_space<hbm>>
      %dma_wait3A_723 = arith.constant 64 : i32
      %dma_wait3A_724 = arith.constant 0 : i32
      %dma_wait3A_725 = tpu.memref_slice %arg11[%dma_wait3A_723, %dma_wait3A_724] : memref<160x128xf32, #tpu.memory_space<vmem>> -> memref<8x128xf32, #tpu.memory_space<vmem>>
      tpu.wait_dma2 semaphore(%arg15 : memref<!tpu.dma_semaphore, #tpu.memory_space<semaphore_mem>>) src(%dma_wait3A_725 : memref<8x128xf32, #tpu.memory_space<vmem>>) dst(%dma_wait3A_722 : memref<8x128xf32, #tpu.memory_space<hbm>>)
      %dma_wait3A_726 = arith.constant 47 : i32
      %dma_wait3A_727 = arith.constant 1 : i32
      %dma_wait3A_728 = arith.constant 72 : i32
      %dma_wait3A_729 = arith.constant 0 : i32
      %dma_wait3A_730 = tpu.memref_slice %arg11[%dma_wait3A_728, %dma_wait3A_729] : memref<160x128xf32, #tpu.memory_space<vmem>> -> memref<8x128xf32, #tpu.memory_space<vmem>>
      %dma_wait3A_731 = arith.constant 0 : i32
      %dma_wait3A_732 = arith.constant 0 : i32
      %dma_wait3A_733 = tpu.memref_slice %arg4[%dma_wait3A_726, %dma_wait3A_727, %add3A_12, %dma_wait3A_731, %dma_wait3A_732] : memref<50x4x128x8x128xf32, #tpu.memory_space<hbm>> -> memref<1x1x1x8x128xf32, #tpu.memory_space<hbm>>
      %dma_wait3A_734 = tpu.memref_squeeze %dma_wait3A_733 : memref<1x1x1x8x128xf32, #tpu.memory_space<hbm>> -> memref<8x128xf32, #tpu.memory_space<hbm>>
      %dma_wait3A_735 = arith.constant 0 : i32
      %dma_wait3A_736 = arith.constant 0 : i32
      %dma_wait3A_737 = tpu.memref_slice %arg4[%dma_wait3A_726, %dma_wait3A_727, %add3A_12, %dma_wait3A_735, %dma_wait3A_736] : memref<50x4x128x8x128xf32, #tpu.memory_space<hbm>> -> memref<1x1x1x8x128xf32, #tpu.memory_space<hbm>>
      %dma_wait3A_738 = tpu.memref_squeeze %dma_wait3A_737 : memref<1x1x1x8x128xf32, #tpu.memory_space<hbm>> -> memref<8x128xf32, #tpu.memory_space<hbm>>
      %dma_wait3A_739 = arith.constant 72 : i32
      %dma_wait3A_740 = arith.constant 0 : i32
      %dma_wait3A_741 = tpu.memref_slice %arg11[%dma_wait3A_739, %dma_wait3A_740] : memref<160x128xf32, #tpu.memory_space<vmem>> -> memref<8x128xf32, #tpu.memory_space<vmem>>
      tpu.wait_dma2 semaphore(%arg15 : memref<!tpu.dma_semaphore, #tpu.memory_space<semaphore_mem>>) src(%dma_wait3A_741 : memref<8x128xf32, #tpu.memory_space<vmem>>) dst(%dma_wait3A_738 : memref<8x128xf32, #tpu.memory_space<hbm>>)
      %dma_wait3A_742 = arith.constant 47 : i32
      %dma_wait3A_743 = arith.constant 2 : i32
      %dma_wait3A_744 = arith.constant 80 : i32
      %dma_wait3A_745 = arith.constant 0 : i32
      %dma_wait3A_746 = tpu.memref_slice %arg11[%dma_wait3A_744, %dma_wait3A_745] : memref<160x128xf32, #tpu.memory_space<vmem>> -> memref<8x128xf32, #tpu.memory_space<vmem>>
      %dma_wait3A_747 = arith.constant 0 : i32
      %dma_wait3A_748 = arith.constant 0 : i32
      %dma_wait3A_749 = tpu.memref_slice %arg4[%dma_wait3A_742, %dma_wait3A_743, %add3A_12, %dma_wait3A_747, %dma_wait3A_748] : memref<50x4x128x8x128xf32, #tpu.memory_space<hbm>> -> memref<1x1x1x8x128xf32, #tpu.memory_space<hbm>>
      %dma_wait3A_750 = tpu.memref_squeeze %dma_wait3A_749 : memref<1x1x1x8x128xf32, #tpu.memory_space<hbm>> -> memref<8x128xf32, #tpu.memory_space<hbm>>
      %dma_wait3A_751 = arith.constant 0 : i32
      %dma_wait3A_752 = arith.constant 0 : i32
      %dma_wait3A_753 = tpu.memref_slice %arg4[%dma_wait3A_742, %dma_wait3A_743, %add3A_12, %dma_wait3A_751, %dma_wait3A_752] : memref<50x4x128x8x128xf32, #tpu.memory_space<hbm>> -> memref<1x1x1x8x128xf32, #tpu.memory_space<hbm>>
      %dma_wait3A_754 = tpu.memref_squeeze %dma_wait3A_753 : memref<1x1x1x8x128xf32, #tpu.memory_space<hbm>> -> memref<8x128xf32, #tpu.memory_space<hbm>>
      %dma_wait3A_755 = arith.constant 80 : i32
      %dma_wait3A_756 = arith.constant 0 : i32
      %dma_wait3A_757 = tpu.memref_slice %arg11[%dma_wait3A_755, %dma_wait3A_756] : memref<160x128xf32, #tpu.memory_space<vmem>> -> memref<8x128xf32, #tpu.memory_space<vmem>>
      tpu.wait_dma2 semaphore(%arg15 : memref<!tpu.dma_semaphore, #tpu.memory_space<semaphore_mem>>) src(%dma_wait3A_757 : memref<8x128xf32, #tpu.memory_space<vmem>>) dst(%dma_wait3A_754 : memref<8x128xf32, #tpu.memory_space<hbm>>)
      %dma_wait3A_758 = arith.constant 47 : i32
      %dma_wait3A_759 = arith.constant 3 : i32
      %dma_wait3A_760 = arith.constant 88 : i32
      %dma_wait3A_761 = arith.constant 0 : i32
      %dma_wait3A_762 = tpu.memref_slice %arg11[%dma_wait3A_760, %dma_wait3A_761] : memref<160x128xf32, #tpu.memory_space<vmem>> -> memref<8x128xf32, #tpu.memory_space<vmem>>
      %dma_wait3A_763 = arith.constant 0 : i32
      %dma_wait3A_764 = arith.constant 0 : i32
      %dma_wait3A_765 = tpu.memref_slice %arg4[%dma_wait3A_758, %dma_wait3A_759, %add3A_12, %dma_wait3A_763, %dma_wait3A_764] : memref<50x4x128x8x128xf32, #tpu.memory_space<hbm>> -> memref<1x1x1x8x128xf32, #tpu.memory_space<hbm>>
      %dma_wait3A_766 = tpu.memref_squeeze %dma_wait3A_765 : memref<1x1x1x8x128xf32, #tpu.memory_space<hbm>> -> memref<8x128xf32, #tpu.memory_space<hbm>>
      %dma_wait3A_767 = arith.constant 0 : i32
      %dma_wait3A_768 = arith.constant 0 : i32
      %dma_wait3A_769 = tpu.memref_slice %arg4[%dma_wait3A_758, %dma_wait3A_759, %add3A_12, %dma_wait3A_767, %dma_wait3A_768] : memref<50x4x128x8x128xf32, #tpu.memory_space<hbm>> -> memref<1x1x1x8x128xf32, #tpu.memory_space<hbm>>
      %dma_wait3A_770 = tpu.memref_squeeze %dma_wait3A_769 : memref<1x1x1x8x128xf32, #tpu.memory_space<hbm>> -> memref<8x128xf32, #tpu.memory_space<hbm>>
      %dma_wait3A_771 = arith.constant 88 : i32
      %dma_wait3A_772 = arith.constant 0 : i32
      %dma_wait3A_773 = tpu.memref_slice %arg11[%dma_wait3A_771, %dma_wait3A_772] : memref<160x128xf32, #tpu.memory_space<vmem>> -> memref<8x128xf32, #tpu.memory_space<vmem>>
      tpu.wait_dma2 semaphore(%arg15 : memref<!tpu.dma_semaphore, #tpu.memory_space<semaphore_mem>>) src(%dma_wait3A_773 : memref<8x128xf32, #tpu.memory_space<vmem>>) dst(%dma_wait3A_770 : memref<8x128xf32, #tpu.memory_space<hbm>>)
      %dma_wait3A_774 = arith.constant 48 : i32
      %dma_wait3A_775 = arith.constant 0 : i32
      %dma_wait3A_776 = arith.constant 96 : i32
      %dma_wait3A_777 = arith.constant 0 : i32
      %dma_wait3A_778 = tpu.memref_slice %arg11[%dma_wait3A_776, %dma_wait3A_777] : memref<160x128xf32, #tpu.memory_space<vmem>> -> memref<8x128xf32, #tpu.memory_space<vmem>>
      %dma_wait3A_779 = arith.constant 0 : i32
      %dma_wait3A_780 = arith.constant 0 : i32
      %dma_wait3A_781 = tpu.memref_slice %arg4[%dma_wait3A_774, %dma_wait3A_775, %add3A_12, %dma_wait3A_779, %dma_wait3A_780] : memref<50x4x128x8x128xf32, #tpu.memory_space<hbm>> -> memref<1x1x1x8x128xf32, #tpu.memory_space<hbm>>
      %dma_wait3A_782 = tpu.memref_squeeze %dma_wait3A_781 : memref<1x1x1x8x128xf32, #tpu.memory_space<hbm>> -> memref<8x128xf32, #tpu.memory_space<hbm>>
      %dma_wait3A_783 = arith.constant 0 : i32
      %dma_wait3A_784 = arith.constant 0 : i32
      %dma_wait3A_785 = tpu.memref_slice %arg4[%dma_wait3A_774, %dma_wait3A_775, %add3A_12, %dma_wait3A_783, %dma_wait3A_784] : memref<50x4x128x8x128xf32, #tpu.memory_space<hbm>> -> memref<1x1x1x8x128xf32, #tpu.memory_space<hbm>>
      %dma_wait3A_786 = tpu.memref_squeeze %dma_wait3A_785 : memref<1x1x1x8x128xf32, #tpu.memory_space<hbm>> -> memref<8x128xf32, #tpu.memory_space<hbm>>
      %dma_wait3A_787 = arith.constant 96 : i32
      %dma_wait3A_788 = arith.constant 0 : i32
      %dma_wait3A_789 = tpu.memref_slice %arg11[%dma_wait3A_787, %dma_wait3A_788] : memref<160x128xf32, #tpu.memory_space<vmem>> -> memref<8x128xf32, #tpu.memory_space<vmem>>
      tpu.wait_dma2 semaphore(%arg15 : memref<!tpu.dma_semaphore, #tpu.memory_space<semaphore_mem>>) src(%dma_wait3A_789 : memref<8x128xf32, #tpu.memory_space<vmem>>) dst(%dma_wait3A_786 : memref<8x128xf32, #tpu.memory_space<hbm>>)
      %dma_wait3A_790 = arith.constant 48 : i32
      %dma_wait3A_791 = arith.constant 1 : i32
      %dma_wait3A_792 = arith.constant 104 : i32
      %dma_wait3A_793 = arith.constant 0 : i32
      %dma_wait3A_794 = tpu.memref_slice %arg11[%dma_wait3A_792, %dma_wait3A_793] : memref<160x128xf32, #tpu.memory_space<vmem>> -> memref<8x128xf32, #tpu.memory_space<vmem>>
      %dma_wait3A_795 = arith.constant 0 : i32
      %dma_wait3A_796 = arith.constant 0 : i32
      %dma_wait3A_797 = tpu.memref_slice %arg4[%dma_wait3A_790, %dma_wait3A_791, %add3A_12, %dma_wait3A_795, %dma_wait3A_796] : memref<50x4x128x8x128xf32, #tpu.memory_space<hbm>> -> memref<1x1x1x8x128xf32, #tpu.memory_space<hbm>>
      %dma_wait3A_798 = tpu.memref_squeeze %dma_wait3A_797 : memref<1x1x1x8x128xf32, #tpu.memory_space<hbm>> -> memref<8x128xf32, #tpu.memory_space<hbm>>
      %dma_wait3A_799 = arith.constant 0 : i32
      %dma_wait3A_800 = arith.constant 0 : i32
      %dma_wait3A_801 = tpu.memref_slice %arg4[%dma_wait3A_790, %dma_wait3A_791, %add3A_12, %dma_wait3A_799, %dma_wait3A_800] : memref<50x4x128x8x128xf32, #tpu.memory_space<hbm>> -> memref<1x1x1x8x128xf32, #tpu.memory_space<hbm>>
      %dma_wait3A_802 = tpu.memref_squeeze %dma_wait3A_801 : memref<1x1x1x8x128xf32, #tpu.memory_space<hbm>> -> memref<8x128xf32, #tpu.memory_space<hbm>>
      %dma_wait3A_803 = arith.constant 104 : i32
      %dma_wait3A_804 = arith.constant 0 : i32
      %dma_wait3A_805 = tpu.memref_slice %arg11[%dma_wait3A_803, %dma_wait3A_804] : memref<160x128xf32, #tpu.memory_space<vmem>> -> memref<8x128xf32, #tpu.memory_space<vmem>>
      tpu.wait_dma2 semaphore(%arg15 : memref<!tpu.dma_semaphore, #tpu.memory_space<semaphore_mem>>) src(%dma_wait3A_805 : memref<8x128xf32, #tpu.memory_space<vmem>>) dst(%dma_wait3A_802 : memref<8x128xf32, #tpu.memory_space<hbm>>)
      %dma_wait3A_806 = arith.constant 48 : i32
      %dma_wait3A_807 = arith.constant 2 : i32
      %dma_wait3A_808 = arith.constant 112 : i32
      %dma_wait3A_809 = arith.constant 0 : i32
      %dma_wait3A_810 = tpu.memref_slice %arg11[%dma_wait3A_808, %dma_wait3A_809] : memref<160x128xf32, #tpu.memory_space<vmem>> -> memref<8x128xf32, #tpu.memory_space<vmem>>
      %dma_wait3A_811 = arith.constant 0 : i32
      %dma_wait3A_812 = arith.constant 0 : i32
      %dma_wait3A_813 = tpu.memref_slice %arg4[%dma_wait3A_806, %dma_wait3A_807, %add3A_12, %dma_wait3A_811, %dma_wait3A_812] : memref<50x4x128x8x128xf32, #tpu.memory_space<hbm>> -> memref<1x1x1x8x128xf32, #tpu.memory_space<hbm>>
      %dma_wait3A_814 = tpu.memref_squeeze %dma_wait3A_813 : memref<1x1x1x8x128xf32, #tpu.memory_space<hbm>> -> memref<8x128xf32, #tpu.memory_space<hbm>>
      %dma_wait3A_815 = arith.constant 0 : i32
      %dma_wait3A_816 = arith.constant 0 : i32
      %dma_wait3A_817 = tpu.memref_slice %arg4[%dma_wait3A_806, %dma_wait3A_807, %add3A_12, %dma_wait3A_815, %dma_wait3A_816] : memref<50x4x128x8x128xf32, #tpu.memory_space<hbm>> -> memref<1x1x1x8x128xf32, #tpu.memory_space<hbm>>
      %dma_wait3A_818 = tpu.memref_squeeze %dma_wait3A_817 : memref<1x1x1x8x128xf32, #tpu.memory_space<hbm>> -> memref<8x128xf32, #tpu.memory_space<hbm>>
      %dma_wait3A_819 = arith.constant 112 : i32
      %dma_wait3A_820 = arith.constant 0 : i32
      %dma_wait3A_821 = tpu.memref_slice %arg11[%dma_wait3A_819, %dma_wait3A_820] : memref<160x128xf32, #tpu.memory_space<vmem>> -> memref<8x128xf32, #tpu.memory_space<vmem>>
      tpu.wait_dma2 semaphore(%arg15 : memref<!tpu.dma_semaphore, #tpu.memory_space<semaphore_mem>>) src(%dma_wait3A_821 : memref<8x128xf32, #tpu.memory_space<vmem>>) dst(%dma_wait3A_818 : memref<8x128xf32, #tpu.memory_space<hbm>>)
      %dma_wait3A_822 = arith.constant 48 : i32
      %dma_wait3A_823 = arith.constant 3 : i32
      %dma_wait3A_824 = arith.constant 120 : i32
      %dma_wait3A_825 = arith.constant 0 : i32
      %dma_wait3A_826 = tpu.memref_slice %arg11[%dma_wait3A_824, %dma_wait3A_825] : memref<160x128xf32, #tpu.memory_space<vmem>> -> memref<8x128xf32, #tpu.memory_space<vmem>>
      %dma_wait3A_827 = arith.constant 0 : i32
      %dma_wait3A_828 = arith.constant 0 : i32
      %dma_wait3A_829 = tpu.memref_slice %arg4[%dma_wait3A_822, %dma_wait3A_823, %add3A_12, %dma_wait3A_827, %dma_wait3A_828] : memref<50x4x128x8x128xf32, #tpu.memory_space<hbm>> -> memref<1x1x1x8x128xf32, #tpu.memory_space<hbm>>
      %dma_wait3A_830 = tpu.memref_squeeze %dma_wait3A_829 : memref<1x1x1x8x128xf32, #tpu.memory_space<hbm>> -> memref<8x128xf32, #tpu.memory_space<hbm>>
      %dma_wait3A_831 = arith.constant 0 : i32
      %dma_wait3A_832 = arith.constant 0 : i32
      %dma_wait3A_833 = tpu.memref_slice %arg4[%dma_wait3A_822, %dma_wait3A_823, %add3A_12, %dma_wait3A_831, %dma_wait3A_832] : memref<50x4x128x8x128xf32, #tpu.memory_space<hbm>> -> memref<1x1x1x8x128xf32, #tpu.memory_space<hbm>>
      %dma_wait3A_834 = tpu.memref_squeeze %dma_wait3A_833 : memref<1x1x1x8x128xf32, #tpu.memory_space<hbm>> -> memref<8x128xf32, #tpu.memory_space<hbm>>
      %dma_wait3A_835 = arith.constant 120 : i32
      %dma_wait3A_836 = arith.constant 0 : i32
      %dma_wait3A_837 = tpu.memref_slice %arg11[%dma_wait3A_835, %dma_wait3A_836] : memref<160x128xf32, #tpu.memory_space<vmem>> -> memref<8x128xf32, #tpu.memory_space<vmem>>
      tpu.wait_dma2 semaphore(%arg15 : memref<!tpu.dma_semaphore, #tpu.memory_space<semaphore_mem>>) src(%dma_wait3A_837 : memref<8x128xf32, #tpu.memory_space<vmem>>) dst(%dma_wait3A_834 : memref<8x128xf32, #tpu.memory_space<hbm>>)
      %dma_wait3A_838 = arith.constant 49 : i32
      %dma_wait3A_839 = arith.constant 0 : i32
      %dma_wait3A_840 = arith.constant 128 : i32
      %dma_wait3A_841 = arith.constant 0 : i32
      %dma_wait3A_842 = tpu.memref_slice %arg11[%dma_wait3A_840, %dma_wait3A_841] : memref<160x128xf32, #tpu.memory_space<vmem>> -> memref<8x128xf32, #tpu.memory_space<vmem>>
      %dma_wait3A_843 = arith.constant 0 : i32
      %dma_wait3A_844 = arith.constant 0 : i32
      %dma_wait3A_845 = tpu.memref_slice %arg4[%dma_wait3A_838, %dma_wait3A_839, %add3A_12, %dma_wait3A_843, %dma_wait3A_844] : memref<50x4x128x8x128xf32, #tpu.memory_space<hbm>> -> memref<1x1x1x8x128xf32, #tpu.memory_space<hbm>>
      %dma_wait3A_846 = tpu.memref_squeeze %dma_wait3A_845 : memref<1x1x1x8x128xf32, #tpu.memory_space<hbm>> -> memref<8x128xf32, #tpu.memory_space<hbm>>
      %dma_wait3A_847 = arith.constant 0 : i32
      %dma_wait3A_848 = arith.constant 0 : i32
      %dma_wait3A_849 = tpu.memref_slice %arg4[%dma_wait3A_838, %dma_wait3A_839, %add3A_12, %dma_wait3A_847, %dma_wait3A_848] : memref<50x4x128x8x128xf32, #tpu.memory_space<hbm>> -> memref<1x1x1x8x128xf32, #tpu.memory_space<hbm>>
      %dma_wait3A_850 = tpu.memref_squeeze %dma_wait3A_849 : memref<1x1x1x8x128xf32, #tpu.memory_space<hbm>> -> memref<8x128xf32, #tpu.memory_space<hbm>>
      %dma_wait3A_851 = arith.constant 128 : i32
      %dma_wait3A_852 = arith.constant 0 : i32
      %dma_wait3A_853 = tpu.memref_slice %arg11[%dma_wait3A_851, %dma_wait3A_852] : memref<160x128xf32, #tpu.memory_space<vmem>> -> memref<8x128xf32, #tpu.memory_space<vmem>>
      tpu.wait_dma2 semaphore(%arg15 : memref<!tpu.dma_semaphore, #tpu.memory_space<semaphore_mem>>) src(%dma_wait3A_853 : memref<8x128xf32, #tpu.memory_space<vmem>>) dst(%dma_wait3A_850 : memref<8x128xf32, #tpu.memory_space<hbm>>)
      %dma_wait3A_854 = arith.constant 49 : i32
      %dma_wait3A_855 = arith.constant 1 : i32
      %dma_wait3A_856 = arith.constant 136 : i32
      %dma_wait3A_857 = arith.constant 0 : i32
      %dma_wait3A_858 = tpu.memref_slice %arg11[%dma_wait3A_856, %dma_wait3A_857] : memref<160x128xf32, #tpu.memory_space<vmem>> -> memref<8x128xf32, #tpu.memory_space<vmem>>
      %dma_wait3A_859 = arith.constant 0 : i32
      %dma_wait3A_860 = arith.constant 0 : i32
      %dma_wait3A_861 = tpu.memref_slice %arg4[%dma_wait3A_854, %dma_wait3A_855, %add3A_12, %dma_wait3A_859, %dma_wait3A_860] : memref<50x4x128x8x128xf32, #tpu.memory_space<hbm>> -> memref<1x1x1x8x128xf32, #tpu.memory_space<hbm>>
      %dma_wait3A_862 = tpu.memref_squeeze %dma_wait3A_861 : memref<1x1x1x8x128xf32, #tpu.memory_space<hbm>> -> memref<8x128xf32, #tpu.memory_space<hbm>>
      %dma_wait3A_863 = arith.constant 0 : i32
      %dma_wait3A_864 = arith.constant 0 : i32
      %dma_wait3A_865 = tpu.memref_slice %arg4[%dma_wait3A_854, %dma_wait3A_855, %add3A_12, %dma_wait3A_863, %dma_wait3A_864] : memref<50x4x128x8x128xf32, #tpu.memory_space<hbm>> -> memref<1x1x1x8x128xf32, #tpu.memory_space<hbm>>
      %dma_wait3A_866 = tpu.memref_squeeze %dma_wait3A_865 : memref<1x1x1x8x128xf32, #tpu.memory_space<hbm>> -> memref<8x128xf32, #tpu.memory_space<hbm>>
      %dma_wait3A_867 = arith.constant 136 : i32
      %dma_wait3A_868 = arith.constant 0 : i32
      %dma_wait3A_869 = tpu.memref_slice %arg11[%dma_wait3A_867, %dma_wait3A_868] : memref<160x128xf32, #tpu.memory_space<vmem>> -> memref<8x128xf32, #tpu.memory_space<vmem>>
      tpu.wait_dma2 semaphore(%arg15 : memref<!tpu.dma_semaphore, #tpu.memory_space<semaphore_mem>>) src(%dma_wait3A_869 : memref<8x128xf32, #tpu.memory_space<vmem>>) dst(%dma_wait3A_866 : memref<8x128xf32, #tpu.memory_space<hbm>>)
      %dma_wait3A_870 = arith.constant 49 : i32
      %dma_wait3A_871 = arith.constant 2 : i32
      %dma_wait3A_872 = arith.constant 144 : i32
      %dma_wait3A_873 = arith.constant 0 : i32
      %dma_wait3A_874 = tpu.memref_slice %arg11[%dma_wait3A_872, %dma_wait3A_873] : memref<160x128xf32, #tpu.memory_space<vmem>> -> memref<8x128xf32, #tpu.memory_space<vmem>>
      %dma_wait3A_875 = arith.constant 0 : i32
      %dma_wait3A_876 = arith.constant 0 : i32
      %dma_wait3A_877 = tpu.memref_slice %arg4[%dma_wait3A_870, %dma_wait3A_871, %add3A_12, %dma_wait3A_875, %dma_wait3A_876] : memref<50x4x128x8x128xf32, #tpu.memory_space<hbm>> -> memref<1x1x1x8x128xf32, #tpu.memory_space<hbm>>
      %dma_wait3A_878 = tpu.memref_squeeze %dma_wait3A_877 : memref<1x1x1x8x128xf32, #tpu.memory_space<hbm>> -> memref<8x128xf32, #tpu.memory_space<hbm>>
      %dma_wait3A_879 = arith.constant 0 : i32
      %dma_wait3A_880 = arith.constant 0 : i32
      %dma_wait3A_881 = tpu.memref_slice %arg4[%dma_wait3A_870, %dma_wait3A_871, %add3A_12, %dma_wait3A_879, %dma_wait3A_880] : memref<50x4x128x8x128xf32, #tpu.memory_space<hbm>> -> memref<1x1x1x8x128xf32, #tpu.memory_space<hbm>>
      %dma_wait3A_882 = tpu.memref_squeeze %dma_wait3A_881 : memref<1x1x1x8x128xf32, #tpu.memory_space<hbm>> -> memref<8x128xf32, #tpu.memory_space<hbm>>
      %dma_wait3A_883 = arith.constant 144 : i32
      %dma_wait3A_884 = arith.constant 0 : i32
      %dma_wait3A_885 = tpu.memref_slice %arg11[%dma_wait3A_883, %dma_wait3A_884] : memref<160x128xf32, #tpu.memory_space<vmem>> -> memref<8x128xf32, #tpu.memory_space<vmem>>
      tpu.wait_dma2 semaphore(%arg15 : memref<!tpu.dma_semaphore, #tpu.memory_space<semaphore_mem>>) src(%dma_wait3A_885 : memref<8x128xf32, #tpu.memory_space<vmem>>) dst(%dma_wait3A_882 : memref<8x128xf32, #tpu.memory_space<hbm>>)
      %dma_wait3A_886 = arith.constant 49 : i32
      %dma_wait3A_887 = arith.constant 3 : i32
      %dma_wait3A_888 = arith.constant 152 : i32
      %dma_wait3A_889 = arith.constant 0 : i32
      %dma_wait3A_890 = tpu.memref_slice %arg11[%dma_wait3A_888, %dma_wait3A_889] : memref<160x128xf32, #tpu.memory_space<vmem>> -> memref<8x128xf32, #tpu.memory_space<vmem>>
      %dma_wait3A_891 = arith.constant 0 : i32
      %dma_wait3A_892 = arith.constant 0 : i32
      %dma_wait3A_893 = tpu.memref_slice %arg4[%dma_wait3A_886, %dma_wait3A_887, %add3A_12, %dma_wait3A_891, %dma_wait3A_892] : memref<50x4x128x8x128xf32, #tpu.memory_space<hbm>> -> memref<1x1x1x8x128xf32, #tpu.memory_space<hbm>>
      %dma_wait3A_894 = tpu.memref_squeeze %dma_wait3A_893 : memref<1x1x1x8x128xf32, #tpu.memory_space<hbm>> -> memref<8x128xf32, #tpu.memory_space<hbm>>
      %dma_wait3A_895 = arith.constant 0 : i32
      %dma_wait3A_896 = arith.constant 0 : i32
      %dma_wait3A_897 = tpu.memref_slice %arg4[%dma_wait3A_886, %dma_wait3A_887, %add3A_12, %dma_wait3A_895, %dma_wait3A_896] : memref<50x4x128x8x128xf32, #tpu.memory_space<hbm>> -> memref<1x1x1x8x128xf32, #tpu.memory_space<hbm>>
      %dma_wait3A_898 = tpu.memref_squeeze %dma_wait3A_897 : memref<1x1x1x8x128xf32, #tpu.memory_space<hbm>> -> memref<8x128xf32, #tpu.memory_space<hbm>>
      %dma_wait3A_899 = arith.constant 152 : i32
      %dma_wait3A_900 = arith.constant 0 : i32
      %dma_wait3A_901 = tpu.memref_slice %arg11[%dma_wait3A_899, %dma_wait3A_900] : memref<160x128xf32, #tpu.memory_space<vmem>> -> memref<8x128xf32, #tpu.memory_space<vmem>>
      tpu.wait_dma2 semaphore(%arg15 : memref<!tpu.dma_semaphore, #tpu.memory_space<semaphore_mem>>) src(%dma_wait3A_901 : memref<8x128xf32, #tpu.memory_space<vmem>>) dst(%dma_wait3A_898 : memref<8x128xf32, #tpu.memory_space<hbm>>)
    }
    %scan3A_8 = arith.constant 4 : i32
    return
  }
}

</mosaic_0001>

<sc_bundles>
// kernel: kernel.3.cloned.1.call-start
scs
__scs_entry_jumppad:
0x0: {  	(pc) =	sbr.rel $0x88, $3  }
0x1: {  	(tag) =	ssettag $0x0;
	lr =	simm.s32 $0x1  }
0x2: {  	[smem:$0x3F9F] =	sst lr;
	_ =	strace $0xD0000000  }
0x3: {  	_ = 	snop  }
0x4: {  	_ = 	snop  }
0x5: {  	_ = 	snop  }
0x6: {  	_ = 	snop  }
0x7: {  	_ = 	snop  }
__scs_overlays_trampoline_lowered:
0x8: {  	[smem:$0x3FAE] =	sst s0  }
0x9: {  	[smem:$0x3FAF] =	sst s1  }
0xa: {  	[smem:$0x3FB0] =	sst s2  }
0xb: {  	[smem:$0x3FB1] =	sst s3  }
0xc: {  	[smem:$0x3FB2] =	sst s4  }
0xd: {  	[smem:$0x3FB3] =	sst s5  }
0xe: {  	[smem:$0x3FB4] =	sst s6  }
0xf: {  	[smem:$0x3FB5] =	sst s7  }
0x10: {  	[smem:$0x3FB6] =	sst s8  }
0x11: {  	[smem:$0x3FB7] =	sst s9;
	s0 =	simm.s32 @!p0 $0x0  }
0x12: {  	s1 =	sld [smem:$0x3F9D];
	s0 =	simm.s32 @p0 $0x1  }
0x13: {  	[smem:$0x3FB8] =	sst s0;
	s0 =	simm.s32 @!p1 $0x0  }
0x14: {  	s2 =	sld [smem:$0x3F9C];
	s0 =	simm.s32 @p1 $0x1  }
0x15: {  	[smem:$0x3FB9] =	sst s0;
	s0 =	simm.s32 @!p2 $0x0  }
0x16: {  	s3 =	sld [smem:$0x3FDB];
	s0 =	simm.s32 @p2 $0x1  }
0x17: {  	s4 =	simm.s32 $0x1BF5;
	[smem:$0x3FBB] =	sst s0  }
0x18: {  	s0 =	sld [smem:$0x3F9E];
	_ =	swait.ge [sflag:s4], $0x0  }
0x19: {  	s7 =	sld [smem:$0x3F9F]  }
0x1a: {  	s8 =	sadd.s32 $0xFFFFE003, lr  }
0x1b: {  	s9 =	sadd.s32 $0xFFFFFEF7, lr;
	s5 =	simm.s32 $0xFFFFFFFF;
	p2 =	slt.u32 s8, $0xFFFFF086  }
0x1c: {  	p1 =	slt.u32 s9, $0xF7A;
	s5 =	simm.s32 @!p2 $0x0  }
0x1d: {  	s5 =	simm.s32 @p1 $0x1;
	p0 =	seq.s32 s7, s2  }
0x1e: {  	s7 =	smul.u32 @!p0 $0xF7A, s2;
	p2 =	seq.s32 @!p0 s5, $0x0  }
0x1f: {  	s9 =	smul.u32 $0xF7A, s1;
	s8 =	simm.s32 @!p0 $0x1BF5;
	p2 =	por !p2, p0  }
0x20: {  	[sflag:s8] =	ssyncset.s32 @!p0 $0xFFFFF086;
	s6 =	sadd.s32 @!p0 s3, s7;
	s7 =	simm.s32 @!p0 $0x108  }
0x21: {  	s3 =	sadd.s32 s3, s9;
	s6 =	sadd.s32 @!p0 $0x88, s6;
	s7 =	simm.s32 @p2 $0x1082  }
0x22: {  	[simem:s7], [sflag:s8] =	dma.local @!p0 [hbm:s6], $0xF7A  }
0x23: {  	s9 =	sor.u32 $0xD0000000, s2;
	s6 =	simm.s32 $0x108;
	_ =	swait.ge @!p0 [sflag:s8], $0x0  }
0x24: {  	s3 =	sadd.s32 $0x88, s3;
	s6 =	simm.s32 @!p1 $0x1082;
	[sflag:s4] =	ssyncset.s32 $0xFFFFF086  }
0x25: {  	[simem:s6], [sflag:s4] =	dma.local [hbm:s3], $0xF7A  }
0x26: {  	[smem:$0x3F9F] =	sst s1;
	(tag) =	ssettag s2;
	_ =	strace s9  }
0x27: {  	s1 =	sld [smem:$0x3FAF]  }
0x28: {  	s2 =	sld [smem:$0x3FB0]  }
0x29: {  	s4 =	sld [smem:$0x3FB2]  }
0x2a: {  	p0 =	seq.s32 s5, $0x0;
	s5 =	sld [smem:$0x3FB3]  }
0x2b: {  	s6 =	sld [smem:$0x3FB4]  }
0x2c: {  	s7 =	sld [smem:$0x3FB5]  }
0x2d: {  	s3 =	simm.s32 $0x108;
	s8 =	sld [smem:$0x3FB6]  }
0x2e: {  	s3 =	simm.s32 @!p0 $0x1082;
	s9 =	sld [smem:$0x3FB7]  }
0x2f: {  	lr =	sadd.s32 s0, s3;
	s0 =	sld [smem:$0x3FAE]  }
0x30: {  	s3 =	sld [smem:$0x3FB1]  }
0x31: {  	[smem:$0x3FBA] =	sst s10  }
0x32: {  	s10 =	sld [smem:$0x3FB8];
	_ =	sdelay $0x3  }
0x33: {  	p0 =	seq.s32 s10, $0x1;
	s10 =	sld [smem:$0x3FBA];
	_ =	sdelay $0x3  }
0x34: {  	[smem:$0x3FBA] =	sst s10  }
0x35: {  	s10 =	sld [smem:$0x3FB9];
	_ =	sdelay $0x3  }
0x36: {  	p1 =	seq.s32 s10, $0x1;
	s10 =	sld [smem:$0x3FBA];
	_ =	sdelay $0x3  }
0x37: {  	[smem:$0x3FBA] =	sst s10  }
0x38: {  	s10 =	sld [smem:$0x3FBB]  }
0x39: {  	_ = 	snop;
	(pc) =	sbr.ind lr, $3  }
0x3a: {  	_ = 	snop  }
0x3b: {  	_ = 	snop  }
0x3c: {  	p2 =	seq.s32 s10, $0x1;
	s10 =	sld [smem:$0x3FBA]  }
0x3d: {  	_ =	shalt  }
0x3e: {  	_ =	shalt  }
0x3f: {  	_ =	shalt  }
0x40: {  	_ =	shalt  }
0x41: {  	_ =	shalt  }
0x42: {  	_ =	shalt  }
0x43: {  	_ =	shalt  }
0x44: {  	_ =	shalt  }
0x45: {  	_ =	shalt  }
0x46: {  	_ =	shalt  }
0x47: {  	_ =	shalt  }
0x48: {  	_ =	shalt  }
0x49: {  	_ =	shalt  }
0x4a: {  	_ =	shalt  }
0x4b: {  	_ =	shalt  }
0x4c: {  	_ =	shalt  }
0x4d: {  	_ =	shalt  }
0x4e: {  	_ =	shalt  }
0x4f: {  	_ =	shalt  }
0x50: {  	_ =	shalt  }
0x51: {  	_ =	shalt  }
0x52: {  	_ =	shalt  }
0x53: {  	_ =	shalt  }
0x54: {  	_ =	shalt  }
0x55: {  	_ =	shalt  }
0x56: {  	_ =	shalt  }
0x57: {  	_ =	shalt  }
0x58: {  	_ =	shalt  }
0x59: {  	_ =	shalt  }
0x5a: {  	_ =	shalt  }
0x5b: {  	_ =	shalt  }
0x5c: {  	_ =	shalt  }
0x5d: {  	_ =	shalt  }
0x5e: {  	_ =	shalt  }
0x5f: {  	_ =	shalt  }
0x60: {  	_ =	shalt  }
0x61: {  	_ =	shalt  }
0x62: {  	_ =	shalt  }
0x63: {  	_ =	shalt  }
0x64: {  	_ =	shalt  }
0x65: {  	_ =	shalt  }
0x66: {  	_ =	shalt  }
0x67: {  	_ =	shalt  }
0x68: {  	_ =	shalt  }
0x69: {  	_ =	shalt  }
0x6a: {  	_ =	shalt  }
0x6b: {  	_ =	shalt  }
0x6c: {  	_ =	shalt  }
0x6d: {  	_ =	shalt  }
0x6e: {  	_ =	shalt  }
0x6f: {  	_ =	shalt  }
0x70: {  	_ =	shalt  }
0x71: {  	_ =	shalt  }
0x72: {  	_ =	shalt  }
0x73: {  	_ =	shalt  }
0x74: {  	_ =	shalt  }
0x75: {  	_ =	shalt  }
0x76: {  	_ =	shalt  }
0x77: {  	_ =	shalt  }
0x78: {  	_ =	shalt  }
0x79: {  	_ =	shalt  }
0x7a: {  	_ =	shalt  }
0x7b: {  	_ =	shalt  }
0x7c: {  	_ =	shalt  }
0x7d: {  	_ =	shalt  }
0x7e: {  	_ =	shalt  }
0x7f: {  	_ =	shalt  }
0x80: {  	_ =	shalt  }
0x81: {  	_ =	shalt  }
0x82: {  	_ =	shalt  }
0x83: {  	_ =	shalt  }
0x84: {  	_ =	shalt  }
0x85: {  	_ =	shalt  }
0x86: {  	_ =	shalt  }
0x87: {  	_ =	shalt  }
.Lfunc_end0:
.L_simem_size_0:
called_computation_lowered:
.L_overlay_start_0:
0x88: {  	s2 =	sld [smem:$0x3FD9]  }
0x89: {  	s3 =	sld [smem:$0x3FFE];
	_ =	sdelay $0x1  }
0x8a: {  	s1 =	srdreg.scid  }
0x8b: {  	s0 =	sand.u32 $0x1, s1  }
0x8c: {  	s17 =	sshll.u32 s0, $0xA;
	s2 =	sadd.s32 s3, s2  }
0x8d: {  	s2 =	sadd.s32 s2, s17  }
0x8e: {  	[smem:$0x3FC6] =	sst s2  }
0x8f: {  	_ = 	snop  }
0x90: {  	s2 =	sld [smem:$0x3FD0];
	(tm) =	ssettm $0x1  }
0x91: {  	s18 =	sld [smem:$0x3FFB];
	_ =	sdelay $0x3  }
0x92: {  	_ =	strace s18  }
0x93: {  	s3 =	sld [smem:$0x3FFC];
	_ =	sdelay $0x3  }
0x94: {  	_ =	strace s3  }
0x95: {  	s3 =	sld [smem:$0x3FFD];
	_ =	sdelay $0x3  }
0x96: {  	_ =	strace s3  }
0x97: {  	_ =	strace $0x8FFFFFFF  }
0x98: {  	s19 =	sld [smem:$0x3FDB];
	_ =	sdelay $0x1  }
0x99: {  	s4 =	simm.s32 $_scs_section_size  }
0x9a: {  	s5 =	simm.s32 $_size__tile_overlayer_lowered;
	s6 =	simm.s32 $_tile_overlayer_lowered  }
0x9b: {  	s22 =	simm.s32 $0x1BFF;
	s21 =	sshll.u32 s6, $0x1;
	s3 =	sadd.s32 s4, s19  }
0x9c: {  	s7 =	simm.s32 $0x0;
	s20 =	sshll.u32 s5, $0x1;
	s5 =	sadd.s32 s21, s3  }
0x9d: {  	[timem:s7], [sflag:s22] =	dma.local [hbm:s5], s20  }
0x9e: {  	_ =	swait.ge [sflag:s22], s20  }
0x9f: {  	s4 =	ssub.s32 $0x0, s20;
	[sflag:s22] =	ssyncset.done $0x0  }
0xa0: {  	[sflag:s22] =	ssyncadd.s32 s4;
	_ =	sdelay $0x1  }
0xa1: {  	s23 =	simm.s32 $0x1B8B  }
0xa2: {  	_ =	swait.ge [sflag:s23], $0x1  }
0xa3: {  	[sflag:s23] =	ssyncset.done $0x0  }
0xa4: {  	s25 =	simm.s32 $0x1B8E;
	s24 =	sld [smem:$0x3FFE];
	[sflag:s23] =	ssyncadd.s32 $0xFFFFFFFF  }
0xa5: {  	s26 =	simm.s32 $execute0_lowered;
	[smem:$0x3FD2] =	sst s25  }
0xa6: {  	s5 =	sshll.u32 s26, $0x1;
	_ =	strace $0x80000046;
	[dreg:$0x1] =	wrdreg $0xFFFFFFFF  }
0xa7: {  	s28 =	simm.s32 $_size_execute0_lowered;
	s3 =	sadd.s32 s3, s5;
	[dreg:$0x0] =	wrdreg $0x0  }
0xa8: {  	s5 =	sshll.u32 s28, $0x1;
	[dreg:$0x2] =	wrdreg s3  }
0xa9: {  	[dreg:$0x3] =	wrdreg s5  }
0xaa: {  	[dreg:$0x4] =	wrdreg $0xC0  }
0xab: {  	_ =	task [dreg:s7], $0x5FFFF  }
0xac: {  	[dreg:$0x1] =	wrdreg $0xFFFFFFFF  }
0xad: {  	[dreg:$0x0] =	wrdreg $0x60  }
0xae: {  	[dreg:$0x2] =	wrdreg s24  }
0xaf: {  	[dreg:$0x3] =	wrdreg s2  }
0xb0: {  	[dreg:$0x4] =	wrdreg $0x9  }
0xb1: {  	_ =	task.clear_ibuf [dreg:s7], $0x5FFFF;
	_ =	strace $0x90000046  }
0xb2: {  	s29 =	simm.s32 $0x9;
	_ =	strace $0x80000048  }
0xb3: {  	_ =	swait.ge [sflag:s29], $0x1  }
0xb4: {  	[sflag:s29] =	ssyncadd.s32 $0xFFFFFFFF  }
0xb5: {  	_ =	strace $0x90000048  }
0xb6: {  	_ =	sfence  }
0xb7: {  	s30 =	sld [smem:$0x0];
	_ =	sdelay $0x2  }
0xb8: {  	s31 =	sshll.u32 s1, $0xD;
	s1 =	sshrl.u32 s1, $0x2  }
0xb9: {  	s3 =	sand.u32 $0x4000, s31;
	s1 =	sadd.s32 s1, s30  }
0xba: {  	s0 =	sor.u32 s3, s0;
	s1 =	sshll.u32 s1, $0x11  }
0xbb: {  	s0 =	sor.u32 s1, s0  }
0xbc: {  	s0 =	sadd.s32 $0x8F2B, s0  }
0xbd: {  	[sflag:s0] =	ssyncadd.remote.s32 $0x1  }
0xbe: {  	_ =	sfence.sel $0xFFFF  }
0xbf: {  	[dreg:$0x0] =	wrdreg $0xFFFFFFFF;
	(pc) =	sbr.abs _section_cstart, $3  }
0xc0: {  	[dreg:$0x1] =	wrdreg $0xFFFFFFFF  }
0xc1: {  	_ =	task.clear_ibuf [dreg:s7], $0x2FFFF;
	_ =	strace $0x9FFFFFFF  }
0xc2: {  	(tm) =	ssettm $0x7FFFFFFF  }
0xc3: {  	_ =	shalt  }
tec
execute0_lowered:
.L_overlay_start_1:
0x0: {  	(tag) =	ssettag $0x1  }
0x1: {  	v0 =	vlaneseq.u32  }
0x2: {  	v1 =	vmul.u32 $0x32, v0;
	_ =	sdelay $0x1  }
0x3: {  	v2 =	vadd.s32 $0x320, v1  }
0x4: {  	v4 =	vadd.s32 $0x963, v1;
	[tilespmem:$0x1FE30] =	vst v2  }
0x5: {  	v2 =	vadd.s32 $0x640, v1;
	[tilespmem:$0x1FFD0] =	vst v4  }
0x6: {  	[tilespmem:$0x1FE40] =	vst v2;
	v2 =	vadd.s32 $0x960, v1  }
0x7: {  	[tilespmem:$0x1FE50] =	vst v2;
	v2 =	vadd.s32 $0xC80, v1  }
0x8: {  	[tilespmem:$0x1FE60] =	vst v2;
	v2 =	vadd.s32 $0xFA0, v1  }
0x9: {  	[tilespmem:$0x1FE70] =	vst v2;
	v2 =	vadd.s32 $0x12C0, v1  }
0xa: {  	[tilespmem:$0x1FE80] =	vst v2;
	v2 =	vadd.s32 $0x15E0, v1  }
0xb: {  	[tilespmem:$0x1FE90] =	vst v2;
	v2 =	vor.u32 $0x1, v1  }
0xc: {  	[tilespmem:$0x1FEA0] =	vst v2;
	v2 =	vadd.s32 $0x321, v1  }
0xd: {  	[tilespmem:$0x1FEB0] =	vst v2;
	v2 =	vadd.s32 $0x641, v1  }
0xe: {  	[tilespmem:$0x1FEC0] =	vst v2;
	v2 =	vadd.s32 $0x961, v1  }
0xf: {  	[tilespmem:$0x1FED0] =	vst v2;
	v2 =	vadd.s32 $0xC81, v1  }
0x10: {  	[tilespmem:$0x1FEE0] =	vst v2;
	v2 =	vadd.s32 $0xFA1, v1  }
0x11: {  	[tilespmem:$0x1FEF0] =	vst v2;
	v2 =	vadd.s32 $0x12C1, v1  }
0x12: {  	[tilespmem:$0x1FF00] =	vst v2;
	v2 =	vadd.s32 $0x15E1, v1  }
0x13: {  	[tilespmem:$0x1FF10] =	vst v2;
	v2 =	vadd.s32 $0x2, v1  }
0x14: {  	[tilespmem:$0x1FF20] =	vst v2;
	v2 =	vadd.s32 $0x322, v1  }
0x15: {  	[tilespmem:$0x1FF30] =	vst v2;
	v2 =	vadd.s32 $0x642, v1  }
0x16: {  	[tilespmem:$0x1FF40] =	vst v2;
	v2 =	vadd.s32 $0x962, v1  }
0x17: {  	v3 =	vimm.s32 $0x87654321;
	[tilespmem:$0x1FF50] =	vst v2;
	v2 =	vadd.s32 $0xC82, v1  }
0x18: {  	v6 =	vimm.s32 $0x10765432;
	v7 =	vimm.s32 $0x6543210F;
	[tilespmem:$0x1FF60] =	vst v2;
	v2 =	vadd.s32 $0xFA2, v1  }
0x19: {  	v8 =	vimm.s32 $0xEDCBA987;
	v3 =	vunpack.c.l.s4.s8 v3;
	[tilespmem:$0x1FF70] =	vst v2;
	v2 =	vadd.s32 $0x12C2, v1  }
0x1a: {  	v5 =	vshrl.u32 v0, $0x3;
	v6 =	vunpack.c.l.s4.s8 v6;
	[tilespmem:$0x1FF80] =	vst v2;
	v2 =	vadd.s32 $0x15E2, v1  }
0x1b: {  	v7 =	vunpack.c.l.s4.s8 v7;
	v38 =	vmul.u32 $0x8, v5;
	[tilespmem:$0x1FF90] =	vst v2;
	v2 =	vadd.s32 $0x3, v1  }
0x1c: {  	v31 =	vadd.s32 $0x12C3, v1;
	v32 =	vadd.s32 $0x15E3, v1;
	[tilespmem:$0x1FFA0] =	vst v2;
	v2 =	vadd.s32 $0x323, v1  }
0x1d: {  	v34 =	vunpack.c.0.s8.s32 v3;
	v3 =	vimm.s32 $0x10FEDCBA;
	[tilespmem:$0x1FFB0] =	vst v2;
	v2 =	vadd.s32 $0x643, v1  }
0x1e: {  	v4 =	vadd.s32 $0xC83, v1;
	v3 =	vunpack.c.l.s4.s8 v3;
	[tilespmem:$0x1FFC0] =	vst v2;
	v2 =	vimm.s32 $0xFEDCBA9  }
0x1f: {  	v35 =	vadd.s32 $0x4, v1;
	[tilespmem:$0x1FFE0] =	vst v4;
	v4 =	vadd.s32 $0xFA3, v1;
	v2 =	vunpack.c.l.s4.s8 v2  }
0x20: {  	v36 =	vadd.s32 $0x324, v1;
	[tilespmem:$0x1FFF0] =	vst v4;
	v4 =	vimm.s32 $0x98765432;
	v40 =	vunpack.c.0.s8.s32 v3  }
0x21: {  	v3 =	vimm.s32 $0x210FEDCB;
	v4 =	vunpack.c.l.s4.s8 v4;
	v33 =	vunpack.c.0.s8.s32 v2  }
0x22: {  	v37 =	vadd.s32 $0x644, v1;
	v46 =	vunpack.c.0.s8.s32 v6;
	v3 =	vunpack.c.l.s4.s8 v3  }
0x23: {  	v41 =	vunpack.c.0.s8.s32 v4;
	v4 =	vimm.s32 $0xA9876543;
	v2 =	vcombine.low v34, v33  }
0x24: {  	v42 =	vunpack.c.0.s8.s32 v3;
	v3 =	vimm.s32 $0x3210FEDC;
	v4 =	vunpack.c.l.s4.s8 v4  }
0x25: {  	v3 =	vunpack.c.l.s4.s8 v3;
	v39 =	vand.u32 $0xF, v2;
	v2 =	vimm.s32 $0x7654321  }
0x26: {  	v6 =	vimm.s32 $0x32107654;
	v5 =	vcombine.low v41, v40;
	v2 =	vunpack.c.l.s4.s8 v2  }
0x27: {  	v43 =	vunpack.c.0.s8.s32 v4;
	v4 =	vimm.s32 $0xBA987654;
	v47 =	vunpack.c.0.s8.s32 v3  }
0x28: {  	v3 =	vimm.s32 $0xCBA98765;
	v44 =	vunpack.c.0.s8.s32 v2;
	v2 =	vunpack.c.l.s4.s8 v4  }
0x29: {  	v45 =	vand.u32 $0xF, v5;
	v5 =	vimm.s32 $0x21076543;
	v4 =	vcombine.low v43, v42  }
0x2a: {  	v3 =	vunpack.c.l.s4.s8 v3;
	v48 =	vunpack.c.0.s8.s32 v2;
	v2 =	vimm.s32 $0x43210FED  }
0x2b: {  	v49 =	vand.u32 $0xF, v4;
	v4 =	vunpack.c.l.s4.s8 v5;
	v2 =	vunpack.c.l.s4.s8 v2  }
0x2c: {  	v61 =	vunpack.c.0.s8.s32 v7;
	v51 =	vunpack.c.0.s8.s32 v3;
	v5 =	vcombine.low v48, v47  }
0x2d: {  	v3 =	vimm.s32 $0x43210765;
	v52 =	vunpack.c.0.s8.s32 v4;
	v50 =	vunpack.c.0.s8.s32 v2  }
0x2e: {  	s0 =	rddreg [dreg:$0x0];
	v2 =	vunpack.c.l.s4.s8 v6;
	v6 =	vimm.s32 $0x54321076;
	v53 =	vand.u32 $0xF, v5  }
0x2f: {  	s1 =	rddreg [dreg:$0x1];
	s2 =	simm.s32 $0x0;
	s3 =	srdreg.scid;
	v5 =	vimm.s32 $0x543210FE;
	v6 =	vunpack.c.l.s4.s8 v6;
	v4 =	vcombine.low v51, v50  }
0x30: {  	s6 =	stileid.u32;
	s9 =	simm.s32 $0x280;
	s11 =	simm.s32 $0x1E00;
	v54 =	vunpack.c.0.s8.s32 v2;
	v2 =	vunpack.c.l.s4.s8 v3;
	v3 =	vimm.s32 $0xFEDCBA98  }
0x31: {  	s13 =	simm.s32 $0x6E00;
	s14 =	simm.s32 $0x1;
	s15 =	simm.s32 $0xBE00;
	v3 =	vunpack.c.l.s4.s8 v3;
	v55 =	vand.u32 $0xF, v4;
	v4 =	vimm.s32 $0x76543210  }
0x32: {  	s8 =	simm.s32 $0x10E00;
	s30 =	simm.s32 $0x14E00;
	s31 =	simm.s32 $0x15200;
	v7 =	vmul.u32 $0x20, v0;
	v5 =	vunpack.c.l.s4.s8 v5;
	v4 =	vunpack.c.l.s4.s8 v4  }
0x33: {  	s7 =	simm.s32 $0x3;
	s12 =	simm.s32 $0x0;
	s3 =	sand.u32 $0x1, s3;
	v60 =	vunpack.c.0.s8.s32 v6;
	v6 =	vadd.s32 $0x15E4, v1;
	v3 =	vunpack.c.0.s8.s32 v3  }
0x34: {  	[smem:$0x7FF] =	sst s2;
	s5 =	sadd.s32 $0x600, s0;
	s4 =	ssub.s32 $0x2, s3;
	v56 =	vunpack.c.0.s8.s32 v2;
	v2 =	vimm.s32 $0xDCBA9876;
	v4 =	vunpack.c.0.s8.s32 v4  }
0x35: {  	s6 =	sshll.u32 s6, $0x3;
	s3 =	sshll.u32 s3, $0x2;
	s26 =	sshrl.u32 s4, $0x1;
	v58 =	vunpack.c.0.s8.s32 v5;
	v2 =	vunpack.c.l.s4.s8 v2;
	v3 =	vand.u32 $0xF, v3  }
0x36: {  	s28 =	sor.u32 s3, s6;
	s6 =	simm.s32 $0x2;
	s3 =	simm.s32 $0x15A00;
	v57 =	vcombine.low v3, v4;
	v3 =	vimm.s32 $0x65432107;
	v4 =	vunpack.c.l.s4.s8 v8  }
0x37: {  	s4 =	ssub.s32 s4, s26;
	_ =	strace $0x80000047;
	[dreg:$0x3] =	wrdreg s5;
	v5 =	vadd.s32 $0x12C4, v1;
	v59 =	vunpack.c.0.s8.s32 v2;
	v3 =	vunpack.c.l.s4.s8 v3  }
0x38: {  	s29 =	smax.u32 s4, $0x1;
	s4 =	simm.s32 $0x4;
	[dreg:$0x4] =	wrdreg s28;
	v2 =	vadd.s32 $0x964, v1;
	v8 =	vand.u32 $0x7, v0;
	v62 =	vunpack.c.0.s8.s32 v4  }
0x39: {  	s5 =	sadd.s32 $0xF42A00, s0;
	[dreg:$0x5] =	wrdreg s29;
	s0 =	simm.s32 $0x15600;
	v4 =	vadd.s32 $0xFA4, v1;
	v63 =	vunpack.c.0.s8.s32 v3;
	v3 =	vadd.s32 $0xC84, v1  }
.LBB2_1:
0x3a: {  	[dreg:$0x6] =	wrdreg s12;
	s12 =	simm.s32 $0x0  }
.LBB2_2:
0x3b: {  	s10 =	rddreg [dreg:$0x4]  }
0x3c: {  	s26 =	sadd.s32 s10, s12  }
0x3d: {  	[dreg:$0x7] =	wrdreg s12;
	s10 =	smul.u32 $0x320, s26  }
0x3e: {  	s16 =	rddreg [dreg:$0x3]  }
0x3f: {  	s28 =	simm.s32 $0x5;
	s16 =	sadd.s32 s16, s10;
	s10 =	simm.s32 $0x0  }
0x40: {  	[tilespmem:s10], [sflag:$0x5] =	stream.linear.gather [hbm4b:s16+s10], $0x1900, $0x38;
	[tilespmem:$0x15E00] =	vst v63  }
0x41: {  	_ =	swait.ge [sflag:s28], $0x1900  }
0x42: {  	[sflag:s28] =	ssyncset.done $0x0  }
0x43: {  	[sflag:s28] =	ssyncadd.s32 $0xFFFFE700  }
0x44: {  	v9 =	vld.idx.msk [tilespmem:v1+s10+$0x0], $0xffff;
	_ =	sdelay $0x4  }
0x45: {  	[tilespmem:$0x1900] =	vst v9;
	v9 =	vld [tilespmem:$0x1FE30];
	_ =	sdelay $0x7  }
0x46: {  	v9 =	vld.idx.msk [tilespmem:v9+s10+$0x0], $0xffff;
	_ =	sdelay $0x4  }
0x47: {  	[tilespmem:$0x1910] =	vst v9;
	v9 =	vld [tilespmem:$0x1FE40];
	_ =	sdelay $0x7  }
0x48: {  	v9 =	vld.idx.msk [tilespmem:v9+s10+$0x0], $0xffff;
	_ =	sdelay $0x4  }
0x49: {  	[tilespmem:$0x1920] =	vst v9;
	v9 =	vld [tilespmem:$0x1FE50];
	_ =	sdelay $0x7  }
0x4a: {  	v9 =	vld.idx.msk [tilespmem:v9+s10+$0x0], $0xffff;
	_ =	sdelay $0x4  }
0x4b: {  	[tilespmem:$0x1930] =	vst v9;
	v9 =	vld [tilespmem:$0x1FE60];
	_ =	sdelay $0x7  }
0x4c: {  	v9 =	vld.idx.msk [tilespmem:v9+s10+$0x0], $0xffff;
	_ =	sdelay $0x4  }
0x4d: {  	[tilespmem:$0x1940] =	vst v9;
	v9 =	vld [tilespmem:$0x1FE70];
	_ =	sdelay $0x7  }
0x4e: {  	v9 =	vld.idx.msk [tilespmem:v9+s10+$0x0], $0xffff;
	_ =	sdelay $0x4  }
0x4f: {  	[tilespmem:$0x1950] =	vst v9;
	v9 =	vld [tilespmem:$0x1FE80];
	_ =	sdelay $0x7  }
0x50: {  	v9 =	vld.idx.msk [tilespmem:v9+s10+$0x0], $0xffff;
	_ =	sdelay $0x4  }
0x51: {  	[tilespmem:$0x1960] =	vst v9;
	v9 =	vld [tilespmem:$0x1FE90];
	_ =	sdelay $0x7  }
0x52: {  	v9 =	vld.idx.msk [tilespmem:v9+s10+$0x0], $0xffff;
	_ =	sdelay $0x4  }
0x53: {  	[tilespmem:$0x1970] =	vst v9;
	v9 =	vld [tilespmem:$0x1FEA0];
	_ =	sdelay $0x7  }
0x54: {  	v9 =	vld.idx.msk [tilespmem:v9+s10+$0x0], $0xffff;
	_ =	sdelay $0x4  }
0x55: {  	[tilespmem:$0x1980] =	vst v9;
	v9 =	vld [tilespmem:$0x1FEB0];
	_ =	sdelay $0x7  }
0x56: {  	v9 =	vld.idx.msk [tilespmem:v9+s10+$0x0], $0xffff;
	_ =	sdelay $0x4  }
0x57: {  	[tilespmem:$0x1990] =	vst v9;
	v9 =	vld [tilespmem:$0x1FEC0];
	_ =	sdelay $0x7  }
0x58: {  	v9 =	vld.idx.msk [tilespmem:v9+s10+$0x0], $0xffff;
	_ =	sdelay $0x4  }
0x59: {  	[tilespmem:$0x19A0] =	vst v9;
	v9 =	vld [tilespmem:$0x1FED0];
	_ =	sdelay $0x7  }
0x5a: {  	v9 =	vld.idx.msk [tilespmem:v9+s10+$0x0], $0xffff;
	_ =	sdelay $0x4  }
0x5b: {  	[tilespmem:$0x19B0] =	vst v9;
	v9 =	vld [tilespmem:$0x1FEE0];
	_ =	sdelay $0x7  }
0x5c: {  	v9 =	vld.idx.msk [tilespmem:v9+s10+$0x0], $0xffff;
	_ =	sdelay $0x4  }
0x5d: {  	[tilespmem:$0x19C0] =	vst v9;
	v9 =	vld [tilespmem:$0x1FEF0];
	_ =	sdelay $0x7  }
0x5e: {  	v9 =	vld.idx.msk [tilespmem:v9+s10+$0x0], $0xffff;
	_ =	sdelay $0x4  }
0x5f: {  	[tilespmem:$0x19D0] =	vst v9;
	v9 =	vld [tilespmem:$0x1FF00];
	_ =	sdelay $0x7  }
0x60: {  	v9 =	vld.idx.msk [tilespmem:v9+s10+$0x0], $0xffff;
	_ =	sdelay $0x4  }
0x61: {  	[tilespmem:$0x19E0] =	vst v9;
	v9 =	vld [tilespmem:$0x1FF10];
	_ =	sdelay $0x7  }
0x62: {  	v9 =	vld.idx.msk [tilespmem:v9+s10+$0x0], $0xffff;
	_ =	sdelay $0x4  }
0x63: {  	[tilespmem:$0x19F0] =	vst v9;
	v9 =	vld [tilespmem:$0x1FF20];
	_ =	sdelay $0x7  }
0x64: {  	v9 =	vld.idx.msk [tilespmem:v9+s10+$0x0], $0xffff;
	_ =	sdelay $0x4  }
0x65: {  	[tilespmem:$0x1A00] =	vst v9;
	v9 =	vld [tilespmem:$0x1FF30];
	_ =	sdelay $0x7  }
0x66: {  	v9 =	vld.idx.msk [tilespmem:v9+s10+$0x0], $0xffff;
	_ =	sdelay $0x4  }
0x67: {  	[tilespmem:$0x1A10] =	vst v9;
	v9 =	vld [tilespmem:$0x1FF40];
	_ =	sdelay $0x7  }
0x68: {  	v9 =	vld.idx.msk [tilespmem:v9+s10+$0x0], $0xffff;
	_ =	sdelay $0x4  }
0x69: {  	[tilespmem:$0x1A20] =	vst v9;
	v9 =	vld [tilespmem:$0x1FF50];
	_ =	sdelay $0x7  }
0x6a: {  	v9 =	vld.idx.msk [tilespmem:v9+s10+$0x0], $0xffff;
	_ =	sdelay $0x4  }
0x6b: {  	[tilespmem:$0x1A30] =	vst v9;
	v9 =	vld [tilespmem:$0x1FF60];
	_ =	sdelay $0x7  }
0x6c: {  	v9 =	vld.idx.msk [tilespmem:v9+s10+$0x0], $0xffff;
	_ =	sdelay $0x4  }
0x6d: {  	[tilespmem:$0x1A40] =	vst v9;
	v9 =	vld [tilespmem:$0x1FF70];
	_ =	sdelay $0x7  }
0x6e: {  	v9 =	vld.idx.msk [tilespmem:v9+s10+$0x0], $0xffff;
	_ =	sdelay $0x4  }
0x6f: {  	[tilespmem:$0x1A50] =	vst v9;
	v9 =	vld [tilespmem:$0x1FF80];
	_ =	sdelay $0x7  }
0x70: {  	v9 =	vld.idx.msk [tilespmem:v9+s10+$0x0], $0xffff;
	_ =	sdelay $0x4  }
0x71: {  	[tilespmem:$0x1A60] =	vst v9;
	v9 =	vld [tilespmem:$0x1FF90];
	_ =	sdelay $0x7  }
0x72: {  	v9 =	vld.idx.msk [tilespmem:v9+s10+$0x0], $0xffff;
	_ =	sdelay $0x4  }
0x73: {  	[tilespmem:$0x1A70] =	vst v9;
	v9 =	vld [tilespmem:$0x1FFA0];
	_ =	sdelay $0x7  }
0x74: {  	v9 =	vld.idx.msk [tilespmem:v9+s10+$0x0], $0xffff;
	_ =	sdelay $0x4  }
0x75: {  	[tilespmem:$0x1A80] =	vst v9;
	v9 =	vld [tilespmem:$0x1FFB0];
	_ =	sdelay $0x7  }
0x76: {  	v9 =	vld.idx.msk [tilespmem:v9+s10+$0x0], $0xffff;
	_ =	sdelay $0x4  }
0x77: {  	[tilespmem:$0x1A90] =	vst v9;
	v9 =	vld [tilespmem:$0x1FFC0];
	_ =	sdelay $0x7  }
0x78: {  	v9 =	vld.idx.msk [tilespmem:v9+s10+$0x0], $0xffff;
	_ =	sdelay $0x4  }
0x79: {  	[tilespmem:$0x1AA0] =	vst v9;
	v9 =	vld [tilespmem:$0x1FFD0];
	_ =	sdelay $0x7  }
0x7a: {  	v9 =	vld.idx.msk [tilespmem:v9+s10+$0x0], $0xffff;
	_ =	sdelay $0x4  }
0x7b: {  	[tilespmem:$0x1AB0] =	vst v9;
	v9 =	vld [tilespmem:$0x1FFE0];
	_ =	sdelay $0x7  }
0x7c: {  	v9 =	vld.idx.msk [tilespmem:v9+s10+$0x0], $0xffff;
	_ =	sdelay $0x4  }
0x7d: {  	[tilespmem:$0x1AC0] =	vst v9;
	v9 =	vld [tilespmem:$0x1FFF0];
	_ =	sdelay $0x7  }
0x7e: {  	v9 =	vld.idx.msk [tilespmem:v9+s10+$0x0], $0xffff;
	_ =	sdelay $0x4  }
0x7f: {  	[tilespmem:$0x1AD0] =	vst v9  }
0x80: {  	v9 =	vld.idx.msk [tilespmem:v31+s10+$0x0], $0xffff;
	_ =	sdelay $0x4  }
0x81: {  	[tilespmem:$0x1AE0] =	vst v9  }
0x82: {  	v9 =	vld.idx.msk [tilespmem:v32+s10+$0x0], $0xffff;
	_ =	sdelay $0x4  }
0x83: {  	[tilespmem:$0x1AF0] =	vst v9  }
0x84: {  	v9 =	vld.idx.msk [tilespmem:v35+s10+$0x0], $0xffff;
	_ =	sdelay $0x4  }
0x85: {  	[tilespmem:$0x1B00] =	vst v9  }
0x86: {  	v9 =	vld.idx.msk [tilespmem:v36+s10+$0x0], $0xffff;
	_ =	sdelay $0x4  }
0x87: {  	[tilespmem:$0x1B10] =	vst v9  }
0x88: {  	v9 =	vld.idx.msk [tilespmem:v37+s10+$0x0], $0xffff;
	_ =	sdelay $0x4  }
0x89: {  	[tilespmem:$0x1B20] =	vst v9  }
0x8a: {  	v9 =	vld.idx.msk [tilespmem:v2+s10+$0x0], $0xffff;
	_ =	sdelay $0x4  }
0x8b: {  	[tilespmem:$0x1B30] =	vst v9  }
0x8c: {  	v9 =	vld.idx.msk [tilespmem:v3+s10+$0x0], $0xffff;
	_ =	sdelay $0x4  }
0x8d: {  	[tilespmem:$0x1B40] =	vst v9  }
0x8e: {  	v9 =	vld.idx.msk [tilespmem:v4+s10+$0x0], $0xffff;
	_ =	sdelay $0x4  }
0x8f: {  	[tilespmem:$0x1B50] =	vst v9  }
0x90: {  	v9 =	vld.idx.msk [tilespmem:v5+s10+$0x0], $0xffff;
	_ =	sdelay $0x4  }
0x91: {  	[tilespmem:$0x1B60] =	vst v9  }
0x92: {  	v9 =	vld.idx.msk [tilespmem:v6+s10+$0x0], $0xffff;
	_ =	sdelay $0x2  }
0x93: {  	s12 =	sshll.u32 s26, $0xA  }
0x94: {  	s29 =	simm.s32 $0x1900;
	s20 =	simm.s32 $0x0;
	s17 =	sadd.s32 $0x180000, s12  }
0x95: {  	s18 =	sadd.s32 $0x200000, s12;
	s19 =	sadd.s32 $0x80000, s12;
	s16 =	sadd.s32 $0x100000, s12;
	[tilespmem:$0x1B70] =	vst v9  }
0x96: {  	[tilespmem:s11], [sflag:$0x1] =	stream.indirect.gather [hbm4b:s5+s9], $0x20, s29, s9, $0xb8;
	[tilespmem:$0x15E00] =	vst v63  }
.LBB2_3:
0x97: {  	p0 =	seq.s32 s20, $0x0  }
0x98: {  	s23 =	simm.s32 @!p0 $0x3  }
0x99: {  	_ =	swait.ge @!p0 [sflag:s23], $0x400  }
0x9a: {  	[sflag:s23] =	ssyncset.done @!p0 $0x0  }
0x9b: {  	[sflag:s23] =	ssyncadd.s32 @!p0 $0xFFFFFC00  }
0x9c: {  	_ =	swait.ge @!p0 [sflag:s23], $0x400  }
0x9d: {  	[sflag:s23] =	ssyncset.done @!p0 $0x0  }
0x9e: {  	[sflag:s23] =	ssyncadd.s32 @!p0 $0xFFFFFC00  }
0x9f: {  	_ =	swait.ge @!p0 [sflag:s23], $0x400  }
0xa0: {  	[sflag:s23] =	ssyncset.done @!p0 $0x0  }
0xa1: {  	[sflag:s23] =	ssyncadd.s32 @!p0 $0xFFFFFC00  }
0xa2: {  	_ =	swait.ge @!p0 [sflag:s23], $0x400  }
0xa3: {  	[sflag:s23] =	ssyncset.done @!p0 $0x0  }
0xa4: {  	[sflag:s23] =	ssyncadd.s32 @!p0 $0xFFFFFC00  }
0xa5: {  	_ =	swait.ge @!p0 [sflag:s23], $0x400  }
0xa6: {  	[sflag:s23] =	ssyncset.done @!p0 $0x0  }
0xa7: {  	[sflag:s23] =	ssyncadd.s32 @!p0 $0xFFFFFC00  }
0xa8: {  	_ =	swait.ge @!p0 [sflag:s23], $0x400  }
0xa9: {  	[sflag:s23] =	ssyncset.done @!p0 $0x0  }
0xaa: {  	[sflag:s23] =	ssyncadd.s32 @!p0 $0xFFFFFC00  }
0xab: {  	_ =	swait.ge @!p0 [sflag:s23], $0x400  }
0xac: {  	[sflag:s23] =	ssyncset.done @!p0 $0x0  }
0xad: {  	[sflag:s23] =	ssyncadd.s32 @!p0 $0xFFFFFC00  }
0xae: {  	_ =	swait.ge @!p0 [sflag:s23], $0x400  }
0xaf: {  	[sflag:s23] =	ssyncset.done @!p0 $0x0  }
0xb0: {  	[sflag:s23] =	ssyncadd.s32 @!p0 $0xFFFFFC00  }
0xb1: {  	_ =	swait.ge @!p0 [sflag:s23], $0x400  }
0xb2: {  	[sflag:s23] =	ssyncset.done @!p0 $0x0  }
0xb3: {  	[sflag:s23] =	ssyncadd.s32 @!p0 $0xFFFFFC00  }
0xb4: {  	_ =	swait.ge @!p0 [sflag:s23], $0x400  }
0xb5: {  	[sflag:s23] =	ssyncset.done @!p0 $0x0  }
0xb6: {  	[sflag:s23] =	ssyncadd.s32 @!p0 $0xFFFFFC00  }
0xb7: {  	_ =	swait.ge @!p0 [sflag:s23], $0x400  }
0xb8: {  	[sflag:s23] =	ssyncset.done @!p0 $0x0  }
0xb9: {  	[sflag:s23] =	ssyncadd.s32 @!p0 $0xFFFFFC00  }
0xba: {  	_ =	swait.ge @!p0 [sflag:s23], $0x400  }
0xbb: {  	[sflag:s23] =	ssyncset.done @!p0 $0x0  }
0xbc: {  	[sflag:s23] =	ssyncadd.s32 @!p0 $0xFFFFFC00  }
0xbd: {  	_ =	swait.ge @!p0 [sflag:s23], $0x400  }
0xbe: {  	[sflag:s23] =	ssyncset.done @!p0 $0x0  }
0xbf: {  	[sflag:s23] =	ssyncadd.s32 @!p0 $0xFFFFFC00  }
0xc0: {  	_ =	swait.ge @!p0 [sflag:s23], $0x400  }
0xc1: {  	[sflag:s23] =	ssyncset.done @!p0 $0x0  }
0xc2: {  	[sflag:s23] =	ssyncadd.s32 @!p0 $0xFFFFFC00  }
0xc3: {  	_ =	swait.ge @!p0 [sflag:s23], $0x400  }
0xc4: {  	[sflag:s23] =	ssyncset.done @!p0 $0x0  }
0xc5: {  	[sflag:s23] =	ssyncadd.s32 @!p0 $0xFFFFFC00  }
0xc6: {  	_ =	swait.ge @!p0 [sflag:s23], $0x400  }
0xc7: {  	[sflag:s23] =	ssyncset.done @!p0 $0x0  }
0xc8: {  	[sflag:s23] =	ssyncadd.s32 @!p0 $0xFFFFFC00  }
0xc9: {  	_ =	swait.ge @!p0 [sflag:s23], $0x400  }
0xca: {  	[sflag:s23] =	ssyncset.done @!p0 $0x0  }
0xcb: {  	[sflag:s23] =	ssyncadd.s32 @!p0 $0xFFFFFC00  }
0xcc: {  	s21 =	sshll.u32 s20, $0x1;
	_ =	swait.ge @!p0 [sflag:s23], $0x400  }
0xcd: {  	s21 =	sor.u32 $0x1, s21;
	[sflag:s23] =	ssyncset.done @!p0 $0x0  }
0xce: {  	s22 =	smul.u32 $0x5, s21;
	[sflag:s23] =	ssyncadd.s32 @!p0 $0xFFFFFC00  }
0xcf: {  	_ =	swait.ge @!p0 [sflag:s23], $0x400  }
0xd0: {  	v9 =	vadd.s32 s22, v1;
	[sflag:s23] =	ssyncset.done @!p0 $0x0  }
0xd1: {  	[sflag:s23] =	ssyncadd.s32 @!p0 $0xFFFFFC00  }
0xd2: {  	_ =	swait.ge @!p0 [sflag:s23], $0x400  }
0xd3: {  	[sflag:s23] =	ssyncset.done @!p0 $0x0  }
0xd4: {  	[sflag:s23] =	ssyncadd.s32 @!p0 $0xFFFFFC00  }
0xd5: {  	s29 =	sadd.s32 $0x320, s22;
	v9 =	vld.idx.msk [tilespmem:v9+s10+$0x0], $0xffff  }
0xd6: {  	v10 =	vadd.s32 s29, v1;
	_ =	sdelay $0x3  }
0xd7: {  	[tilespmem:$0x1B80] =	vst v9  }
0xd8: {  	s24 =	sadd.s32 $0x640, s22;
	v9 =	vld.idx.msk [tilespmem:v10+s10+$0x0], $0xffff  }
0xd9: {  	v10 =	vadd.s32 s24, v1;
	_ =	sdelay $0x3  }
0xda: {  	[tilespmem:$0x1B90] =	vst v9  }
0xdb: {  	s25 =	sadd.s32 $0x960, s22;
	v9 =	vld.idx.msk [tilespmem:v10+s10+$0x0], $0xffff  }
0xdc: {  	v10 =	vadd.s32 s25, v1;
	_ =	sdelay $0x3  }
0xdd: {  	[tilespmem:$0x1BA0] =	vst v9  }
0xde: {  	s26 =	sor.u32 $0xC80, s22;
	v9 =	vld.idx.msk [tilespmem:v10+s10+$0x0], $0xffff  }
0xdf: {  	v10 =	vadd.s32 s26, v1;
	_ =	sdelay $0x3  }
0xe0: {  	[tilespmem:$0x1BB0] =	vst v9  }
0xe1: {  	s29 =	sadd.s32 $0xFA0, s22;
	v9 =	vld.idx.msk [tilespmem:v10+s10+$0x0], $0xffff  }
0xe2: {  	v10 =	vadd.s32 s29, v1;
	_ =	sdelay $0x3  }
0xe3: {  	[tilespmem:$0x1BC0] =	vst v9  }
0xe4: {  	s24 =	sadd.s32 $0x12C0, s22;
	v9 =	vld.idx.msk [tilespmem:v10+s10+$0x0], $0xffff  }
0xe5: {  	v10 =	vadd.s32 s24, v1;
	_ =	sdelay $0x3  }
0xe6: {  	[tilespmem:$0x1BD0] =	vst v9  }
0xe7: {  	s25 =	sadd.s32 $0x15E0, s22;
	v9 =	vld.idx.msk [tilespmem:v10+s10+$0x0], $0xffff  }
0xe8: {  	v10 =	vadd.s32 s25, v1;
	_ =	sdelay $0x3  }
0xe9: {  	[tilespmem:$0x1BE0] =	vst v9  }
0xea: {  	s26 =	sadd.s32 $0x1, s22;
	v9 =	vld.idx.msk [tilespmem:v10+s10+$0x0], $0xffff  }
0xeb: {  	v10 =	vadd.s32 s26, v1;
	_ =	sdelay $0x3  }
0xec: {  	[tilespmem:$0x1BF0] =	vst v9  }
0xed: {  	s29 =	sadd.s32 $0x321, s22;
	v9 =	vld.idx.msk [tilespmem:v10+s10+$0x0], $0xffff  }
0xee: {  	v10 =	vadd.s32 s29, v1;
	_ =	sdelay $0x3  }
0xef: {  	[tilespmem:$0x1C00] =	vst v9  }
0xf0: {  	s24 =	sadd.s32 $0x641, s22;
	v9 =	vld.idx.msk [tilespmem:v10+s10+$0x0], $0xffff  }
0xf1: {  	v10 =	vadd.s32 s24, v1;
	_ =	sdelay $0x3  }
0xf2: {  	[tilespmem:$0x1C10] =	vst v9  }
0xf3: {  	s25 =	sadd.s32 $0x961, s22;
	v9 =	vld.idx.msk [tilespmem:v10+s10+$0x0], $0xffff  }
0xf4: {  	v10 =	vadd.s32 s25, v1;
	_ =	sdelay $0x3  }
0xf5: {  	[tilespmem:$0x1C20] =	vst v9  }
0xf6: {  	s26 =	sadd.s32 $0xC81, s22;
	v9 =	vld.idx.msk [tilespmem:v10+s10+$0x0], $0xffff  }
0xf7: {  	v10 =	vadd.s32 s26, v1;
	_ =	sdelay $0x3  }
0xf8: {  	[tilespmem:$0x1C30] =	vst v9  }
0xf9: {  	s29 =	sadd.s32 $0xFA1, s22;
	v9 =	vld.idx.msk [tilespmem:v10+s10+$0x0], $0xffff  }
0xfa: {  	v10 =	vadd.s32 s29, v1;
	_ =	sdelay $0x3  }
0xfb: {  	[tilespmem:$0x1C40] =	vst v9  }
0xfc: {  	s24 =	sadd.s32 $0x12C1, s22;
	v9 =	vld.idx.msk [tilespmem:v10+s10+$0x0], $0xffff  }
0xfd: {  	v10 =	vadd.s32 s24, v1;
	_ =	sdelay $0x3  }
0xfe: {  	[tilespmem:$0x1C50] =	vst v9  }
0xff: {  	s25 =	sadd.s32 $0x15E1, s22;
	v9 =	vld.idx.msk [tilespmem:v10+s10+$0x0], $0xffff  }
0x100: {  	v10 =	vadd.s32 s25, v1;
	_ =	sdelay $0x3  }
0x101: {  	[tilespmem:$0x1C60] =	vst v9  }
0x102: {  	s26 =	sadd.s32 $0x2, s22;
	v9 =	vld.idx.msk [tilespmem:v10+s10+$0x0], $0xffff  }
0x103: {  	v10 =	vadd.s32 s26, v1;
	_ =	sdelay $0x3  }
0x104: {  	[tilespmem:$0x1C70] =	vst v9  }
0x105: {  	s29 =	sadd.s32 $0x322, s22;
	v9 =	vld.idx.msk [tilespmem:v10+s10+$0x0], $0xffff  }
0x106: {  	v10 =	vadd.s32 s29, v1;
	_ =	sdelay $0x3  }
0x107: {  	[tilespmem:$0x1C80] =	vst v9  }
0x108: {  	s24 =	sadd.s32 $0x642, s22;
	v9 =	vld.idx.msk [tilespmem:v10+s10+$0x0], $0xffff  }
0x109: {  	v10 =	vadd.s32 s24, v1;
	_ =	sdelay $0x3  }
0x10a: {  	[tilespmem:$0x1C90] =	vst v9  }
0x10b: {  	s25 =	sadd.s32 $0x962, s22;
	v9 =	vld.idx.msk [tilespmem:v10+s10+$0x0], $0xffff  }
0x10c: {  	v10 =	vadd.s32 s25, v1;
	_ =	sdelay $0x3  }
0x10d: {  	[tilespmem:$0x1CA0] =	vst v9  }
0x10e: {  	s26 =	sadd.s32 $0xC82, s22;
	v9 =	vld.idx.msk [tilespmem:v10+s10+$0x0], $0xffff  }
0x10f: {  	v10 =	vadd.s32 s26, v1;
	_ =	sdelay $0x3  }
0x110: {  	[tilespmem:$0x1CB0] =	vst v9  }
0x111: {  	s29 =	sadd.s32 $0xFA2, s22;
	v9 =	vld.idx.msk [tilespmem:v10+s10+$0x0], $0xffff  }
0x112: {  	v10 =	vadd.s32 s29, v1;
	_ =	sdelay $0x3  }
0x113: {  	[tilespmem:$0x1CC0] =	vst v9  }
0x114: {  	s24 =	sadd.s32 $0x12C2, s22;
	v9 =	vld.idx.msk [tilespmem:v10+s10+$0x0], $0xffff  }
0x115: {  	v10 =	vadd.s32 s24, v1;
	_ =	sdelay $0x3  }
0x116: {  	[tilespmem:$0x1CD0] =	vst v9  }
0x117: {  	s25 =	sadd.s32 $0x15E2, s22;
	v9 =	vld.idx.msk [tilespmem:v10+s10+$0x0], $0xffff  }
0x118: {  	v10 =	vadd.s32 s25, v1;
	_ =	sdelay $0x3  }
0x119: {  	[tilespmem:$0x1CE0] =	vst v9  }
0x11a: {  	s26 =	sadd.s32 $0x3, s22;
	v9 =	vld.idx.msk [tilespmem:v10+s10+$0x0], $0xffff  }
0x11b: {  	v10 =	vadd.s32 s26, v1;
	_ =	sdelay $0x3  }
0x11c: {  	[tilespmem:$0x1CF0] =	vst v9  }
0x11d: {  	s29 =	sadd.s32 $0x323, s22;
	v9 =	vld.idx.msk [tilespmem:v10+s10+$0x0], $0xffff  }
0x11e: {  	v10 =	vadd.s32 s29, v1;
	_ =	sdelay $0x3  }
0x11f: {  	[tilespmem:$0x1D00] =	vst v9  }
0x120: {  	s24 =	sadd.s32 $0x643, s22;
	v9 =	vld.idx.msk [tilespmem:v10+s10+$0x0], $0xffff  }
0x121: {  	v10 =	vadd.s32 s24, v1;
	_ =	sdelay $0x3  }
0x122: {  	[tilespmem:$0x1D10] =	vst v9  }
0x123: {  	s25 =	sadd.s32 $0x963, s22;
	v9 =	vld.idx.msk [tilespmem:v10+s10+$0x0], $0xffff  }
0x124: {  	v10 =	vadd.s32 s25, v1;
	_ =	sdelay $0x3  }
0x125: {  	[tilespmem:$0x1D20] =	vst v9  }
0x126: {  	s26 =	sadd.s32 $0xC83, s22;
	v9 =	vld.idx.msk [tilespmem:v10+s10+$0x0], $0xffff  }
0x127: {  	v10 =	vadd.s32 s26, v1;
	_ =	sdelay $0x3  }
0x128: {  	[tilespmem:$0x1D30] =	vst v9  }
0x129: {  	s29 =	sadd.s32 $0xFA3, s22;
	v9 =	vld.idx.msk [tilespmem:v10+s10+$0x0], $0xffff  }
0x12a: {  	v10 =	vadd.s32 s29, v1;
	_ =	sdelay $0x3  }
0x12b: {  	[tilespmem:$0x1D40] =	vst v9  }
0x12c: {  	s24 =	sadd.s32 $0x12C3, s22;
	v9 =	vld.idx.msk [tilespmem:v10+s10+$0x0], $0xffff  }
0x12d: {  	v10 =	vadd.s32 s24, v1;
	_ =	sdelay $0x3  }
0x12e: {  	[tilespmem:$0x1D50] =	vst v9  }
0x12f: {  	s25 =	sadd.s32 $0x15E3, s22;
	v9 =	vld.idx.msk [tilespmem:v10+s10+$0x0], $0xffff  }
0x130: {  	v10 =	vadd.s32 s25, v1;
	_ =	sdelay $0x3  }
0x131: {  	[tilespmem:$0x1D60] =	vst v9  }
0x132: {  	s26 =	sadd.s32 $0x4, s22;
	v9 =	vld.idx.msk [tilespmem:v10+s10+$0x0], $0xffff  }
0x133: {  	v10 =	vadd.s32 s26, v1;
	_ =	sdelay $0x3  }
0x134: {  	[tilespmem:$0x1D70] =	vst v9  }
0x135: {  	s29 =	sadd.s32 $0x324, s22;
	v9 =	vld.idx.msk [tilespmem:v10+s10+$0x0], $0xffff  }
0x136: {  	v10 =	vadd.s32 s29, v1;
	_ =	sdelay $0x3  }
0x137: {  	[tilespmem:$0x1D80] =	vst v9  }
0x138: {  	s24 =	sadd.s32 $0x644, s22;
	v9 =	vld.idx.msk [tilespmem:v10+s10+$0x0], $0xffff  }
0x139: {  	v10 =	vadd.s32 s24, v1;
	_ =	sdelay $0x3  }
0x13a: {  	[tilespmem:$0x1D90] =	vst v9  }
0x13b: {  	s25 =	sadd.s32 $0x964, s22;
	v9 =	vld.idx.msk [tilespmem:v10+s10+$0x0], $0xffff  }
0x13c: {  	v10 =	vadd.s32 s25, v1;
	_ =	sdelay $0x3  }
0x13d: {  	[tilespmem:$0x1DA0] =	vst v9  }
0x13e: {  	s26 =	sadd.s32 $0xC84, s22;
	v9 =	vld.idx.msk [tilespmem:v10+s10+$0x0], $0xffff  }
0x13f: {  	v10 =	vadd.s32 s26, v1;
	_ =	sdelay $0x3  }
0x140: {  	[tilespmem:$0x1DB0] =	vst v9  }
0x141: {  	s29 =	sadd.s32 $0xFA4, s22;
	v9 =	vld.idx.msk [tilespmem:v10+s10+$0x0], $0xffff  }
0x142: {  	v10 =	vadd.s32 s29, v1;
	_ =	sdelay $0x3  }
0x143: {  	[tilespmem:$0x1DC0] =	vst v9  }
0x144: {  	s24 =	sadd.s32 $0x12C4, s22;
	v9 =	vld.idx.msk [tilespmem:v10+s10+$0x0], $0xffff  }
0x145: {  	v10 =	vadd.s32 s24, v1;
	_ =	sdelay $0x3  }
0x146: {  	[tilespmem:$0x1DD0] =	vst v9  }
0x147: {  	s22 =	sadd.s32 $0x15E4, s22;
	v9 =	vld.idx.msk [tilespmem:v10+s10+$0x0], $0xffff  }
0x148: {  	v10 =	vadd.s32 s22, v1;
	_ =	sdelay $0x3  }
0x149: {  	[tilespmem:$0x1DE0] =	vst v9  }
0x14a: {  	s25 =	simm.s32 $0x0;
	s24 =	sand.u32 $0x70, s10;
	v9 =	vld.idx.msk [tilespmem:v10+s10+$0x0], $0xffff  }
0x14b: {  	s22 =	sor.u32 s24, s25  }
0x14c: {  	v10 =	vmov s22  }
0x14d: {  	s26 =	sand.u32 $0x10, s10;
	v10 =	vshll.u32 v10, $0x5  }
0x14e: {  	v11 =	vor.u32 s26, v0;
	v12 =	vor.u32 v7, v10  }
0x14f: {  	v13 =	vor.u32 v8, v12;
	[tilespmem:$0x1DF0] =	vst v9;
	v9 =	vand.u32 $0x18, v11  }
0x150: {  	s29 =	simm.s32 $0x1B80;
	s22 =	simm.s32 $0x0;
	v9 =	vor.u32 v9, v13  }
0x151: {  	[tilespmem:s13], [sflag:$0x2] =	stream.indirect.gather [hbm4b:s5+s9], $0x20, s29, s9, $0xb8;
	[tilespmem:$0x15E00] =	vst v63  }
0x152: {  	v10 =	vor.u32 s22, v11;
	_ =	swait.ge [sflag:s14], $0x5000  }
0x153: {  	v18 =	vor.u32 s24, v38;
	v10 =	vshll.u32 v10, $0x7;
	[sflag:s14] =	ssyncset.done $0x0  }
0x154: {  	v10 =	vor.u32 v18, v10;
	v11 =	vor.u32 s26, v39;
	[sflag:s14] =	ssyncadd.s32 $0xFFFFB000  }
0x155: {  	v15 =	vor.u32 v44, v12;
	v10 =	vor.u32 v8, v10;
	v14 =	vand.u32 $0x18, v11;
	v9 =	vld.idx.msk [tilespmem:v9+s11+$0x0], $0xffff  }
0x156: {  	v14 =	vor.u32 v14, v15;
	_ =	sdelay $0x1  }
0x157: {  	v11 =	vor.u32 s22, v11  }
0x158: {  	v11 =	vshll.u32 v11, $0x7  }
0x159: {  	[tilespmem:v10+s15+$0x0] =	vst.idx.msk $0xffff, v9;
	v9 =	vor.u32 v18, v11;
	v10 =	vor.u32 s26, v45  }
0x15a: {  	v16 =	vor.u32 v46, v12;
	v11 =	vld.idx.msk [tilespmem:v14+s11+$0x0], $0xffff;
	v9 =	vor.u32 v8, v9;
	v14 =	vand.u32 $0x18, v10  }
0x15b: {  	v14 =	vor.u32 v14, v16;
	_ =	sdelay $0x1  }
0x15c: {  	v10 =	vor.u32 s22, v10  }
0x15d: {  	v10 =	vshll.u32 v10, $0x7  }
0x15e: {  	[tilespmem:v9+s15+$0x0] =	vst.idx.msk $0xffff, v11;
	v9 =	vor.u32 v18, v10;
	v10 =	vor.u32 s26, v49  }
0x15f: {  	v17 =	vor.u32 v52, v12;
	v11 =	vld.idx.msk [tilespmem:v14+s11+$0x0], $0xffff;
	v9 =	vor.u32 v8, v9;
	v14 =	vand.u32 $0x18, v10  }
0x160: {  	v14 =	vor.u32 v14, v17;
	_ =	sdelay $0x1  }
0x161: {  	v10 =	vor.u32 s22, v10  }
0x162: {  	v10 =	vshll.u32 v10, $0x7  }
0x163: {  	[tilespmem:v9+s15+$0x0] =	vst.idx.msk $0xffff, v11;
	v9 =	vor.u32 v18, v10;
	v10 =	vor.u32 s26, v53  }
0x164: {  	v19 =	vor.u32 v54, v12;
	v11 =	vld.idx.msk [tilespmem:v14+s11+$0x0], $0xffff;
	v9 =	vor.u32 v8, v9;
	v14 =	vand.u32 $0x18, v10  }
0x165: {  	v14 =	vor.u32 v14, v19;
	_ =	sdelay $0x1  }
0x166: {  	v10 =	vor.u32 s22, v10  }
0x167: {  	v10 =	vshll.u32 v10, $0x7  }
0x168: {  	[tilespmem:v9+s15+$0x0] =	vst.idx.msk $0xffff, v11;
	v9 =	vor.u32 v18, v10;
	v10 =	vor.u32 s26, v55  }
0x169: {  	v20 =	vor.u32 v56, v12;
	v11 =	vld.idx.msk [tilespmem:v14+s11+$0x0], $0xffff;
	v14 =	vor.u32 v8, v9;
	v9 =	vand.u32 $0x18, v10  }
0x16a: {  	v21 =	vor.u32 v9, v20  }
0x16b: {  	v9 =	vcombine.low v59, v58  }
0x16c: {  	v10 =	vor.u32 s22, v10  }
0x16d: {  	v10 =	vshll.u32 v10, $0x7;
	v9 =	vand.u32 $0xF, v9  }
0x16e: {  	v10 =	vor.u32 v18, v10;
	[tilespmem:v14+s15+$0x0] =	vst.idx.msk $0xffff, v11;
	v11 =	vor.u32 s26, v9  }
0x16f: {  	v22 =	vor.u32 v60, v12;
	v14 =	vld.idx.msk [tilespmem:v21+s11+$0x0], $0xffff;
	v21 =	vor.u32 v8, v10;
	v10 =	vand.u32 $0x18, v11  }
0x170: {  	v23 =	vor.u32 v10, v22  }
0x171: {  	v10 =	vcombine.low v62, v61  }
0x172: {  	v11 =	vor.u32 s22, v11  }
0x173: {  	v11 =	vshll.u32 v11, $0x7;
	v10 =	vand.u32 $0xF, v10  }
0x174: {  	v11 =	vor.u32 v18, v11;
	[tilespmem:v21+s15+$0x0] =	vst.idx.msk $0xffff, v14;
	v14 =	vor.u32 s26, v10  }
0x175: {  	v24 =	vor.u32 v63, v12;
	v11 =	vor.u32 v8, v11;
	v21 =	vld.idx.msk [tilespmem:v23+s11+$0x0], $0xffff;
	v23 =	vand.u32 $0x18, v14  }
0x176: {  	v12 =	vor.u32 v23, v24;
	_ =	sdelay $0x1  }
0x177: {  	v14 =	vor.u32 s22, v14  }
0x178: {  	v14 =	vshll.u32 v14, $0x7  }
0x179: {  	[tilespmem:v11+s15+$0x0] =	vst.idx.msk $0xffff, v21;
	v11 =	vor.u32 v18, v14;
	v14 =	vor.u32 s26, v57  }
0x17a: {  	v12 =	vld.idx.msk [tilespmem:v12+s11+$0x0], $0xffff;
	v21 =	vor.u32 v8, v11;
	v11 =	vand.u32 $0x18, v14  }
0x17b: {  	v13 =	vor.u32 v11, v13  }
0x17c: {  	v11 =	vcombine.low v33, v34  }
0x17d: {  	v14 =	vor.u32 s22, v14  }
0x17e: {  	v14 =	vshll.u32 v14, $0x7;
	v11 =	vand.u32 $0xF, v11  }
0x17f: {  	[tilespmem:v21+s15+$0x0] =	vst.idx.msk $0xffff, v12;
	v12 =	vor.u32 v18, v14;
	v14 =	vor.u32 s26, v11  }
0x180: {  	v13 =	vld.idx.msk [tilespmem:v13+s11+$0x0], $0xffff;
	v21 =	vor.u32 v8, v12;
	v12 =	vand.u32 $0x18, v14  }
0x181: {  	v15 =	vor.u32 v12, v15  }
0x182: {  	v12 =	vcombine.low v40, v41  }
0x183: {  	v14 =	vor.u32 s22, v14  }
0x184: {  	v14 =	vshll.u32 v14, $0x7;
	v12 =	vand.u32 $0xF, v12  }
0x185: {  	[tilespmem:v21+s15+$0x0] =	vst.idx.msk $0xffff, v13;
	v13 =	vor.u32 v18, v14;
	v14 =	vor.u32 s26, v12  }
0x186: {  	v15 =	vld.idx.msk [tilespmem:v15+s11+$0x0], $0xffff;
	v21 =	vor.u32 v8, v13;
	v13 =	vand.u32 $0x18, v14  }
0x187: {  	v16 =	vor.u32 v13, v16  }
0x188: {  	v13 =	vcombine.low v42, v43  }
0x189: {  	v14 =	vor.u32 s22, v14  }
0x18a: {  	v14 =	vshll.u32 v14, $0x7;
	v13 =	vand.u32 $0xF, v13  }
0x18b: {  	v14 =	vor.u32 v18, v14;
	[tilespmem:v21+s15+$0x0] =	vst.idx.msk $0xffff, v15;
	v15 =	vor.u32 s26, v13  }
0x18c: {  	v21 =	vor.u32 v8, v14;
	v16 =	vld.idx.msk [tilespmem:v16+s11+$0x0], $0xffff;
	v14 =	vand.u32 $0x18, v15  }
0x18d: {  	v17 =	vor.u32 v14, v17  }
0x18e: {  	v14 =	vcombine.low v47, v48  }
0x18f: {  	v15 =	vor.u32 s22, v15  }
0x190: {  	v15 =	vshll.u32 v15, $0x7;
	v14 =	vand.u32 $0xF, v14  }
0x191: {  	v15 =	vor.u32 v18, v15;
	[tilespmem:v21+s15+$0x0] =	vst.idx.msk $0xffff, v16;
	v16 =	vor.u32 s26, v14  }
0x192: {  	v21 =	vor.u32 v8, v15;
	v17 =	vld.idx.msk [tilespmem:v17+s11+$0x0], $0xffff;
	v15 =	vand.u32 $0x18, v16  }
0x193: {  	v19 =	vor.u32 v15, v19  }
0x194: {  	v15 =	vcombine.low v50, v51  }
0x195: {  	v16 =	vor.u32 s22, v16  }
0x196: {  	v16 =	vshll.u32 v16, $0x7;
	v15 =	vand.u32 $0xF, v15  }
0x197: {  	v16 =	vor.u32 v18, v16;
	[tilespmem:v21+s15+$0x0] =	vst.idx.msk $0xffff, v17;
	v17 =	vor.u32 s26, v15  }
0x198: {  	v21 =	vor.u32 v8, v16;
	v19 =	vld.idx.msk [tilespmem:v19+s11+$0x0], $0xffff;
	v16 =	vand.u32 $0x18, v17  }
0x199: {  	v20 =	vor.u32 v16, v20  }
0x19a: {  	v16 =	vcombine.low v58, v59  }
0x19b: {  	v17 =	vor.u32 s22, v17  }
0x19c: {  	v17 =	vshll.u32 v17, $0x7;
	v16 =	vand.u32 $0xF, v16  }
0x19d: {  	v17 =	vor.u32 v18, v17;
	[tilespmem:v21+s15+$0x0] =	vst.idx.msk $0xffff, v19;
	v19 =	vor.u32 s26, v16  }
0x19e: {  	v21 =	vor.u32 v8, v17;
	v20 =	vld.idx.msk [tilespmem:v20+s11+$0x0], $0xffff;
	v17 =	vand.u32 $0x18, v19  }
0x19f: {  	v23 =	vor.u32 v17, v22  }
0x1a0: {  	v17 =	vcombine.low v61, v62  }
0x1a1: {  	v19 =	vor.u32 s22, v19  }
0x1a2: {  	v19 =	vshll.u32 v19, $0x7;
	v17 =	vand.u32 $0xF, v17  }
0x1a3: {  	v22 =	vor.u32 s26, v17;
	[tilespmem:v21+s15+$0x0] =	vst.idx.msk $0xffff, v20;
	v20 =	vor.u32 v18, v19  }
0x1a4: {  	s28 =	simm.s32 $0x0;
	v25 =	vand.u32 $0x18, v22;
	v19 =	vld.idx.msk [tilespmem:v23+s11+$0x0], $0xffff;
	v21 =	vor.u32 v8, v20  }
0x1a5: {  	s23 =	simm.s32 $0x0;
	s24 =	simm.s32 $0x2;
	s25 =	simm.s32 $0x10;
	v20 =	vor.u32 v25, v24  }
.LBB2_4:
0x1a6: {  	p1 =	sne.s32 s24, $0x4F;
	s29 =	sand.u32 $0x70, s25;
	s26 =	sshll.u32 s28, $0x7  }
0x1a7: {  	s26 =	sor.u32 s29, s26  }
0x1a8: {  	v22 =	vor.u32 s22, v22;
	s23 =	sadd.s32 $0x2, s23;
	v23 =	vmov s26  }
0x1a9: {  	s26 =	sand.u32 $0x10, s23;
	v23 =	vshll.u32 v23, $0x5;
	[tilespmem:v21+s15+$0x0] =	vst.idx.msk $0xffff, v19;
	v19 =	vshll.u32 v22, $0x7  }
0x1aa: {  	v21 =	vor.u32 s26, v0;
	v25 =	vor.u32 v7, v23;
	v20 =	vld.idx.msk [tilespmem:v20+s11+$0x0], $0xffff;
	v18 =	vor.u32 v18, v19  }
0x1ab: {  	v22 =	vand.u32 $0x18, v21;
	v19 =	vor.u32 v8, v25;
	v23 =	vor.u32 v8, v18  }
0x1ac: {  	v22 =	vor.u32 v22, v19;
	_ =	sdelay $0x1  }
0x1ad: {  	s22 =	sshll.u32 s28, $0x5  }
0x1ae: {  	v21 =	vor.u32 s22, v21  }
0x1af: {  	v18 =	vor.u32 s29, v38;
	v21 =	vshll.u32 v21, $0x7;
	[tilespmem:v23+s15+$0x0] =	vst.idx.msk $0xffff, v20  }
0x1b0: {  	v20 =	vor.u32 v18, v21;
	v21 =	vor.u32 s26, v39;
	v22 =	vld.idx.msk [tilespmem:v22+s11+$0x0], $0xffff  }
0x1b1: {  	v23 =	vor.u32 v8, v20;
	v24 =	vand.u32 $0x18, v21;
	v20 =	vor.u32 v44, v25  }
0x1b2: {  	v24 =	vor.u32 v24, v20;
	_ =	sdelay $0x2  }
0x1b3: {  	v21 =	vor.u32 s22, v21  }
0x1b4: {  	v21 =	vshll.u32 v21, $0x7;
	[tilespmem:v23+s15+$0x0] =	vst.idx.msk $0xffff, v22  }
0x1b5: {  	v21 =	vor.u32 v18, v21;
	v23 =	vor.u32 s26, v45;
	v22 =	vld.idx.msk [tilespmem:v24+s11+$0x0], $0xffff  }
0x1b6: {  	v24 =	vor.u32 v8, v21;
	v26 =	vand.u32 $0x18, v23;
	v21 =	vor.u32 v46, v25  }
0x1b7: {  	v26 =	vor.u32 v26, v21;
	_ =	sdelay $0x2  }
0x1b8: {  	v23 =	vor.u32 s22, v23  }
0x1b9: {  	[tilespmem:v24+s15+$0x0] =	vst.idx.msk $0xffff, v22;
	v22 =	vshll.u32 v23, $0x7  }
0x1ba: {  	v24 =	vor.u32 s26, v49;
	v23 =	vld.idx.msk [tilespmem:v26+s11+$0x0], $0xffff;
	v22 =	vor.u32 v18, v22  }
0x1bb: {  	v27 =	vand.u32 $0x18, v24;
	v26 =	vor.u32 v8, v22;
	v22 =	vor.u32 v52, v25  }
0x1bc: {  	v27 =	vor.u32 v27, v22;
	_ =	sdelay $0x2  }
0x1bd: {  	v24 =	vor.u32 s22, v24  }
0x1be: {  	[tilespmem:v26+s15+$0x0] =	vst.idx.msk $0xffff, v23;
	v23 =	vshll.u32 v24, $0x7  }
0x1bf: {  	v26 =	vor.u32 s26, v53;
	v24 =	vld.idx.msk [tilespmem:v27+s11+$0x0], $0xffff;
	v23 =	vor.u32 v18, v23  }
0x1c0: {  	v28 =	vand.u32 $0x18, v26;
	v27 =	vor.u32 v8, v23;
	v23 =	vor.u32 v54, v25  }
0x1c1: {  	v28 =	vor.u32 v28, v23;
	_ =	sdelay $0x2  }
0x1c2: {  	v26 =	vor.u32 s22, v26  }
0x1c3: {  	[tilespmem:v27+s15+$0x0] =	vst.idx.msk $0xffff, v24;
	v24 =	vshll.u32 v26, $0x7  }
0x1c4: {  	v27 =	vor.u32 s26, v55;
	v26 =	vld.idx.msk [tilespmem:v28+s11+$0x0], $0xffff;
	v24 =	vor.u32 v18, v24  }
0x1c5: {  	v29 =	vand.u32 $0x18, v27;
	v28 =	vor.u32 v8, v24;
	v24 =	vor.u32 v56, v25  }
0x1c6: {  	v29 =	vor.u32 v29, v24;
	_ =	sdelay $0x2  }
0x1c7: {  	v27 =	vor.u32 s22, v27  }
0x1c8: {  	[tilespmem:v28+s15+$0x0] =	vst.idx.msk $0xffff, v26;
	v26 =	vshll.u32 v27, $0x7  }
0x1c9: {  	v28 =	vor.u32 s26, v9;
	v27 =	vld.idx.msk [tilespmem:v29+s11+$0x0], $0xffff;
	v26 =	vor.u32 v18, v26  }
0x1ca: {  	v30 =	vand.u32 $0x18, v28;
	v29 =	vor.u32 v8, v26;
	v26 =	vor.u32 v60, v25  }
0x1cb: {  	v30 =	vor.u32 v30, v26;
	_ =	sdelay $0x2  }
0x1cc: {  	v28 =	vor.u32 s22, v28  }
0x1cd: {  	[tilespmem:v29+s15+$0x0] =	vst.idx.msk $0xffff, v27;
	v27 =	vshll.u32 v28, $0x7  }
0x1ce: {  	v29 =	vor.u32 s26, v10;
	v28 =	vld.idx.msk [tilespmem:v30+s11+$0x0], $0xffff;
	v27 =	vor.u32 v18, v27  }
0x1cf: {  	v25 =	vor.u32 v63, v25;
	v30 =	vand.u32 $0x18, v29;
	v27 =	vor.u32 v8, v27  }
0x1d0: {  	v30 =	vor.u32 v30, v25;
	_ =	sdelay $0x2  }
0x1d1: {  	v29 =	vor.u32 s22, v29  }
0x1d2: {  	[tilespmem:v27+s15+$0x0] =	vst.idx.msk $0xffff, v28;
	v27 =	vshll.u32 v29, $0x7  }
0x1d3: {  	v29 =	vor.u32 s26, v57;
	v28 =	vld.idx.msk [tilespmem:v30+s11+$0x0], $0xffff;
	v27 =	vor.u32 v18, v27  }
0x1d4: {  	v30 =	vand.u32 $0x18, v29;
	v27 =	vor.u32 v8, v27  }
0x1d5: {  	v19 =	vor.u32 v30, v19;
	_ =	sdelay $0x2  }
0x1d6: {  	v29 =	vor.u32 s22, v29  }
0x1d7: {  	[tilespmem:v27+s15+$0x0] =	vst.idx.msk $0xffff, v28;
	v27 =	vshll.u32 v29, $0x7  }
0x1d8: {  	v28 =	vor.u32 s26, v11;
	v19 =	vld.idx.msk [tilespmem:v19+s11+$0x0], $0xffff;
	v27 =	vor.u32 v18, v27  }
0x1d9: {  	v29 =	vand.u32 $0x18, v28;
	v27 =	vor.u32 v8, v27  }
0x1da: {  	v20 =	vor.u32 v29, v20;
	_ =	sdelay $0x2  }
0x1db: {  	v28 =	vor.u32 s22, v28  }
0x1dc: {  	[tilespmem:v27+s15+$0x0] =	vst.idx.msk $0xffff, v19;
	v19 =	vshll.u32 v28, $0x7  }
0x1dd: {  	v27 =	vor.u32 s26, v12;
	v20 =	vld.idx.msk [tilespmem:v20+s11+$0x0], $0xffff;
	v19 =	vor.u32 v18, v19  }
0x1de: {  	v28 =	vand.u32 $0x18, v27;
	v19 =	vor.u32 v8, v19  }
0x1df: {  	v21 =	vor.u32 v28, v21;
	_ =	sdelay $0x2  }
0x1e0: {  	v27 =	vor.u32 s22, v27  }
0x1e1: {  	[tilespmem:v19+s15+$0x0] =	vst.idx.msk $0xffff, v20;
	v19 =	vshll.u32 v27, $0x7  }
0x1e2: {  	v20 =	vld.idx.msk [tilespmem:v21+s11+$0x0], $0xffff;
	v19 =	vor.u32 v18, v19;
	v21 =	vor.u32 s26, v13  }
0x1e3: {  	v19 =	vor.u32 v8, v19;
	v27 =	vand.u32 $0x18, v21  }
0x1e4: {  	v22 =	vor.u32 v27, v22;
	_ =	sdelay $0x2  }
0x1e5: {  	v21 =	vor.u32 s22, v21  }
0x1e6: {  	[tilespmem:v19+s15+$0x0] =	vst.idx.msk $0xffff, v20;
	v19 =	vshll.u32 v21, $0x7  }
0x1e7: {  	v21 =	vor.u32 s26, v14;
	v20 =	vld.idx.msk [tilespmem:v22+s11+$0x0], $0xffff;
	v19 =	vor.u32 v18, v19  }
0x1e8: {  	v22 =	vand.u32 $0x18, v21;
	v19 =	vor.u32 v8, v19  }
0x1e9: {  	v22 =	vor.u32 v22, v23;
	_ =	sdelay $0x2  }
0x1ea: {  	v21 =	vor.u32 s22, v21  }
0x1eb: {  	[tilespmem:v19+s15+$0x0] =	vst.idx.msk $0xffff, v20;
	v19 =	vshll.u32 v21, $0x7  }
0x1ec: {  	v21 =	vor.u32 s26, v15;
	v20 =	vld.idx.msk [tilespmem:v22+s11+$0x0], $0xffff;
	v19 =	vor.u32 v18, v19  }
0x1ed: {  	v22 =	vand.u32 $0x18, v21;
	v19 =	vor.u32 v8, v19  }
0x1ee: {  	v22 =	vor.u32 v22, v24;
	_ =	sdelay $0x2  }
0x1ef: {  	v21 =	vor.u32 s22, v21  }
0x1f0: {  	[tilespmem:v19+s15+$0x0] =	vst.idx.msk $0xffff, v20;
	v19 =	vshll.u32 v21, $0x7  }
0x1f1: {  	v21 =	vor.u32 s26, v16;
	v20 =	vld.idx.msk [tilespmem:v22+s11+$0x0], $0xffff;
	v19 =	vor.u32 v18, v19  }
0x1f2: {  	v22 =	vand.u32 $0x18, v21;
	v19 =	vor.u32 v8, v19  }
0x1f3: {  	v22 =	vor.u32 v22, v26;
	_ =	sdelay $0x2  }
.Ltmp0:
0x1f4: {  	v21 =	vor.u32 s22, v21;
	(pc) =	sbr.rel @p1 .LBB2_4-.Ltmp0, $4  }
0x1f5: {  	[tilespmem:v19+s15+$0x0] =	vst.idx.msk $0xffff, v20;
	v20 =	vshll.u32 v21, $0x7  }
0x1f6: {  	v19 =	vld.idx.msk [tilespmem:v22+s11+$0x0], $0xffff;
	v20 =	vor.u32 v18, v20;
	v22 =	vor.u32 s26, v17  }
0x1f7: {  	v21 =	vor.u32 v8, v20;
	v20 =	vand.u32 $0x18, v22  }
0x1f8: {  	s28 =	sshrl.u32 s24, $0x4;
	s24 =	sadd.s32 $0x1, s24;
	s25 =	sadd.s32 $0x10, s25;
	v20 =	vor.u32 v20, v25  }
0x1f9: {  	s24 =	sand.u32 $0x70, s25;
	s29 =	sshll.u32 s28, $0x7  }
0x1fa: {  	s25 =	sor.u32 s24, s29  }
0x1fb: {  	v22 =	vor.u32 s22, v22;
	v23 =	vmov s25;
	s25 =	sadd.s32 $0x2, s23  }
0x1fc: {  	v22 =	vshll.u32 v22, $0x7;
	s22 =	sand.u32 $0x10, s25;
	v23 =	vshll.u32 v23, $0x5  }
0x1fd: {  	[tilespmem:v21+s15+$0x0] =	vst.idx.msk $0xffff, v19;
	v18 =	vor.u32 v18, v22;
	v19 =	vor.u32 s22, v0;
	v21 =	vor.u32 v7, v23  }
0x1fe: {  	v20 =	vld.idx.msk [tilespmem:v20+s11+$0x0], $0xffff;
	v24 =	vor.u32 v8, v18;
	v22 =	vand.u32 $0x18, v19;
	v23 =	vor.u32 v8, v21  }
0x1ff: {  	v22 =	vor.u32 v22, v23  }
0x200: {  	s26 =	sshll.u32 s28, $0x5  }
0x201: {  	v19 =	vor.u32 s26, v19  }
0x202: {  	v18 =	vor.u32 s24, v38;
	v19 =	vshll.u32 v19, $0x7  }
0x203: {  	v19 =	vor.u32 v18, v19;
	[tilespmem:v24+s15+$0x0] =	vst.idx.msk $0xffff, v20;
	v20 =	vor.u32 s22, v39  }
0x204: {  	v25 =	vor.u32 v44, v21;
	v19 =	vor.u32 v8, v19;
	v24 =	vand.u32 $0x18, v20;
	v22 =	vld.idx.msk [tilespmem:v22+s11+$0x0], $0xffff  }
0x205: {  	v24 =	vor.u32 v24, v25;
	_ =	sdelay $0x1  }
0x206: {  	v20 =	vor.u32 s26, v20  }
0x207: {  	v20 =	vshll.u32 v20, $0x7  }
0x208: {  	[tilespmem:v19+s15+$0x0] =	vst.idx.msk $0xffff, v22;
	v19 =	vor.u32 v18, v20;
	v20 =	vor.u32 s22, v45  }
0x209: {  	v26 =	vor.u32 v46, v21;
	v22 =	vld.idx.msk [tilespmem:v24+s11+$0x0], $0xffff;
	v19 =	vor.u32 v8, v19;
	v24 =	vand.u32 $0x18, v20  }
0x20a: {  	v24 =	vor.u32 v24, v26;
	_ =	sdelay $0x1  }
0x20b: {  	v20 =	vor.u32 s26, v20  }
0x20c: {  	v20 =	vshll.u32 v20, $0x7  }
0x20d: {  	[tilespmem:v19+s15+$0x0] =	vst.idx.msk $0xffff, v22;
	v19 =	vor.u32 v18, v20;
	v20 =	vor.u32 s22, v49  }
0x20e: {  	v27 =	vor.u32 v52, v21;
	v22 =	vld.idx.msk [tilespmem:v24+s11+$0x0], $0xffff;
	v19 =	vor.u32 v8, v19;
	v24 =	vand.u32 $0x18, v20  }
0x20f: {  	v24 =	vor.u32 v24, v27;
	_ =	sdelay $0x1  }
0x210: {  	v20 =	vor.u32 s26, v20  }
0x211: {  	v20 =	vshll.u32 v20, $0x7  }
0x212: {  	[tilespmem:v19+s15+$0x0] =	vst.idx.msk $0xffff, v22;
	v19 =	vor.u32 v18, v20;
	v20 =	vor.u32 s22, v53  }
0x213: {  	v28 =	vor.u32 v54, v21;
	v22 =	vld.idx.msk [tilespmem:v24+s11+$0x0], $0xffff;
	v19 =	vor.u32 v8, v19;
	v24 =	vand.u32 $0x18, v20  }
0x214: {  	v24 =	vor.u32 v24, v28;
	_ =	sdelay $0x1  }
0x215: {  	v20 =	vor.u32 s26, v20  }
0x216: {  	v20 =	vshll.u32 v20, $0x7  }
0x217: {  	[tilespmem:v19+s15+$0x0] =	vst.idx.msk $0xffff, v22;
	v19 =	vor.u32 v18, v20;
	v20 =	vor.u32 s22, v55  }
0x218: {  	v29 =	vor.u32 v56, v21;
	v22 =	vld.idx.msk [tilespmem:v24+s11+$0x0], $0xffff;
	v19 =	vor.u32 v8, v19;
	v24 =	vand.u32 $0x18, v20  }
0x219: {  	v24 =	vor.u32 v24, v29;
	_ =	sdelay $0x1  }
0x21a: {  	v20 =	vor.u32 s26, v20  }
0x21b: {  	v20 =	vshll.u32 v20, $0x7  }
0x21c: {  	[tilespmem:v19+s15+$0x0] =	vst.idx.msk $0xffff, v22;
	v19 =	vor.u32 v18, v20;
	v20 =	vor.u32 s22, v9  }
0x21d: {  	v30 =	vor.u32 v60, v21;
	v22 =	vld.idx.msk [tilespmem:v24+s11+$0x0], $0xffff;
	v19 =	vor.u32 v8, v19;
	v24 =	vand.u32 $0x18, v20  }
0x21e: {  	v24 =	vor.u32 v24, v30;
	_ =	sdelay $0x1  }
0x21f: {  	v20 =	vor.u32 s26, v20  }
0x220: {  	v20 =	vshll.u32 v20, $0x7  }
0x221: {  	[tilespmem:v19+s15+$0x0] =	vst.idx.msk $0xffff, v22;
	v19 =	vor.u32 v18, v20;
	v20 =	vor.u32 s22, v10  }
0x222: {  	v21 =	vor.u32 v63, v21;
	v22 =	vld.idx.msk [tilespmem:v24+s11+$0x0], $0xffff;
	v19 =	vor.u32 v8, v19;
	v24 =	vand.u32 $0x18, v20  }
0x223: {  	v24 =	vor.u32 v24, v21;
	_ =	sdelay $0x1  }
0x224: {  	v20 =	vor.u32 s26, v20  }
0x225: {  	v20 =	vshll.u32 v20, $0x7  }
0x226: {  	[tilespmem:v19+s15+$0x0] =	vst.idx.msk $0xffff, v22;
	v19 =	vor.u32 v18, v20;
	v20 =	vor.u32 s22, v57  }
0x227: {  	v22 =	vld.idx.msk [tilespmem:v24+s11+$0x0], $0xffff;
	v19 =	vor.u32 v8, v19;
	v24 =	vand.u32 $0x18, v20  }
0x228: {  	v23 =	vor.u32 v24, v23;
	_ =	sdelay $0x1  }
0x229: {  	v20 =	vor.u32 s26, v20  }
0x22a: {  	v20 =	vshll.u32 v20, $0x7  }
0x22b: {  	[tilespmem:v19+s15+$0x0] =	vst.idx.msk $0xffff, v22;
	v19 =	vor.u32 v18, v20;
	v20 =	vor.u32 s22, v11  }
0x22c: {  	v22 =	vld.idx.msk [tilespmem:v23+s11+$0x0], $0xffff;
	v19 =	vor.u32 v8, v19;
	v24 =	vand.u32 $0x18, v20  }
0x22d: {  	v23 =	vor.u32 v24, v25;
	_ =	sdelay $0x1  }
0x22e: {  	v20 =	vor.u32 s26, v20  }
0x22f: {  	v20 =	vshll.u32 v20, $0x7  }
0x230: {  	v25 =	vor.u32 s22, v12;
	[tilespmem:v19+s15+$0x0] =	vst.idx.msk $0xffff, v22;
	v19 =	vor.u32 v18, v20  }
0x231: {  	v24 =	vand.u32 $0x18, v25;
	v22 =	vld.idx.msk [tilespmem:v23+s11+$0x0], $0xffff;
	v19 =	vor.u32 v8, v19  }
0x232: {  	v23 =	vor.u32 v24, v26;
	_ =	sdelay $0x1  }
0x233: {  	v20 =	vor.u32 s26, v25  }
0x234: {  	v20 =	vshll.u32 v20, $0x7  }
0x235: {  	v25 =	vor.u32 s22, v13;
	[tilespmem:v19+s15+$0x0] =	vst.idx.msk $0xffff, v22;
	v19 =	vor.u32 v18, v20  }
0x236: {  	v26 =	vand.u32 $0x18, v25;
	v22 =	vld.idx.msk [tilespmem:v23+s11+$0x0], $0xffff;
	v19 =	vor.u32 v8, v19  }
0x237: {  	v23 =	vor.u32 v26, v27;
	_ =	sdelay $0x1  }
0x238: {  	v20 =	vor.u32 s26, v25  }
0x239: {  	v20 =	vshll.u32 v20, $0x7  }
0x23a: {  	v24 =	vor.u32 s22, v14;
	[tilespmem:v19+s15+$0x0] =	vst.idx.msk $0xffff, v22;
	v19 =	vor.u32 v18, v20  }
0x23b: {  	v25 =	vand.u32 $0x18, v24;
	v22 =	vld.idx.msk [tilespmem:v23+s11+$0x0], $0xffff;
	v19 =	vor.u32 v8, v19  }
0x23c: {  	v23 =	vor.u32 v25, v28;
	_ =	sdelay $0x1  }
0x23d: {  	v20 =	vor.u32 s26, v24  }
0x23e: {  	v20 =	vshll.u32 v20, $0x7  }
0x23f: {  	v26 =	vor.u32 s22, v15;
	[tilespmem:v19+s15+$0x0] =	vst.idx.msk $0xffff, v22;
	v19 =	vor.u32 v18, v20  }
0x240: {  	v27 =	vand.u32 $0x18, v26;
	v22 =	vld.idx.msk [tilespmem:v23+s11+$0x0], $0xffff;
	v19 =	vor.u32 v8, v19  }
0x241: {  	v23 =	vor.u32 v27, v29;
	_ =	sdelay $0x1  }
0x242: {  	v20 =	vor.u32 s26, v26  }
0x243: {  	v20 =	vshll.u32 v20, $0x7  }
0x244: {  	v24 =	vor.u32 s22, v16;
	[tilespmem:v19+s15+$0x0] =	vst.idx.msk $0xffff, v22;
	v19 =	vor.u32 v18, v20  }
0x245: {  	v25 =	vand.u32 $0x18, v24;
	v22 =	vld.idx.msk [tilespmem:v23+s11+$0x0], $0xffff;
	v19 =	vor.u32 v8, v19  }
0x246: {  	v23 =	vor.u32 v25, v30;
	_ =	sdelay $0x1  }
0x247: {  	v20 =	vor.u32 s26, v24  }
0x248: {  	v20 =	vshll.u32 v20, $0x7  }
0x249: {  	v26 =	vor.u32 s22, v17;
	[tilespmem:v19+s15+$0x0] =	vst.idx.msk $0xffff, v22;
	v19 =	vor.u32 v18, v20  }
0x24a: {  	v27 =	vand.u32 $0x18, v26;
	v22 =	vld.idx.msk [tilespmem:v23+s11+$0x0], $0xffff;
	v19 =	vor.u32 v8, v19  }
0x24b: {  	v21 =	vor.u32 v27, v21;
	_ =	sdelay $0x1  }
0x24c: {  	v20 =	vor.u32 s26, v26  }
0x24d: {  	v20 =	vshll.u32 v20, $0x7  }
0x24e: {  	v18 =	vor.u32 v18, v20;
	[tilespmem:v19+s15+$0x0] =	vst.idx.msk $0xffff, v22  }
0x24f: {  	v18 =	vor.u32 v8, v18;
	v19 =	vld.idx.msk [tilespmem:v21+s11+$0x0], $0xffff  }
0x250: {  	s22 =	smul.u32 $0x500000, s20;
	_ =	sdelay $0x1  }
0x251: {  	s28 =	sor.u32 s12, s22  }
0x252: {  	s23 =	sshrl.u32 s28, $0x3  }
0x253: {  	s29 =	sadd.s32 s1, s23;
	s25 =	sor.u32 $0x4000, s23;
	[tilespmem:v18+s15+$0x0] =	vst.idx.msk $0xffff, v19  }
0x254: {  	[hbm4b:s29+s2] =	stream.linear.scatter [tilespmem:s15], [sflag:$0x3], $0x400, $0x38;
	[tilespmem:$0x15E00] =	vst v63  }
0x255: {  	s28 =	sor.u32 $0x8000, s23;
	s24 =	sadd.s32 s1, s25;
	s26 =	simm.s32 $0xC200  }
0x256: {  	[hbm4b:s24+s2] =	stream.linear.scatter [tilespmem:s26], [sflag:$0x3], $0x400, $0x38;
	[tilespmem:$0x15E00] =	vst v63  }
0x257: {  	s25 =	sor.u32 $0xC000, s23;
	s29 =	simm.s32 $0xC600;
	s24 =	sadd.s32 s1, s28  }
0x258: {  	[hbm4b:s24+s2] =	stream.linear.scatter [tilespmem:s29], [sflag:$0x3], $0x400, $0x38;
	[tilespmem:$0x15E00] =	vst v63  }
0x259: {  	s26 =	simm.s32 $0xCA00;
	s28 =	sor.u32 $0x10000, s23;
	s24 =	sadd.s32 s1, s25  }
0x25a: {  	[hbm4b:s24+s2] =	stream.linear.scatter [tilespmem:s26], [sflag:$0x3], $0x400, $0x38;
	[tilespmem:$0x15E00] =	vst v63  }
0x25b: {  	s29 =	simm.s32 $0xCE00;
	s25 =	sor.u32 $0x14000, s23;
	s24 =	sadd.s32 s1, s28  }
0x25c: {  	[hbm4b:s24+s2] =	stream.linear.scatter [tilespmem:s29], [sflag:$0x3], $0x400, $0x38;
	[tilespmem:$0x15E00] =	vst v63  }
0x25d: {  	s26 =	simm.s32 $0xD200;
	s28 =	sor.u32 $0x18000, s23;
	s24 =	sadd.s32 s1, s25  }
0x25e: {  	[hbm4b:s24+s2] =	stream.linear.scatter [tilespmem:s26], [sflag:$0x3], $0x400, $0x38;
	[tilespmem:$0x15E00] =	vst v63  }
0x25f: {  	s23 =	sor.u32 $0x1C000, s23;
	s29 =	simm.s32 $0xD600;
	s24 =	sadd.s32 s1, s28  }
0x260: {  	[hbm4b:s24+s2] =	stream.linear.scatter [tilespmem:s29], [sflag:$0x3], $0x400, $0x38;
	[tilespmem:$0x15E00] =	vst v63  }
0x261: {  	s23 =	sadd.s32 s1, s23;
	s25 =	simm.s32 $0xDA00;
	s26 =	sadd.s32 s16, s22  }
0x262: {  	[hbm4b:s23+s2] =	stream.linear.scatter [tilespmem:s25], [sflag:$0x3], $0x400, $0x38;
	[tilespmem:$0x15E00] =	vst v63  }
0x263: {  	s23 =	sshrl.u32 s26, $0x3  }
0x264: {  	s29 =	simm.s32 $0xDE00;
	s28 =	sadd.s32 s1, s23;
	s25 =	sor.u32 $0x4000, s23  }
0x265: {  	[hbm4b:s28+s2] =	stream.linear.scatter [tilespmem:s29], [sflag:$0x3], $0x400, $0x38;
	[tilespmem:$0x15E00] =	vst v63  }
0x266: {  	s26 =	simm.s32 $0xE200;
	s24 =	sadd.s32 s1, s25;
	s28 =	sor.u32 $0x8000, s23  }
0x267: {  	[hbm4b:s24+s2] =	stream.linear.scatter [tilespmem:s26], [sflag:$0x3], $0x400, $0x38;
	[tilespmem:$0x15E00] =	vst v63  }
0x268: {  	s29 =	simm.s32 $0xE600;
	s23 =	sor.u32 $0xC000, s23;
	s24 =	sadd.s32 s1, s28  }
0x269: {  	[hbm4b:s24+s2] =	stream.linear.scatter [tilespmem:s29], [sflag:$0x3], $0x400, $0x38;
	[tilespmem:$0x15E00] =	vst v63  }
0x26a: {  	s25 =	simm.s32 $0xEA00;
	s23 =	sadd.s32 s1, s23;
	s26 =	sadd.s32 s17, s22  }
0x26b: {  	[hbm4b:s23+s2] =	stream.linear.scatter [tilespmem:s25], [sflag:$0x3], $0x400, $0x38;
	[tilespmem:$0x15E00] =	vst v63  }
0x26c: {  	s22 =	sadd.s32 s18, s22;
	s23 =	sshrl.u32 s26, $0x3  }
0x26d: {  	s29 =	simm.s32 $0xEE00;
	s28 =	sadd.s32 s1, s23;
	s25 =	sor.u32 $0x4000, s23  }
0x26e: {  	[hbm4b:s28+s2] =	stream.linear.scatter [tilespmem:s29], [sflag:$0x3], $0x400, $0x38;
	[tilespmem:$0x15E00] =	vst v63  }
0x26f: {  	s26 =	simm.s32 $0xF200;
	s24 =	sadd.s32 s1, s25;
	s28 =	sor.u32 $0x8000, s23  }
0x270: {  	[hbm4b:s24+s2] =	stream.linear.scatter [tilespmem:s26], [sflag:$0x3], $0x400, $0x38;
	[tilespmem:$0x15E00] =	vst v63  }
0x271: {  	s29 =	simm.s32 $0xF600;
	s23 =	sor.u32 $0xC000, s23;
	s24 =	sadd.s32 s1, s28  }
0x272: {  	[hbm4b:s24+s2] =	stream.linear.scatter [tilespmem:s29], [sflag:$0x3], $0x400, $0x38;
	[tilespmem:$0x15E00] =	vst v63  }
0x273: {  	s22 =	sshrl.u32 s22, $0x3;
	s23 =	sadd.s32 s1, s23;
	s26 =	simm.s32 $0xFA00  }
0x274: {  	[hbm4b:s23+s2] =	stream.linear.scatter [tilespmem:s26], [sflag:$0x3], $0x400, $0x38;
	[tilespmem:$0x15E00] =	vst v63  }
0x275: {  	s28 =	sadd.s32 s1, s22;
	s29 =	simm.s32 $0xFE00;
	s24 =	sor.u32 $0x4000, s22  }
0x276: {  	[hbm4b:s28+s2] =	stream.linear.scatter [tilespmem:s29], [sflag:$0x3], $0x400, $0x38;
	[tilespmem:$0x15E00] =	vst v63  }
0x277: {  	s25 =	simm.s32 $0x10200;
	s23 =	sadd.s32 s1, s24;
	s26 =	sor.u32 $0x8000, s22  }
0x278: {  	[hbm4b:s23+s2] =	stream.linear.scatter [tilespmem:s25], [sflag:$0x3], $0x400, $0x38;
	[tilespmem:$0x15E00] =	vst v63  }
0x279: {  	s22 =	sor.u32 $0xC000, s22;
	s28 =	simm.s32 $0x10600;
	s23 =	sadd.s32 s1, s26  }
0x27a: {  	[hbm4b:s23+s2] =	stream.linear.scatter [tilespmem:s28], [sflag:$0x3], $0x400, $0x38;
	[tilespmem:$0x15E00] =	vst v63  }
0x27b: {  	s22 =	sadd.s32 s1, s22;
	s29 =	simm.s32 $0x10A00  }
0x27c: {  	[hbm4b:s22+s2] =	stream.linear.scatter [tilespmem:s29], [sflag:$0x3], $0x400, $0x38;
	[tilespmem:$0x15E00] =	vst v63  }
0x27d: {  	s22 =	simm.s32 @!p0 $0x4  }
0x27e: {  	_ =	swait.ge @!p0 [sflag:s22], $0x400  }
0x27f: {  	[sflag:s22] =	ssyncset.done @!p0 $0x0  }
0x280: {  	[sflag:s22] =	ssyncadd.s32 @!p0 $0xFFFFFC00  }
0x281: {  	_ =	swait.ge @!p0 [sflag:s22], $0x400  }
0x282: {  	[sflag:s22] =	ssyncset.done @!p0 $0x0  }
0x283: {  	[sflag:s22] =	ssyncadd.s32 @!p0 $0xFFFFFC00  }
0x284: {  	_ =	swait.ge @!p0 [sflag:s22], $0x400  }
0x285: {  	[sflag:s22] =	ssyncset.done @!p0 $0x0  }
0x286: {  	[sflag:s22] =	ssyncadd.s32 @!p0 $0xFFFFFC00  }
0x287: {  	_ =	swait.ge @!p0 [sflag:s22], $0x400  }
0x288: {  	[sflag:s22] =	ssyncset.done @!p0 $0x0  }
0x289: {  	[sflag:s22] =	ssyncadd.s32 @!p0 $0xFFFFFC00  }
0x28a: {  	_ =	swait.ge @!p0 [sflag:s22], $0x400  }
0x28b: {  	[sflag:s22] =	ssyncset.done @!p0 $0x0  }
0x28c: {  	[sflag:s22] =	ssyncadd.s32 @!p0 $0xFFFFFC00  }
0x28d: {  	_ =	swait.ge @!p0 [sflag:s22], $0x400  }
0x28e: {  	[sflag:s22] =	ssyncset.done @!p0 $0x0  }
0x28f: {  	[sflag:s22] =	ssyncadd.s32 @!p0 $0xFFFFFC00  }
0x290: {  	_ =	swait.ge @!p0 [sflag:s22], $0x400  }
0x291: {  	[sflag:s22] =	ssyncset.done @!p0 $0x0  }
0x292: {  	[sflag:s22] =	ssyncadd.s32 @!p0 $0xFFFFFC00  }
0x293: {  	_ =	swait.ge @!p0 [sflag:s22], $0x400  }
0x294: {  	[sflag:s22] =	ssyncset.done @!p0 $0x0  }
0x295: {  	[sflag:s22] =	ssyncadd.s32 @!p0 $0xFFFFFC00  }
0x296: {  	_ =	swait.ge @!p0 [sflag:s22], $0x400  }
0x297: {  	[sflag:s22] =	ssyncset.done @!p0 $0x0  }
0x298: {  	[sflag:s22] =	ssyncadd.s32 @!p0 $0xFFFFFC00  }
0x299: {  	_ =	swait.ge @!p0 [sflag:s22], $0x400  }
0x29a: {  	[sflag:s22] =	ssyncset.done @!p0 $0x0  }
0x29b: {  	[sflag:s22] =	ssyncadd.s32 @!p0 $0xFFFFFC00  }
0x29c: {  	_ =	swait.ge @!p0 [sflag:s22], $0x400  }
0x29d: {  	[sflag:s22] =	ssyncset.done @!p0 $0x0  }
0x29e: {  	[sflag:s22] =	ssyncadd.s32 @!p0 $0xFFFFFC00  }
0x29f: {  	_ =	swait.ge @!p0 [sflag:s22], $0x400  }
0x2a0: {  	[sflag:s22] =	ssyncset.done @!p0 $0x0  }
0x2a1: {  	[sflag:s22] =	ssyncadd.s32 @!p0 $0xFFFFFC00  }
0x2a2: {  	_ =	swait.ge @!p0 [sflag:s22], $0x400  }
0x2a3: {  	[sflag:s22] =	ssyncset.done @!p0 $0x0  }
0x2a4: {  	[sflag:s22] =	ssyncadd.s32 @!p0 $0xFFFFFC00  }
0x2a5: {  	_ =	swait.ge @!p0 [sflag:s22], $0x400  }
0x2a6: {  	[sflag:s22] =	ssyncset.done @!p0 $0x0  }
0x2a7: {  	[sflag:s22] =	ssyncadd.s32 @!p0 $0xFFFFFC00  }
0x2a8: {  	_ =	swait.ge @!p0 [sflag:s22], $0x400  }
0x2a9: {  	[sflag:s22] =	ssyncset.done @!p0 $0x0  }
0x2aa: {  	[sflag:s22] =	ssyncadd.s32 @!p0 $0xFFFFFC00  }
0x2ab: {  	_ =	swait.ge @!p0 [sflag:s22], $0x400  }
0x2ac: {  	[sflag:s22] =	ssyncset.done @!p0 $0x0  }
0x2ad: {  	[sflag:s22] =	ssyncadd.s32 @!p0 $0xFFFFFC00  }
0x2ae: {  	_ =	swait.ge @!p0 [sflag:s22], $0x400  }
0x2af: {  	[sflag:s22] =	ssyncset.done @!p0 $0x0  }
0x2b0: {  	[sflag:s22] =	ssyncadd.s32 @!p0 $0xFFFFFC00  }
0x2b1: {  	_ =	swait.ge @!p0 [sflag:s22], $0x400  }
0x2b2: {  	[sflag:s22] =	ssyncset.done @!p0 $0x0  }
0x2b3: {  	p1 =	seq.s32 @!p0 s20, $0x4;
	[sflag:s22] =	ssyncadd.s32 @!p0 $0xFFFFFC00  }
0x2b4: {  	p1 =	por p0, !p1;
	_ =	swait.ge @!p0 [sflag:s22], $0x400  }
.Ltmp1:
0x2b5: {  	[sflag:s22] =	ssyncset.done @!p0 $0x0;
	(pc) =	sbr.rel @!p1 .LBB2_7-.Ltmp1, $4  }
0x2b6: {  	[sflag:s22] =	ssyncadd.s32 @!p0 $0xFFFFFC00  }
0x2b7: {  	_ =	swait.ge @!p0 [sflag:s22], $0x400  }
0x2b8: {  	[sflag:s22] =	ssyncset.done @!p0 $0x0  }
0x2b9: {  	[sflag:s22] =	ssyncadd.s32 @!p0 $0xFFFFFC00  }
0x2ba: {  	s22 =	smul.u32 $0xA, s20;
	_ =	sdelay $0x1  }
0x2bb: {  	s23 =	sadd.s32 $0xA, s22  }
0x2bc: {  	v18 =	vadd.s32 s23, v1;
	_ =	sdelay $0x4  }
0x2bd: {  	s25 =	sadd.s32 $0x32A, s22;
	v18 =	vld.idx.msk [tilespmem:v18+s2+$0x0], $0xffff  }
0x2be: {  	v19 =	vadd.s32 s25, v1;
	_ =	sdelay $0x3  }
0x2bf: {  	[tilespmem:$0x1900] =	vst v18  }
0x2c0: {  	s26 =	sadd.s32 $0x64A, s22;
	v18 =	vld.idx.msk [tilespmem:v19+s2+$0x0], $0xffff  }
0x2c1: {  	v19 =	vadd.s32 s26, v1;
	_ =	sdelay $0x3  }
0x2c2: {  	[tilespmem:$0x1910] =	vst v18  }
0x2c3: {  	s28 =	sadd.s32 $0x96A, s22;
	v18 =	vld.idx.msk [tilespmem:v19+s2+$0x0], $0xffff  }
0x2c4: {  	v19 =	vadd.s32 s28, v1;
	_ =	sdelay $0x3  }
0x2c5: {  	[tilespmem:$0x1920] =	vst v18  }
0x2c6: {  	s29 =	sadd.s32 $0xC8A, s22;
	v18 =	vld.idx.msk [tilespmem:v19+s2+$0x0], $0xffff  }
0x2c7: {  	v19 =	vadd.s32 s29, v1;
	_ =	sdelay $0x3  }
0x2c8: {  	[tilespmem:$0x1930] =	vst v18  }
0x2c9: {  	s24 =	sadd.s32 $0xFAA, s22;
	v18 =	vld.idx.msk [tilespmem:v19+s2+$0x0], $0xffff  }
0x2ca: {  	v19 =	vadd.s32 s24, v1;
	_ =	sdelay $0x3  }
0x2cb: {  	[tilespmem:$0x1940] =	vst v18  }
0x2cc: {  	s25 =	sadd.s32 $0x12CA, s22;
	v18 =	vld.idx.msk [tilespmem:v19+s2+$0x0], $0xffff  }
0x2cd: {  	v19 =	vadd.s32 s25, v1;
	_ =	sdelay $0x3  }
0x2ce: {  	[tilespmem:$0x1950] =	vst v18  }
0x2cf: {  	s26 =	sadd.s32 $0x15EA, s22;
	v18 =	vld.idx.msk [tilespmem:v19+s2+$0x0], $0xffff  }
0x2d0: {  	v19 =	vadd.s32 s26, v1;
	_ =	sdelay $0x3  }
0x2d1: {  	[tilespmem:$0x1960] =	vst v18  }
0x2d2: {  	s28 =	sadd.s32 $0xB, s22;
	v18 =	vld.idx.msk [tilespmem:v19+s2+$0x0], $0xffff  }
0x2d3: {  	v19 =	vadd.s32 s28, v1;
	_ =	sdelay $0x3  }
0x2d4: {  	[tilespmem:$0x1970] =	vst v18  }
0x2d5: {  	s29 =	sadd.s32 $0x32B, s22;
	v18 =	vld.idx.msk [tilespmem:v19+s2+$0x0], $0xffff  }
0x2d6: {  	v19 =	vadd.s32 s29, v1;
	_ =	sdelay $0x3  }
0x2d7: {  	[tilespmem:$0x1980] =	vst v18  }
0x2d8: {  	s24 =	sadd.s32 $0x64B, s22;
	v18 =	vld.idx.msk [tilespmem:v19+s2+$0x0], $0xffff  }
0x2d9: {  	v19 =	vadd.s32 s24, v1;
	_ =	sdelay $0x3  }
0x2da: {  	[tilespmem:$0x1990] =	vst v18  }
0x2db: {  	s25 =	sadd.s32 $0x96B, s22;
	v18 =	vld.idx.msk [tilespmem:v19+s2+$0x0], $0xffff  }
0x2dc: {  	v19 =	vadd.s32 s25, v1;
	_ =	sdelay $0x3  }
0x2dd: {  	[tilespmem:$0x19A0] =	vst v18  }
0x2de: {  	s26 =	sadd.s32 $0xC8B, s22;
	v18 =	vld.idx.msk [tilespmem:v19+s2+$0x0], $0xffff  }
0x2df: {  	v19 =	vadd.s32 s26, v1;
	_ =	sdelay $0x3  }
0x2e0: {  	[tilespmem:$0x19B0] =	vst v18  }
0x2e1: {  	s28 =	sadd.s32 $0xFAB, s22;
	v18 =	vld.idx.msk [tilespmem:v19+s2+$0x0], $0xffff  }
0x2e2: {  	v19 =	vadd.s32 s28, v1;
	_ =	sdelay $0x3  }
0x2e3: {  	[tilespmem:$0x19C0] =	vst v18  }
0x2e4: {  	s29 =	sadd.s32 $0x12CB, s22;
	v18 =	vld.idx.msk [tilespmem:v19+s2+$0x0], $0xffff  }
0x2e5: {  	v19 =	vadd.s32 s29, v1;
	_ =	sdelay $0x3  }
0x2e6: {  	[tilespmem:$0x19D0] =	vst v18  }
0x2e7: {  	s24 =	sadd.s32 $0x15EB, s22;
	v18 =	vld.idx.msk [tilespmem:v19+s2+$0x0], $0xffff  }
0x2e8: {  	v19 =	vadd.s32 s24, v1;
	_ =	sdelay $0x3  }
0x2e9: {  	[tilespmem:$0x19E0] =	vst v18  }
0x2ea: {  	s25 =	sadd.s32 $0xC, s22;
	v18 =	vld.idx.msk [tilespmem:v19+s2+$0x0], $0xffff  }
0x2eb: {  	v19 =	vadd.s32 s25, v1;
	_ =	sdelay $0x3  }
0x2ec: {  	[tilespmem:$0x19F0] =	vst v18  }
0x2ed: {  	s26 =	sadd.s32 $0x32C, s22;
	v18 =	vld.idx.msk [tilespmem:v19+s2+$0x0], $0xffff  }
0x2ee: {  	v19 =	vadd.s32 s26, v1;
	_ =	sdelay $0x3  }
0x2ef: {  	[tilespmem:$0x1A00] =	vst v18  }
0x2f0: {  	s28 =	sadd.s32 $0x64C, s22;
	v18 =	vld.idx.msk [tilespmem:v19+s2+$0x0], $0xffff  }
0x2f1: {  	v19 =	vadd.s32 s28, v1;
	_ =	sdelay $0x3  }
0x2f2: {  	[tilespmem:$0x1A10] =	vst v18  }
0x2f3: {  	s29 =	sadd.s32 $0x96C, s22;
	v18 =	vld.idx.msk [tilespmem:v19+s2+$0x0], $0xffff  }
0x2f4: {  	v19 =	vadd.s32 s29, v1;
	_ =	sdelay $0x3  }
0x2f5: {  	[tilespmem:$0x1A20] =	vst v18  }
0x2f6: {  	s24 =	sadd.s32 $0xC8C, s22;
	v18 =	vld.idx.msk [tilespmem:v19+s2+$0x0], $0xffff  }
0x2f7: {  	v19 =	vadd.s32 s24, v1;
	_ =	sdelay $0x3  }
0x2f8: {  	[tilespmem:$0x1A30] =	vst v18  }
0x2f9: {  	s25 =	sadd.s32 $0xFAC, s22;
	v18 =	vld.idx.msk [tilespmem:v19+s2+$0x0], $0xffff  }
0x2fa: {  	v19 =	vadd.s32 s25, v1;
	_ =	sdelay $0x3  }
0x2fb: {  	[tilespmem:$0x1A40] =	vst v18  }
0x2fc: {  	s26 =	sadd.s32 $0x12CC, s22;
	v18 =	vld.idx.msk [tilespmem:v19+s2+$0x0], $0xffff  }
0x2fd: {  	v19 =	vadd.s32 s26, v1;
	_ =	sdelay $0x3  }
0x2fe: {  	[tilespmem:$0x1A50] =	vst v18  }
0x2ff: {  	s28 =	sadd.s32 $0x15EC, s22;
	v18 =	vld.idx.msk [tilespmem:v19+s2+$0x0], $0xffff  }
0x300: {  	v19 =	vadd.s32 s28, v1;
	_ =	sdelay $0x3  }
0x301: {  	[tilespmem:$0x1A60] =	vst v18  }
0x302: {  	s29 =	sadd.s32 $0xD, s22;
	v18 =	vld.idx.msk [tilespmem:v19+s2+$0x0], $0xffff  }
0x303: {  	v19 =	vadd.s32 s29, v1;
	_ =	sdelay $0x3  }
0x304: {  	[tilespmem:$0x1A70] =	vst v18  }
0x305: {  	s24 =	sadd.s32 $0x32D, s22;
	v18 =	vld.idx.msk [tilespmem:v19+s2+$0x0], $0xffff  }
0x306: {  	v19 =	vadd.s32 s24, v1;
	_ =	sdelay $0x3  }
0x307: {  	[tilespmem:$0x1A80] =	vst v18  }
0x308: {  	s25 =	sadd.s32 $0x64D, s22;
	v18 =	vld.idx.msk [tilespmem:v19+s2+$0x0], $0xffff  }
0x309: {  	v19 =	vadd.s32 s25, v1;
	_ =	sdelay $0x3  }
0x30a: {  	[tilespmem:$0x1A90] =	vst v18  }
0x30b: {  	s26 =	sadd.s32 $0x96D, s22;
	v18 =	vld.idx.msk [tilespmem:v19+s2+$0x0], $0xffff  }
0x30c: {  	v19 =	vadd.s32 s26, v1;
	_ =	sdelay $0x3  }
0x30d: {  	[tilespmem:$0x1AA0] =	vst v18  }
0x30e: {  	s28 =	sadd.s32 $0xC8D, s22;
	v18 =	vld.idx.msk [tilespmem:v19+s2+$0x0], $0xffff  }
0x30f: {  	v19 =	vadd.s32 s28, v1;
	_ =	sdelay $0x3  }
0x310: {  	[tilespmem:$0x1AB0] =	vst v18  }
0x311: {  	s29 =	sadd.s32 $0xFAD, s22;
	v18 =	vld.idx.msk [tilespmem:v19+s2+$0x0], $0xffff  }
0x312: {  	v19 =	vadd.s32 s29, v1;
	_ =	sdelay $0x3  }
0x313: {  	[tilespmem:$0x1AC0] =	vst v18  }
0x314: {  	s24 =	sadd.s32 $0x12CD, s22;
	v18 =	vld.idx.msk [tilespmem:v19+s2+$0x0], $0xffff  }
0x315: {  	v19 =	vadd.s32 s24, v1;
	_ =	sdelay $0x3  }
0x316: {  	[tilespmem:$0x1AD0] =	vst v18  }
0x317: {  	s25 =	sadd.s32 $0x15ED, s22;
	v18 =	vld.idx.msk [tilespmem:v19+s2+$0x0], $0xffff  }
0x318: {  	v19 =	vadd.s32 s25, v1;
	_ =	sdelay $0x3  }
0x319: {  	[tilespmem:$0x1AE0] =	vst v18  }
0x31a: {  	s26 =	sadd.s32 $0xE, s22;
	v18 =	vld.idx.msk [tilespmem:v19+s2+$0x0], $0xffff  }
0x31b: {  	v19 =	vadd.s32 s26, v1;
	_ =	sdelay $0x3  }
0x31c: {  	[tilespmem:$0x1AF0] =	vst v18  }
0x31d: {  	s28 =	sadd.s32 $0x32E, s22;
	v18 =	vld.idx.msk [tilespmem:v19+s2+$0x0], $0xffff  }
0x31e: {  	v19 =	vadd.s32 s28, v1;
	_ =	sdelay $0x3  }
0x31f: {  	[tilespmem:$0x1B00] =	vst v18  }
0x320: {  	s29 =	sadd.s32 $0x64E, s22;
	v18 =	vld.idx.msk [tilespmem:v19+s2+$0x0], $0xffff  }
0x321: {  	v19 =	vadd.s32 s29, v1;
	_ =	sdelay $0x3  }
0x322: {  	[tilespmem:$0x1B10] =	vst v18  }
0x323: {  	s24 =	sadd.s32 $0x96E, s22;
	v18 =	vld.idx.msk [tilespmem:v19+s2+$0x0], $0xffff  }
0x324: {  	v19 =	vadd.s32 s24, v1;
	_ =	sdelay $0x3  }
0x325: {  	[tilespmem:$0x1B20] =	vst v18  }
0x326: {  	s25 =	sadd.s32 $0xC8E, s22;
	v18 =	vld.idx.msk [tilespmem:v19+s2+$0x0], $0xffff  }
0x327: {  	v19 =	vadd.s32 s25, v1;
	_ =	sdelay $0x3  }
0x328: {  	[tilespmem:$0x1B30] =	vst v18  }
0x329: {  	s26 =	sadd.s32 $0xFAE, s22;
	v18 =	vld.idx.msk [tilespmem:v19+s2+$0x0], $0xffff  }
0x32a: {  	v19 =	vadd.s32 s26, v1;
	_ =	sdelay $0x3  }
0x32b: {  	[tilespmem:$0x1B40] =	vst v18  }
0x32c: {  	s28 =	sadd.s32 $0x12CE, s22;
	v18 =	vld.idx.msk [tilespmem:v19+s2+$0x0], $0xffff  }
0x32d: {  	v19 =	vadd.s32 s28, v1;
	_ =	sdelay $0x3  }
0x32e: {  	[tilespmem:$0x1B50] =	vst v18  }
0x32f: {  	s22 =	sadd.s32 $0x15EE, s22;
	v18 =	vld.idx.msk [tilespmem:v19+s2+$0x0], $0xffff  }
0x330: {  	v19 =	vadd.s32 s22, v1;
	_ =	sdelay $0x3  }
0x331: {  	[tilespmem:$0x1B60] =	vst v18  }
0x332: {  	v18 =	vld.idx.msk [tilespmem:v19+s2+$0x0], $0xffff;
	_ =	sdelay $0x4  }
0x333: {  	s29 =	simm.s32 $0x1900;
	[tilespmem:$0x1B70] =	vst v18  }
0x334: {  	[tilespmem:s11], [sflag:$0x1] =	stream.indirect.gather [hbm4b:s5+s9], $0x20, s29, s9, $0xb8;
	[tilespmem:$0x15E00] =	vst v63  }
.LBB2_7:
0x335: {  	s22 =	simm.s32 $0x0  }
0x336: {  	s23 =	simm.s32 $0x0;
	s25 =	sand.u32 $0x70, s22  }
0x337: {  	s23 =	sor.u32 s25, s23  }
0x338: {  	v18 =	vmov s23  }
0x339: {  	s24 =	sand.u32 $0x10, s22;
	v18 =	vshll.u32 v18, $0x5  }
0x33a: {  	v19 =	vor.u32 s24, v0;
	v20 =	vor.u32 v7, v18  }
0x33b: {  	v18 =	vand.u32 $0x18, v19;
	v21 =	vor.u32 v8, v20  }
0x33c: {  	v22 =	vor.u32 v18, v21  }
0x33d: {  	s23 =	simm.s32 $0x0  }
0x33e: {  	_ =	swait.ge [sflag:s6], $0x5000;
	v19 =	vor.u32 s23, v19  }
0x33f: {  	[sflag:s6] =	ssyncset.done $0x0;
	v19 =	vshll.u32 v19, $0x7;
	v18 =	vor.u32 s25, v38  }
0x340: {  	[sflag:s6] =	ssyncadd.s32 $0xFFFFB000;
	v23 =	vor.u32 s24, v39;
	v19 =	vor.u32 v18, v19  }
0x341: {  	v24 =	vand.u32 $0x18, v23;
	v25 =	vor.u32 v44, v20;
	v19 =	vor.u32 v8, v19;
	v22 =	vld.idx.msk [tilespmem:v22+s13+$0x0], $0xffff  }
0x342: {  	v24 =	vor.u32 v24, v25;
	_ =	sdelay $0x1  }
0x343: {  	v23 =	vor.u32 s23, v23  }
0x344: {  	v23 =	vshll.u32 v23, $0x7  }
0x345: {  	[tilespmem:v19+s8+$0x0] =	vst.idx.msk $0xffff, v22;
	v19 =	vor.u32 v18, v23;
	v22 =	vor.u32 s24, v45  }
0x346: {  	v26 =	vor.u32 v46, v20;
	v23 =	vld.idx.msk [tilespmem:v24+s13+$0x0], $0xffff;
	v19 =	vor.u32 v8, v19;
	v24 =	vand.u32 $0x18, v22  }
0x347: {  	v24 =	vor.u32 v24, v26;
	_ =	sdelay $0x1  }
0x348: {  	v22 =	vor.u32 s23, v22  }
0x349: {  	v22 =	vshll.u32 v22, $0x7  }
0x34a: {  	[tilespmem:v19+s8+$0x0] =	vst.idx.msk $0xffff, v23;
	v19 =	vor.u32 v18, v22;
	v22 =	vor.u32 s24, v49  }
0x34b: {  	v27 =	vor.u32 v52, v20;
	v23 =	vld.idx.msk [tilespmem:v24+s13+$0x0], $0xffff;
	v19 =	vor.u32 v8, v19;
	v24 =	vand.u32 $0x18, v22  }
0x34c: {  	v24 =	vor.u32 v24, v27;
	_ =	sdelay $0x1  }
0x34d: {  	v22 =	vor.u32 s23, v22  }
0x34e: {  	v22 =	vshll.u32 v22, $0x7  }
0x34f: {  	[tilespmem:v19+s8+$0x0] =	vst.idx.msk $0xffff, v23;
	v19 =	vor.u32 v18, v22;
	v22 =	vor.u32 s24, v53  }
0x350: {  	v28 =	vor.u32 v54, v20;
	v23 =	vld.idx.msk [tilespmem:v24+s13+$0x0], $0xffff;
	v19 =	vor.u32 v8, v19;
	v24 =	vand.u32 $0x18, v22  }
0x351: {  	v24 =	vor.u32 v24, v28;
	_ =	sdelay $0x1  }
0x352: {  	v22 =	vor.u32 s23, v22  }
0x353: {  	v22 =	vshll.u32 v22, $0x7  }
0x354: {  	[tilespmem:v19+s8+$0x0] =	vst.idx.msk $0xffff, v23;
	v19 =	vor.u32 v18, v22;
	v22 =	vor.u32 s24, v55  }
0x355: {  	v29 =	vor.u32 v56, v20;
	v23 =	vld.idx.msk [tilespmem:v24+s13+$0x0], $0xffff;
	v19 =	vor.u32 v8, v19;
	v24 =	vand.u32 $0x18, v22  }
0x356: {  	v24 =	vor.u32 v24, v29;
	_ =	sdelay $0x1  }
0x357: {  	v22 =	vor.u32 s23, v22  }
0x358: {  	v22 =	vshll.u32 v22, $0x7  }
0x359: {  	[tilespmem:v19+s8+$0x0] =	vst.idx.msk $0xffff, v23;
	v19 =	vor.u32 v18, v22;
	v22 =	vor.u32 s24, v9  }
0x35a: {  	v30 =	vor.u32 v60, v20;
	v23 =	vld.idx.msk [tilespmem:v24+s13+$0x0], $0xffff;
	v19 =	vor.u32 v8, v19;
	v24 =	vand.u32 $0x18, v22  }
0x35b: {  	v24 =	vor.u32 v24, v30;
	_ =	sdelay $0x1  }
0x35c: {  	v22 =	vor.u32 s23, v22  }
0x35d: {  	v22 =	vshll.u32 v22, $0x7  }
0x35e: {  	[tilespmem:v19+s8+$0x0] =	vst.idx.msk $0xffff, v23;
	v19 =	vor.u32 v18, v22;
	v22 =	vor.u32 s24, v10  }
0x35f: {  	v20 =	vor.u32 v63, v20;
	v23 =	vld.idx.msk [tilespmem:v24+s13+$0x0], $0xffff;
	v19 =	vor.u32 v8, v19;
	v24 =	vand.u32 $0x18, v22  }
0x360: {  	v24 =	vor.u32 v24, v20;
	_ =	sdelay $0x1  }
0x361: {  	v22 =	vor.u32 s23, v22  }
0x362: {  	v22 =	vshll.u32 v22, $0x7  }
0x363: {  	[tilespmem:v19+s8+$0x0] =	vst.idx.msk $0xffff, v23;
	v19 =	vor.u32 v18, v22;
	v22 =	vor.u32 s24, v57  }
0x364: {  	v23 =	vld.idx.msk [tilespmem:v24+s13+$0x0], $0xffff;
	v19 =	vor.u32 v8, v19;
	v24 =	vand.u32 $0x18, v22  }
0x365: {  	v21 =	vor.u32 v24, v21;
	_ =	sdelay $0x1  }
0x366: {  	v22 =	vor.u32 s23, v22  }
0x367: {  	v22 =	vshll.u32 v22, $0x7  }
0x368: {  	[tilespmem:v19+s8+$0x0] =	vst.idx.msk $0xffff, v23;
	v19 =	vor.u32 v18, v22;
	v22 =	vor.u32 s24, v11  }
0x369: {  	v21 =	vld.idx.msk [tilespmem:v21+s13+$0x0], $0xffff;
	v19 =	vor.u32 v8, v19;
	v23 =	vand.u32 $0x18, v22  }
0x36a: {  	v23 =	vor.u32 v23, v25;
	_ =	sdelay $0x1  }
0x36b: {  	v22 =	vor.u32 s23, v22  }
0x36c: {  	v22 =	vshll.u32 v22, $0x7  }
0x36d: {  	[tilespmem:v19+s8+$0x0] =	vst.idx.msk $0xffff, v21;
	v19 =	vor.u32 v18, v22;
	v21 =	vor.u32 s24, v12  }
0x36e: {  	v22 =	vld.idx.msk [tilespmem:v23+s13+$0x0], $0xffff;
	v19 =	vor.u32 v8, v19;
	v23 =	vand.u32 $0x18, v21  }
0x36f: {  	v23 =	vor.u32 v23, v26;
	_ =	sdelay $0x1  }
0x370: {  	v21 =	vor.u32 s23, v21  }
0x371: {  	v21 =	vshll.u32 v21, $0x7  }
0x372: {  	[tilespmem:v19+s8+$0x0] =	vst.idx.msk $0xffff, v22;
	v19 =	vor.u32 v18, v21;
	v21 =	vor.u32 s24, v13  }
0x373: {  	v22 =	vld.idx.msk [tilespmem:v23+s13+$0x0], $0xffff;
	v19 =	vor.u32 v8, v19;
	v23 =	vand.u32 $0x18, v21  }
0x374: {  	v23 =	vor.u32 v23, v27;
	_ =	sdelay $0x1  }
0x375: {  	v21 =	vor.u32 s23, v21  }
0x376: {  	v21 =	vshll.u32 v21, $0x7  }
0x377: {  	[tilespmem:v19+s8+$0x0] =	vst.idx.msk $0xffff, v22;
	v19 =	vor.u32 v18, v21;
	v21 =	vor.u32 s24, v14  }
0x378: {  	v22 =	vld.idx.msk [tilespmem:v23+s13+$0x0], $0xffff;
	v19 =	vor.u32 v8, v19;
	v23 =	vand.u32 $0x18, v21  }
0x379: {  	v23 =	vor.u32 v23, v28;
	_ =	sdelay $0x1  }
0x37a: {  	v21 =	vor.u32 s23, v21  }
0x37b: {  	v21 =	vshll.u32 v21, $0x7  }
0x37c: {  	[tilespmem:v19+s8+$0x0] =	vst.idx.msk $0xffff, v22;
	v19 =	vor.u32 v18, v21;
	v21 =	vor.u32 s24, v15  }
0x37d: {  	v22 =	vld.idx.msk [tilespmem:v23+s13+$0x0], $0xffff;
	v19 =	vor.u32 v8, v19;
	v23 =	vand.u32 $0x18, v21  }
0x37e: {  	v23 =	vor.u32 v23, v29;
	_ =	sdelay $0x1  }
0x37f: {  	v21 =	vor.u32 s23, v21  }
0x380: {  	v21 =	vshll.u32 v21, $0x7  }
0x381: {  	[tilespmem:v19+s8+$0x0] =	vst.idx.msk $0xffff, v22;
	v19 =	vor.u32 v18, v21;
	v21 =	vor.u32 s24, v16  }
0x382: {  	v23 =	vld.idx.msk [tilespmem:v23+s13+$0x0], $0xffff;
	v19 =	vor.u32 v8, v19;
	v22 =	vand.u32 $0x18, v21  }
0x383: {  	v24 =	vor.u32 v22, v30;
	_ =	sdelay $0x1  }
0x384: {  	v21 =	vor.u32 s23, v21  }
0x385: {  	v21 =	vshll.u32 v21, $0x7  }
0x386: {  	v22 =	vor.u32 s24, v17;
	v21 =	vor.u32 v18, v21;
	[tilespmem:v19+s8+$0x0] =	vst.idx.msk $0xffff, v23  }
0x387: {  	v21 =	vor.u32 v8, v21;
	v23 =	vand.u32 $0x18, v22;
	v19 =	vld.idx.msk [tilespmem:v24+s13+$0x0], $0xffff  }
0x388: {  	s28 =	simm.s32 $0x0;
	s25 =	simm.s32 $0x10;
	s24 =	simm.s32 $0x2;
	v20 =	vor.u32 v23, v20  }
.LBB2_8:
0x389: {  	p0 =	sne.s32 s24, $0x4F;
	s29 =	sand.u32 $0x70, s25;
	s26 =	sshll.u32 s28, $0x7  }
0x38a: {  	s26 =	sor.u32 s29, s26  }
0x38b: {  	v22 =	vor.u32 s23, v22;
	s22 =	sadd.s32 $0x2, s22;
	v23 =	vmov s26  }
0x38c: {  	s26 =	sand.u32 $0x10, s22;
	v23 =	vshll.u32 v23, $0x5;
	[tilespmem:v21+s8+$0x0] =	vst.idx.msk $0xffff, v19;
	v19 =	vshll.u32 v22, $0x7  }
0x38d: {  	v21 =	vor.u32 s26, v0;
	v25 =	vor.u32 v7, v23;
	v20 =	vld.idx.msk [tilespmem:v20+s13+$0x0], $0xffff;
	v18 =	vor.u32 v18, v19  }
0x38e: {  	v22 =	vand.u32 $0x18, v21;
	v19 =	vor.u32 v8, v25;
	v23 =	vor.u32 v8, v18  }
0x38f: {  	v22 =	vor.u32 v22, v19;
	_ =	sdelay $0x1  }
0x390: {  	s23 =	sshll.u32 s28, $0x5  }
0x391: {  	v21 =	vor.u32 s23, v21  }
0x392: {  	v18 =	vor.u32 s29, v38;
	v21 =	vshll.u32 v21, $0x7;
	[tilespmem:v23+s8+$0x0] =	vst.idx.msk $0xffff, v20  }
0x393: {  	v20 =	vor.u32 v18, v21;
	v21 =	vor.u32 s26, v39;
	v22 =	vld.idx.msk [tilespmem:v22+s13+$0x0], $0xffff  }
0x394: {  	v23 =	vor.u32 v8, v20;
	v24 =	vand.u32 $0x18, v21;
	v20 =	vor.u32 v44, v25  }
0x395: {  	v24 =	vor.u32 v24, v20;
	_ =	sdelay $0x2  }
0x396: {  	v21 =	vor.u32 s23, v21  }
0x397: {  	v21 =	vshll.u32 v21, $0x7;
	[tilespmem:v23+s8+$0x0] =	vst.idx.msk $0xffff, v22  }
0x398: {  	v21 =	vor.u32 v18, v21;
	v23 =	vor.u32 s26, v45;
	v22 =	vld.idx.msk [tilespmem:v24+s13+$0x0], $0xffff  }
0x399: {  	v24 =	vor.u32 v8, v21;
	v26 =	vand.u32 $0x18, v23;
	v21 =	vor.u32 v46, v25  }
0x39a: {  	v26 =	vor.u32 v26, v21;
	_ =	sdelay $0x2  }
0x39b: {  	v23 =	vor.u32 s23, v23  }
0x39c: {  	[tilespmem:v24+s8+$0x0] =	vst.idx.msk $0xffff, v22;
	v22 =	vshll.u32 v23, $0x7  }
0x39d: {  	v24 =	vor.u32 s26, v49;
	v23 =	vld.idx.msk [tilespmem:v26+s13+$0x0], $0xffff;
	v22 =	vor.u32 v18, v22  }
0x39e: {  	v27 =	vand.u32 $0x18, v24;
	v26 =	vor.u32 v8, v22;
	v22 =	vor.u32 v52, v25  }
0x39f: {  	v27 =	vor.u32 v27, v22;
	_ =	sdelay $0x2  }
0x3a0: {  	v24 =	vor.u32 s23, v24  }
0x3a1: {  	[tilespmem:v26+s8+$0x0] =	vst.idx.msk $0xffff, v23;
	v23 =	vshll.u32 v24, $0x7  }
0x3a2: {  	v26 =	vor.u32 s26, v53;
	v24 =	vld.idx.msk [tilespmem:v27+s13+$0x0], $0xffff;
	v23 =	vor.u32 v18, v23  }
0x3a3: {  	v28 =	vand.u32 $0x18, v26;
	v27 =	vor.u32 v8, v23;
	v23 =	vor.u32 v54, v25  }
0x3a4: {  	v28 =	vor.u32 v28, v23;
	_ =	sdelay $0x2  }
0x3a5: {  	v26 =	vor.u32 s23, v26  }
0x3a6: {  	[tilespmem:v27+s8+$0x0] =	vst.idx.msk $0xffff, v24;
	v24 =	vshll.u32 v26, $0x7  }
0x3a7: {  	v27 =	vor.u32 s26, v55;
	v26 =	vld.idx.msk [tilespmem:v28+s13+$0x0], $0xffff;
	v24 =	vor.u32 v18, v24  }
0x3a8: {  	v29 =	vand.u32 $0x18, v27;
	v28 =	vor.u32 v8, v24;
	v24 =	vor.u32 v56, v25  }
0x3a9: {  	v29 =	vor.u32 v29, v24;
	_ =	sdelay $0x2  }
0x3aa: {  	v27 =	vor.u32 s23, v27  }
0x3ab: {  	[tilespmem:v28+s8+$0x0] =	vst.idx.msk $0xffff, v26;
	v26 =	vshll.u32 v27, $0x7  }
0x3ac: {  	v28 =	vor.u32 s26, v9;
	v27 =	vld.idx.msk [tilespmem:v29+s13+$0x0], $0xffff;
	v26 =	vor.u32 v18, v26  }
0x3ad: {  	v30 =	vand.u32 $0x18, v28;
	v29 =	vor.u32 v8, v26;
	v26 =	vor.u32 v60, v25  }
0x3ae: {  	v30 =	vor.u32 v30, v26;
	_ =	sdelay $0x2  }
0x3af: {  	v28 =	vor.u32 s23, v28  }
0x3b0: {  	[tilespmem:v29+s8+$0x0] =	vst.idx.msk $0xffff, v27;
	v27 =	vshll.u32 v28, $0x7  }
0x3b1: {  	v29 =	vor.u32 s26, v10;
	v28 =	vld.idx.msk [tilespmem:v30+s13+$0x0], $0xffff;
	v27 =	vor.u32 v18, v27  }
0x3b2: {  	v25 =	vor.u32 v63, v25;
	v30 =	vand.u32 $0x18, v29;
	v27 =	vor.u32 v8, v27  }
0x3b3: {  	v30 =	vor.u32 v30, v25;
	_ =	sdelay $0x2  }
0x3b4: {  	v29 =	vor.u32 s23, v29  }
0x3b5: {  	[tilespmem:v27+s8+$0x0] =	vst.idx.msk $0xffff, v28;
	v27 =	vshll.u32 v29, $0x7  }
0x3b6: {  	v29 =	vor.u32 s26, v57;
	v28 =	vld.idx.msk [tilespmem:v30+s13+$0x0], $0xffff;
	v27 =	vor.u32 v18, v27  }
0x3b7: {  	v30 =	vand.u32 $0x18, v29;
	v27 =	vor.u32 v8, v27  }
0x3b8: {  	v19 =	vor.u32 v30, v19;
	_ =	sdelay $0x2  }
0x3b9: {  	v29 =	vor.u32 s23, v29  }
0x3ba: {  	[tilespmem:v27+s8+$0x0] =	vst.idx.msk $0xffff, v28;
	v27 =	vshll.u32 v29, $0x7  }
0x3bb: {  	v28 =	vor.u32 s26, v11;
	v19 =	vld.idx.msk [tilespmem:v19+s13+$0x0], $0xffff;
	v27 =	vor.u32 v18, v27  }
0x3bc: {  	v29 =	vand.u32 $0x18, v28;
	v27 =	vor.u32 v8, v27  }
0x3bd: {  	v20 =	vor.u32 v29, v20;
	_ =	sdelay $0x2  }
0x3be: {  	v28 =	vor.u32 s23, v28  }
0x3bf: {  	[tilespmem:v27+s8+$0x0] =	vst.idx.msk $0xffff, v19;
	v19 =	vshll.u32 v28, $0x7  }
0x3c0: {  	v27 =	vor.u32 s26, v12;
	v20 =	vld.idx.msk [tilespmem:v20+s13+$0x0], $0xffff;
	v19 =	vor.u32 v18, v19  }
0x3c1: {  	v28 =	vand.u32 $0x18, v27;
	v19 =	vor.u32 v8, v19  }
0x3c2: {  	v21 =	vor.u32 v28, v21;
	_ =	sdelay $0x2  }
0x3c3: {  	v27 =	vor.u32 s23, v27  }
0x3c4: {  	[tilespmem:v19+s8+$0x0] =	vst.idx.msk $0xffff, v20;
	v19 =	vshll.u32 v27, $0x7  }
0x3c5: {  	v20 =	vld.idx.msk [tilespmem:v21+s13+$0x0], $0xffff;
	v19 =	vor.u32 v18, v19;
	v21 =	vor.u32 s26, v13  }
0x3c6: {  	v19 =	vor.u32 v8, v19;
	v27 =	vand.u32 $0x18, v21  }
0x3c7: {  	v22 =	vor.u32 v27, v22;
	_ =	sdelay $0x2  }
0x3c8: {  	v21 =	vor.u32 s23, v21  }
0x3c9: {  	[tilespmem:v19+s8+$0x0] =	vst.idx.msk $0xffff, v20;
	v19 =	vshll.u32 v21, $0x7  }
0x3ca: {  	v21 =	vor.u32 s26, v14;
	v20 =	vld.idx.msk [tilespmem:v22+s13+$0x0], $0xffff;
	v19 =	vor.u32 v18, v19  }
0x3cb: {  	v22 =	vand.u32 $0x18, v21;
	v19 =	vor.u32 v8, v19  }
0x3cc: {  	v22 =	vor.u32 v22, v23;
	_ =	sdelay $0x2  }
0x3cd: {  	v21 =	vor.u32 s23, v21  }
0x3ce: {  	[tilespmem:v19+s8+$0x0] =	vst.idx.msk $0xffff, v20;
	v19 =	vshll.u32 v21, $0x7  }
0x3cf: {  	v21 =	vor.u32 s26, v15;
	v20 =	vld.idx.msk [tilespmem:v22+s13+$0x0], $0xffff;
	v19 =	vor.u32 v18, v19  }
0x3d0: {  	v22 =	vand.u32 $0x18, v21;
	v19 =	vor.u32 v8, v19  }
0x3d1: {  	v22 =	vor.u32 v22, v24;
	_ =	sdelay $0x2  }
0x3d2: {  	v21 =	vor.u32 s23, v21  }
0x3d3: {  	[tilespmem:v19+s8+$0x0] =	vst.idx.msk $0xffff, v20;
	v19 =	vshll.u32 v21, $0x7  }
0x3d4: {  	v21 =	vor.u32 s26, v16;
	v20 =	vld.idx.msk [tilespmem:v22+s13+$0x0], $0xffff;
	v19 =	vor.u32 v18, v19  }
0x3d5: {  	v22 =	vand.u32 $0x18, v21;
	v19 =	vor.u32 v8, v19  }
0x3d6: {  	v22 =	vor.u32 v22, v26;
	_ =	sdelay $0x2  }
.Ltmp2:
0x3d7: {  	v21 =	vor.u32 s23, v21;
	(pc) =	sbr.rel @p0 .LBB2_8-.Ltmp2, $4  }
0x3d8: {  	[tilespmem:v19+s8+$0x0] =	vst.idx.msk $0xffff, v20;
	v20 =	vshll.u32 v21, $0x7  }
0x3d9: {  	v19 =	vld.idx.msk [tilespmem:v22+s13+$0x0], $0xffff;
	v20 =	vor.u32 v18, v20;
	v22 =	vor.u32 s26, v17  }
0x3da: {  	v21 =	vor.u32 v8, v20;
	v20 =	vand.u32 $0x18, v22  }
0x3db: {  	s28 =	sshrl.u32 s24, $0x4;
	s24 =	sadd.s32 $0x1, s24;
	s25 =	sadd.s32 $0x10, s25;
	v20 =	vor.u32 v20, v25  }
0x3dc: {  	s24 =	sand.u32 $0x70, s25;
	s26 =	sshll.u32 s28, $0x7  }
0x3dd: {  	s25 =	sor.u32 s24, s26  }
0x3de: {  	v22 =	vor.u32 s23, v22;
	s22 =	sadd.s32 $0x2, s22;
	v23 =	vmov s25  }
0x3df: {  	s22 =	sand.u32 $0x10, s22;
	v22 =	vshll.u32 v22, $0x7;
	v23 =	vshll.u32 v23, $0x5  }
0x3e0: {  	[tilespmem:v21+s8+$0x0] =	vst.idx.msk $0xffff, v19;
	v19 =	vor.u32 s22, v0;
	v18 =	vor.u32 v18, v22;
	v21 =	vor.u32 v7, v23  }
0x3e1: {  	v20 =	vld.idx.msk [tilespmem:v20+s13+$0x0], $0xffff;
	v22 =	vand.u32 $0x18, v19;
	v24 =	vor.u32 v8, v18;
	v23 =	vor.u32 v8, v21  }
0x3e2: {  	v22 =	vor.u32 v22, v23  }
0x3e3: {  	s29 =	sshll.u32 s28, $0x5  }
0x3e4: {  	v19 =	vor.u32 s29, v19  }
0x3e5: {  	v18 =	vor.u32 s24, v38;
	v19 =	vshll.u32 v19, $0x7  }
0x3e6: {  	v19 =	vor.u32 v18, v19;
	[tilespmem:v24+s8+$0x0] =	vst.idx.msk $0xffff, v20;
	v20 =	vor.u32 s22, v39  }
0x3e7: {  	v25 =	vor.u32 v44, v21;
	v19 =	vor.u32 v8, v19;
	v24 =	vand.u32 $0x18, v20;
	v22 =	vld.idx.msk [tilespmem:v22+s13+$0x0], $0xffff  }
0x3e8: {  	v24 =	vor.u32 v24, v25;
	_ =	sdelay $0x1  }
0x3e9: {  	v20 =	vor.u32 s29, v20  }
0x3ea: {  	v20 =	vshll.u32 v20, $0x7  }
0x3eb: {  	v26 =	vor.u32 v18, v20;
	v20 =	vor.u32 s22, v45;
	[tilespmem:v19+s8+$0x0] =	vst.idx.msk $0xffff, v22  }
0x3ec: {  	v19 =	vor.u32 v8, v26;
	v26 =	vor.u32 v46, v21;
	v22 =	vld.idx.msk [tilespmem:v24+s13+$0x0], $0xffff;
	v24 =	vand.u32 $0x18, v20  }
0x3ed: {  	v24 =	vor.u32 v24, v26;
	_ =	sdelay $0x1  }
0x3ee: {  	v20 =	vor.u32 s29, v20  }
0x3ef: {  	v20 =	vshll.u32 v20, $0x7  }
0x3f0: {  	v27 =	vor.u32 v18, v20;
	v20 =	vor.u32 s22, v49;
	[tilespmem:v19+s8+$0x0] =	vst.idx.msk $0xffff, v22  }
0x3f1: {  	v19 =	vor.u32 v8, v27;
	v27 =	vor.u32 v52, v21;
	v22 =	vld.idx.msk [tilespmem:v24+s13+$0x0], $0xffff;
	v24 =	vand.u32 $0x18, v20  }
0x3f2: {  	v24 =	vor.u32 v24, v27;
	_ =	sdelay $0x1  }
0x3f3: {  	v20 =	vor.u32 s29, v20  }
0x3f4: {  	v20 =	vshll.u32 v20, $0x7  }
0x3f5: {  	[tilespmem:v19+s8+$0x0] =	vst.idx.msk $0xffff, v22;
	v19 =	vor.u32 v18, v20;
	v20 =	vor.u32 s22, v53  }
0x3f6: {  	v28 =	vor.u32 v54, v21;
	v22 =	vld.idx.msk [tilespmem:v24+s13+$0x0], $0xffff;
	v19 =	vor.u32 v8, v19;
	v24 =	vand.u32 $0x18, v20  }
0x3f7: {  	v24 =	vor.u32 v24, v28;
	_ =	sdelay $0x1  }
0x3f8: {  	v20 =	vor.u32 s29, v20  }
0x3f9: {  	v20 =	vshll.u32 v20, $0x7  }
0x3fa: {  	[tilespmem:v19+s8+$0x0] =	vst.idx.msk $0xffff, v22;
	v19 =	vor.u32 v18, v20;
	v20 =	vor.u32 s22, v55  }
0x3fb: {  	v29 =	vor.u32 v56, v21;
	v22 =	vld.idx.msk [tilespmem:v24+s13+$0x0], $0xffff;
	v19 =	vor.u32 v8, v19;
	v24 =	vand.u32 $0x18, v20  }
0x3fc: {  	v24 =	vor.u32 v24, v29;
	_ =	sdelay $0x1  }
0x3fd: {  	v20 =	vor.u32 s29, v20  }
0x3fe: {  	v20 =	vshll.u32 v20, $0x7  }
0x3ff: {  	v9 =	vor.u32 s22, v9;
	[tilespmem:v19+s8+$0x0] =	vst.idx.msk $0xffff, v22;
	v19 =	vor.u32 v18, v20  }
0x400: {  	v22 =	vand.u32 $0x18, v9;
	v20 =	vld.idx.msk [tilespmem:v24+s13+$0x0], $0xffff;
	v19 =	vor.u32 v8, v19;
	v24 =	vor.u32 v60, v21  }
0x401: {  	v22 =	vor.u32 v22, v24;
	_ =	sdelay $0x1  }
0x402: {  	v9 =	vor.u32 s29, v9  }
0x403: {  	v9 =	vshll.u32 v9, $0x7  }
0x404: {  	v10 =	vor.u32 s22, v10;
	v9 =	vor.u32 v18, v9;
	[tilespmem:v19+s8+$0x0] =	vst.idx.msk $0xffff, v20  }
0x405: {  	v21 =	vor.u32 v63, v21;
	v9 =	vor.u32 v8, v9;
	v20 =	vand.u32 $0x18, v10;
	v19 =	vld.idx.msk [tilespmem:v22+s13+$0x0], $0xffff  }
0x406: {  	v20 =	vor.u32 v20, v21;
	_ =	sdelay $0x1  }
0x407: {  	v10 =	vor.u32 s29, v10  }
0x408: {  	v10 =	vshll.u32 v10, $0x7  }
0x409: {  	[tilespmem:v9+s8+$0x0] =	vst.idx.msk $0xffff, v19;
	v9 =	vor.u32 v18, v10;
	v10 =	vor.u32 s22, v57  }
0x40a: {  	v19 =	vld.idx.msk [tilespmem:v20+s13+$0x0], $0xffff;
	v9 =	vor.u32 v8, v9;
	v20 =	vand.u32 $0x18, v10  }
0x40b: {  	v20 =	vor.u32 v20, v23;
	_ =	sdelay $0x1  }
0x40c: {  	v10 =	vor.u32 s29, v10  }
0x40d: {  	v10 =	vshll.u32 v10, $0x7  }
0x40e: {  	[tilespmem:v9+s8+$0x0] =	vst.idx.msk $0xffff, v19;
	v9 =	vor.u32 v18, v10;
	v10 =	vor.u32 s22, v11  }
0x40f: {  	v11 =	vld.idx.msk [tilespmem:v20+s13+$0x0], $0xffff;
	v9 =	vor.u32 v8, v9;
	v23 =	vand.u32 $0x18, v10  }
0x410: {  	v19 =	vor.u32 v23, v25;
	_ =	sdelay $0x1  }
0x411: {  	v10 =	vor.u32 s29, v10  }
0x412: {  	v10 =	vshll.u32 v10, $0x7  }
0x413: {  	[tilespmem:v9+s8+$0x0] =	vst.idx.msk $0xffff, v11;
	v9 =	vor.u32 v18, v10;
	v10 =	vor.u32 s22, v12  }
0x414: {  	v11 =	vld.idx.msk [tilespmem:v19+s13+$0x0], $0xffff;
	v9 =	vor.u32 v8, v9;
	v12 =	vand.u32 $0x18, v10  }
0x415: {  	v12 =	vor.u32 v12, v26;
	_ =	sdelay $0x1  }
0x416: {  	v10 =	vor.u32 s29, v10  }
0x417: {  	v10 =	vshll.u32 v10, $0x7  }
0x418: {  	[tilespmem:v9+s8+$0x0] =	vst.idx.msk $0xffff, v11;
	v9 =	vor.u32 v18, v10;
	v10 =	vor.u32 s22, v13  }
0x419: {  	v11 =	vld.idx.msk [tilespmem:v12+s13+$0x0], $0xffff;
	v9 =	vor.u32 v8, v9;
	v22 =	vand.u32 $0x18, v10  }
0x41a: {  	v12 =	vor.u32 v22, v27;
	_ =	sdelay $0x1  }
0x41b: {  	v10 =	vor.u32 s29, v10  }
0x41c: {  	v10 =	vshll.u32 v10, $0x7  }
0x41d: {  	[tilespmem:v9+s8+$0x0] =	vst.idx.msk $0xffff, v11;
	v9 =	vor.u32 v18, v10;
	v10 =	vor.u32 s22, v14  }
0x41e: {  	v11 =	vld.idx.msk [tilespmem:v12+s13+$0x0], $0xffff;
	v9 =	vor.u32 v8, v9;
	v23 =	vand.u32 $0x18, v10  }
0x41f: {  	v12 =	vor.u32 v23, v28;
	_ =	sdelay $0x1  }
0x420: {  	v10 =	vor.u32 s29, v10  }
0x421: {  	v10 =	vshll.u32 v10, $0x7  }
0x422: {  	[tilespmem:v9+s8+$0x0] =	vst.idx.msk $0xffff, v11;
	v9 =	vor.u32 v18, v10;
	v10 =	vor.u32 s22, v15  }
0x423: {  	v11 =	vld.idx.msk [tilespmem:v12+s13+$0x0], $0xffff;
	v9 =	vor.u32 v8, v9;
	v25 =	vand.u32 $0x18, v10  }
0x424: {  	v12 =	vor.u32 v25, v29;
	_ =	sdelay $0x1  }
0x425: {  	v10 =	vor.u32 s29, v10  }
0x426: {  	v10 =	vshll.u32 v10, $0x7  }
0x427: {  	[tilespmem:v9+s8+$0x0] =	vst.idx.msk $0xffff, v11;
	v9 =	vor.u32 v18, v10;
	v10 =	vor.u32 s22, v16  }
0x428: {  	v11 =	vld.idx.msk [tilespmem:v12+s13+$0x0], $0xffff;
	v9 =	vor.u32 v8, v9;
	v26 =	vand.u32 $0x18, v10  }
0x429: {  	v12 =	vor.u32 v26, v24;
	_ =	sdelay $0x1  }
0x42a: {  	v10 =	vor.u32 s29, v10  }
0x42b: {  	v10 =	vshll.u32 v10, $0x7  }
0x42c: {  	[tilespmem:v9+s8+$0x0] =	vst.idx.msk $0xffff, v11;
	v9 =	vor.u32 v18, v10;
	v10 =	vor.u32 s22, v17  }
0x42d: {  	v11 =	vld.idx.msk [tilespmem:v12+s13+$0x0], $0xffff;
	v9 =	vor.u32 v8, v9;
	v27 =	vand.u32 $0x18, v10  }
0x42e: {  	v12 =	vor.u32 v27, v21;
	_ =	sdelay $0x1  }
0x42f: {  	v10 =	vor.u32 s29, v10  }
0x430: {  	v10 =	vshll.u32 v10, $0x7  }
0x431: {  	[tilespmem:v9+s8+$0x0] =	vst.idx.msk $0xffff, v11;
	v9 =	vor.u32 v18, v10  }
0x432: {  	v10 =	vld.idx.msk [tilespmem:v12+s13+$0x0], $0xffff;
	v9 =	vor.u32 v8, v9  }
0x433: {  	s21 =	smul.u32 $0x280000, s21;
	_ =	sdelay $0x1  }
0x434: {  	s23 =	sor.u32 s12, s21  }
0x435: {  	s22 =	sshrl.u32 s23, $0x3  }
0x436: {  	s24 =	sadd.s32 s1, s22;
	s25 =	sor.u32 $0x4000, s22;
	[tilespmem:v9+s8+$0x0] =	vst.idx.msk $0xffff, v10  }
0x437: {  	[hbm4b:s24+s2] =	stream.linear.scatter [tilespmem:s8], [sflag:$0x4], $0x400, $0x38;
	[tilespmem:$0x15E00] =	vst v63  }
0x438: {  	s26 =	simm.s32 $0x11200;
	s28 =	sor.u32 $0x8000, s22;
	s23 =	sadd.s32 s1, s25  }
0x439: {  	[hbm4b:s23+s2] =	stream.linear.scatter [tilespmem:s26], [sflag:$0x4], $0x400, $0x38;
	[tilespmem:$0x15E00] =	vst v63  }
0x43a: {  	s29 =	simm.s32 $0x11600;
	s22 =	sor.u32 $0xC000, s22;
	s23 =	sadd.s32 s1, s28  }
0x43b: {  	[hbm4b:s23+s2] =	stream.linear.scatter [tilespmem:s29], [sflag:$0x4], $0x400, $0x38;
	[tilespmem:$0x15E00] =	vst v63  }
0x43c: {  	s22 =	sadd.s32 s1, s22;
	s25 =	simm.s32 $0x11A00;
	s26 =	sadd.s32 s19, s21  }
0x43d: {  	[hbm4b:s22+s2] =	stream.linear.scatter [tilespmem:s25], [sflag:$0x4], $0x400, $0x38;
	[tilespmem:$0x15E00] =	vst v63  }
0x43e: {  	s22 =	sshrl.u32 s26, $0x3  }
0x43f: {  	s29 =	simm.s32 $0x11E00;
	s28 =	sadd.s32 s1, s22;
	s25 =	sor.u32 $0x4000, s22  }
0x440: {  	[hbm4b:s28+s2] =	stream.linear.scatter [tilespmem:s29], [sflag:$0x4], $0x400, $0x38;
	[tilespmem:$0x15E00] =	vst v63  }
0x441: {  	s26 =	simm.s32 $0x12200;
	s23 =	sadd.s32 s1, s25;
	s28 =	sor.u32 $0x8000, s22  }
0x442: {  	[hbm4b:s23+s2] =	stream.linear.scatter [tilespmem:s26], [sflag:$0x4], $0x400, $0x38;
	[tilespmem:$0x15E00] =	vst v63  }
0x443: {  	s29 =	simm.s32 $0x12600;
	s22 =	sor.u32 $0xC000, s22;
	s23 =	sadd.s32 s1, s28  }
0x444: {  	[hbm4b:s23+s2] =	stream.linear.scatter [tilespmem:s29], [sflag:$0x4], $0x400, $0x38;
	[tilespmem:$0x15E00] =	vst v63  }
0x445: {  	s25 =	simm.s32 $0x12A00;
	s22 =	sadd.s32 s1, s22;
	s26 =	sadd.s32 s16, s21  }
0x446: {  	[hbm4b:s22+s2] =	stream.linear.scatter [tilespmem:s25], [sflag:$0x4], $0x400, $0x38;
	[tilespmem:$0x15E00] =	vst v63  }
0x447: {  	s22 =	sshrl.u32 s26, $0x3  }
0x448: {  	s29 =	simm.s32 $0x12E00;
	s28 =	sadd.s32 s1, s22;
	s25 =	sor.u32 $0x4000, s22  }
0x449: {  	[hbm4b:s28+s2] =	stream.linear.scatter [tilespmem:s29], [sflag:$0x4], $0x400, $0x38;
	[tilespmem:$0x15E00] =	vst v63  }
0x44a: {  	s26 =	simm.s32 $0x13200;
	s23 =	sadd.s32 s1, s25;
	s28 =	sor.u32 $0x8000, s22  }
0x44b: {  	[hbm4b:s23+s2] =	stream.linear.scatter [tilespmem:s26], [sflag:$0x4], $0x400, $0x38;
	[tilespmem:$0x15E00] =	vst v63  }
0x44c: {  	s29 =	simm.s32 $0x13600;
	s22 =	sor.u32 $0xC000, s22;
	s23 =	sadd.s32 s1, s28  }
0x44d: {  	[hbm4b:s23+s2] =	stream.linear.scatter [tilespmem:s29], [sflag:$0x4], $0x400, $0x38;
	[tilespmem:$0x15E00] =	vst v63  }
0x44e: {  	s25 =	simm.s32 $0x13A00;
	s22 =	sadd.s32 s1, s22;
	s26 =	sadd.s32 s17, s21  }
0x44f: {  	[hbm4b:s22+s2] =	stream.linear.scatter [tilespmem:s25], [sflag:$0x4], $0x400, $0x38;
	[tilespmem:$0x15E00] =	vst v63  }
0x450: {  	s21 =	sadd.s32 s18, s21;
	s22 =	sshrl.u32 s26, $0x3  }
0x451: {  	s29 =	simm.s32 $0x13E00;
	s28 =	sadd.s32 s1, s22;
	s25 =	sor.u32 $0x4000, s22  }
0x452: {  	[hbm4b:s28+s2] =	stream.linear.scatter [tilespmem:s29], [sflag:$0x4], $0x400, $0x38;
	[tilespmem:$0x15E00] =	vst v63  }
0x453: {  	s26 =	simm.s32 $0x14200;
	s23 =	sadd.s32 s1, s25;
	s28 =	sor.u32 $0x8000, s22  }
0x454: {  	[hbm4b:s23+s2] =	stream.linear.scatter [tilespmem:s26], [sflag:$0x4], $0x400, $0x38;
	[tilespmem:$0x15E00] =	vst v63  }
0x455: {  	s29 =	simm.s32 $0x14600;
	s22 =	sor.u32 $0xC000, s22;
	s23 =	sadd.s32 s1, s28  }
0x456: {  	[hbm4b:s23+s2] =	stream.linear.scatter [tilespmem:s29], [sflag:$0x4], $0x400, $0x38;
	[tilespmem:$0x15E00] =	vst v63  }
0x457: {  	s21 =	sshrl.u32 s21, $0x3;
	s25 =	simm.s32 $0x14A00;
	s22 =	sadd.s32 s1, s22  }
0x458: {  	[hbm4b:s22+s2] =	stream.linear.scatter [tilespmem:s25], [sflag:$0x4], $0x400, $0x38;
	[tilespmem:$0x15E00] =	vst v63  }
0x459: {  	s20 =	sadd.s32 $0x1, s20;
	s26 =	sadd.s32 s1, s21;
	s28 =	sor.u32 $0x4000, s21  }
0x45a: {  	[hbm4b:s26+s2] =	stream.linear.scatter [tilespmem:s30], [sflag:$0x4], $0x400, $0x38;
	[tilespmem:$0x15E00] =	vst v63  }
0x45b: {  	p0 =	sne.s32 s20, $0x5;
	s22 =	sadd.s32 s1, s28  }
0x45c: {  	[hbm4b:s22+s2] =	stream.linear.scatter [tilespmem:s31], [sflag:$0x4], $0x400, $0x38;
	[tilespmem:$0x15E00] =	vst v63  }
.Ltmp3:
0x45d: {  	s29 =	sor.u32 $0x8000, s21;
	(pc) =	sbr.rel @p0 .LBB2_3-.Ltmp3, $4  }
0x45e: {  	s21 =	sor.u32 $0xC000, s21;
	s22 =	sadd.s32 s1, s29  }
0x45f: {  	[hbm4b:s22+s2] =	stream.linear.scatter [tilespmem:s0], [sflag:$0x4], $0x400, $0x38;
	[tilespmem:$0x15E00] =	vst v63  }
0x460: {  	s21 =	sadd.s32 s1, s21  }
0x461: {  	[hbm4b:s21+s2] =	stream.linear.scatter [tilespmem:s3], [sflag:$0x4], $0x400, $0x38;
	[tilespmem:$0x15E00] =	vst v63  }
0x462: {  	_ =	swait.ge [sflag:s7], $0x400  }
0x463: {  	[sflag:s7] =	ssyncset.done $0x0  }
0x464: {  	[sflag:s7] =	ssyncadd.s32 $0xFFFFFC00  }
0x465: {  	_ =	swait.ge [sflag:s7], $0x400  }
0x466: {  	[sflag:s7] =	ssyncset.done $0x0  }
0x467: {  	[sflag:s7] =	ssyncadd.s32 $0xFFFFFC00  }
0x468: {  	_ =	swait.ge [sflag:s7], $0x400  }
0x469: {  	[sflag:s7] =	ssyncset.done $0x0  }
0x46a: {  	[sflag:s7] =	ssyncadd.s32 $0xFFFFFC00  }
0x46b: {  	_ =	swait.ge [sflag:s7], $0x400  }
0x46c: {  	[sflag:s7] =	ssyncset.done $0x0  }
0x46d: {  	[sflag:s7] =	ssyncadd.s32 $0xFFFFFC00  }
0x46e: {  	_ =	swait.ge [sflag:s7], $0x400  }
0x46f: {  	[sflag:s7] =	ssyncset.done $0x0  }
0x470: {  	[sflag:s7] =	ssyncadd.s32 $0xFFFFFC00  }
0x471: {  	_ =	swait.ge [sflag:s7], $0x400  }
0x472: {  	[sflag:s7] =	ssyncset.done $0x0  }
0x473: {  	[sflag:s7] =	ssyncadd.s32 $0xFFFFFC00  }
0x474: {  	_ =	swait.ge [sflag:s7], $0x400  }
0x475: {  	[sflag:s7] =	ssyncset.done $0x0  }
0x476: {  	[sflag:s7] =	ssyncadd.s32 $0xFFFFFC00  }
0x477: {  	_ =	swait.ge [sflag:s7], $0x400  }
0x478: {  	[sflag:s7] =	ssyncset.done $0x0  }
0x479: {  	[sflag:s7] =	ssyncadd.s32 $0xFFFFFC00  }
0x47a: {  	_ =	swait.ge [sflag:s7], $0x400  }
0x47b: {  	[sflag:s7] =	ssyncset.done $0x0  }
0x47c: {  	[sflag:s7] =	ssyncadd.s32 $0xFFFFFC00  }
0x47d: {  	_ =	swait.ge [sflag:s7], $0x400  }
0x47e: {  	[sflag:s7] =	ssyncset.done $0x0  }
0x47f: {  	[sflag:s7] =	ssyncadd.s32 $0xFFFFFC00  }
0x480: {  	_ =	swait.ge [sflag:s7], $0x400  }
0x481: {  	[sflag:s7] =	ssyncset.done $0x0  }
0x482: {  	[sflag:s7] =	ssyncadd.s32 $0xFFFFFC00  }
0x483: {  	_ =	swait.ge [sflag:s7], $0x400  }
0x484: {  	[sflag:s7] =	ssyncset.done $0x0  }
0x485: {  	[sflag:s7] =	ssyncadd.s32 $0xFFFFFC00  }
0x486: {  	_ =	swait.ge [sflag:s7], $0x400  }
0x487: {  	[sflag:s7] =	ssyncset.done $0x0  }
0x488: {  	[sflag:s7] =	ssyncadd.s32 $0xFFFFFC00  }
0x489: {  	_ =	swait.ge [sflag:s7], $0x400  }
0x48a: {  	[sflag:s7] =	ssyncset.done $0x0  }
0x48b: {  	[sflag:s7] =	ssyncadd.s32 $0xFFFFFC00  }
0x48c: {  	_ =	swait.ge [sflag:s7], $0x400  }
0x48d: {  	[sflag:s7] =	ssyncset.done $0x0  }
0x48e: {  	[sflag:s7] =	ssyncadd.s32 $0xFFFFFC00  }
0x48f: {  	_ =	swait.ge [sflag:s7], $0x400  }
0x490: {  	[sflag:s7] =	ssyncset.done $0x0  }
0x491: {  	[sflag:s7] =	ssyncadd.s32 $0xFFFFFC00  }
0x492: {  	_ =	swait.ge [sflag:s7], $0x400  }
0x493: {  	[sflag:s7] =	ssyncset.done $0x0  }
0x494: {  	[sflag:s7] =	ssyncadd.s32 $0xFFFFFC00  }
0x495: {  	_ =	swait.ge [sflag:s7], $0x400  }
0x496: {  	[sflag:s7] =	ssyncset.done $0x0  }
0x497: {  	[sflag:s7] =	ssyncadd.s32 $0xFFFFFC00  }
0x498: {  	_ =	swait.ge [sflag:s7], $0x400  }
0x499: {  	[sflag:s7] =	ssyncset.done $0x0  }
0x49a: {  	[sflag:s7] =	ssyncadd.s32 $0xFFFFFC00  }
0x49b: {  	_ =	swait.ge [sflag:s7], $0x400  }
0x49c: {  	[sflag:s7] =	ssyncset.done $0x0  }
0x49d: {  	[sflag:s7] =	ssyncadd.s32 $0xFFFFFC00  }
0x49e: {  	_ =	swait.ge [sflag:s4], $0x400  }
0x49f: {  	[sflag:s4] =	ssyncset.done $0x0  }
0x4a0: {  	[sflag:s4] =	ssyncadd.s32 $0xFFFFFC00  }
0x4a1: {  	_ =	swait.ge [sflag:s4], $0x400  }
0x4a2: {  	[sflag:s4] =	ssyncset.done $0x0  }
0x4a3: {  	[sflag:s4] =	ssyncadd.s32 $0xFFFFFC00  }
0x4a4: {  	_ =	swait.ge [sflag:s4], $0x400  }
0x4a5: {  	[sflag:s4] =	ssyncset.done $0x0  }
0x4a6: {  	[sflag:s4] =	ssyncadd.s32 $0xFFFFFC00  }
0x4a7: {  	_ =	swait.ge [sflag:s4], $0x400  }
0x4a8: {  	[sflag:s4] =	ssyncset.done $0x0  }
0x4a9: {  	[sflag:s4] =	ssyncadd.s32 $0xFFFFFC00  }
0x4aa: {  	_ =	swait.ge [sflag:s4], $0x400  }
0x4ab: {  	[sflag:s4] =	ssyncset.done $0x0  }
0x4ac: {  	[sflag:s4] =	ssyncadd.s32 $0xFFFFFC00  }
0x4ad: {  	_ =	swait.ge [sflag:s4], $0x400  }
0x4ae: {  	[sflag:s4] =	ssyncset.done $0x0  }
0x4af: {  	[sflag:s4] =	ssyncadd.s32 $0xFFFFFC00  }
0x4b0: {  	_ =	swait.ge [sflag:s4], $0x400  }
0x4b1: {  	[sflag:s4] =	ssyncset.done $0x0  }
0x4b2: {  	[sflag:s4] =	ssyncadd.s32 $0xFFFFFC00  }
0x4b3: {  	_ =	swait.ge [sflag:s4], $0x400  }
0x4b4: {  	[sflag:s4] =	ssyncset.done $0x0  }
0x4b5: {  	[sflag:s4] =	ssyncadd.s32 $0xFFFFFC00  }
0x4b6: {  	_ =	swait.ge [sflag:s4], $0x400  }
0x4b7: {  	[sflag:s4] =	ssyncset.done $0x0  }
0x4b8: {  	[sflag:s4] =	ssyncadd.s32 $0xFFFFFC00  }
0x4b9: {  	_ =	swait.ge [sflag:s4], $0x400  }
0x4ba: {  	[sflag:s4] =	ssyncset.done $0x0  }
0x4bb: {  	[sflag:s4] =	ssyncadd.s32 $0xFFFFFC00  }
0x4bc: {  	_ =	swait.ge [sflag:s4], $0x400  }
0x4bd: {  	[sflag:s4] =	ssyncset.done $0x0  }
0x4be: {  	[sflag:s4] =	ssyncadd.s32 $0xFFFFFC00  }
0x4bf: {  	_ =	swait.ge [sflag:s4], $0x400  }
0x4c0: {  	[sflag:s4] =	ssyncset.done $0x0  }
0x4c1: {  	[sflag:s4] =	ssyncadd.s32 $0xFFFFFC00  }
0x4c2: {  	_ =	swait.ge [sflag:s4], $0x400  }
0x4c3: {  	[sflag:s4] =	ssyncset.done $0x0  }
0x4c4: {  	[sflag:s4] =	ssyncadd.s32 $0xFFFFFC00  }
0x4c5: {  	_ =	swait.ge [sflag:s4], $0x400  }
0x4c6: {  	[sflag:s4] =	ssyncset.done $0x0  }
0x4c7: {  	[sflag:s4] =	ssyncadd.s32 $0xFFFFFC00  }
0x4c8: {  	_ =	swait.ge [sflag:s4], $0x400  }
0x4c9: {  	[sflag:s4] =	ssyncset.done $0x0  }
0x4ca: {  	[sflag:s4] =	ssyncadd.s32 $0xFFFFFC00  }
0x4cb: {  	_ =	swait.ge [sflag:s4], $0x400  }
0x4cc: {  	[sflag:s4] =	ssyncset.done $0x0  }
0x4cd: {  	[sflag:s4] =	ssyncadd.s32 $0xFFFFFC00  }
0x4ce: {  	_ =	swait.ge [sflag:s4], $0x400  }
0x4cf: {  	[sflag:s4] =	ssyncset.done $0x0  }
0x4d0: {  	[sflag:s4] =	ssyncadd.s32 $0xFFFFFC00  }
0x4d1: {  	_ =	swait.ge [sflag:s4], $0x400  }
0x4d2: {  	[sflag:s4] =	ssyncset.done $0x0  }
0x4d3: {  	[sflag:s4] =	ssyncadd.s32 $0xFFFFFC00  }
0x4d4: {  	_ =	swait.ge [sflag:s4], $0x400  }
0x4d5: {  	[sflag:s4] =	ssyncset.done $0x0  }
0x4d6: {  	[sflag:s4] =	ssyncadd.s32 $0xFFFFFC00  }
0x4d7: {  	_ =	swait.ge [sflag:s4], $0x400  }
0x4d8: {  	s12 =	rddreg [dreg:$0x7]  }
0x4d9: {  	s12 =	sadd.s32 $0x1, s12  }
0x4da: {  	p0 =	sne.s32 s12, $0x4  }
.Ltmp4:
0x4db: {  	_ = 	snop;
	(pc) =	sbr.rel @p0 .LBB2_2-.Ltmp4, $3  }
0x4dc: {  	_ =	sdelay $0x1  }
0x4dd: {  	[sflag:s4] =	ssyncset.done $0x0  }
0x4de: {  	[sflag:s4] =	ssyncadd.s32 $0xFFFFFC00  }
0x4df: {  	s12 =	rddreg [dreg:$0x6]  }
0x4e0: {  	s10 =	rddreg [dreg:$0x5];
	s12 =	sadd.s32 $0x1, s12  }
0x4e1: {  	p0 =	sne.s32 s12, s10  }
.Ltmp5:
0x4e2: {  	_ = 	snop;
	(pc) =	sbr.rel @p0 .LBB2_1-.Ltmp5, $1  }
0x4e3: {  	_ =	sdelay $0x3  }
0x4e4: {  	_ =	sfence.sel $0x180000  }
0x4e5: {  	[bflag:$0x0] =	sbarrier.arrive $0xFFFF  }
0x4e6: {  	_ =	strace $0x90000047  }
0x4e7: {  	s0 =	stileid.u32;
	[bflag:$0x2] =	sbarrier.arrive $0xFFFF  }
0x4e8: {  	p0 =	sne.s32 s0, $0x0;
	s0 =	rddreg [dreg:$0x2]  }
0x4e9: {  	s0 =	sadd.s32 @!p0 $0x100000, s0  }
0x4ea: {  	[sflag:s0] =	ssyncadd.tile.s32 @!p0 $0x1;
	_ =	shalt  }
.Lfunc_end2:
_tile_overlayer_lowered:
.L_overlay_start_2:
0x4eb: {  	(tag) =	ssettag $0x2  }
0x4ec: {  	s0 =	rddreg [dreg:$0x0];
	s2 =	stileid.u32  }
0x4ed: {  	s1 =	rddreg [dreg:$0x1];
	p0 =	sne.s32 s2, $0x0  }
0x4ee: {  	s3 =	rddreg [dreg:$0x2];
	[bflag:$0x3] =	sbarrier.arrive $0xFFFF;
	s2 =	simm.s32 @!p0 $0x1C05  }
0x4ef: {  	[timem:s3], [sflag:s2] =	dma.local @!p0 [hbm:s0], s1  }
0x4f0: {  	s0 =	simm.s32 @!p0 $0x5  }
0x4f1: {  	_ =	swait.ge @!p0 [sflag:s0], s1  }
0x4f2: {  	s1 =	ssub.s32 @!p0 $0x0, s1;
	[sflag:s0] =	ssyncset.done @!p0 $0x0  }
0x4f3: {  	[sflag:s0] =	ssyncadd.s32 @!p0 s1  }
0x4f4: {  	[bflag:$0x3] =	sbarrier.arrive $0xFFFF  }
0x4f5: {  	_ =	shalt  }

</sc_bundles>
